<compile_context>
chip_gen: v7x
topology: tpu7x:2x2x1
jax: 0.10.2.dev20260603
libtpu: 0.0.44.dev20260713+nightly
codegen_flags: <defaults>
</compile_context>

<pallas_src>
import functools

import jax
import jax.numpy as jnp
from jax import lax
from jax.experimental import pallas as pl
from jax.experimental.pallas import tpu as pltpu
from jax.experimental.pallas import tpu_sc as plsc

N = 10000
E = 160000
NC = 2
NS = 16
G = 128
R = 1280
EP = R * G
NP = N + 8

_mesh = lambda: plsc.VectorSubcoreMesh(core_axis_name="c", subcore_axis_name="s")


def _pipelined_rows(n, make_src, rows0, rows1, semA, semB, consume):
    pltpu.async_copy(make_src(0), rows0, semA)

    def body(jj, _):
        j0 = 2 * jj
        j1 = j0 + 1
        pltpu.async_copy(make_src(j1), rows1, semB)
        pltpu.make_async_copy(make_src(j0), rows0, semA).wait()
        consume(j0, rows0)

        @pl.when(jj < n // 2 - 1)
        def _():
            pltpu.async_copy(make_src(j0 + 2), rows0, semA)

        pltpu.make_async_copy(make_src(j1), rows1, semB).wait()
        consume(j1, rows1)
        return 0

    lax.fori_loop(0, n // 2, body, 0)

_DEG_R_SUB = R // (NC * NS)


def _deg_body(dst_hbm, zeros_hbm, ones_hbm, dega_hbm, degb_hbm,
              idx_v, ones_v, acc_sh):
    c = lax.axis_index("c")
    s = lax.axis_index("s")
    w = c * NS + s

    @pl.when(s == 0)
    def _():
        pltpu.sync_copy(zeros_hbm, acc_sh)
    pltpu.sync_copy(ones_hbm, ones_v)
    pltpu.sync_copy(dst_hbm.at[pl.ds(w * _DEG_R_SUB, _DEG_R_SUB)], idx_v)
    plsc.subcore_barrier()

    def body(j, _):
        pltpu.sync_copy(ones_v, acc_sh.at[idx_v.at[j]], add=True)
        return 0

    lax.fori_loop(0, _DEG_R_SUB, body, 0)
    plsc.subcore_barrier()

    @pl.when(jnp.logical_and(c == 0, s == 0))
    def _():
        pltpu.sync_copy(acc_sh, dega_hbm)

    @pl.when(jnp.logical_and(c == 1, s == 0))
    def _():
        pltpu.sync_copy(acc_sh, degb_hbm)


def _deg_kernel(dstp, zeros128, ones128):
    f = pl.kernel(
        _deg_body,
        out_type=[jax.ShapeDtypeStruct((NP, 128), jnp.float32),
                  jax.ShapeDtypeStruct((NP, 128), jnp.float32)],
        mesh=_mesh(),
        scratch_types=[pltpu.VMEM((_DEG_R_SUB, G), jnp.int32),
                       pltpu.VMEM((G, 128), jnp.float32),
                       pltpu.VMEM_SHARED((NP, 128), jnp.float32)],
    )
    return f(dstp, zeros128, ones128)


_SP1_R_SUB = R // NS
_ROWS_PER_SUB = N // 10


_SP1_HALF = _SP1_R_SUB // 2


def _spmm128_body(hs_a, hs_b, src_hbm, dst_hbm, outa_hbm, outb_hbm,
                  src_v, dst_v, rows0, rows1, acc_sh, semA, semB):
    c = lax.axis_index("c")
    s = lax.axis_index("s")

    def run(hs, out_hbm):
        @pl.when(s < 10)
        def _():
            r = pl.ds(s * _ROWS_PER_SUB, _ROWS_PER_SUB)
            pltpu.sync_copy(hs.at[r], acc_sh.at[r])
        plsc.subcore_barrier()

        for h in range(2):
            base = s * _SP1_R_SUB + h * _SP1_HALF
            pltpu.sync_copy(src_hbm.at[pl.ds(base, _SP1_HALF)], src_v)
            pltpu.sync_copy(dst_hbm.at[pl.ds(base, _SP1_HALF)], dst_v)
            _pipelined_rows(
                _SP1_HALF,
                lambda j: hs.at[src_v.at[j]],
                rows0, rows1, semA, semB,
                lambda j, buf: pltpu.sync_copy(
                    buf, acc_sh.at[dst_v.at[j]], add=True),
            )
        plsc.subcore_barrier()

        @pl.when(s < 10)
        def _():
            r = pl.ds(s * _ROWS_PER_SUB, _ROWS_PER_SUB)
            pltpu.sync_copy(acc_sh.at[r], out_hbm.at[r])

    @pl.when(c == 0)
    def _():
        run(hs_a, outa_hbm)

    @pl.when(c == 1)
    def _():
        run(hs_b, outb_hbm)


def _spmm128(hs_a, hs_b, srcp, dstp):
    f = pl.kernel(
        _spmm128_body,
        out_type=[jax.ShapeDtypeStruct((NP, 128), jnp.float32),
                  jax.ShapeDtypeStruct((NP, 128), jnp.float32)],
        mesh=_mesh(),
        scratch_types=[pltpu.VMEM((_SP1_HALF, G), jnp.int32),
                       pltpu.VMEM((_SP1_HALF, G), jnp.int32),
                       pltpu.VMEM((G, 128), jnp.float32),
                       pltpu.VMEM((G, 128), jnp.float32),
                       pltpu.VMEM_SHARED((NP, 128), jnp.float32),
                       pltpu.SemaphoreType.DMA,
                       pltpu.SemaphoreType.DMA],
    )
    return f(hs_a, hs_b, srcp, dstp)


_SP2_R_SUB = R // (NC * NS)


def _spmm_pad_body(hs, zeros_hbm, src_hbm, dst_hbm, outa_hbm, outb_hbm,
                   src_v, dst_v, rows0, rows1, acc_sh, semA, semB):
    c = lax.axis_index("c")
    s = lax.axis_index("s")
    w = c * NS + s

    @pl.when(jnp.logical_and(c == 0, s < 10))
    def _():
        r = pl.ds(s * _ROWS_PER_SUB, _ROWS_PER_SUB)
        pltpu.sync_copy(hs.at[r], acc_sh.at[r])

    @pl.when(jnp.logical_and(c == 1, s < 10))
    def _():
        r = pl.ds(s * _ROWS_PER_SUB, _ROWS_PER_SUB)
        pltpu.sync_copy(zeros_hbm.at[r], acc_sh.at[r])

    pltpu.sync_copy(src_hbm.at[pl.ds(w * _SP2_R_SUB, _SP2_R_SUB)], src_v)
    pltpu.sync_copy(dst_hbm.at[pl.ds(w * _SP2_R_SUB, _SP2_R_SUB)], dst_v)
    plsc.subcore_barrier()

    _pipelined_rows(
        _SP2_R_SUB,
        lambda j: hs.at[src_v.at[j]],
        rows0, rows1, semA, semB,
        lambda j, buf: pltpu.sync_copy(buf, acc_sh.at[dst_v.at[j]], add=True),
    )
    plsc.subcore_barrier()

    @pl.when(jnp.logical_and(c == 0, s < 10))
    def _():
        r = pl.ds(s * _ROWS_PER_SUB, _ROWS_PER_SUB)
        pltpu.sync_copy(acc_sh.at[r], outa_hbm.at[r])

    @pl.when(jnp.logical_and(c == 1, s < 10))
    def _():
        r = pl.ds(s * _ROWS_PER_SUB, _ROWS_PER_SUB)
        pltpu.sync_copy(acc_sh.at[r], outb_hbm.at[r])


def _spmm_pad(hs, zerosNP, srcp, dstp):
    f = pl.kernel(
        _spmm_pad_body,
        out_type=[jax.ShapeDtypeStruct((NP, 128), jnp.float32),
                  jax.ShapeDtypeStruct((NP, 128), jnp.float32)],
        mesh=_mesh(),
        scratch_types=[pltpu.VMEM((_SP2_R_SUB, G), jnp.int32),
                       pltpu.VMEM((_SP2_R_SUB, G), jnp.int32),
                       pltpu.VMEM((G, 128), jnp.float32),
                       pltpu.VMEM((G, 128), jnp.float32),
                       pltpu.VMEM_SHARED((NP, 128), jnp.float32),
                       pltpu.SemaphoreType.DMA,
                       pltpu.SemaphoreType.DMA],
    )
    return f(hs, zerosNP, srcp, dstp)


_R_H0 = 768
_R_H1 = R - _R_H0
_EP_H0 = _R_H0 * G
_EP_H1 = _R_H1 * G


def _make_gather_chunk(gstart, n_sub):
    def body(u_hbm, v_hbm, src_hbm, dst_hbm, ug_hbm, vg_hbm,
             idx_v, rows0, rows1, tab_sh, semA, semB):
        c = lax.axis_index("c")
        s = lax.axis_index("s")

        def run(tab_hbm, ind_hbm, out_hbm):
            @pl.when(s < 10)
            def _():
                r = pl.ds(s * _ROWS_PER_SUB, _ROWS_PER_SUB)
                pltpu.sync_copy(tab_hbm.at[r], tab_sh.at[r])

            @pl.when(s == 0)
            def _():
                r = pl.ds(N, NP - N)
                pltpu.sync_copy(tab_hbm.at[r], tab_sh.at[r])

            pltpu.sync_copy(
                ind_hbm.at[pl.ds(gstart + s * n_sub, n_sub)], idx_v)
            plsc.subcore_barrier()
            _pipelined_rows(
                n_sub,
                lambda j: tab_sh.at[idx_v.at[j]],
                rows0, rows1, semA, semB,
                lambda j, buf: pltpu.sync_copy(
                    buf, out_hbm.at[pl.ds((s * n_sub + j) * G, G)]),
            )

        @pl.when(c == 0)
        def _():
            run(u_hbm, src_hbm, ug_hbm)

        @pl.when(c == 1)
        def _():
            run(v_hbm, dst_hbm, vg_hbm)

    ep = n_sub * NS * G

    def call(u, v, srcp, dstp):
        f = pl.kernel(
            body,
            out_type=[jax.ShapeDtypeStruct((ep, 128), jnp.float32),
                      jax.ShapeDtypeStruct((ep, 128), jnp.float32)],
            mesh=_mesh(),
            scratch_types=[pltpu.VMEM((n_sub, G), jnp.int32),
                           pltpu.VMEM((G, 128), jnp.float32),
                           pltpu.VMEM((G, 128), jnp.float32),
                           pltpu.VMEM_SHARED((NP, 128), jnp.float32),
                           pltpu.SemaphoreType.DMA,
                           pltpu.SemaphoreType.DMA],
        )
        return f(u, v, srcp, dstp)

    return call


_gather_h0 = _make_gather_chunk(0, _R_H0 // NS)
_gather_h1 = _make_gather_chunk(_R_H0, _R_H1 // NS)


_ROWS_BLK = 1000


def _mm1_raw_body(x_ref, w_ref, ha_ref, hb_ref):
    h = jnp.dot(x_ref[...], w_ref[...], preferred_element_type=jnp.float32)
    ha_ref[...] = h[:, :128]
    hb_ref[...] = h[:, 128:]


def _mm1_raw(x, W1):
    return pl.pallas_call(
        _mm1_raw_body,
        grid=(N // _ROWS_BLK,),
        in_specs=[
            pl.BlockSpec((_ROWS_BLK, 256), lambda i: (i, 0)),
            pl.BlockSpec((256, 256), lambda i: (0, 0)),
        ],
        out_specs=[
            pl.BlockSpec((_ROWS_BLK, 128), lambda i: (i, 0)),
            pl.BlockSpec((_ROWS_BLK, 128), lambda i: (i, 0)),
        ],
        out_shape=[jax.ShapeDtypeStruct((N, 128), jnp.float32),
                   jax.ShapeDtypeStruct((N, 128), jnp.float32)],
    )(x, W1)


def _scale_body(ha_ref, hb_ref, dega_ref, degb_ref, hsa_ref, hsb_ref,
                dinv_ref):
    deg = dega_ref[:, 0:1] + degb_ref[:, 0:1] + 1.0
    dinv = lax.rsqrt(deg)
    hsa_ref[...] = ha_ref[...] * dinv
    hsb_ref[...] = hb_ref[...] * dinv
    dinv_ref[...] = dinv


def _scale(ha, hb, dega, degb):
    return pl.pallas_call(
        _scale_body,
        grid=(N // _ROWS_BLK,),
        in_specs=[
            pl.BlockSpec((_ROWS_BLK, 128), lambda i: (i, 0)),
            pl.BlockSpec((_ROWS_BLK, 128), lambda i: (i, 0)),
            pl.BlockSpec((_ROWS_BLK, 128), lambda i: (i, 0)),
            pl.BlockSpec((_ROWS_BLK, 128), lambda i: (i, 0)),
        ],
        out_specs=[
            pl.BlockSpec((_ROWS_BLK, 128), lambda i: (i, 0)),
            pl.BlockSpec((_ROWS_BLK, 128), lambda i: (i, 0)),
            pl.BlockSpec((_ROWS_BLK, 1), lambda i: (i, 0)),
        ],
        out_shape=[jax.ShapeDtypeStruct((NP, 128), jnp.float32),
                   jax.ShapeDtypeStruct((NP, 128), jnp.float32),
                   jax.ShapeDtypeStruct((N, 1), jnp.float32)],
    )(ha, hb, dega, degb)


def _mm2_body(a_ref, b_ref, dinv_ref, b1a_ref, b1b_ref, w2a_ref, w2b_ref,
              hs2_ref):
    dinv = dinv_ref[...]
    ha = jnp.maximum(a_ref[...] * dinv + b1a_ref[...], 0.0)
    hb = jnp.maximum(b_ref[...] * dinv + b1b_ref[...], 0.0)
    zl = (jnp.dot(ha, w2a_ref[...], preferred_element_type=jnp.float32)
          + jnp.dot(hb, w2b_ref[...], preferred_element_type=jnp.float32))
    hs2 = zl * dinv
    hs2_ref[...] = jnp.pad(hs2, ((0, 0), (0, 64)))


def _mm2(agg1a, agg1b, dinv, b1a, b1b, W2a, W2b):
    return pl.pallas_call(
        _mm2_body,
        grid=(N // _ROWS_BLK,),
        in_specs=[
            pl.BlockSpec((_ROWS_BLK, 128), lambda i: (i, 0)),
            pl.BlockSpec((_ROWS_BLK, 128), lambda i: (i, 0)),
            pl.BlockSpec((_ROWS_BLK, 1), lambda i: (i, 0)),
            pl.BlockSpec((1, 128), lambda i: (0, 0)),
            pl.BlockSpec((1, 128), lambda i: (0, 0)),
            pl.BlockSpec((128, 64), lambda i: (0, 0)),
            pl.BlockSpec((128, 64), lambda i: (0, 0)),
        ],
        out_specs=pl.BlockSpec((_ROWS_BLK, 128), lambda i: (i, 0)),
        out_shape=jax.ShapeDtypeStruct((NP, 128), jnp.float32),
    )(agg1a, agg1b, dinv, b1a, b1b, W2a, W2b)


def _pool_body(a_ref, b_ref, dinv_ref, b2_ref, gw_ref, gb_ref,
               f1w_ref, f1b_ref, f2w_ref, f2b_ref, d1wa_ref, d1wb_ref,
               d1b_ref, u_ref, v_ref):
    z = a_ref[0:N, 0:64] + b_ref[0:N, 0:64]
    z = z * dinv_ref[...] + b2_ref[...]
    gate = jnp.dot(z, gw_ref[...], preferred_element_type=jnp.float32) + gb_ref[...]
    gmax = jnp.max(gate, axis=0, keepdims=True)
    e = jnp.exp(gate - gmax)
    den = jnp.sum(e, axis=0, keepdims=True)
    attn = e / den
    g = jnp.sum(attn * z, axis=0, keepdims=True)
    f1 = jnp.maximum(
        jnp.dot(g, f1w_ref[...], preferred_element_type=jnp.float32)
        + f1b_ref[...], 0.0)
    film = jnp.dot(f1, f2w_ref[...], preferred_element_type=jnp.float32) + f2b_ref[...]
    gamma = film[:, :64]
    beta = film[:, 64:]
    zm = z * (1.0 + gamma) + beta
    u = (jnp.dot(zm, d1wa_ref[...], preferred_element_type=jnp.float32)
         + d1b_ref[...])
    v = jnp.dot(zm, d1wb_ref[...], preferred_element_type=jnp.float32)
    u_ref[...] = jnp.pad(u, ((0, NP - N), (0, 0)))
    v_ref[...] = jnp.pad(v, ((0, NP - N), (0, 0)))


def _pool_film(agg2a, agg2b, dinv, b2, gateW, gateb, f1W, f1b, f2W, f2b,
               d1Wa, d1Wb, d1b):
    return pl.pallas_call(
        _pool_body,
        out_shape=[jax.ShapeDtypeStruct((NP, 128), jnp.float32),
                   jax.ShapeDtypeStruct((NP, 128), jnp.float32)],
    )(agg2a, agg2b, dinv, b2, gateW, gateb, f1W, f1b, f2W, f2b,
      d1Wa, d1Wb, d1b)


_DEC_BLK = 2048


def _dec_body(ug_ref, vg_ref, w2_ref, b2_ref, out_ref):
    h = jnp.maximum(ug_ref[...] + vg_ref[...], 0.0)
    out_ref[...] = (jnp.dot(h, w2_ref[...], preferred_element_type=jnp.float32)
                    + b2_ref[...])


def _decode_mlp(ug, vg, d2W, d2b):
    ep = ug.shape[0]
    return pl.pallas_call(
        _dec_body,
        grid=(ep // _DEC_BLK,),
        in_specs=[
            pl.BlockSpec((_DEC_BLK, 128), lambda i: (i, 0)),
            pl.BlockSpec((_DEC_BLK, 128), lambda i: (i, 0)),
            pl.BlockSpec((128, 1), lambda i: (0, 0)),
            pl.BlockSpec((1, 1), lambda i: (0, 0)),
        ],
        out_specs=pl.BlockSpec((_DEC_BLK, 1), lambda i: (i, 0)),
        out_shape=jax.ShapeDtypeStruct((ep, 1), jnp.float32),
    )(ug, vg, d2W, d2b)


def kernel(x, edge_index, batch, W1, b1, W2, b2, gateW, gateb,
           f1W, f1b, f2W, f2b, d1W, d1b, d2W, d2b):
    pad = jnp.full((EP - E,), N, jnp.int32)
    srcp = jnp.concatenate([edge_index[0], pad]).reshape(R, G)
    dstp = jnp.concatenate([edge_index[1], pad]).reshape(R, G)

    zerosNP = jnp.zeros((NP, 128), jnp.float32)
    ones128 = jnp.ones((G, 128), jnp.float32)
    dega, degb = _deg_kernel(dstp, zerosNP, ones128)

    ha, hb = _mm1_raw(x, W1)
    hs1a, hs1b, dinv = _scale(ha, hb, dega, degb)
    agg1a, agg1b = _spmm128(hs1a, hs1b, srcp, dstp)

    b1a = b1[:128].reshape(1, 128)
    b1b = b1[128:].reshape(1, 128)
    hs2 = _mm2(agg1a, agg1b, dinv, b1a, b1b, W2[:128], W2[128:])
    agg2a, agg2b = _spmm_pad(hs2, zerosNP, srcp, dstp)

    u, v = _pool_film(agg2a, agg2b, dinv, b2.reshape(1, 64), gateW,
                      gateb.reshape(1, 1), f1W, f1b.reshape(1, 64),
                      f2W, f2b.reshape(1, 128), d1W[:64], d1W[64:],
                      d1b.reshape(1, 128))

    d2b2 = d2b.reshape(1, 1)
    ug0, vg0 = _gather_h0(u, v, srcp, dstp)
    ug1, vg1 = _gather_h1(u, v, srcp, dstp)
    l0 = _decode_mlp(ug0, vg0, d2W, d2b2)
    l1 = _decode_mlp(ug1, vg1, d2W, d2b2)
    logits = jnp.concatenate([l0.reshape(_EP_H0), l1.reshape(_EP_H1)])
    return logits[:E]

# --- scband reference (transcript-rebuilt; emitter-appended) ---
"""Pipeline reference for scband-gaefi-lm-89773406421558 (READ-ONLY COPY).

The authoritative reference and input builder live on the scoring server;
editing this copy changes nothing except your own understanding.
"""

import jax, jax.numpy as jnp
import numpy as np

N = 10000
E = 160000
IN_DIM = 256
HID = 256
ZD = 64
FILM_H = 64
DEC_H = 128

def _lin_init(key, fan_in, fan_out):
    return jax.random.normal(key, (fan_in, fan_out), dtype=jnp.float32) / np.sqrt(fan_in)

def setup_inputs(seed: int = 0):
    key = jax.random.key(seed)
    ks = jax.random.split(key, 16)
    inp = {}
    inp['x'] = jax.random.normal(ks[0], (N, IN_DIM), dtype=jnp.float32)
    inp['edge_index'] = jax.random.randint(ks[1], (2, E), 0, N, dtype=jnp.int32)
    inp['batch'] = jnp.zeros((N,), dtype=jnp.int32)
    inp['W1'] = _lin_init(ks[2], IN_DIM, HID)
    inp['b1'] = jnp.zeros((HID,), jnp.float32)
    inp['W2'] = _lin_init(ks[3], HID, ZD)
    inp['b2'] = jnp.zeros((ZD,), jnp.float32)
    inp['gateW'] = _lin_init(ks[4], ZD, 1)
    inp['gateb'] = jnp.zeros((1,), jnp.float32)
    inp['f1W'] = _lin_init(ks[5], ZD, FILM_H)
    inp['f1b'] = jnp.zeros((FILM_H,), jnp.float32)
    inp['f2W'] = _lin_init(ks[6], FILM_H, 2 * ZD)
    inp['f2b'] = jnp.zeros((2 * ZD,), jnp.float32)
    inp['d1W'] = _lin_init(ks[7], 2 * ZD, DEC_H)
    inp['d1b'] = jnp.zeros((DEC_H,), jnp.float32)
    inp['d2W'] = _lin_init(ks[8], DEC_H, 1)
    inp['d2b'] = jnp.zeros((1,), jnp.float32)
    return inp

def _gcn_conv(x, src, dst, W, b):
    n = x.shape[0]
    loop = jnp.arange(n, dtype=src.dtype)
    s = jnp.concatenate([src, loop])
    d = jnp.concatenate([dst, loop])
    deg = jnp.zeros((n,), jnp.float32).at[d].add(1.0)
    dinv = jnp.where(deg > 0, jax.lax.rsqrt(jnp.maximum(deg, 1.0)), 0.0)
    norm = dinv[s] * dinv[d]
    h = x @ W
    msg = h[s] * norm[:, None]
    out = jnp.zeros((n, W.shape[1]), jnp.float32).at[d].add(msg)
    return out + b

def reference(x, edge_index, batch, W1, b1, W2, b2, gateW, gateb, f1W, f1b, f2W, f2b, d1W, d1b, d2W, d2b):
    src, dst = edge_index[0], edge_index[1]
    # GCN encoder (2 layers), dropout=0.0 / eval mode
    h = jax.nn.relu(_gcn_conv(x, src, dst, W1, b1))
    z = _gcn_conv(h, src, dst, W2, b2)
    # GlobalAttention pooling (softmax-gated sum per graph segment)
    B = 1
    gate = z @ gateW + gateb
    gmax = jax.ops.segment_max(gate, batch, num_segments=B)
    e = jnp.exp(gate - gmax[batch])
    den = jax.ops.segment_sum(e, batch, num_segments=B)
    attn = e / den[batch]
    g = jax.ops.segment_sum(attn * z, batch, num_segments=B)
    # FiLM global modulation
    film = jax.nn.relu(g @ f1W + f1b) @ f2W + f2b
    gamma, beta = jnp.split(film, 2, axis=-1)
    z_mod = z * (1.0 + gamma[batch]) + beta[batch]
    # reconstruction MLP decoder: logits = MLP([z_i, z_j])
    zi = z_mod[src]
    zj = z_mod[dst]
    hcat = jnp.concatenate([zi, zj], axis=-1)
    logits = (jax.nn.relu(hcat @ d1W + d1b) @ d2W + d2b).squeeze(-1)
    return logits

if __name__ == "__main__":
    import jax
    _d = setup_inputs()
    print(jax.jit(kernel)(*tuple(_d.values())))

</pallas_src>

<mosaic_0001>
#map = affine_map<(d0, d1) -> (0, 0)>
module attributes {stable_mosaic.version = 14 : i64} {
  func.func @_deg_body(%arg0: i32, %arg1: i32, %arg2: memref<1280x128xi32, #tpu.memory_space<hbm>>, %arg3: memref<10008x128xf32, #tpu.memory_space<hbm>>, %arg4: memref<128x128xf32, #tpu.memory_space<hbm>>, %arg5: memref<10008x128xf32, #tpu.memory_space<hbm>>, %arg6: memref<10008x128xf32, #tpu.memory_space<hbm>>, %arg7: memref<40x128xi32, #tpu.memory_space<vmem>>, %arg8: memref<128x128xf32, #tpu.memory_space<vmem>>, %arg9: memref<10008x128xf32, #tpu.memory_space<vmem_shared>>) attributes {dimension_semantics = [#tpu.dimension_semantics<core_parallel>, #tpu.dimension_semantics<subcore_parallel>], iteration_bounds = array<i64: 2, 16>, scalar_prefetch = 0 : i64, scratch_operands = 3 : i64, tpu.core_type = #tpu.core_type<sc_vector_subcore>, window_params = [{transform_indices = #map}, {transform_indices = #map}, {transform_indices = #map}, {transform_indices = #map}, {transform_indices = #map}]} {
    %mul3A = arith.constant 16 : i32
    %mul3A_0 = arith.muli %arg0, %mul3A : i32
    %add3A = arith.addi %mul3A_0, %arg1 : i32
    %eq3A = arith.constant 0 : i32
    %eq3A_1 = arith.cmpi eq, %arg1, %eq3A : i32
    %convert_element_type3A = arith.extui %eq3A_1 : i1 to i32
    %cond3A = arith.constant 0 : i32
    %cond3A_2 = arith.cmpi ne, %convert_element_type3A, %cond3A : i32
    scf.if %cond3A_2 {
      "tpu.region"() ({
        %run_scoped3A = tpu.sem_alloc : memref<!tpu.dma_semaphore, #tpu.memory_space<semaphore_mem>>
        tpu.enqueue_dma source(%arg3 : memref<10008x128xf32, #tpu.memory_space<hbm>>) target(%arg9 : memref<10008x128xf32, #tpu.memory_space<vmem_shared>>) target_semaphore(%run_scoped3A : memref<!tpu.dma_semaphore, #tpu.memory_space<semaphore_mem>>)
        tpu.wait_dma2 semaphore(%run_scoped3A : memref<!tpu.dma_semaphore, #tpu.memory_space<semaphore_mem>>) src(%arg3 : memref<10008x128xf32, #tpu.memory_space<hbm>>) dst(%arg9 : memref<10008x128xf32, #tpu.memory_space<vmem_shared>>)
        tpu.yield
      }) : () -> ()
    } else {
    }
    "tpu.region"() ({
      %run_scoped3A = tpu.sem_alloc : memref<!tpu.dma_semaphore, #tpu.memory_space<semaphore_mem>>
      tpu.enqueue_dma source(%arg4 : memref<128x128xf32, #tpu.memory_space<hbm>>) target(%arg8 : memref<128x128xf32, #tpu.memory_space<vmem>>) target_semaphore(%run_scoped3A : memref<!tpu.dma_semaphore, #tpu.memory_space<semaphore_mem>>)
      tpu.wait_dma2 semaphore(%run_scoped3A : memref<!tpu.dma_semaphore, #tpu.memory_space<semaphore_mem>>) src(%arg4 : memref<128x128xf32, #tpu.memory_space<hbm>>) dst(%arg8 : memref<128x128xf32, #tpu.memory_space<vmem>>)
      tpu.yield
    }) : () -> ()
    %mul3A_3 = arith.constant 40 : i32
    %mul3A_4 = arith.muli %add3A, %mul3A_3 : i32
    "tpu.region"() ({
      %run_scoped3A = tpu.sem_alloc : memref<!tpu.dma_semaphore, #tpu.memory_space<semaphore_mem>>
      %dma_start3A = arith.constant 0 : i32
      %dma_start3A_27 = tpu.memref_slice %arg2[%mul3A_4, %dma_start3A] : memref<1280x128xi32, #tpu.memory_space<hbm>> -> memref<40x128xi32, #tpu.memory_space<hbm>>
      %dma_start3A_28 = arith.constant 0 : i32
      %dma_start3A_29 = tpu.memref_slice %arg2[%mul3A_4, %dma_start3A_28] : memref<1280x128xi32, #tpu.memory_space<hbm>> -> memref<40x128xi32, #tpu.memory_space<hbm>>
      tpu.enqueue_dma source(%dma_start3A_29 : memref<40x128xi32, #tpu.memory_space<hbm>>) target(%arg7 : memref<40x128xi32, #tpu.memory_space<vmem>>) target_semaphore(%run_scoped3A : memref<!tpu.dma_semaphore, #tpu.memory_space<semaphore_mem>>)
      %dma_wait3A = arith.constant 0 : i32
      %dma_wait3A_30 = tpu.memref_slice %arg2[%mul3A_4, %dma_wait3A] : memref<1280x128xi32, #tpu.memory_space<hbm>> -> memref<40x128xi32, #tpu.memory_space<hbm>>
      %dma_wait3A_31 = arith.constant 0 : i32
      %dma_wait3A_32 = tpu.memref_slice %arg2[%mul3A_4, %dma_wait3A_31] : memref<1280x128xi32, #tpu.memory_space<hbm>> -> memref<40x128xi32, #tpu.memory_space<hbm>>
      tpu.wait_dma2 semaphore(%run_scoped3A : memref<!tpu.dma_semaphore, #tpu.memory_space<semaphore_mem>>) src(%dma_wait3A_32 : memref<40x128xi32, #tpu.memory_space<hbm>>) dst(%arg7 : memref<40x128xi32, #tpu.memory_space<vmem>>)
      tpu.yield
    }) : () -> ()
    %barrier3A = arith.constant 0 : index
    tpu.barrier barrier_id(%barrier3A)
    %scan3A = arith.constant 0 : i32
    %scan3A_5 = arith.constant 0 : i32
    %scan3A_6 = arith.constant 40 : i32
    %scan3A_7 = arith.addi %scan3A_5, %scan3A_6 : i32
    %scan3A_8 = arith.constant 1 : i32
    %scan3A_9 = scf.for %scan3A_27 = %scan3A_5 to %scan3A_7 step %scan3A_8 iter_args(%scan3A_28 = %scan3A) -> (i32)  : i32 {
      "tpu.region"() ({
        %run_scoped3A = tpu.sem_alloc : memref<!tpu.dma_semaphore, #tpu.memory_space<semaphore_mem>>
        %dma_start3A = arith.constant 0 : i32
        %dma_start3A_30 = tpu.memref_slice %arg7[%scan3A_27, %dma_start3A] : memref<40x128xi32, #tpu.memory_space<vmem>> -> memref<1x128xi32, #tpu.memory_space<vmem>>
        %dma_start3A_31 = tpu.memref_squeeze %dma_start3A_30 : memref<1x128xi32, #tpu.memory_space<vmem>> -> memref<128xi32, #tpu.memory_space<vmem>>
        %dma_start3A_32 = arith.constant 0 : i32
        %dma_start3A_33 = arith.constant 0 : i32
        %dma_start3A_34 = tpu.memref_slice %arg9[%dma_start3A_32, %dma_start3A_33] : memref<10008x128xf32, #tpu.memory_space<vmem_shared>> -> memref<10008x128xf32, #tpu.memory_space<vmem_shared>>
        tpu.enqueue_indirect_dma source(%arg8 : memref<128x128xf32, #tpu.memory_space<vmem>>) target(%dma_start3A_34 : memref<10008x128xf32, #tpu.memory_space<vmem_shared>>) offsets(%dma_start3A_31 : memref<128xi32, #tpu.memory_space<vmem>>) semaphore(%run_scoped3A : memref<!tpu.dma_semaphore, #tpu.memory_space<semaphore_mem>>) {add = true}
        %dma_wait3A = arith.constant 0 : i32
        %dma_wait3A_35 = tpu.memref_slice %arg7[%scan3A_27, %dma_wait3A] : memref<40x128xi32, #tpu.memory_space<vmem>> -> memref<1x128xi32, #tpu.memory_space<vmem>>
        %dma_wait3A_36 = tpu.memref_squeeze %dma_wait3A_35 : memref<1x128xi32, #tpu.memory_space<vmem>> -> memref<128xi32, #tpu.memory_space<vmem>>
        %dma_wait3A_37 = arith.constant 0 : i32
        %dma_wait3A_38 = arith.constant 0 : i32
        %dma_wait3A_39 = tpu.memref_slice %arg9[%dma_wait3A_37, %dma_wait3A_38] : memref<10008x128xf32, #tpu.memory_space<vmem_shared>> -> memref<10008x128xf32, #tpu.memory_space<vmem_shared>>
        tpu.wait_indirect_dma semaphore(%run_scoped3A : memref<!tpu.dma_semaphore, #tpu.memory_space<semaphore_mem>>) src(%arg8 : memref<128x128xf32, #tpu.memory_space<vmem>>) dst(%dma_wait3A_39 : memref<10008x128xf32, #tpu.memory_space<vmem_shared>>)
        tpu.yield
      }) : () -> ()
      %scan3A_29 = arith.constant 0 : i32
      scf.yield %scan3A_29 : i32
    }
    %scan3A_10 = arith.constant 40 : i32
    %barrier3A_11 = arith.constant 0 : index
    tpu.barrier barrier_id(%barrier3A_11)
    %eq3A_12 = arith.constant 0 : i32
    %eq3A_13 = arith.cmpi eq, %arg0, %eq3A_12 : i32
    %eq3A_14 = arith.constant 0 : i32
    %eq3A_15 = arith.cmpi eq, %arg1, %eq3A_14 : i32
    %and3A = arith.andi %eq3A_13, %eq3A_15 : i1
    %convert_element_type3A_16 = arith.extui %and3A : i1 to i32
    %cond3A_17 = arith.constant 0 : i32
    %cond3A_18 = arith.cmpi ne, %convert_element_type3A_16, %cond3A_17 : i32
    scf.if %cond3A_18 {
      "tpu.region"() ({
        %run_scoped3A = tpu.sem_alloc : memref<!tpu.dma_semaphore, #tpu.memory_space<semaphore_mem>>
        tpu.enqueue_dma source(%arg9 : memref<10008x128xf32, #tpu.memory_space<vmem_shared>>) target(%arg5 : memref<10008x128xf32, #tpu.memory_space<hbm>>) target_semaphore(%run_scoped3A : memref<!tpu.dma_semaphore, #tpu.memory_space<semaphore_mem>>)
        tpu.wait_dma2 semaphore(%run_scoped3A : memref<!tpu.dma_semaphore, #tpu.memory_space<semaphore_mem>>) src(%arg9 : memref<10008x128xf32, #tpu.memory_space<vmem_shared>>) dst(%arg5 : memref<10008x128xf32, #tpu.memory_space<hbm>>)
        tpu.yield
      }) : () -> ()
    } else {
    }
    %eq3A_19 = arith.constant 1 : i32
    %eq3A_20 = arith.cmpi eq, %arg0, %eq3A_19 : i32
    %eq3A_21 = arith.constant 0 : i32
    %eq3A_22 = arith.cmpi eq, %arg1, %eq3A_21 : i32
    %and3A_23 = arith.andi %eq3A_20, %eq3A_22 : i1
    %convert_element_type3A_24 = arith.extui %and3A_23 : i1 to i32
    %cond3A_25 = arith.constant 0 : i32
    %cond3A_26 = arith.cmpi ne, %convert_element_type3A_24, %cond3A_25 : i32
    scf.if %cond3A_26 {
      "tpu.region"() ({
        %run_scoped3A = tpu.sem_alloc : memref<!tpu.dma_semaphore, #tpu.memory_space<semaphore_mem>>
        tpu.enqueue_dma source(%arg9 : memref<10008x128xf32, #tpu.memory_space<vmem_shared>>) target(%arg6 : memref<10008x128xf32, #tpu.memory_space<hbm>>) target_semaphore(%run_scoped3A : memref<!tpu.dma_semaphore, #tpu.memory_space<semaphore_mem>>)
        tpu.wait_dma2 semaphore(%run_scoped3A : memref<!tpu.dma_semaphore, #tpu.memory_space<semaphore_mem>>) src(%arg9 : memref<10008x128xf32, #tpu.memory_space<vmem_shared>>) dst(%arg6 : memref<10008x128xf32, #tpu.memory_space<hbm>>)
        tpu.yield
      }) : () -> ()
    } else {
    }
    return
  }
}

#map = affine_map<(d0, d1) -> (0, 0)>
module attributes {stable_mosaic.version = 14 : i64} {
  func.func @_spmm128_body(%arg0: i32, %arg1: i32, %arg2: memref<10008x128xf32, #tpu.memory_space<hbm>>, %arg3: memref<10008x128xf32, #tpu.memory_space<hbm>>, %arg4: memref<1280x128xi32, #tpu.memory_space<hbm>>, %arg5: memref<1280x128xi32, #tpu.memory_space<hbm>>, %arg6: memref<10008x128xf32, #tpu.memory_space<hbm>>, %arg7: memref<10008x128xf32, #tpu.memory_space<hbm>>, %arg8: memref<40x128xi32, #tpu.memory_space<vmem>>, %arg9: memref<40x128xi32, #tpu.memory_space<vmem>>, %arg10: memref<128x128xf32, #tpu.memory_space<vmem>>, %arg11: memref<128x128xf32, #tpu.memory_space<vmem>>, %arg12: memref<10008x128xf32, #tpu.memory_space<vmem_shared>>, %arg13: memref<!tpu.dma_semaphore, #tpu.memory_space<semaphore_mem>>, %arg14: memref<!tpu.dma_semaphore, #tpu.memory_space<semaphore_mem>>) attributes {dimension_semantics = [#tpu.dimension_semantics<core_parallel>, #tpu.dimension_semantics<subcore_parallel>], iteration_bounds = array<i64: 2, 16>, scalar_prefetch = 0 : i64, scratch_operands = 7 : i64, tpu.core_type = #tpu.core_type<sc_vector_subcore>, window_params = [{transform_indices = #map}, {transform_indices = #map}, {transform_indices = #map}, {transform_indices = #map}, {transform_indices = #map}, {transform_indices = #map}]} {
    %eq3A = arith.constant 0 : i32
    %eq3A_0 = arith.cmpi eq, %arg0, %eq3A : i32
    %convert_element_type3A = arith.extui %eq3A_0 : i1 to i32
    %cond3A = arith.constant 0 : i32
    %cond3A_1 = arith.cmpi ne, %convert_element_type3A, %cond3A : i32
    scf.if %cond3A_1 {
      %lt3A = arith.constant 10 : i32
      %lt3A_7 = arith.cmpi slt, %arg1, %lt3A : i32
      %convert_element_type3A_8 = arith.extui %lt3A_7 : i1 to i32
      %cond3A_9 = arith.constant 0 : i32
      %cond3A_10 = arith.cmpi ne, %convert_element_type3A_8, %cond3A_9 : i32
      scf.if %cond3A_10 {
        %mul3A_49 = arith.constant 1000 : i32
        %mul3A_50 = arith.muli %arg1, %mul3A_49 : i32
        "tpu.region"() ({
          %run_scoped3A = tpu.sem_alloc : memref<!tpu.dma_semaphore, #tpu.memory_space<semaphore_mem>>
          %dma_start3A_51 = arith.constant 0 : i32
          %dma_start3A_52 = tpu.memref_slice %arg12[%mul3A_50, %dma_start3A_51] : memref<10008x128xf32, #tpu.memory_space<vmem_shared>> -> memref<1000x128xf32, #tpu.memory_space<vmem_shared>>
          %dma_start3A_53 = arith.constant 0 : i32
          %dma_start3A_54 = tpu.memref_slice %arg2[%mul3A_50, %dma_start3A_53] : memref<10008x128xf32, #tpu.memory_space<hbm>> -> memref<1000x128xf32, #tpu.memory_space<hbm>>
          tpu.enqueue_dma source(%dma_start3A_54 : memref<1000x128xf32, #tpu.memory_space<hbm>>) target(%dma_start3A_52 : memref<1000x128xf32, #tpu.memory_space<vmem_shared>>) target_semaphore(%run_scoped3A : memref<!tpu.dma_semaphore, #tpu.memory_space<semaphore_mem>>)
          %dma_wait3A = arith.constant 0 : i32
          %dma_wait3A_55 = tpu.memref_slice %arg12[%mul3A_50, %dma_wait3A] : memref<10008x128xf32, #tpu.memory_space<vmem_shared>> -> memref<1000x128xf32, #tpu.memory_space<vmem_shared>>
          %dma_wait3A_56 = arith.constant 0 : i32
          %dma_wait3A_57 = tpu.memref_slice %arg2[%mul3A_50, %dma_wait3A_56] : memref<10008x128xf32, #tpu.memory_space<hbm>> -> memref<1000x128xf32, #tpu.memory_space<hbm>>
          tpu.wait_dma2 semaphore(%run_scoped3A : memref<!tpu.dma_semaphore, #tpu.memory_space<semaphore_mem>>) src(%dma_wait3A_57 : memref<1000x128xf32, #tpu.memory_space<hbm>>) dst(%dma_wait3A_55 : memref<1000x128xf32, #tpu.memory_space<vmem_shared>>)
          tpu.yield
        }) : () -> ()
      } else {
      }
      %barrier3A = arith.constant 0 : index
      tpu.barrier barrier_id(%barrier3A)
      %mul3A = arith.constant 80 : i32
      %mul3A_11 = arith.muli %arg1, %mul3A : i32
      %add3A = arith.constant 0 : i32
      %add3A_12 = arith.addi %mul3A_11, %add3A : i32
      "tpu.region"() ({
        %run_scoped3A = tpu.sem_alloc : memref<!tpu.dma_semaphore, #tpu.memory_space<semaphore_mem>>
        %dma_start3A_49 = arith.constant 0 : i32
        %dma_start3A_50 = tpu.memref_slice %arg4[%add3A_12, %dma_start3A_49] : memref<1280x128xi32, #tpu.memory_space<hbm>> -> memref<40x128xi32, #tpu.memory_space<hbm>>
        %dma_start3A_51 = arith.constant 0 : i32
        %dma_start3A_52 = tpu.memref_slice %arg4[%add3A_12, %dma_start3A_51] : memref<1280x128xi32, #tpu.memory_space<hbm>> -> memref<40x128xi32, #tpu.memory_space<hbm>>
        tpu.enqueue_dma source(%dma_start3A_52 : memref<40x128xi32, #tpu.memory_space<hbm>>) target(%arg8 : memref<40x128xi32, #tpu.memory_space<vmem>>) target_semaphore(%run_scoped3A : memref<!tpu.dma_semaphore, #tpu.memory_space<semaphore_mem>>)
        %dma_wait3A = arith.constant 0 : i32
        %dma_wait3A_53 = tpu.memref_slice %arg4[%add3A_12, %dma_wait3A] : memref<1280x128xi32, #tpu.memory_space<hbm>> -> memref<40x128xi32, #tpu.memory_space<hbm>>
        %dma_wait3A_54 = arith.constant 0 : i32
        %dma_wait3A_55 = tpu.memref_slice %arg4[%add3A_12, %dma_wait3A_54] : memref<1280x128xi32, #tpu.memory_space<hbm>> -> memref<40x128xi32, #tpu.memory_space<hbm>>
        tpu.wait_dma2 semaphore(%run_scoped3A : memref<!tpu.dma_semaphore, #tpu.memory_space<semaphore_mem>>) src(%dma_wait3A_55 : memref<40x128xi32, #tpu.memory_space<hbm>>) dst(%arg8 : memref<40x128xi32, #tpu.memory_space<vmem>>)
        tpu.yield
      }) : () -> ()
      "tpu.region"() ({
        %run_scoped3A = tpu.sem_alloc : memref<!tpu.dma_semaphore, #tpu.memory_space<semaphore_mem>>
        %dma_start3A_49 = arith.constant 0 : i32
        %dma_start3A_50 = tpu.memref_slice %arg5[%add3A_12, %dma_start3A_49] : memref<1280x128xi32, #tpu.memory_space<hbm>> -> memref<40x128xi32, #tpu.memory_space<hbm>>
        %dma_start3A_51 = arith.constant 0 : i32
        %dma_start3A_52 = tpu.memref_slice %arg5[%add3A_12, %dma_start3A_51] : memref<1280x128xi32, #tpu.memory_space<hbm>> -> memref<40x128xi32, #tpu.memory_space<hbm>>
        tpu.enqueue_dma source(%dma_start3A_52 : memref<40x128xi32, #tpu.memory_space<hbm>>) target(%arg9 : memref<40x128xi32, #tpu.memory_space<vmem>>) target_semaphore(%run_scoped3A : memref<!tpu.dma_semaphore, #tpu.memory_space<semaphore_mem>>)
        %dma_wait3A = arith.constant 0 : i32
        %dma_wait3A_53 = tpu.memref_slice %arg5[%add3A_12, %dma_wait3A] : memref<1280x128xi32, #tpu.memory_space<hbm>> -> memref<40x128xi32, #tpu.memory_space<hbm>>
        %dma_wait3A_54 = arith.constant 0 : i32
        %dma_wait3A_55 = tpu.memref_slice %arg5[%add3A_12, %dma_wait3A_54] : memref<1280x128xi32, #tpu.memory_space<hbm>> -> memref<40x128xi32, #tpu.memory_space<hbm>>
        tpu.wait_dma2 semaphore(%run_scoped3A : memref<!tpu.dma_semaphore, #tpu.memory_space<semaphore_mem>>) src(%dma_wait3A_55 : memref<40x128xi32, #tpu.memory_space<hbm>>) dst(%arg9 : memref<40x128xi32, #tpu.memory_space<vmem>>)
        tpu.yield
      }) : () -> ()
      %dma_start3A = arith.constant 0 : i32
      %dma_start3A_13 = arith.constant 0 : i32
      %dma_start3A_14 = tpu.memref_slice %arg8[%dma_start3A, %dma_start3A_13] : memref<40x128xi32, #tpu.memory_space<vmem>> -> memref<1x128xi32, #tpu.memory_space<vmem>>
      %dma_start3A_15 = tpu.memref_squeeze %dma_start3A_14 : memref<1x128xi32, #tpu.memory_space<vmem>> -> memref<128xi32, #tpu.memory_space<vmem>>
      %dma_start3A_16 = arith.constant 0 : i32
      %dma_start3A_17 = arith.constant 0 : i32
      %dma_start3A_18 = tpu.memref_slice %arg2[%dma_start3A_16, %dma_start3A_17] : memref<10008x128xf32, #tpu.memory_space<hbm>> -> memref<10008x128xf32, #tpu.memory_space<hbm>>
      tpu.enqueue_indirect_dma source(%dma_start3A_18 : memref<10008x128xf32, #tpu.memory_space<hbm>>) target(%arg10 : memref<128x128xf32, #tpu.memory_space<vmem>>) offsets(%dma_start3A_15 : memref<128xi32, #tpu.memory_space<vmem>>) semaphore(%arg13 : memref<!tpu.dma_semaphore, #tpu.memory_space<semaphore_mem>>)
      %scan3A = arith.constant 0 : i32
      %scan3A_19 = arith.constant 0 : i32
      %scan3A_20 = arith.constant 20 : i32
      %scan3A_21 = arith.addi %scan3A_19, %scan3A_20 : i32
      %scan3A_22 = arith.constant 1 : i32
      %scan3A_23 = scf.for %scan3A_49 = %scan3A_19 to %scan3A_21 step %scan3A_22 iter_args(%scan3A_50 = %scan3A) -> (i32)  : i32 {
        %mul3A_51 = arith.constant 2 : i32
        %mul3A_52 = arith.muli %mul3A_51, %scan3A_49 : i32
        %add3A_53 = arith.constant 1 : i32
        %add3A_54 = arith.addi %mul3A_52, %add3A_53 : i32
        %dma_start3A_55 = arith.constant 0 : i32
        %dma_start3A_56 = tpu.memref_slice %arg8[%add3A_54, %dma_start3A_55] : memref<40x128xi32, #tpu.memory_space<vmem>> -> memref<1x128xi32, #tpu.memory_space<vmem>>
        %dma_start3A_57 = tpu.memref_squeeze %dma_start3A_56 : memref<1x128xi32, #tpu.memory_space<vmem>> -> memref<128xi32, #tpu.memory_space<vmem>>
        %dma_start3A_58 = arith.constant 0 : i32
        %dma_start3A_59 = arith.constant 0 : i32
        %dma_start3A_60 = tpu.memref_slice %arg2[%dma_start3A_58, %dma_start3A_59] : memref<10008x128xf32, #tpu.memory_space<hbm>> -> memref<10008x128xf32, #tpu.memory_space<hbm>>
        tpu.enqueue_indirect_dma source(%dma_start3A_60 : memref<10008x128xf32, #tpu.memory_space<hbm>>) target(%arg11 : memref<128x128xf32, #tpu.memory_space<vmem>>) offsets(%dma_start3A_57 : memref<128xi32, #tpu.memory_space<vmem>>) semaphore(%arg14 : memref<!tpu.dma_semaphore, #tpu.memory_space<semaphore_mem>>)
        %dma_wait3A = arith.constant 0 : i32
        %dma_wait3A_61 = tpu.memref_slice %arg8[%mul3A_52, %dma_wait3A] : memref<40x128xi32, #tpu.memory_space<vmem>> -> memref<1x128xi32, #tpu.memory_space<vmem>>
        %dma_wait3A_62 = tpu.memref_squeeze %dma_wait3A_61 : memref<1x128xi32, #tpu.memory_space<vmem>> -> memref<128xi32, #tpu.memory_space<vmem>>
        %dma_wait3A_63 = arith.constant 0 : i32
        %dma_wait3A_64 = arith.constant 0 : i32
        %dma_wait3A_65 = tpu.memref_slice %arg2[%dma_wait3A_63, %dma_wait3A_64] : memref<10008x128xf32, #tpu.memory_space<hbm>> -> memref<10008x128xf32, #tpu.memory_space<hbm>>
        tpu.wait_indirect_dma semaphore(%arg13 : memref<!tpu.dma_semaphore, #tpu.memory_space<semaphore_mem>>) src(%dma_wait3A_65 : memref<10008x128xf32, #tpu.memory_space<hbm>>) dst(%arg10 : memref<128x128xf32, #tpu.memory_space<vmem>>)
        "tpu.region"() ({
          %run_scoped3A = tpu.sem_alloc : memref<!tpu.dma_semaphore, #tpu.memory_space<semaphore_mem>>
          %dma_start3A_78 = arith.constant 0 : i32
          %dma_start3A_79 = tpu.memref_slice %arg9[%mul3A_52, %dma_start3A_78] : memref<40x128xi32, #tpu.memory_space<vmem>> -> memref<1x128xi32, #tpu.memory_space<vmem>>
          %dma_start3A_80 = tpu.memref_squeeze %dma_start3A_79 : memref<1x128xi32, #tpu.memory_space<vmem>> -> memref<128xi32, #tpu.memory_space<vmem>>
          %dma_start3A_81 = arith.constant 0 : i32
          %dma_start3A_82 = arith.constant 0 : i32
          %dma_start3A_83 = tpu.memref_slice %arg12[%dma_start3A_81, %dma_start3A_82] : memref<10008x128xf32, #tpu.memory_space<vmem_shared>> -> memref<10008x128xf32, #tpu.memory_space<vmem_shared>>
          tpu.enqueue_indirect_dma source(%arg10 : memref<128x128xf32, #tpu.memory_space<vmem>>) target(%dma_start3A_83 : memref<10008x128xf32, #tpu.memory_space<vmem_shared>>) offsets(%dma_start3A_80 : memref<128xi32, #tpu.memory_space<vmem>>) semaphore(%run_scoped3A : memref<!tpu.dma_semaphore, #tpu.memory_space<semaphore_mem>>) {add = true}
          %dma_wait3A_84 = arith.constant 0 : i32
          %dma_wait3A_85 = tpu.memref_slice %arg9[%mul3A_52, %dma_wait3A_84] : memref<40x128xi32, #tpu.memory_space<vmem>> -> memref<1x128xi32, #tpu.memory_space<vmem>>
          %dma_wait3A_86 = tpu.memref_squeeze %dma_wait3A_85 : memref<1x128xi32, #tpu.memory_space<vmem>> -> memref<128xi32, #tpu.memory_space<vmem>>
          %dma_wait3A_87 = arith.constant 0 : i32
          %dma_wait3A_88 = arith.constant 0 : i32
          %dma_wait3A_89 = tpu.memref_slice %arg12[%dma_wait3A_87, %dma_wait3A_88] : memref<10008x128xf32, #tpu.memory_space<vmem_shared>> -> memref<10008x128xf32, #tpu.memory_space<vmem_shared>>
          tpu.wait_indirect_dma semaphore(%run_scoped3A : memref<!tpu.dma_semaphore, #tpu.memory_space<semaphore_mem>>) src(%arg10 : memref<128x128xf32, #tpu.memory_space<vmem>>) dst(%dma_wait3A_89 : memref<10008x128xf32, #tpu.memory_space<vmem_shared>>)
          tpu.yield
        }) : () -> ()
        %lt3A_66 = arith.constant 19 : i32
        %lt3A_67 = arith.cmpi slt, %scan3A_49, %lt3A_66 : i32
        %convert_element_type3A_68 = arith.extui %lt3A_67 : i1 to i32
        %cond3A_69 = arith.constant 0 : i32
        %cond3A_70 = arith.cmpi ne, %convert_element_type3A_68, %cond3A_69 : i32
        scf.if %cond3A_70 {
          %add3A_78 = arith.constant 2 : i32
          %add3A_79 = arith.addi %mul3A_52, %add3A_78 : i32
          %dma_start3A_80 = arith.constant 0 : i32
          %dma_start3A_81 = tpu.memref_slice %arg8[%add3A_79, %dma_start3A_80] : memref<40x128xi32, #tpu.memory_space<vmem>> -> memref<1x128xi32, #tpu.memory_space<vmem>>
          %dma_start3A_82 = tpu.memref_squeeze %dma_start3A_81 : memref<1x128xi32, #tpu.memory_space<vmem>> -> memref<128xi32, #tpu.memory_space<vmem>>
          %dma_start3A_83 = arith.constant 0 : i32
          %dma_start3A_84 = arith.constant 0 : i32
          %dma_start3A_85 = tpu.memref_slice %arg2[%dma_start3A_83, %dma_start3A_84] : memref<10008x128xf32, #tpu.memory_space<hbm>> -> memref<10008x128xf32, #tpu.memory_space<hbm>>
          tpu.enqueue_indirect_dma source(%dma_start3A_85 : memref<10008x128xf32, #tpu.memory_space<hbm>>) target(%arg10 : memref<128x128xf32, #tpu.memory_space<vmem>>) offsets(%dma_start3A_82 : memref<128xi32, #tpu.memory_space<vmem>>) semaphore(%arg13 : memref<!tpu.dma_semaphore, #tpu.memory_space<semaphore_mem>>)
        } else {
        }
        %dma_wait3A_71 = arith.constant 0 : i32
        %dma_wait3A_72 = tpu.memref_slice %arg8[%add3A_54, %dma_wait3A_71] : memref<40x128xi32, #tpu.memory_space<vmem>> -> memref<1x128xi32, #tpu.memory_space<vmem>>
        %dma_wait3A_73 = tpu.memref_squeeze %dma_wait3A_72 : memref<1x128xi32, #tpu.memory_space<vmem>> -> memref<128xi32, #tpu.memory_space<vmem>>
        %dma_wait3A_74 = arith.constant 0 : i32
        %dma_wait3A_75 = arith.constant 0 : i32
        %dma_wait3A_76 = tpu.memref_slice %arg2[%dma_wait3A_74, %dma_wait3A_75] : memref<10008x128xf32, #tpu.memory_space<hbm>> -> memref<10008x128xf32, #tpu.memory_space<hbm>>
        tpu.wait_indirect_dma semaphore(%arg14 : memref<!tpu.dma_semaphore, #tpu.memory_space<semaphore_mem>>) src(%dma_wait3A_76 : memref<10008x128xf32, #tpu.memory_space<hbm>>) dst(%arg11 : memref<128x128xf32, #tpu.memory_space<vmem>>)
        "tpu.region"() ({
          %run_scoped3A = tpu.sem_alloc : memref<!tpu.dma_semaphore, #tpu.memory_space<semaphore_mem>>
          %dma_start3A_78 = arith.constant 0 : i32
          %dma_start3A_79 = tpu.memref_slice %arg9[%add3A_54, %dma_start3A_78] : memref<40x128xi32, #tpu.memory_space<vmem>> -> memref<1x128xi32, #tpu.memory_space<vmem>>
          %dma_start3A_80 = tpu.memref_squeeze %dma_start3A_79 : memref<1x128xi32, #tpu.memory_space<vmem>> -> memref<128xi32, #tpu.memory_space<vmem>>
          %dma_start3A_81 = arith.constant 0 : i32
          %dma_start3A_82 = arith.constant 0 : i32
          %dma_start3A_83 = tpu.memref_slice %arg12[%dma_start3A_81, %dma_start3A_82] : memref<10008x128xf32, #tpu.memory_space<vmem_shared>> -> memref<10008x128xf32, #tpu.memory_space<vmem_shared>>
          tpu.enqueue_indirect_dma source(%arg11 : memref<128x128xf32, #tpu.memory_space<vmem>>) target(%dma_start3A_83 : memref<10008x128xf32, #tpu.memory_space<vmem_shared>>) offsets(%dma_start3A_80 : memref<128xi32, #tpu.memory_space<vmem>>) semaphore(%run_scoped3A : memref<!tpu.dma_semaphore, #tpu.memory_space<semaphore_mem>>) {add = true}
          %dma_wait3A_84 = arith.constant 0 : i32
          %dma_wait3A_85 = tpu.memref_slice %arg9[%add3A_54, %dma_wait3A_84] : memref<40x128xi32, #tpu.memory_space<vmem>> -> memref<1x128xi32, #tpu.memory_space<vmem>>
          %dma_wait3A_86 = tpu.memref_squeeze %dma_wait3A_85 : memref<1x128xi32, #tpu.memory_space<vmem>> -> memref<128xi32, #tpu.memory_space<vmem>>
          %dma_wait3A_87 = arith.constant 0 : i32
          %dma_wait3A_88 = arith.constant 0 : i32
          %dma_wait3A_89 = tpu.memref_slice %arg12[%dma_wait3A_87, %dma_wait3A_88] : memref<10008x128xf32, #tpu.memory_space<vmem_shared>> -> memref<10008x128xf32, #tpu.memory_space<vmem_shared>>
          tpu.wait_indirect_dma semaphore(%run_scoped3A : memref<!tpu.dma_semaphore, #tpu.memory_space<semaphore_mem>>) src(%arg11 : memref<128x128xf32, #tpu.memory_space<vmem>>) dst(%dma_wait3A_89 : memref<10008x128xf32, #tpu.memory_space<vmem_shared>>)
          tpu.yield
        }) : () -> ()
        %scan3A_77 = arith.constant 0 : i32
        scf.yield %scan3A_77 : i32
      }
      %scan3A_24 = arith.constant 20 : i32
      %mul3A_25 = arith.constant 80 : i32
      %mul3A_26 = arith.muli %arg1, %mul3A_25 : i32
      %add3A_27 = arith.constant 40 : i32
      %add3A_28 = arith.addi %mul3A_26, %add3A_27 : i32
      "tpu.region"() ({
        %run_scoped3A = tpu.sem_alloc : memref<!tpu.dma_semaphore, #tpu.memory_space<semaphore_mem>>
        %dma_start3A_49 = arith.constant 0 : i32
        %dma_start3A_50 = tpu.memref_slice %arg4[%add3A_28, %dma_start3A_49] : memref<1280x128xi32, #tpu.memory_space<hbm>> -> memref<40x128xi32, #tpu.memory_space<hbm>>
        %dma_start3A_51 = arith.constant 0 : i32
        %dma_start3A_52 = tpu.memref_slice %arg4[%add3A_28, %dma_start3A_51] : memref<1280x128xi32, #tpu.memory_space<hbm>> -> memref<40x128xi32, #tpu.memory_space<hbm>>
        tpu.enqueue_dma source(%dma_start3A_52 : memref<40x128xi32, #tpu.memory_space<hbm>>) target(%arg8 : memref<40x128xi32, #tpu.memory_space<vmem>>) target_semaphore(%run_scoped3A : memref<!tpu.dma_semaphore, #tpu.memory_space<semaphore_mem>>)
        %dma_wait3A = arith.constant 0 : i32
        %dma_wait3A_53 = tpu.memref_slice %arg4[%add3A_28, %dma_wait3A] : memref<1280x128xi32, #tpu.memory_space<hbm>> -> memref<40x128xi32, #tpu.memory_space<hbm>>
        %dma_wait3A_54 = arith.constant 0 : i32
        %dma_wait3A_55 = tpu.memref_slice %arg4[%add3A_28, %dma_wait3A_54] : memref<1280x128xi32, #tpu.memory_space<hbm>> -> memref<40x128xi32, #tpu.memory_space<hbm>>
        tpu.wait_dma2 semaphore(%run_scoped3A : memref<!tpu.dma_semaphore, #tpu.memory_space<semaphore_mem>>) src(%dma_wait3A_55 : memref<40x128xi32, #tpu.memory_space<hbm>>) dst(%arg8 : memref<40x128xi32, #tpu.memory_space<vmem>>)
        tpu.yield
      }) : () -> ()
      "tpu.region"() ({
        %run_scoped3A = tpu.sem_alloc : memref<!tpu.dma_semaphore, #tpu.memory_space<semaphore_mem>>
        %dma_start3A_49 = arith.constant 0 : i32
        %dma_start3A_50 = tpu.memref_slice %arg5[%add3A_28, %dma_start3A_49] : memref<1280x128xi32, #tpu.memory_space<hbm>> -> memref<40x128xi32, #tpu.memory_space<hbm>>
        %dma_start3A_51 = arith.constant 0 : i32
        %dma_start3A_52 = tpu.memref_slice %arg5[%add3A_28, %dma_start3A_51] : memref<1280x128xi32, #tpu.memory_space<hbm>> -> memref<40x128xi32, #tpu.memory_space<hbm>>
        tpu.enqueue_dma source(%dma_start3A_52 : memref<40x128xi32, #tpu.memory_space<hbm>>) target(%arg9 : memref<40x128xi32, #tpu.memory_space<vmem>>) target_semaphore(%run_scoped3A : memref<!tpu.dma_semaphore, #tpu.memory_space<semaphore_mem>>)
        %dma_wait3A = arith.constant 0 : i32
        %dma_wait3A_53 = tpu.memref_slice %arg5[%add3A_28, %dma_wait3A] : memref<1280x128xi32, #tpu.memory_space<hbm>> -> memref<40x128xi32, #tpu.memory_space<hbm>>
        %dma_wait3A_54 = arith.constant 0 : i32
        %dma_wait3A_55 = tpu.memref_slice %arg5[%add3A_28, %dma_wait3A_54] : memref<1280x128xi32, #tpu.memory_space<hbm>> -> memref<40x128xi32, #tpu.memory_space<hbm>>
        tpu.wait_dma2 semaphore(%run_scoped3A : memref<!tpu.dma_semaphore, #tpu.memory_space<semaphore_mem>>) src(%dma_wait3A_55 : memref<40x128xi32, #tpu.memory_space<hbm>>) dst(%arg9 : memref<40x128xi32, #tpu.memory_space<vmem>>)
        tpu.yield
      }) : () -> ()
      %dma_start3A_29 = arith.constant 0 : i32
      %dma_start3A_30 = arith.constant 0 : i32
      %dma_start3A_31 = tpu.memref_slice %arg8[%dma_start3A_29, %dma_start3A_30] : memref<40x128xi32, #tpu.memory_space<vmem>> -> memref<1x128xi32, #tpu.memory_space<vmem>>
      %dma_start3A_32 = tpu.memref_squeeze %dma_start3A_31 : memref<1x128xi32, #tpu.memory_space<vmem>> -> memref<128xi32, #tpu.memory_space<vmem>>
      %dma_start3A_33 = arith.constant 0 : i32
      %dma_start3A_34 = arith.constant 0 : i32
      %dma_start3A_35 = tpu.memref_slice %arg2[%dma_start3A_33, %dma_start3A_34] : memref<10008x128xf32, #tpu.memory_space<hbm>> -> memref<10008x128xf32, #tpu.memory_space<hbm>>
      tpu.enqueue_indirect_dma source(%dma_start3A_35 : memref<10008x128xf32, #tpu.memory_space<hbm>>) target(%arg10 : memref<128x128xf32, #tpu.memory_space<vmem>>) offsets(%dma_start3A_32 : memref<128xi32, #tpu.memory_space<vmem>>) semaphore(%arg13 : memref<!tpu.dma_semaphore, #tpu.memory_space<semaphore_mem>>)
      %scan3A_36 = arith.constant 0 : i32
      %scan3A_37 = arith.constant 0 : i32
      %scan3A_38 = arith.constant 20 : i32
      %scan3A_39 = arith.addi %scan3A_37, %scan3A_38 : i32
      %scan3A_40 = arith.constant 1 : i32
      %scan3A_41 = scf.for %scan3A_49 = %scan3A_37 to %scan3A_39 step %scan3A_40 iter_args(%scan3A_50 = %scan3A_36) -> (i32)  : i32 {
        %mul3A_51 = arith.constant 2 : i32
        %mul3A_52 = arith.muli %mul3A_51, %scan3A_49 : i32
        %add3A_53 = arith.constant 1 : i32
        %add3A_54 = arith.addi %mul3A_52, %add3A_53 : i32
        %dma_start3A_55 = arith.constant 0 : i32
        %dma_start3A_56 = tpu.memref_slice %arg8[%add3A_54, %dma_start3A_55] : memref<40x128xi32, #tpu.memory_space<vmem>> -> memref<1x128xi32, #tpu.memory_space<vmem>>
        %dma_start3A_57 = tpu.memref_squeeze %dma_start3A_56 : memref<1x128xi32, #tpu.memory_space<vmem>> -> memref<128xi32, #tpu.memory_space<vmem>>
        %dma_start3A_58 = arith.constant 0 : i32
        %dma_start3A_59 = arith.constant 0 : i32
        %dma_start3A_60 = tpu.memref_slice %arg2[%dma_start3A_58, %dma_start3A_59] : memref<10008x128xf32, #tpu.memory_space<hbm>> -> memref<10008x128xf32, #tpu.memory_space<hbm>>
        tpu.enqueue_indirect_dma source(%dma_start3A_60 : memref<10008x128xf32, #tpu.memory_space<hbm>>) target(%arg11 : memref<128x128xf32, #tpu.memory_space<vmem>>) offsets(%dma_start3A_57 : memref<128xi32, #tpu.memory_space<vmem>>) semaphore(%arg14 : memref<!tpu.dma_semaphore, #tpu.memory_space<semaphore_mem>>)
        %dma_wait3A = arith.constant 0 : i32
        %dma_wait3A_61 = tpu.memref_slice %arg8[%mul3A_52, %dma_wait3A] : memref<40x128xi32, #tpu.memory_space<vmem>> -> memref<1x128xi32, #tpu.memory_space<vmem>>
        %dma_wait3A_62 = tpu.memref_squeeze %dma_wait3A_61 : memref<1x128xi32, #tpu.memory_space<vmem>> -> memref<128xi32, #tpu.memory_space<vmem>>
        %dma_wait3A_63 = arith.constant 0 : i32
        %dma_wait3A_64 = arith.constant 0 : i32
        %dma_wait3A_65 = tpu.memref_slice %arg2[%dma_wait3A_63, %dma_wait3A_64] : memref<10008x128xf32, #tpu.memory_space<hbm>> -> memref<10008x128xf32, #tpu.memory_space<hbm>>
        tpu.wait_indirect_dma semaphore(%arg13 : memref<!tpu.dma_semaphore, #tpu.memory_space<semaphore_mem>>) src(%dma_wait3A_65 : memref<10008x128xf32, #tpu.memory_space<hbm>>) dst(%arg10 : memref<128x128xf32, #tpu.memory_space<vmem>>)
        "tpu.region"() ({
          %run_scoped3A = tpu.sem_alloc : memref<!tpu.dma_semaphore, #tpu.memory_space<semaphore_mem>>
          %dma_start3A_78 = arith.constant 0 : i32
          %dma_start3A_79 = tpu.memref_slice %arg9[%mul3A_52, %dma_start3A_78] : memref<40x128xi32, #tpu.memory_space<vmem>> -> memref<1x128xi32, #tpu.memory_space<vmem>>
          %dma_start3A_80 = tpu.memref_squeeze %dma_start3A_79 : memref<1x128xi32, #tpu.memory_space<vmem>> -> memref<128xi32, #tpu.memory_space<vmem>>
          %dma_start3A_81 = arith.constant 0 : i32
          %dma_start3A_82 = arith.constant 0 : i32
          %dma_start3A_83 = tpu.memref_slice %arg12[%dma_start3A_81, %dma_start3A_82] : memref<10008x128xf32, #tpu.memory_space<vmem_shared>> -> memref<10008x128xf32, #tpu.memory_space<vmem_shared>>
          tpu.enqueue_indirect_dma source(%arg10 : memref<128x128xf32, #tpu.memory_space<vmem>>) target(%dma_start3A_83 : memref<10008x128xf32, #tpu.memory_space<vmem_shared>>) offsets(%dma_start3A_80 : memref<128xi32, #tpu.memory_space<vmem>>) semaphore(%run_scoped3A : memref<!tpu.dma_semaphore, #tpu.memory_space<semaphore_mem>>) {add = true}
          %dma_wait3A_84 = arith.constant 0 : i32
          %dma_wait3A_85 = tpu.memref_slice %arg9[%mul3A_52, %dma_wait3A_84] : memref<40x128xi32, #tpu.memory_space<vmem>> -> memref<1x128xi32, #tpu.memory_space<vmem>>
          %dma_wait3A_86 = tpu.memref_squeeze %dma_wait3A_85 : memref<1x128xi32, #tpu.memory_space<vmem>> -> memref<128xi32, #tpu.memory_space<vmem>>
          %dma_wait3A_87 = arith.constant 0 : i32
          %dma_wait3A_88 = arith.constant 0 : i32
          %dma_wait3A_89 = tpu.memref_slice %arg12[%dma_wait3A_87, %dma_wait3A_88] : memref<10008x128xf32, #tpu.memory_space<vmem_shared>> -> memref<10008x128xf32, #tpu.memory_space<vmem_shared>>
          tpu.wait_indirect_dma semaphore(%run_scoped3A : memref<!tpu.dma_semaphore, #tpu.memory_space<semaphore_mem>>) src(%arg10 : memref<128x128xf32, #tpu.memory_space<vmem>>) dst(%dma_wait3A_89 : memref<10008x128xf32, #tpu.memory_space<vmem_shared>>)
          tpu.yield
        }) : () -> ()
        %lt3A_66 = arith.constant 19 : i32
        %lt3A_67 = arith.cmpi slt, %scan3A_49, %lt3A_66 : i32
        %convert_element_type3A_68 = arith.extui %lt3A_67 : i1 to i32
        %cond3A_69 = arith.constant 0 : i32
        %cond3A_70 = arith.cmpi ne, %convert_element_type3A_68, %cond3A_69 : i32
        scf.if %cond3A_70 {
          %add3A_78 = arith.constant 2 : i32
          %add3A_79 = arith.addi %mul3A_52, %add3A_78 : i32
          %dma_start3A_80 = arith.constant 0 : i32
          %dma_start3A_81 = tpu.memref_slice %arg8[%add3A_79, %dma_start3A_80] : memref<40x128xi32, #tpu.memory_space<vmem>> -> memref<1x128xi32, #tpu.memory_space<vmem>>
          %dma_start3A_82 = tpu.memref_squeeze %dma_start3A_81 : memref<1x128xi32, #tpu.memory_space<vmem>> -> memref<128xi32, #tpu.memory_space<vmem>>
          %dma_start3A_83 = arith.constant 0 : i32
          %dma_start3A_84 = arith.constant 0 : i32
          %dma_start3A_85 = tpu.memref_slice %arg2[%dma_start3A_83, %dma_start3A_84] : memref<10008x128xf32, #tpu.memory_space<hbm>> -> memref<10008x128xf32, #tpu.memory_space<hbm>>
          tpu.enqueue_indirect_dma source(%dma_start3A_85 : memref<10008x128xf32, #tpu.memory_space<hbm>>) target(%arg10 : memref<128x128xf32, #tpu.memory_space<vmem>>) offsets(%dma_start3A_82 : memref<128xi32, #tpu.memory_space<vmem>>) semaphore(%arg13 : memref<!tpu.dma_semaphore, #tpu.memory_space<semaphore_mem>>)
        } else {
        }
        %dma_wait3A_71 = arith.constant 0 : i32
        %dma_wait3A_72 = tpu.memref_slice %arg8[%add3A_54, %dma_wait3A_71] : memref<40x128xi32, #tpu.memory_space<vmem>> -> memref<1x128xi32, #tpu.memory_space<vmem>>
        %dma_wait3A_73 = tpu.memref_squeeze %dma_wait3A_72 : memref<1x128xi32, #tpu.memory_space<vmem>> -> memref<128xi32, #tpu.memory_space<vmem>>
        %dma_wait3A_74 = arith.constant 0 : i32
        %dma_wait3A_75 = arith.constant 0 : i32
        %dma_wait3A_76 = tpu.memref_slice %arg2[%dma_wait3A_74, %dma_wait3A_75] : memref<10008x128xf32, #tpu.memory_space<hbm>> -> memref<10008x128xf32, #tpu.memory_space<hbm>>
        tpu.wait_indirect_dma semaphore(%arg14 : memref<!tpu.dma_semaphore, #tpu.memory_space<semaphore_mem>>) src(%dma_wait3A_76 : memref<10008x128xf32, #tpu.memory_space<hbm>>) dst(%arg11 : memref<128x128xf32, #tpu.memory_space<vmem>>)
        "tpu.region"() ({
          %run_scoped3A = tpu.sem_alloc : memref<!tpu.dma_semaphore, #tpu.memory_space<semaphore_mem>>
          %dma_start3A_78 = arith.constant 0 : i32
          %dma_start3A_79 = tpu.memref_slice %arg9[%add3A_54, %dma_start3A_78] : memref<40x128xi32, #tpu.memory_space<vmem>> -> memref<1x128xi32, #tpu.memory_space<vmem>>
          %dma_start3A_80 = tpu.memref_squeeze %dma_start3A_79 : memref<1x128xi32, #tpu.memory_space<vmem>> -> memref<128xi32, #tpu.memory_space<vmem>>
          %dma_start3A_81 = arith.constant 0 : i32
          %dma_start3A_82 = arith.constant 0 : i32
          %dma_start3A_83 = tpu.memref_slice %arg12[%dma_start3A_81, %dma_start3A_82] : memref<10008x128xf32, #tpu.memory_space<vmem_shared>> -> memref<10008x128xf32, #tpu.memory_space<vmem_shared>>
          tpu.enqueue_indirect_dma source(%arg11 : memref<128x128xf32, #tpu.memory_space<vmem>>) target(%dma_start3A_83 : memref<10008x128xf32, #tpu.memory_space<vmem_shared>>) offsets(%dma_start3A_80 : memref<128xi32, #tpu.memory_space<vmem>>) semaphore(%run_scoped3A : memref<!tpu.dma_semaphore, #tpu.memory_space<semaphore_mem>>) {add = true}
          %dma_wait3A_84 = arith.constant 0 : i32
          %dma_wait3A_85 = tpu.memref_slice %arg9[%add3A_54, %dma_wait3A_84] : memref<40x128xi32, #tpu.memory_space<vmem>> -> memref<1x128xi32, #tpu.memory_space<vmem>>
          %dma_wait3A_86 = tpu.memref_squeeze %dma_wait3A_85 : memref<1x128xi32, #tpu.memory_space<vmem>> -> memref<128xi32, #tpu.memory_space<vmem>>
          %dma_wait3A_87 = arith.constant 0 : i32
          %dma_wait3A_88 = arith.constant 0 : i32
          %dma_wait3A_89 = tpu.memref_slice %arg12[%dma_wait3A_87, %dma_wait3A_88] : memref<10008x128xf32, #tpu.memory_space<vmem_shared>> -> memref<10008x128xf32, #tpu.memory_space<vmem_shared>>
          tpu.wait_indirect_dma semaphore(%run_scoped3A : memref<!tpu.dma_semaphore, #tpu.memory_space<semaphore_mem>>) src(%arg11 : memref<128x128xf32, #tpu.memory_space<vmem>>) dst(%dma_wait3A_89 : memref<10008x128xf32, #tpu.memory_space<vmem_shared>>)
          tpu.yield
        }) : () -> ()
        %scan3A_77 = arith.constant 0 : i32
        scf.yield %scan3A_77 : i32
      }
      %scan3A_42 = arith.constant 20 : i32
      %barrier3A_43 = arith.constant 0 : index
      tpu.barrier barrier_id(%barrier3A_43)
      %lt3A_44 = arith.constant 10 : i32
      %lt3A_45 = arith.cmpi slt, %arg1, %lt3A_44 : i32
      %convert_element_type3A_46 = arith.extui %lt3A_45 : i1 to i32
      %cond3A_47 = arith.constant 0 : i32
      %cond3A_48 = arith.cmpi ne, %convert_element_type3A_46, %cond3A_47 : i32
      scf.if %cond3A_48 {
        %mul3A_49 = arith.constant 1000 : i32
        %mul3A_50 = arith.muli %arg1, %mul3A_49 : i32
        "tpu.region"() ({
          %run_scoped3A = tpu.sem_alloc : memref<!tpu.dma_semaphore, #tpu.memory_space<semaphore_mem>>
          %dma_start3A_51 = arith.constant 0 : i32
          %dma_start3A_52 = tpu.memref_slice %arg6[%mul3A_50, %dma_start3A_51] : memref<10008x128xf32, #tpu.memory_space<hbm>> -> memref<1000x128xf32, #tpu.memory_space<hbm>>
          %dma_start3A_53 = arith.constant 0 : i32
          %dma_start3A_54 = tpu.memref_slice %arg12[%mul3A_50, %dma_start3A_53] : memref<10008x128xf32, #tpu.memory_space<vmem_shared>> -> memref<1000x128xf32, #tpu.memory_space<vmem_shared>>
          tpu.enqueue_dma source(%dma_start3A_54 : memref<1000x128xf32, #tpu.memory_space<vmem_shared>>) target(%dma_start3A_52 : memref<1000x128xf32, #tpu.memory_space<hbm>>) target_semaphore(%run_scoped3A : memref<!tpu.dma_semaphore, #tpu.memory_space<semaphore_mem>>)
          %dma_wait3A = arith.constant 0 : i32
          %dma_wait3A_55 = tpu.memref_slice %arg6[%mul3A_50, %dma_wait3A] : memref<10008x128xf32, #tpu.memory_space<hbm>> -> memref<1000x128xf32, #tpu.memory_space<hbm>>
          %dma_wait3A_56 = arith.constant 0 : i32
          %dma_wait3A_57 = tpu.memref_slice %arg12[%mul3A_50, %dma_wait3A_56] : memref<10008x128xf32, #tpu.memory_space<vmem_shared>> -> memref<1000x128xf32, #tpu.memory_space<vmem_shared>>
          tpu.wait_dma2 semaphore(%run_scoped3A : memref<!tpu.dma_semaphore, #tpu.memory_space<semaphore_mem>>) src(%dma_wait3A_57 : memref<1000x128xf32, #tpu.memory_space<vmem_shared>>) dst(%dma_wait3A_55 : memref<1000x128xf32, #tpu.memory_space<hbm>>)
          tpu.yield
        }) : () -> ()
      } else {
      }
    } else {
    }
    %eq3A_2 = arith.constant 1 : i32
    %eq3A_3 = arith.cmpi eq, %arg0, %eq3A_2 : i32
    %convert_element_type3A_4 = arith.extui %eq3A_3 : i1 to i32
    %cond3A_5 = arith.constant 0 : i32
    %cond3A_6 = arith.cmpi ne, %convert_element_type3A_4, %cond3A_5 : i32
    scf.if %cond3A_6 {
      %lt3A = arith.constant 10 : i32
      %lt3A_7 = arith.cmpi slt, %arg1, %lt3A : i32
      %convert_element_type3A_8 = arith.extui %lt3A_7 : i1 to i32
      %cond3A_9 = arith.constant 0 : i32
      %cond3A_10 = arith.cmpi ne, %convert_element_type3A_8, %cond3A_9 : i32
      scf.if %cond3A_10 {
        %mul3A_49 = arith.constant 1000 : i32
        %mul3A_50 = arith.muli %arg1, %mul3A_49 : i32
        "tpu.region"() ({
          %run_scoped3A = tpu.sem_alloc : memref<!tpu.dma_semaphore, #tpu.memory_space<semaphore_mem>>
          %dma_start3A_51 = arith.constant 0 : i32
          %dma_start3A_52 = tpu.memref_slice %arg12[%mul3A_50, %dma_start3A_51] : memref<10008x128xf32, #tpu.memory_space<vmem_shared>> -> memref<1000x128xf32, #tpu.memory_space<vmem_shared>>
          %dma_start3A_53 = arith.constant 0 : i32
          %dma_start3A_54 = tpu.memref_slice %arg3[%mul3A_50, %dma_start3A_53] : memref<10008x128xf32, #tpu.memory_space<hbm>> -> memref<1000x128xf32, #tpu.memory_space<hbm>>
          tpu.enqueue_dma source(%dma_start3A_54 : memref<1000x128xf32, #tpu.memory_space<hbm>>) target(%dma_start3A_52 : memref<1000x128xf32, #tpu.memory_space<vmem_shared>>) target_semaphore(%run_scoped3A : memref<!tpu.dma_semaphore, #tpu.memory_space<semaphore_mem>>)
          %dma_wait3A = arith.constant 0 : i32
          %dma_wait3A_55 = tpu.memref_slice %arg12[%mul3A_50, %dma_wait3A] : memref<10008x128xf32, #tpu.memory_space<vmem_shared>> -> memref<1000x128xf32, #tpu.memory_space<vmem_shared>>
          %dma_wait3A_56 = arith.constant 0 : i32
          %dma_wait3A_57 = tpu.memref_slice %arg3[%mul3A_50, %dma_wait3A_56] : memref<10008x128xf32, #tpu.memory_space<hbm>> -> memref<1000x128xf32, #tpu.memory_space<hbm>>
          tpu.wait_dma2 semaphore(%run_scoped3A : memref<!tpu.dma_semaphore, #tpu.memory_space<semaphore_mem>>) src(%dma_wait3A_57 : memref<1000x128xf32, #tpu.memory_space<hbm>>) dst(%dma_wait3A_55 : memref<1000x128xf32, #tpu.memory_space<vmem_shared>>)
          tpu.yield
        }) : () -> ()
      } else {
      }
      %barrier3A = arith.constant 0 : index
      tpu.barrier barrier_id(%barrier3A)
      %mul3A = arith.constant 80 : i32
      %mul3A_11 = arith.muli %arg1, %mul3A : i32
      %add3A = arith.constant 0 : i32
      %add3A_12 = arith.addi %mul3A_11, %add3A : i32
      "tpu.region"() ({
        %run_scoped3A = tpu.sem_alloc : memref<!tpu.dma_semaphore, #tpu.memory_space<semaphore_mem>>
        %dma_start3A_49 = arith.constant 0 : i32
        %dma_start3A_50 = tpu.memref_slice %arg4[%add3A_12, %dma_start3A_49] : memref<1280x128xi32, #tpu.memory_space<hbm>> -> memref<40x128xi32, #tpu.memory_space<hbm>>
        %dma_start3A_51 = arith.constant 0 : i32
        %dma_start3A_52 = tpu.memref_slice %arg4[%add3A_12, %dma_start3A_51] : memref<1280x128xi32, #tpu.memory_space<hbm>> -> memref<40x128xi32, #tpu.memory_space<hbm>>
        tpu.enqueue_dma source(%dma_start3A_52 : memref<40x128xi32, #tpu.memory_space<hbm>>) target(%arg8 : memref<40x128xi32, #tpu.memory_space<vmem>>) target_semaphore(%run_scoped3A : memref<!tpu.dma_semaphore, #tpu.memory_space<semaphore_mem>>)
        %dma_wait3A = arith.constant 0 : i32
        %dma_wait3A_53 = tpu.memref_slice %arg4[%add3A_12, %dma_wait3A] : memref<1280x128xi32, #tpu.memory_space<hbm>> -> memref<40x128xi32, #tpu.memory_space<hbm>>
        %dma_wait3A_54 = arith.constant 0 : i32
        %dma_wait3A_55 = tpu.memref_slice %arg4[%add3A_12, %dma_wait3A_54] : memref<1280x128xi32, #tpu.memory_space<hbm>> -> memref<40x128xi32, #tpu.memory_space<hbm>>
        tpu.wait_dma2 semaphore(%run_scoped3A : memref<!tpu.dma_semaphore, #tpu.memory_space<semaphore_mem>>) src(%dma_wait3A_55 : memref<40x128xi32, #tpu.memory_space<hbm>>) dst(%arg8 : memref<40x128xi32, #tpu.memory_space<vmem>>)
        tpu.yield
      }) : () -> ()
      "tpu.region"() ({
        %run_scoped3A = tpu.sem_alloc : memref<!tpu.dma_semaphore, #tpu.memory_space<semaphore_mem>>
        %dma_start3A_49 = arith.constant 0 : i32
        %dma_start3A_50 = tpu.memref_slice %arg5[%add3A_12, %dma_start3A_49] : memref<1280x128xi32, #tpu.memory_space<hbm>> -> memref<40x128xi32, #tpu.memory_space<hbm>>
        %dma_start3A_51 = arith.constant 0 : i32
        %dma_start3A_52 = tpu.memref_slice %arg5[%add3A_12, %dma_start3A_51] : memref<1280x128xi32, #tpu.memory_space<hbm>> -> memref<40x128xi32, #tpu.memory_space<hbm>>
        tpu.enqueue_dma source(%dma_start3A_52 : memref<40x128xi32, #tpu.memory_space<hbm>>) target(%arg9 : memref<40x128xi32, #tpu.memory_space<vmem>>) target_semaphore(%run_scoped3A : memref<!tpu.dma_semaphore, #tpu.memory_space<semaphore_mem>>)
        %dma_wait3A = arith.constant 0 : i32
        %dma_wait3A_53 = tpu.memref_slice %arg5[%add3A_12, %dma_wait3A] : memref<1280x128xi32, #tpu.memory_space<hbm>> -> memref<40x128xi32, #tpu.memory_space<hbm>>
        %dma_wait3A_54 = arith.constant 0 : i32
        %dma_wait3A_55 = tpu.memref_slice %arg5[%add3A_12, %dma_wait3A_54] : memref<1280x128xi32, #tpu.memory_space<hbm>> -> memref<40x128xi32, #tpu.memory_space<hbm>>
        tpu.wait_dma2 semaphore(%run_scoped3A : memref<!tpu.dma_semaphore, #tpu.memory_space<semaphore_mem>>) src(%dma_wait3A_55 : memref<40x128xi32, #tpu.memory_space<hbm>>) dst(%arg9 : memref<40x128xi32, #tpu.memory_space<vmem>>)
        tpu.yield
      }) : () -> ()
      %dma_start3A = arith.constant 0 : i32
      %dma_start3A_13 = arith.constant 0 : i32
      %dma_start3A_14 = tpu.memref_slice %arg8[%dma_start3A, %dma_start3A_13] : memref<40x128xi32, #tpu.memory_space<vmem>> -> memref<1x128xi32, #tpu.memory_space<vmem>>
      %dma_start3A_15 = tpu.memref_squeeze %dma_start3A_14 : memref<1x128xi32, #tpu.memory_space<vmem>> -> memref<128xi32, #tpu.memory_space<vmem>>
      %dma_start3A_16 = arith.constant 0 : i32
      %dma_start3A_17 = arith.constant 0 : i32
      %dma_start3A_18 = tpu.memref_slice %arg3[%dma_start3A_16, %dma_start3A_17] : memref<10008x128xf32, #tpu.memory_space<hbm>> -> memref<10008x128xf32, #tpu.memory_space<hbm>>
      tpu.enqueue_indirect_dma source(%dma_start3A_18 : memref<10008x128xf32, #tpu.memory_space<hbm>>) target(%arg10 : memref<128x128xf32, #tpu.memory_space<vmem>>) offsets(%dma_start3A_15 : memref<128xi32, #tpu.memory_space<vmem>>) semaphore(%arg13 : memref<!tpu.dma_semaphore, #tpu.memory_space<semaphore_mem>>)
      %scan3A = arith.constant 0 : i32
      %scan3A_19 = arith.constant 0 : i32
      %scan3A_20 = arith.constant 20 : i32
      %scan3A_21 = arith.addi %scan3A_19, %scan3A_20 : i32
      %scan3A_22 = arith.constant 1 : i32
      %scan3A_23 = scf.for %scan3A_49 = %scan3A_19 to %scan3A_21 step %scan3A_22 iter_args(%scan3A_50 = %scan3A) -> (i32)  : i32 {
        %mul3A_51 = arith.constant 2 : i32
        %mul3A_52 = arith.muli %mul3A_51, %scan3A_49 : i32
        %add3A_53 = arith.constant 1 : i32
        %add3A_54 = arith.addi %mul3A_52, %add3A_53 : i32
        %dma_start3A_55 = arith.constant 0 : i32
        %dma_start3A_56 = tpu.memref_slice %arg8[%add3A_54, %dma_start3A_55] : memref<40x128xi32, #tpu.memory_space<vmem>> -> memref<1x128xi32, #tpu.memory_space<vmem>>
        %dma_start3A_57 = tpu.memref_squeeze %dma_start3A_56 : memref<1x128xi32, #tpu.memory_space<vmem>> -> memref<128xi32, #tpu.memory_space<vmem>>
        %dma_start3A_58 = arith.constant 0 : i32
        %dma_start3A_59 = arith.constant 0 : i32
        %dma_start3A_60 = tpu.memref_slice %arg3[%dma_start3A_58, %dma_start3A_59] : memref<10008x128xf32, #tpu.memory_space<hbm>> -> memref<10008x128xf32, #tpu.memory_space<hbm>>
        tpu.enqueue_indirect_dma source(%dma_start3A_60 : memref<10008x128xf32, #tpu.memory_space<hbm>>) target(%arg11 : memref<128x128xf32, #tpu.memory_space<vmem>>) offsets(%dma_start3A_57 : memref<128xi32, #tpu.memory_space<vmem>>) semaphore(%arg14 : memref<!tpu.dma_semaphore, #tpu.memory_space<semaphore_mem>>)
        %dma_wait3A = arith.constant 0 : i32
        %dma_wait3A_61 = tpu.memref_slice %arg8[%mul3A_52, %dma_wait3A] : memref<40x128xi32, #tpu.memory_space<vmem>> -> memref<1x128xi32, #tpu.memory_space<vmem>>
        %dma_wait3A_62 = tpu.memref_squeeze %dma_wait3A_61 : memref<1x128xi32, #tpu.memory_space<vmem>> -> memref<128xi32, #tpu.memory_space<vmem>>
        %dma_wait3A_63 = arith.constant 0 : i32
        %dma_wait3A_64 = arith.constant 0 : i32
        %dma_wait3A_65 = tpu.memref_slice %arg3[%dma_wait3A_63, %dma_wait3A_64] : memref<10008x128xf32, #tpu.memory_space<hbm>> -> memref<10008x128xf32, #tpu.memory_space<hbm>>
        tpu.wait_indirect_dma semaphore(%arg13 : memref<!tpu.dma_semaphore, #tpu.memory_space<semaphore_mem>>) src(%dma_wait3A_65 : memref<10008x128xf32, #tpu.memory_space<hbm>>) dst(%arg10 : memref<128x128xf32, #tpu.memory_space<vmem>>)
        "tpu.region"() ({
          %run_scoped3A = tpu.sem_alloc : memref<!tpu.dma_semaphore, #tpu.memory_space<semaphore_mem>>
          %dma_start3A_78 = arith.constant 0 : i32
          %dma_start3A_79 = tpu.memref_slice %arg9[%mul3A_52, %dma_start3A_78] : memref<40x128xi32, #tpu.memory_space<vmem>> -> memref<1x128xi32, #tpu.memory_space<vmem>>
          %dma_start3A_80 = tpu.memref_squeeze %dma_start3A_79 : memref<1x128xi32, #tpu.memory_space<vmem>> -> memref<128xi32, #tpu.memory_space<vmem>>
          %dma_start3A_81 = arith.constant 0 : i32
          %dma_start3A_82 = arith.constant 0 : i32
          %dma_start3A_83 = tpu.memref_slice %arg12[%dma_start3A_81, %dma_start3A_82] : memref<10008x128xf32, #tpu.memory_space<vmem_shared>> -> memref<10008x128xf32, #tpu.memory_space<vmem_shared>>
          tpu.enqueue_indirect_dma source(%arg10 : memref<128x128xf32, #tpu.memory_space<vmem>>) target(%dma_start3A_83 : memref<10008x128xf32, #tpu.memory_space<vmem_shared>>) offsets(%dma_start3A_80 : memref<128xi32, #tpu.memory_space<vmem>>) semaphore(%run_scoped3A : memref<!tpu.dma_semaphore, #tpu.memory_space<semaphore_mem>>) {add = true}
          %dma_wait3A_84 = arith.constant 0 : i32
          %dma_wait3A_85 = tpu.memref_slice %arg9[%mul3A_52, %dma_wait3A_84] : memref<40x128xi32, #tpu.memory_space<vmem>> -> memref<1x128xi32, #tpu.memory_space<vmem>>
          %dma_wait3A_86 = tpu.memref_squeeze %dma_wait3A_85 : memref<1x128xi32, #tpu.memory_space<vmem>> -> memref<128xi32, #tpu.memory_space<vmem>>
          %dma_wait3A_87 = arith.constant 0 : i32
          %dma_wait3A_88 = arith.constant 0 : i32
          %dma_wait3A_89 = tpu.memref_slice %arg12[%dma_wait3A_87, %dma_wait3A_88] : memref<10008x128xf32, #tpu.memory_space<vmem_shared>> -> memref<10008x128xf32, #tpu.memory_space<vmem_shared>>
          tpu.wait_indirect_dma semaphore(%run_scoped3A : memref<!tpu.dma_semaphore, #tpu.memory_space<semaphore_mem>>) src(%arg10 : memref<128x128xf32, #tpu.memory_space<vmem>>) dst(%dma_wait3A_89 : memref<10008x128xf32, #tpu.memory_space<vmem_shared>>)
          tpu.yield
        }) : () -> ()
        %lt3A_66 = arith.constant 19 : i32
        %lt3A_67 = arith.cmpi slt, %scan3A_49, %lt3A_66 : i32
        %convert_element_type3A_68 = arith.extui %lt3A_67 : i1 to i32
        %cond3A_69 = arith.constant 0 : i32
        %cond3A_70 = arith.cmpi ne, %convert_element_type3A_68, %cond3A_69 : i32
        scf.if %cond3A_70 {
          %add3A_78 = arith.constant 2 : i32
          %add3A_79 = arith.addi %mul3A_52, %add3A_78 : i32
          %dma_start3A_80 = arith.constant 0 : i32
          %dma_start3A_81 = tpu.memref_slice %arg8[%add3A_79, %dma_start3A_80] : memref<40x128xi32, #tpu.memory_space<vmem>> -> memref<1x128xi32, #tpu.memory_space<vmem>>
          %dma_start3A_82 = tpu.memref_squeeze %dma_start3A_81 : memref<1x128xi32, #tpu.memory_space<vmem>> -> memref<128xi32, #tpu.memory_space<vmem>>
          %dma_start3A_83 = arith.constant 0 : i32
          %dma_start3A_84 = arith.constant 0 : i32
          %dma_start3A_85 = tpu.memref_slice %arg3[%dma_start3A_83, %dma_start3A_84] : memref<10008x128xf32, #tpu.memory_space<hbm>> -> memref<10008x128xf32, #tpu.memory_space<hbm>>
          tpu.enqueue_indirect_dma source(%dma_start3A_85 : memref<10008x128xf32, #tpu.memory_space<hbm>>) target(%arg10 : memref<128x128xf32, #tpu.memory_space<vmem>>) offsets(%dma_start3A_82 : memref<128xi32, #tpu.memory_space<vmem>>) semaphore(%arg13 : memref<!tpu.dma_semaphore, #tpu.memory_space<semaphore_mem>>)
        } else {
        }
        %dma_wait3A_71 = arith.constant 0 : i32
        %dma_wait3A_72 = tpu.memref_slice %arg8[%add3A_54, %dma_wait3A_71] : memref<40x128xi32, #tpu.memory_space<vmem>> -> memref<1x128xi32, #tpu.memory_space<vmem>>
        %dma_wait3A_73 = tpu.memref_squeeze %dma_wait3A_72 : memref<1x128xi32, #tpu.memory_space<vmem>> -> memref<128xi32, #tpu.memory_space<vmem>>
        %dma_wait3A_74 = arith.constant 0 : i32
        %dma_wait3A_75 = arith.constant 0 : i32
        %dma_wait3A_76 = tpu.memref_slice %arg3[%dma_wait3A_74, %dma_wait3A_75] : memref<10008x128xf32, #tpu.memory_space<hbm>> -> memref<10008x128xf32, #tpu.memory_space<hbm>>
        tpu.wait_indirect_dma semaphore(%arg14 : memref<!tpu.dma_semaphore, #tpu.memory_space<semaphore_mem>>) src(%dma_wait3A_76 : memref<10008x128xf32, #tpu.memory_space<hbm>>) dst(%arg11 : memref<128x128xf32, #tpu.memory_space<vmem>>)
        "tpu.region"() ({
          %run_scoped3A = tpu.sem_alloc : memref<!tpu.dma_semaphore, #tpu.memory_space<semaphore_mem>>
          %dma_start3A_78 = arith.constant 0 : i32
          %dma_start3A_79 = tpu.memref_slice %arg9[%add3A_54, %dma_start3A_78] : memref<40x128xi32, #tpu.memory_space<vmem>> -> memref<1x128xi32, #tpu.memory_space<vmem>>
          %dma_start3A_80 = tpu.memref_squeeze %dma_start3A_79 : memref<1x128xi32, #tpu.memory_space<vmem>> -> memref<128xi32, #tpu.memory_space<vmem>>
          %dma_start3A_81 = arith.constant 0 : i32
          %dma_start3A_82 = arith.constant 0 : i32
          %dma_start3A_83 = tpu.memref_slice %arg12[%dma_start3A_81, %dma_start3A_82] : memref<10008x128xf32, #tpu.memory_space<vmem_shared>> -> memref<10008x128xf32, #tpu.memory_space<vmem_shared>>
          tpu.enqueue_indirect_dma source(%arg11 : memref<128x128xf32, #tpu.memory_space<vmem>>) target(%dma_start3A_83 : memref<10008x128xf32, #tpu.memory_space<vmem_shared>>) offsets(%dma_start3A_80 : memref<128xi32, #tpu.memory_space<vmem>>) semaphore(%run_scoped3A : memref<!tpu.dma_semaphore, #tpu.memory_space<semaphore_mem>>) {add = true}
          %dma_wait3A_84 = arith.constant 0 : i32
          %dma_wait3A_85 = tpu.memref_slice %arg9[%add3A_54, %dma_wait3A_84] : memref<40x128xi32, #tpu.memory_space<vmem>> -> memref<1x128xi32, #tpu.memory_space<vmem>>
          %dma_wait3A_86 = tpu.memref_squeeze %dma_wait3A_85 : memref<1x128xi32, #tpu.memory_space<vmem>> -> memref<128xi32, #tpu.memory_space<vmem>>
          %dma_wait3A_87 = arith.constant 0 : i32
          %dma_wait3A_88 = arith.constant 0 : i32
          %dma_wait3A_89 = tpu.memref_slice %arg12[%dma_wait3A_87, %dma_wait3A_88] : memref<10008x128xf32, #tpu.memory_space<vmem_shared>> -> memref<10008x128xf32, #tpu.memory_space<vmem_shared>>
          tpu.wait_indirect_dma semaphore(%run_scoped3A : memref<!tpu.dma_semaphore, #tpu.memory_space<semaphore_mem>>) src(%arg11 : memref<128x128xf32, #tpu.memory_space<vmem>>) dst(%dma_wait3A_89 : memref<10008x128xf32, #tpu.memory_space<vmem_shared>>)
          tpu.yield
        }) : () -> ()
        %scan3A_77 = arith.constant 0 : i32
        scf.yield %scan3A_77 : i32
      }
      %scan3A_24 = arith.constant 20 : i32
      %mul3A_25 = arith.constant 80 : i32
      %mul3A_26 = arith.muli %arg1, %mul3A_25 : i32
      %add3A_27 = arith.constant 40 : i32
      %add3A_28 = arith.addi %mul3A_26, %add3A_27 : i32
      "tpu.region"() ({
        %run_scoped3A = tpu.sem_alloc : memref<!tpu.dma_semaphore, #tpu.memory_space<semaphore_mem>>
        %dma_start3A_49 = arith.constant 0 : i32
        %dma_start3A_50 = tpu.memref_slice %arg4[%add3A_28, %dma_start3A_49] : memref<1280x128xi32, #tpu.memory_space<hbm>> -> memref<40x128xi32, #tpu.memory_space<hbm>>
        %dma_start3A_51 = arith.constant 0 : i32
        %dma_start3A_52 = tpu.memref_slice %arg4[%add3A_28, %dma_start3A_51] : memref<1280x128xi32, #tpu.memory_space<hbm>> -> memref<40x128xi32, #tpu.memory_space<hbm>>
        tpu.enqueue_dma source(%dma_start3A_52 : memref<40x128xi32, #tpu.memory_space<hbm>>) target(%arg8 : memref<40x128xi32, #tpu.memory_space<vmem>>) target_semaphore(%run_scoped3A : memref<!tpu.dma_semaphore, #tpu.memory_space<semaphore_mem>>)
        %dma_wait3A = arith.constant 0 : i32
        %dma_wait3A_53 = tpu.memref_slice %arg4[%add3A_28, %dma_wait3A] : memref<1280x128xi32, #tpu.memory_space<hbm>> -> memref<40x128xi32, #tpu.memory_space<hbm>>
        %dma_wait3A_54 = arith.constant 0 : i32
        %dma_wait3A_55 = tpu.memref_slice %arg4[%add3A_28, %dma_wait3A_54] : memref<1280x128xi32, #tpu.memory_space<hbm>> -> memref<40x128xi32, #tpu.memory_space<hbm>>
        tpu.wait_dma2 semaphore(%run_scoped3A : memref<!tpu.dma_semaphore, #tpu.memory_space<semaphore_mem>>) src(%dma_wait3A_55 : memref<40x128xi32, #tpu.memory_space<hbm>>) dst(%arg8 : memref<40x128xi32, #tpu.memory_space<vmem>>)
        tpu.yield
      }) : () -> ()
      "tpu.region"() ({
        %run_scoped3A = tpu.sem_alloc : memref<!tpu.dma_semaphore, #tpu.memory_space<semaphore_mem>>
        %dma_start3A_49 = arith.constant 0 : i32
        %dma_start3A_50 = tpu.memref_slice %arg5[%add3A_28, %dma_start3A_49] : memref<1280x128xi32, #tpu.memory_space<hbm>> -> memref<40x128xi32, #tpu.memory_space<hbm>>
        %dma_start3A_51 = arith.constant 0 : i32
        %dma_start3A_52 = tpu.memref_slice %arg5[%add3A_28, %dma_start3A_51] : memref<1280x128xi32, #tpu.memory_space<hbm>> -> memref<40x128xi32, #tpu.memory_space<hbm>>
        tpu.enqueue_dma source(%dma_start3A_52 : memref<40x128xi32, #tpu.memory_space<hbm>>) target(%arg9 : memref<40x128xi32, #tpu.memory_space<vmem>>) target_semaphore(%run_scoped3A : memref<!tpu.dma_semaphore, #tpu.memory_space<semaphore_mem>>)
        %dma_wait3A = arith.constant 0 : i32
        %dma_wait3A_53 = tpu.memref_slice %arg5[%add3A_28, %dma_wait3A] : memref<1280x128xi32, #tpu.memory_space<hbm>> -> memref<40x128xi32, #tpu.memory_space<hbm>>
        %dma_wait3A_54 = arith.constant 0 : i32
        %dma_wait3A_55 = tpu.memref_slice %arg5[%add3A_28, %dma_wait3A_54] : memref<1280x128xi32, #tpu.memory_space<hbm>> -> memref<40x128xi32, #tpu.memory_space<hbm>>
        tpu.wait_dma2 semaphore(%run_scoped3A : memref<!tpu.dma_semaphore, #tpu.memory_space<semaphore_mem>>) src(%dma_wait3A_55 : memref<40x128xi32, #tpu.memory_space<hbm>>) dst(%arg9 : memref<40x128xi32, #tpu.memory_space<vmem>>)
        tpu.yield
      }) : () -> ()
      %dma_start3A_29 = arith.constant 0 : i32
      %dma_start3A_30 = arith.constant 0 : i32
      %dma_start3A_31 = tpu.memref_slice %arg8[%dma_start3A_29, %dma_start3A_30] : memref<40x128xi32, #tpu.memory_space<vmem>> -> memref<1x128xi32, #tpu.memory_space<vmem>>
      %dma_start3A_32 = tpu.memref_squeeze %dma_start3A_31 : memref<1x128xi32, #tpu.memory_space<vmem>> -> memref<128xi32, #tpu.memory_space<vmem>>
      %dma_start3A_33 = arith.constant 0 : i32
      %dma_start3A_34 = arith.constant 0 : i32
      %dma_start3A_35 = tpu.memref_slice %arg3[%dma_start3A_33, %dma_start3A_34] : memref<10008x128xf32, #tpu.memory_space<hbm>> -> memref<10008x128xf32, #tpu.memory_space<hbm>>
      tpu.enqueue_indirect_dma source(%dma_start3A_35 : memref<10008x128xf32, #tpu.memory_space<hbm>>) target(%arg10 : memref<128x128xf32, #tpu.memory_space<vmem>>) offsets(%dma_start3A_32 : memref<128xi32, #tpu.memory_space<vmem>>) semaphore(%arg13 : memref<!tpu.dma_semaphore, #tpu.memory_space<semaphore_mem>>)
      %scan3A_36 = arith.constant 0 : i32
      %scan3A_37 = arith.constant 0 : i32
      %scan3A_38 = arith.constant 20 : i32
      %scan3A_39 = arith.addi %scan3A_37, %scan3A_38 : i32
      %scan3A_40 = arith.constant 1 : i32
      %scan3A_41 = scf.for %scan3A_49 = %scan3A_37 to %scan3A_39 step %scan3A_40 iter_args(%scan3A_50 = %scan3A_36) -> (i32)  : i32 {
        %mul3A_51 = arith.constant 2 : i32
        %mul3A_52 = arith.muli %mul3A_51, %scan3A_49 : i32
        %add3A_53 = arith.constant 1 : i32
        %add3A_54 = arith.addi %mul3A_52, %add3A_53 : i32
        %dma_start3A_55 = arith.constant 0 : i32
        %dma_start3A_56 = tpu.memref_slice %arg8[%add3A_54, %dma_start3A_55] : memref<40x128xi32, #tpu.memory_space<vmem>> -> memref<1x128xi32, #tpu.memory_space<vmem>>
        %dma_start3A_57 = tpu.memref_squeeze %dma_start3A_56 : memref<1x128xi32, #tpu.memory_space<vmem>> -> memref<128xi32, #tpu.memory_space<vmem>>
        %dma_start3A_58 = arith.constant 0 : i32
        %dma_start3A_59 = arith.constant 0 : i32
        %dma_start3A_60 = tpu.memref_slice %arg3[%dma_start3A_58, %dma_start3A_59] : memref<10008x128xf32, #tpu.memory_space<hbm>> -> memref<10008x128xf32, #tpu.memory_space<hbm>>
        tpu.enqueue_indirect_dma source(%dma_start3A_60 : memref<10008x128xf32, #tpu.memory_space<hbm>>) target(%arg11 : memref<128x128xf32, #tpu.memory_space<vmem>>) offsets(%dma_start3A_57 : memref<128xi32, #tpu.memory_space<vmem>>) semaphore(%arg14 : memref<!tpu.dma_semaphore, #tpu.memory_space<semaphore_mem>>)
        %dma_wait3A = arith.constant 0 : i32
        %dma_wait3A_61 = tpu.memref_slice %arg8[%mul3A_52, %dma_wait3A] : memref<40x128xi32, #tpu.memory_space<vmem>> -> memref<1x128xi32, #tpu.memory_space<vmem>>
        %dma_wait3A_62 = tpu.memref_squeeze %dma_wait3A_61 : memref<1x128xi32, #tpu.memory_space<vmem>> -> memref<128xi32, #tpu.memory_space<vmem>>
        %dma_wait3A_63 = arith.constant 0 : i32
        %dma_wait3A_64 = arith.constant 0 : i32
        %dma_wait3A_65 = tpu.memref_slice %arg3[%dma_wait3A_63, %dma_wait3A_64] : memref<10008x128xf32, #tpu.memory_space<hbm>> -> memref<10008x128xf32, #tpu.memory_space<hbm>>
        tpu.wait_indirect_dma semaphore(%arg13 : memref<!tpu.dma_semaphore, #tpu.memory_space<semaphore_mem>>) src(%dma_wait3A_65 : memref<10008x128xf32, #tpu.memory_space<hbm>>) dst(%arg10 : memref<128x128xf32, #tpu.memory_space<vmem>>)
        "tpu.region"() ({
          %run_scoped3A = tpu.sem_alloc : memref<!tpu.dma_semaphore, #tpu.memory_space<semaphore_mem>>
          %dma_start3A_78 = arith.constant 0 : i32
          %dma_start3A_79 = tpu.memref_slice %arg9[%mul3A_52, %dma_start3A_78] : memref<40x128xi32, #tpu.memory_space<vmem>> -> memref<1x128xi32, #tpu.memory_space<vmem>>
          %dma_start3A_80 = tpu.memref_squeeze %dma_start3A_79 : memref<1x128xi32, #tpu.memory_space<vmem>> -> memref<128xi32, #tpu.memory_space<vmem>>
          %dma_start3A_81 = arith.constant 0 : i32
          %dma_start3A_82 = arith.constant 0 : i32
          %dma_start3A_83 = tpu.memref_slice %arg12[%dma_start3A_81, %dma_start3A_82] : memref<10008x128xf32, #tpu.memory_space<vmem_shared>> -> memref<10008x128xf32, #tpu.memory_space<vmem_shared>>
          tpu.enqueue_indirect_dma source(%arg10 : memref<128x128xf32, #tpu.memory_space<vmem>>) target(%dma_start3A_83 : memref<10008x128xf32, #tpu.memory_space<vmem_shared>>) offsets(%dma_start3A_80 : memref<128xi32, #tpu.memory_space<vmem>>) semaphore(%run_scoped3A : memref<!tpu.dma_semaphore, #tpu.memory_space<semaphore_mem>>) {add = true}
          %dma_wait3A_84 = arith.constant 0 : i32
          %dma_wait3A_85 = tpu.memref_slice %arg9[%mul3A_52, %dma_wait3A_84] : memref<40x128xi32, #tpu.memory_space<vmem>> -> memref<1x128xi32, #tpu.memory_space<vmem>>
          %dma_wait3A_86 = tpu.memref_squeeze %dma_wait3A_85 : memref<1x128xi32, #tpu.memory_space<vmem>> -> memref<128xi32, #tpu.memory_space<vmem>>
          %dma_wait3A_87 = arith.constant 0 : i32
          %dma_wait3A_88 = arith.constant 0 : i32
          %dma_wait3A_89 = tpu.memref_slice %arg12[%dma_wait3A_87, %dma_wait3A_88] : memref<10008x128xf32, #tpu.memory_space<vmem_shared>> -> memref<10008x128xf32, #tpu.memory_space<vmem_shared>>
          tpu.wait_indirect_dma semaphore(%run_scoped3A : memref<!tpu.dma_semaphore, #tpu.memory_space<semaphore_mem>>) src(%arg10 : memref<128x128xf32, #tpu.memory_space<vmem>>) dst(%dma_wait3A_89 : memref<10008x128xf32, #tpu.memory_space<vmem_shared>>)
          tpu.yield
        }) : () -> ()
        %lt3A_66 = arith.constant 19 : i32
        %lt3A_67 = arith.cmpi slt, %scan3A_49, %lt3A_66 : i32
        %convert_element_type3A_68 = arith.extui %lt3A_67 : i1 to i32
        %cond3A_69 = arith.constant 0 : i32
        %cond3A_70 = arith.cmpi ne, %convert_element_type3A_68, %cond3A_69 : i32
        scf.if %cond3A_70 {
          %add3A_78 = arith.constant 2 : i32
          %add3A_79 = arith.addi %mul3A_52, %add3A_78 : i32
          %dma_start3A_80 = arith.constant 0 : i32
          %dma_start3A_81 = tpu.memref_slice %arg8[%add3A_79, %dma_start3A_80] : memref<40x128xi32, #tpu.memory_space<vmem>> -> memref<1x128xi32, #tpu.memory_space<vmem>>
          %dma_start3A_82 = tpu.memref_squeeze %dma_start3A_81 : memref<1x128xi32, #tpu.memory_space<vmem>> -> memref<128xi32, #tpu.memory_space<vmem>>
          %dma_start3A_83 = arith.constant 0 : i32
          %dma_start3A_84 = arith.constant 0 : i32
          %dma_start3A_85 = tpu.memref_slice %arg3[%dma_start3A_83, %dma_start3A_84] : memref<10008x128xf32, #tpu.memory_space<hbm>> -> memref<10008x128xf32, #tpu.memory_space<hbm>>
          tpu.enqueue_indirect_dma source(%dma_start3A_85 : memref<10008x128xf32, #tpu.memory_space<hbm>>) target(%arg10 : memref<128x128xf32, #tpu.memory_space<vmem>>) offsets(%dma_start3A_82 : memref<128xi32, #tpu.memory_space<vmem>>) semaphore(%arg13 : memref<!tpu.dma_semaphore, #tpu.memory_space<semaphore_mem>>)
        } else {
        }
        %dma_wait3A_71 = arith.constant 0 : i32
        %dma_wait3A_72 = tpu.memref_slice %arg8[%add3A_54, %dma_wait3A_71] : memref<40x128xi32, #tpu.memory_space<vmem>> -> memref<1x128xi32, #tpu.memory_space<vmem>>
        %dma_wait3A_73 = tpu.memref_squeeze %dma_wait3A_72 : memref<1x128xi32, #tpu.memory_space<vmem>> -> memref<128xi32, #tpu.memory_space<vmem>>
        %dma_wait3A_74 = arith.constant 0 : i32
        %dma_wait3A_75 = arith.constant 0 : i32
        %dma_wait3A_76 = tpu.memref_slice %arg3[%dma_wait3A_74, %dma_wait3A_75] : memref<10008x128xf32, #tpu.memory_space<hbm>> -> memref<10008x128xf32, #tpu.memory_space<hbm>>
        tpu.wait_indirect_dma semaphore(%arg14 : memref<!tpu.dma_semaphore, #tpu.memory_space<semaphore_mem>>) src(%dma_wait3A_76 : memref<10008x128xf32, #tpu.memory_space<hbm>>) dst(%arg11 : memref<128x128xf32, #tpu.memory_space<vmem>>)
        "tpu.region"() ({
          %run_scoped3A = tpu.sem_alloc : memref<!tpu.dma_semaphore, #tpu.memory_space<semaphore_mem>>
          %dma_start3A_78 = arith.constant 0 : i32
          %dma_start3A_79 = tpu.memref_slice %arg9[%add3A_54, %dma_start3A_78] : memref<40x128xi32, #tpu.memory_space<vmem>> -> memref<1x128xi32, #tpu.memory_space<vmem>>
          %dma_start3A_80 = tpu.memref_squeeze %dma_start3A_79 : memref<1x128xi32, #tpu.memory_space<vmem>> -> memref<128xi32, #tpu.memory_space<vmem>>
          %dma_start3A_81 = arith.constant 0 : i32
          %dma_start3A_82 = arith.constant 0 : i32
          %dma_start3A_83 = tpu.memref_slice %arg12[%dma_start3A_81, %dma_start3A_82] : memref<10008x128xf32, #tpu.memory_space<vmem_shared>> -> memref<10008x128xf32, #tpu.memory_space<vmem_shared>>
          tpu.enqueue_indirect_dma source(%arg11 : memref<128x128xf32, #tpu.memory_space<vmem>>) target(%dma_start3A_83 : memref<10008x128xf32, #tpu.memory_space<vmem_shared>>) offsets(%dma_start3A_80 : memref<128xi32, #tpu.memory_space<vmem>>) semaphore(%run_scoped3A : memref<!tpu.dma_semaphore, #tpu.memory_space<semaphore_mem>>) {add = true}
          %dma_wait3A_84 = arith.constant 0 : i32
          %dma_wait3A_85 = tpu.memref_slice %arg9[%add3A_54, %dma_wait3A_84] : memref<40x128xi32, #tpu.memory_space<vmem>> -> memref<1x128xi32, #tpu.memory_space<vmem>>
          %dma_wait3A_86 = tpu.memref_squeeze %dma_wait3A_85 : memref<1x128xi32, #tpu.memory_space<vmem>> -> memref<128xi32, #tpu.memory_space<vmem>>
          %dma_wait3A_87 = arith.constant 0 : i32
          %dma_wait3A_88 = arith.constant 0 : i32
          %dma_wait3A_89 = tpu.memref_slice %arg12[%dma_wait3A_87, %dma_wait3A_88] : memref<10008x128xf32, #tpu.memory_space<vmem_shared>> -> memref<10008x128xf32, #tpu.memory_space<vmem_shared>>
          tpu.wait_indirect_dma semaphore(%run_scoped3A : memref<!tpu.dma_semaphore, #tpu.memory_space<semaphore_mem>>) src(%arg11 : memref<128x128xf32, #tpu.memory_space<vmem>>) dst(%dma_wait3A_89 : memref<10008x128xf32, #tpu.memory_space<vmem_shared>>)
          tpu.yield
        }) : () -> ()
        %scan3A_77 = arith.constant 0 : i32
        scf.yield %scan3A_77 : i32
      }
      %scan3A_42 = arith.constant 20 : i32
      %barrier3A_43 = arith.constant 0 : index
      tpu.barrier barrier_id(%barrier3A_43)
      %lt3A_44 = arith.constant 10 : i32
      %lt3A_45 = arith.cmpi slt, %arg1, %lt3A_44 : i32
      %convert_element_type3A_46 = arith.extui %lt3A_45 : i1 to i32
      %cond3A_47 = arith.constant 0 : i32
      %cond3A_48 = arith.cmpi ne, %convert_element_type3A_46, %cond3A_47 : i32
      scf.if %cond3A_48 {
        %mul3A_49 = arith.constant 1000 : i32
        %mul3A_50 = arith.muli %arg1, %mul3A_49 : i32
        "tpu.region"() ({
          %run_scoped3A = tpu.sem_alloc : memref<!tpu.dma_semaphore, #tpu.memory_space<semaphore_mem>>
          %dma_start3A_51 = arith.constant 0 : i32
          %dma_start3A_52 = tpu.memref_slice %arg7[%mul3A_50, %dma_start3A_51] : memref<10008x128xf32, #tpu.memory_space<hbm>> -> memref<1000x128xf32, #tpu.memory_space<hbm>>
          %dma_start3A_53 = arith.constant 0 : i32
          %dma_start3A_54 = tpu.memref_slice %arg12[%mul3A_50, %dma_start3A_53] : memref<10008x128xf32, #tpu.memory_space<vmem_shared>> -> memref<1000x128xf32, #tpu.memory_space<vmem_shared>>
          tpu.enqueue_dma source(%dma_start3A_54 : memref<1000x128xf32, #tpu.memory_space<vmem_shared>>) target(%dma_start3A_52 : memref<1000x128xf32, #tpu.memory_space<hbm>>) target_semaphore(%run_scoped3A : memref<!tpu.dma_semaphore, #tpu.memory_space<semaphore_mem>>)
          %dma_wait3A = arith.constant 0 : i32
          %dma_wait3A_55 = tpu.memref_slice %arg7[%mul3A_50, %dma_wait3A] : memref<10008x128xf32, #tpu.memory_space<hbm>> -> memref<1000x128xf32, #tpu.memory_space<hbm>>
          %dma_wait3A_56 = arith.constant 0 : i32
          %dma_wait3A_57 = tpu.memref_slice %arg12[%mul3A_50, %dma_wait3A_56] : memref<10008x128xf32, #tpu.memory_space<vmem_shared>> -> memref<1000x128xf32, #tpu.memory_space<vmem_shared>>
          tpu.wait_dma2 semaphore(%run_scoped3A : memref<!tpu.dma_semaphore, #tpu.memory_space<semaphore_mem>>) src(%dma_wait3A_57 : memref<1000x128xf32, #tpu.memory_space<vmem_shared>>) dst(%dma_wait3A_55 : memref<1000x128xf32, #tpu.memory_space<hbm>>)
          tpu.yield
        }) : () -> ()
      } else {
      }
    } else {
    }
    return
  }
}

#map = affine_map<(d0, d1) -> (0, 0)>
module attributes {stable_mosaic.version = 14 : i64} {
  func.func @_spmm_pad_body(%arg0: i32, %arg1: i32, %arg2: memref<10008x128xf32, #tpu.memory_space<hbm>>, %arg3: memref<10008x128xf32, #tpu.memory_space<hbm>>, %arg4: memref<1280x128xi32, #tpu.memory_space<hbm>>, %arg5: memref<1280x128xi32, #tpu.memory_space<hbm>>, %arg6: memref<10008x128xf32, #tpu.memory_space<hbm>>, %arg7: memref<10008x128xf32, #tpu.memory_space<hbm>>, %arg8: memref<40x128xi32, #tpu.memory_space<vmem>>, %arg9: memref<40x128xi32, #tpu.memory_space<vmem>>, %arg10: memref<128x128xf32, #tpu.memory_space<vmem>>, %arg11: memref<128x128xf32, #tpu.memory_space<vmem>>, %arg12: memref<10008x128xf32, #tpu.memory_space<vmem_shared>>, %arg13: memref<!tpu.dma_semaphore, #tpu.memory_space<semaphore_mem>>, %arg14: memref<!tpu.dma_semaphore, #tpu.memory_space<semaphore_mem>>) attributes {dimension_semantics = [#tpu.dimension_semantics<core_parallel>, #tpu.dimension_semantics<subcore_parallel>], iteration_bounds = array<i64: 2, 16>, scalar_prefetch = 0 : i64, scratch_operands = 7 : i64, tpu.core_type = #tpu.core_type<sc_vector_subcore>, window_params = [{transform_indices = #map}, {transform_indices = #map}, {transform_indices = #map}, {transform_indices = #map}, {transform_indices = #map}, {transform_indices = #map}]} {
    %mul3A = arith.constant 16 : i32
    %mul3A_0 = arith.muli %arg0, %mul3A : i32
    %add3A = arith.addi %mul3A_0, %arg1 : i32
    %eq3A = arith.constant 0 : i32
    %eq3A_1 = arith.cmpi eq, %arg0, %eq3A : i32
    %lt3A = arith.constant 10 : i32
    %lt3A_2 = arith.cmpi slt, %arg1, %lt3A : i32
    %and3A = arith.andi %eq3A_1, %lt3A_2 : i1
    %convert_element_type3A = arith.extui %and3A : i1 to i32
    %cond3A = arith.constant 0 : i32
    %cond3A_3 = arith.cmpi ne, %convert_element_type3A, %cond3A : i32
    scf.if %cond3A_3 {
      %mul3A_45 = arith.constant 1000 : i32
      %mul3A_46 = arith.muli %arg1, %mul3A_45 : i32
      "tpu.region"() ({
        %run_scoped3A = tpu.sem_alloc : memref<!tpu.dma_semaphore, #tpu.memory_space<semaphore_mem>>
        %dma_start3A_47 = arith.constant 0 : i32
        %dma_start3A_48 = tpu.memref_slice %arg12[%mul3A_46, %dma_start3A_47] : memref<10008x128xf32, #tpu.memory_space<vmem_shared>> -> memref<1000x128xf32, #tpu.memory_space<vmem_shared>>
        %dma_start3A_49 = arith.constant 0 : i32
        %dma_start3A_50 = tpu.memref_slice %arg2[%mul3A_46, %dma_start3A_49] : memref<10008x128xf32, #tpu.memory_space<hbm>> -> memref<1000x128xf32, #tpu.memory_space<hbm>>
        tpu.enqueue_dma source(%dma_start3A_50 : memref<1000x128xf32, #tpu.memory_space<hbm>>) target(%dma_start3A_48 : memref<1000x128xf32, #tpu.memory_space<vmem_shared>>) target_semaphore(%run_scoped3A : memref<!tpu.dma_semaphore, #tpu.memory_space<semaphore_mem>>)
        %dma_wait3A = arith.constant 0 : i32
        %dma_wait3A_51 = tpu.memref_slice %arg12[%mul3A_46, %dma_wait3A] : memref<10008x128xf32, #tpu.memory_space<vmem_shared>> -> memref<1000x128xf32, #tpu.memory_space<vmem_shared>>
        %dma_wait3A_52 = arith.constant 0 : i32
        %dma_wait3A_53 = tpu.memref_slice %arg2[%mul3A_46, %dma_wait3A_52] : memref<10008x128xf32, #tpu.memory_space<hbm>> -> memref<1000x128xf32, #tpu.memory_space<hbm>>
        tpu.wait_dma2 semaphore(%run_scoped3A : memref<!tpu.dma_semaphore, #tpu.memory_space<semaphore_mem>>) src(%dma_wait3A_53 : memref<1000x128xf32, #tpu.memory_space<hbm>>) dst(%dma_wait3A_51 : memref<1000x128xf32, #tpu.memory_space<vmem_shared>>)
        tpu.yield
      }) : () -> ()
    } else {
    }
    %eq3A_4 = arith.constant 1 : i32
    %eq3A_5 = arith.cmpi eq, %arg0, %eq3A_4 : i32
    %lt3A_6 = arith.constant 10 : i32
    %lt3A_7 = arith.cmpi slt, %arg1, %lt3A_6 : i32
    %and3A_8 = arith.andi %eq3A_5, %lt3A_7 : i1
    %convert_element_type3A_9 = arith.extui %and3A_8 : i1 to i32
    %cond3A_10 = arith.constant 0 : i32
    %cond3A_11 = arith.cmpi ne, %convert_element_type3A_9, %cond3A_10 : i32
    scf.if %cond3A_11 {
      %mul3A_45 = arith.constant 1000 : i32
      %mul3A_46 = arith.muli %arg1, %mul3A_45 : i32
      "tpu.region"() ({
        %run_scoped3A = tpu.sem_alloc : memref<!tpu.dma_semaphore, #tpu.memory_space<semaphore_mem>>
        %dma_start3A_47 = arith.constant 0 : i32
        %dma_start3A_48 = tpu.memref_slice %arg12[%mul3A_46, %dma_start3A_47] : memref<10008x128xf32, #tpu.memory_space<vmem_shared>> -> memref<1000x128xf32, #tpu.memory_space<vmem_shared>>
        %dma_start3A_49 = arith.constant 0 : i32
        %dma_start3A_50 = tpu.memref_slice %arg3[%mul3A_46, %dma_start3A_49] : memref<10008x128xf32, #tpu.memory_space<hbm>> -> memref<1000x128xf32, #tpu.memory_space<hbm>>
        tpu.enqueue_dma source(%dma_start3A_50 : memref<1000x128xf32, #tpu.memory_space<hbm>>) target(%dma_start3A_48 : memref<1000x128xf32, #tpu.memory_space<vmem_shared>>) target_semaphore(%run_scoped3A : memref<!tpu.dma_semaphore, #tpu.memory_space<semaphore_mem>>)
        %dma_wait3A = arith.constant 0 : i32
        %dma_wait3A_51 = tpu.memref_slice %arg12[%mul3A_46, %dma_wait3A] : memref<10008x128xf32, #tpu.memory_space<vmem_shared>> -> memref<1000x128xf32, #tpu.memory_space<vmem_shared>>
        %dma_wait3A_52 = arith.constant 0 : i32
        %dma_wait3A_53 = tpu.memref_slice %arg3[%mul3A_46, %dma_wait3A_52] : memref<10008x128xf32, #tpu.memory_space<hbm>> -> memref<1000x128xf32, #tpu.memory_space<hbm>>
        tpu.wait_dma2 semaphore(%run_scoped3A : memref<!tpu.dma_semaphore, #tpu.memory_space<semaphore_mem>>) src(%dma_wait3A_53 : memref<1000x128xf32, #tpu.memory_space<hbm>>) dst(%dma_wait3A_51 : memref<1000x128xf32, #tpu.memory_space<vmem_shared>>)
        tpu.yield
      }) : () -> ()
    } else {
    }
    %mul3A_12 = arith.constant 40 : i32
    %mul3A_13 = arith.muli %add3A, %mul3A_12 : i32
    "tpu.region"() ({
      %run_scoped3A = tpu.sem_alloc : memref<!tpu.dma_semaphore, #tpu.memory_space<semaphore_mem>>
      %dma_start3A_45 = arith.constant 0 : i32
      %dma_start3A_46 = tpu.memref_slice %arg4[%mul3A_13, %dma_start3A_45] : memref<1280x128xi32, #tpu.memory_space<hbm>> -> memref<40x128xi32, #tpu.memory_space<hbm>>
      %dma_start3A_47 = arith.constant 0 : i32
      %dma_start3A_48 = tpu.memref_slice %arg4[%mul3A_13, %dma_start3A_47] : memref<1280x128xi32, #tpu.memory_space<hbm>> -> memref<40x128xi32, #tpu.memory_space<hbm>>
      tpu.enqueue_dma source(%dma_start3A_48 : memref<40x128xi32, #tpu.memory_space<hbm>>) target(%arg8 : memref<40x128xi32, #tpu.memory_space<vmem>>) target_semaphore(%run_scoped3A : memref<!tpu.dma_semaphore, #tpu.memory_space<semaphore_mem>>)
      %dma_wait3A = arith.constant 0 : i32
      %dma_wait3A_49 = tpu.memref_slice %arg4[%mul3A_13, %dma_wait3A] : memref<1280x128xi32, #tpu.memory_space<hbm>> -> memref<40x128xi32, #tpu.memory_space<hbm>>
      %dma_wait3A_50 = arith.constant 0 : i32
      %dma_wait3A_51 = tpu.memref_slice %arg4[%mul3A_13, %dma_wait3A_50] : memref<1280x128xi32, #tpu.memory_space<hbm>> -> memref<40x128xi32, #tpu.memory_space<hbm>>
      tpu.wait_dma2 semaphore(%run_scoped3A : memref<!tpu.dma_semaphore, #tpu.memory_space<semaphore_mem>>) src(%dma_wait3A_51 : memref<40x128xi32, #tpu.memory_space<hbm>>) dst(%arg8 : memref<40x128xi32, #tpu.memory_space<vmem>>)
      tpu.yield
    }) : () -> ()
    %mul3A_14 = arith.constant 40 : i32
    %mul3A_15 = arith.muli %add3A, %mul3A_14 : i32
    "tpu.region"() ({
      %run_scoped3A = tpu.sem_alloc : memref<!tpu.dma_semaphore, #tpu.memory_space<semaphore_mem>>
      %dma_start3A_45 = arith.constant 0 : i32
      %dma_start3A_46 = tpu.memref_slice %arg5[%mul3A_15, %dma_start3A_45] : memref<1280x128xi32, #tpu.memory_space<hbm>> -> memref<40x128xi32, #tpu.memory_space<hbm>>
      %dma_start3A_47 = arith.constant 0 : i32
      %dma_start3A_48 = tpu.memref_slice %arg5[%mul3A_15, %dma_start3A_47] : memref<1280x128xi32, #tpu.memory_space<hbm>> -> memref<40x128xi32, #tpu.memory_space<hbm>>
      tpu.enqueue_dma source(%dma_start3A_48 : memref<40x128xi32, #tpu.memory_space<hbm>>) target(%arg9 : memref<40x128xi32, #tpu.memory_space<vmem>>) target_semaphore(%run_scoped3A : memref<!tpu.dma_semaphore, #tpu.memory_space<semaphore_mem>>)
      %dma_wait3A = arith.constant 0 : i32
      %dma_wait3A_49 = tpu.memref_slice %arg5[%mul3A_15, %dma_wait3A] : memref<1280x128xi32, #tpu.memory_space<hbm>> -> memref<40x128xi32, #tpu.memory_space<hbm>>
      %dma_wait3A_50 = arith.constant 0 : i32
      %dma_wait3A_51 = tpu.memref_slice %arg5[%mul3A_15, %dma_wait3A_50] : memref<1280x128xi32, #tpu.memory_space<hbm>> -> memref<40x128xi32, #tpu.memory_space<hbm>>
      tpu.wait_dma2 semaphore(%run_scoped3A : memref<!tpu.dma_semaphore, #tpu.memory_space<semaphore_mem>>) src(%dma_wait3A_51 : memref<40x128xi32, #tpu.memory_space<hbm>>) dst(%arg9 : memref<40x128xi32, #tpu.memory_space<vmem>>)
      tpu.yield
    }) : () -> ()
    %barrier3A = arith.constant 0 : index
    tpu.barrier barrier_id(%barrier3A)
    %dma_start3A = arith.constant 0 : i32
    %dma_start3A_16 = arith.constant 0 : i32
    %dma_start3A_17 = tpu.memref_slice %arg8[%dma_start3A, %dma_start3A_16] : memref<40x128xi32, #tpu.memory_space<vmem>> -> memref<1x128xi32, #tpu.memory_space<vmem>>
    %dma_start3A_18 = tpu.memref_squeeze %dma_start3A_17 : memref<1x128xi32, #tpu.memory_space<vmem>> -> memref<128xi32, #tpu.memory_space<vmem>>
    %dma_start3A_19 = arith.constant 0 : i32
    %dma_start3A_20 = arith.constant 0 : i32
    %dma_start3A_21 = tpu.memref_slice %arg2[%dma_start3A_19, %dma_start3A_20] : memref<10008x128xf32, #tpu.memory_space<hbm>> -> memref<10008x128xf32, #tpu.memory_space<hbm>>
    tpu.enqueue_indirect_dma source(%dma_start3A_21 : memref<10008x128xf32, #tpu.memory_space<hbm>>) target(%arg10 : memref<128x128xf32, #tpu.memory_space<vmem>>) offsets(%dma_start3A_18 : memref<128xi32, #tpu.memory_space<vmem>>) semaphore(%arg13 : memref<!tpu.dma_semaphore, #tpu.memory_space<semaphore_mem>>)
    %scan3A = arith.constant 0 : i32
    %scan3A_22 = arith.constant 0 : i32
    %scan3A_23 = arith.constant 20 : i32
    %scan3A_24 = arith.addi %scan3A_22, %scan3A_23 : i32
    %scan3A_25 = arith.constant 1 : i32
    %scan3A_26 = scf.for %scan3A_45 = %scan3A_22 to %scan3A_24 step %scan3A_25 iter_args(%scan3A_46 = %scan3A) -> (i32)  : i32 {
      %mul3A_47 = arith.constant 2 : i32
      %mul3A_48 = arith.muli %mul3A_47, %scan3A_45 : i32
      %add3A_49 = arith.constant 1 : i32
      %add3A_50 = arith.addi %mul3A_48, %add3A_49 : i32
      %dma_start3A_51 = arith.constant 0 : i32
      %dma_start3A_52 = tpu.memref_slice %arg8[%add3A_50, %dma_start3A_51] : memref<40x128xi32, #tpu.memory_space<vmem>> -> memref<1x128xi32, #tpu.memory_space<vmem>>
      %dma_start3A_53 = tpu.memref_squeeze %dma_start3A_52 : memref<1x128xi32, #tpu.memory_space<vmem>> -> memref<128xi32, #tpu.memory_space<vmem>>
      %dma_start3A_54 = arith.constant 0 : i32
      %dma_start3A_55 = arith.constant 0 : i32
      %dma_start3A_56 = tpu.memref_slice %arg2[%dma_start3A_54, %dma_start3A_55] : memref<10008x128xf32, #tpu.memory_space<hbm>> -> memref<10008x128xf32, #tpu.memory_space<hbm>>
      tpu.enqueue_indirect_dma source(%dma_start3A_56 : memref<10008x128xf32, #tpu.memory_space<hbm>>) target(%arg11 : memref<128x128xf32, #tpu.memory_space<vmem>>) offsets(%dma_start3A_53 : memref<128xi32, #tpu.memory_space<vmem>>) semaphore(%arg14 : memref<!tpu.dma_semaphore, #tpu.memory_space<semaphore_mem>>)
      %dma_wait3A = arith.constant 0 : i32
      %dma_wait3A_57 = tpu.memref_slice %arg8[%mul3A_48, %dma_wait3A] : memref<40x128xi32, #tpu.memory_space<vmem>> -> memref<1x128xi32, #tpu.memory_space<vmem>>
      %dma_wait3A_58 = tpu.memref_squeeze %dma_wait3A_57 : memref<1x128xi32, #tpu.memory_space<vmem>> -> memref<128xi32, #tpu.memory_space<vmem>>
      %dma_wait3A_59 = arith.constant 0 : i32
      %dma_wait3A_60 = arith.constant 0 : i32
      %dma_wait3A_61 = tpu.memref_slice %arg2[%dma_wait3A_59, %dma_wait3A_60] : memref<10008x128xf32, #tpu.memory_space<hbm>> -> memref<10008x128xf32, #tpu.memory_space<hbm>>
      tpu.wait_indirect_dma semaphore(%arg13 : memref<!tpu.dma_semaphore, #tpu.memory_space<semaphore_mem>>) src(%dma_wait3A_61 : memref<10008x128xf32, #tpu.memory_space<hbm>>) dst(%arg10 : memref<128x128xf32, #tpu.memory_space<vmem>>)
      "tpu.region"() ({
        %run_scoped3A = tpu.sem_alloc : memref<!tpu.dma_semaphore, #tpu.memory_space<semaphore_mem>>
        %dma_start3A_74 = arith.constant 0 : i32
        %dma_start3A_75 = tpu.memref_slice %arg9[%mul3A_48, %dma_start3A_74] : memref<40x128xi32, #tpu.memory_space<vmem>> -> memref<1x128xi32, #tpu.memory_space<vmem>>
        %dma_start3A_76 = tpu.memref_squeeze %dma_start3A_75 : memref<1x128xi32, #tpu.memory_space<vmem>> -> memref<128xi32, #tpu.memory_space<vmem>>
        %dma_start3A_77 = arith.constant 0 : i32
        %dma_start3A_78 = arith.constant 0 : i32
        %dma_start3A_79 = tpu.memref_slice %arg12[%dma_start3A_77, %dma_start3A_78] : memref<10008x128xf32, #tpu.memory_space<vmem_shared>> -> memref<10008x128xf32, #tpu.memory_space<vmem_shared>>
        tpu.enqueue_indirect_dma source(%arg10 : memref<128x128xf32, #tpu.memory_space<vmem>>) target(%dma_start3A_79 : memref<10008x128xf32, #tpu.memory_space<vmem_shared>>) offsets(%dma_start3A_76 : memref<128xi32, #tpu.memory_space<vmem>>) semaphore(%run_scoped3A : memref<!tpu.dma_semaphore, #tpu.memory_space<semaphore_mem>>) {add = true}
        %dma_wait3A_80 = arith.constant 0 : i32
        %dma_wait3A_81 = tpu.memref_slice %arg9[%mul3A_48, %dma_wait3A_80] : memref<40x128xi32, #tpu.memory_space<vmem>> -> memref<1x128xi32, #tpu.memory_space<vmem>>
        %dma_wait3A_82 = tpu.memref_squeeze %dma_wait3A_81 : memref<1x128xi32, #tpu.memory_space<vmem>> -> memref<128xi32, #tpu.memory_space<vmem>>
        %dma_wait3A_83 = arith.constant 0 : i32
        %dma_wait3A_84 = arith.constant 0 : i32
        %dma_wait3A_85 = tpu.memref_slice %arg12[%dma_wait3A_83, %dma_wait3A_84] : memref<10008x128xf32, #tpu.memory_space<vmem_shared>> -> memref<10008x128xf32, #tpu.memory_space<vmem_shared>>
        tpu.wait_indirect_dma semaphore(%run_scoped3A : memref<!tpu.dma_semaphore, #tpu.memory_space<semaphore_mem>>) src(%arg10 : memref<128x128xf32, #tpu.memory_space<vmem>>) dst(%dma_wait3A_85 : memref<10008x128xf32, #tpu.memory_space<vmem_shared>>)
        tpu.yield
      }) : () -> ()
      %lt3A_62 = arith.constant 19 : i32
      %lt3A_63 = arith.cmpi slt, %scan3A_45, %lt3A_62 : i32
      %convert_element_type3A_64 = arith.extui %lt3A_63 : i1 to i32
      %cond3A_65 = arith.constant 0 : i32
      %cond3A_66 = arith.cmpi ne, %convert_element_type3A_64, %cond3A_65 : i32
      scf.if %cond3A_66 {
        %add3A_74 = arith.constant 2 : i32
        %add3A_75 = arith.addi %mul3A_48, %add3A_74 : i32
        %dma_start3A_76 = arith.constant 0 : i32
        %dma_start3A_77 = tpu.memref_slice %arg8[%add3A_75, %dma_start3A_76] : memref<40x128xi32, #tpu.memory_space<vmem>> -> memref<1x128xi32, #tpu.memory_space<vmem>>
        %dma_start3A_78 = tpu.memref_squeeze %dma_start3A_77 : memref<1x128xi32, #tpu.memory_space<vmem>> -> memref<128xi32, #tpu.memory_space<vmem>>
        %dma_start3A_79 = arith.constant 0 : i32
        %dma_start3A_80 = arith.constant 0 : i32
        %dma_start3A_81 = tpu.memref_slice %arg2[%dma_start3A_79, %dma_start3A_80] : memref<10008x128xf32, #tpu.memory_space<hbm>> -> memref<10008x128xf32, #tpu.memory_space<hbm>>
        tpu.enqueue_indirect_dma source(%dma_start3A_81 : memref<10008x128xf32, #tpu.memory_space<hbm>>) target(%arg10 : memref<128x128xf32, #tpu.memory_space<vmem>>) offsets(%dma_start3A_78 : memref<128xi32, #tpu.memory_space<vmem>>) semaphore(%arg13 : memref<!tpu.dma_semaphore, #tpu.memory_space<semaphore_mem>>)
      } else {
      }
      %dma_wait3A_67 = arith.constant 0 : i32
      %dma_wait3A_68 = tpu.memref_slice %arg8[%add3A_50, %dma_wait3A_67] : memref<40x128xi32, #tpu.memory_space<vmem>> -> memref<1x128xi32, #tpu.memory_space<vmem>>
      %dma_wait3A_69 = tpu.memref_squeeze %dma_wait3A_68 : memref<1x128xi32, #tpu.memory_space<vmem>> -> memref<128xi32, #tpu.memory_space<vmem>>
      %dma_wait3A_70 = arith.constant 0 : i32
      %dma_wait3A_71 = arith.constant 0 : i32
      %dma_wait3A_72 = tpu.memref_slice %arg2[%dma_wait3A_70, %dma_wait3A_71] : memref<10008x128xf32, #tpu.memory_space<hbm>> -> memref<10008x128xf32, #tpu.memory_space<hbm>>
      tpu.wait_indirect_dma semaphore(%arg14 : memref<!tpu.dma_semaphore, #tpu.memory_space<semaphore_mem>>) src(%dma_wait3A_72 : memref<10008x128xf32, #tpu.memory_space<hbm>>) dst(%arg11 : memref<128x128xf32, #tpu.memory_space<vmem>>)
      "tpu.region"() ({
        %run_scoped3A = tpu.sem_alloc : memref<!tpu.dma_semaphore, #tpu.memory_space<semaphore_mem>>
        %dma_start3A_74 = arith.constant 0 : i32
        %dma_start3A_75 = tpu.memref_slice %arg9[%add3A_50, %dma_start3A_74] : memref<40x128xi32, #tpu.memory_space<vmem>> -> memref<1x128xi32, #tpu.memory_space<vmem>>
        %dma_start3A_76 = tpu.memref_squeeze %dma_start3A_75 : memref<1x128xi32, #tpu.memory_space<vmem>> -> memref<128xi32, #tpu.memory_space<vmem>>
        %dma_start3A_77 = arith.constant 0 : i32
        %dma_start3A_78 = arith.constant 0 : i32
        %dma_start3A_79 = tpu.memref_slice %arg12[%dma_start3A_77, %dma_start3A_78] : memref<10008x128xf32, #tpu.memory_space<vmem_shared>> -> memref<10008x128xf32, #tpu.memory_space<vmem_shared>>
        tpu.enqueue_indirect_dma source(%arg11 : memref<128x128xf32, #tpu.memory_space<vmem>>) target(%dma_start3A_79 : memref<10008x128xf32, #tpu.memory_space<vmem_shared>>) offsets(%dma_start3A_76 : memref<128xi32, #tpu.memory_space<vmem>>) semaphore(%run_scoped3A : memref<!tpu.dma_semaphore, #tpu.memory_space<semaphore_mem>>) {add = true}
        %dma_wait3A_80 = arith.constant 0 : i32
        %dma_wait3A_81 = tpu.memref_slice %arg9[%add3A_50, %dma_wait3A_80] : memref<40x128xi32, #tpu.memory_space<vmem>> -> memref<1x128xi32, #tpu.memory_space<vmem>>
        %dma_wait3A_82 = tpu.memref_squeeze %dma_wait3A_81 : memref<1x128xi32, #tpu.memory_space<vmem>> -> memref<128xi32, #tpu.memory_space<vmem>>
        %dma_wait3A_83 = arith.constant 0 : i32
        %dma_wait3A_84 = arith.constant 0 : i32
        %dma_wait3A_85 = tpu.memref_slice %arg12[%dma_wait3A_83, %dma_wait3A_84] : memref<10008x128xf32, #tpu.memory_space<vmem_shared>> -> memref<10008x128xf32, #tpu.memory_space<vmem_shared>>
        tpu.wait_indirect_dma semaphore(%run_scoped3A : memref<!tpu.dma_semaphore, #tpu.memory_space<semaphore_mem>>) src(%arg11 : memref<128x128xf32, #tpu.memory_space<vmem>>) dst(%dma_wait3A_85 : memref<10008x128xf32, #tpu.memory_space<vmem_shared>>)
        tpu.yield
      }) : () -> ()
      %scan3A_73 = arith.constant 0 : i32
      scf.yield %scan3A_73 : i32
    }
    %scan3A_27 = arith.constant 20 : i32
    %barrier3A_28 = arith.constant 0 : index
    tpu.barrier barrier_id(%barrier3A_28)
    %eq3A_29 = arith.constant 0 : i32
    %eq3A_30 = arith.cmpi eq, %arg0, %eq3A_29 : i32
    %lt3A_31 = arith.constant 10 : i32
    %lt3A_32 = arith.cmpi slt, %arg1, %lt3A_31 : i32
    %and3A_33 = arith.andi %eq3A_30, %lt3A_32 : i1
    %convert_element_type3A_34 = arith.extui %and3A_33 : i1 to i32
    %cond3A_35 = arith.constant 0 : i32
    %cond3A_36 = arith.cmpi ne, %convert_element_type3A_34, %cond3A_35 : i32
    scf.if %cond3A_36 {
      %mul3A_45 = arith.constant 1000 : i32
      %mul3A_46 = arith.muli %arg1, %mul3A_45 : i32
      "tpu.region"() ({
        %run_scoped3A = tpu.sem_alloc : memref<!tpu.dma_semaphore, #tpu.memory_space<semaphore_mem>>
        %dma_start3A_47 = arith.constant 0 : i32
        %dma_start3A_48 = tpu.memref_slice %arg6[%mul3A_46, %dma_start3A_47] : memref<10008x128xf32, #tpu.memory_space<hbm>> -> memref<1000x128xf32, #tpu.memory_space<hbm>>
        %dma_start3A_49 = arith.constant 0 : i32
        %dma_start3A_50 = tpu.memref_slice %arg12[%mul3A_46, %dma_start3A_49] : memref<10008x128xf32, #tpu.memory_space<vmem_shared>> -> memref<1000x128xf32, #tpu.memory_space<vmem_shared>>
        tpu.enqueue_dma source(%dma_start3A_50 : memref<1000x128xf32, #tpu.memory_space<vmem_shared>>) target(%dma_start3A_48 : memref<1000x128xf32, #tpu.memory_space<hbm>>) target_semaphore(%run_scoped3A : memref<!tpu.dma_semaphore, #tpu.memory_space<semaphore_mem>>)
        %dma_wait3A = arith.constant 0 : i32
        %dma_wait3A_51 = tpu.memref_slice %arg6[%mul3A_46, %dma_wait3A] : memref<10008x128xf32, #tpu.memory_space<hbm>> -> memref<1000x128xf32, #tpu.memory_space<hbm>>
        %dma_wait3A_52 = arith.constant 0 : i32
        %dma_wait3A_53 = tpu.memref_slice %arg12[%mul3A_46, %dma_wait3A_52] : memref<10008x128xf32, #tpu.memory_space<vmem_shared>> -> memref<1000x128xf32, #tpu.memory_space<vmem_shared>>
        tpu.wait_dma2 semaphore(%run_scoped3A : memref<!tpu.dma_semaphore, #tpu.memory_space<semaphore_mem>>) src(%dma_wait3A_53 : memref<1000x128xf32, #tpu.memory_space<vmem_shared>>) dst(%dma_wait3A_51 : memref<1000x128xf32, #tpu.memory_space<hbm>>)
        tpu.yield
      }) : () -> ()
    } else {
    }
    %eq3A_37 = arith.constant 1 : i32
    %eq3A_38 = arith.cmpi eq, %arg0, %eq3A_37 : i32
    %lt3A_39 = arith.constant 10 : i32
    %lt3A_40 = arith.cmpi slt, %arg1, %lt3A_39 : i32
    %and3A_41 = arith.andi %eq3A_38, %lt3A_40 : i1
    %convert_element_type3A_42 = arith.extui %and3A_41 : i1 to i32
    %cond3A_43 = arith.constant 0 : i32
    %cond3A_44 = arith.cmpi ne, %convert_element_type3A_42, %cond3A_43 : i32
    scf.if %cond3A_44 {
      %mul3A_45 = arith.constant 1000 : i32
      %mul3A_46 = arith.muli %arg1, %mul3A_45 : i32
      "tpu.region"() ({
        %run_scoped3A = tpu.sem_alloc : memref<!tpu.dma_semaphore, #tpu.memory_space<semaphore_mem>>
        %dma_start3A_47 = arith.constant 0 : i32
        %dma_start3A_48 = tpu.memref_slice %arg7[%mul3A_46, %dma_start3A_47] : memref<10008x128xf32, #tpu.memory_space<hbm>> -> memref<1000x128xf32, #tpu.memory_space<hbm>>
        %dma_start3A_49 = arith.constant 0 : i32
        %dma_start3A_50 = tpu.memref_slice %arg12[%mul3A_46, %dma_start3A_49] : memref<10008x128xf32, #tpu.memory_space<vmem_shared>> -> memref<1000x128xf32, #tpu.memory_space<vmem_shared>>
        tpu.enqueue_dma source(%dma_start3A_50 : memref<1000x128xf32, #tpu.memory_space<vmem_shared>>) target(%dma_start3A_48 : memref<1000x128xf32, #tpu.memory_space<hbm>>) target_semaphore(%run_scoped3A : memref<!tpu.dma_semaphore, #tpu.memory_space<semaphore_mem>>)
        %dma_wait3A = arith.constant 0 : i32
        %dma_wait3A_51 = tpu.memref_slice %arg7[%mul3A_46, %dma_wait3A] : memref<10008x128xf32, #tpu.memory_space<hbm>> -> memref<1000x128xf32, #tpu.memory_space<hbm>>
        %dma_wait3A_52 = arith.constant 0 : i32
        %dma_wait3A_53 = tpu.memref_slice %arg12[%mul3A_46, %dma_wait3A_52] : memref<10008x128xf32, #tpu.memory_space<vmem_shared>> -> memref<1000x128xf32, #tpu.memory_space<vmem_shared>>
        tpu.wait_dma2 semaphore(%run_scoped3A : memref<!tpu.dma_semaphore, #tpu.memory_space<semaphore_mem>>) src(%dma_wait3A_53 : memref<1000x128xf32, #tpu.memory_space<vmem_shared>>) dst(%dma_wait3A_51 : memref<1000x128xf32, #tpu.memory_space<hbm>>)
        tpu.yield
      }) : () -> ()
    } else {
    }
    return
  }
}

#map = affine_map<(d0, d1) -> (0, 0)>
module attributes {stable_mosaic.version = 14 : i64} {
  func.func @body(%arg0: i32, %arg1: i32, %arg2: memref<10008x128xf32, #tpu.memory_space<hbm>>, %arg3: memref<10008x128xf32, #tpu.memory_space<hbm>>, %arg4: memref<1280x128xi32, #tpu.memory_space<hbm>>, %arg5: memref<1280x128xi32, #tpu.memory_space<hbm>>, %arg6: memref<65536x128xf32, #tpu.memory_space<hbm>>, %arg7: memref<65536x128xf32, #tpu.memory_space<hbm>>, %arg8: memref<32x128xi32, #tpu.memory_space<vmem>>, %arg9: memref<128x128xf32, #tpu.memory_space<vmem>>, %arg10: memref<128x128xf32, #tpu.memory_space<vmem>>, %arg11: memref<10008x128xf32, #tpu.memory_space<vmem_shared>>, %arg12: memref<!tpu.dma_semaphore, #tpu.memory_space<semaphore_mem>>, %arg13: memref<!tpu.dma_semaphore, #tpu.memory_space<semaphore_mem>>) attributes {dimension_semantics = [#tpu.dimension_semantics<core_parallel>, #tpu.dimension_semantics<subcore_parallel>], iteration_bounds = array<i64: 2, 16>, scalar_prefetch = 0 : i64, scratch_operands = 6 : i64, tpu.core_type = #tpu.core_type<sc_vector_subcore>, window_params = [{transform_indices = #map}, {transform_indices = #map}, {transform_indices = #map}, {transform_indices = #map}, {transform_indices = #map}, {transform_indices = #map}]} {
    %eq3A = arith.constant 0 : i32
    %eq3A_0 = arith.cmpi eq, %arg0, %eq3A : i32
    %convert_element_type3A = arith.extui %eq3A_0 : i1 to i32
    %cond3A = arith.constant 0 : i32
    %cond3A_1 = arith.cmpi ne, %convert_element_type3A, %cond3A : i32
    scf.if %cond3A_1 {
      %lt3A = arith.constant 10 : i32
      %lt3A_7 = arith.cmpi slt, %arg1, %lt3A : i32
      %convert_element_type3A_8 = arith.extui %lt3A_7 : i1 to i32
      %cond3A_9 = arith.constant 0 : i32
      %cond3A_10 = arith.cmpi ne, %convert_element_type3A_8, %cond3A_9 : i32
      scf.if %cond3A_10 {
        %mul3A_30 = arith.constant 1000 : i32
        %mul3A_31 = arith.muli %arg1, %mul3A_30 : i32
        "tpu.region"() ({
          %run_scoped3A = tpu.sem_alloc : memref<!tpu.dma_semaphore, #tpu.memory_space<semaphore_mem>>
          %dma_start3A_32 = arith.constant 0 : i32
          %dma_start3A_33 = tpu.memref_slice %arg11[%mul3A_31, %dma_start3A_32] : memref<10008x128xf32, #tpu.memory_space<vmem_shared>> -> memref<1000x128xf32, #tpu.memory_space<vmem_shared>>
          %dma_start3A_34 = arith.constant 0 : i32
          %dma_start3A_35 = tpu.memref_slice %arg2[%mul3A_31, %dma_start3A_34] : memref<10008x128xf32, #tpu.memory_space<hbm>> -> memref<1000x128xf32, #tpu.memory_space<hbm>>
          tpu.enqueue_dma source(%dma_start3A_35 : memref<1000x128xf32, #tpu.memory_space<hbm>>) target(%dma_start3A_33 : memref<1000x128xf32, #tpu.memory_space<vmem_shared>>) target_semaphore(%run_scoped3A : memref<!tpu.dma_semaphore, #tpu.memory_space<semaphore_mem>>)
          %dma_wait3A = arith.constant 0 : i32
          %dma_wait3A_36 = tpu.memref_slice %arg11[%mul3A_31, %dma_wait3A] : memref<10008x128xf32, #tpu.memory_space<vmem_shared>> -> memref<1000x128xf32, #tpu.memory_space<vmem_shared>>
          %dma_wait3A_37 = arith.constant 0 : i32
          %dma_wait3A_38 = tpu.memref_slice %arg2[%mul3A_31, %dma_wait3A_37] : memref<10008x128xf32, #tpu.memory_space<hbm>> -> memref<1000x128xf32, #tpu.memory_space<hbm>>
          tpu.wait_dma2 semaphore(%run_scoped3A : memref<!tpu.dma_semaphore, #tpu.memory_space<semaphore_mem>>) src(%dma_wait3A_38 : memref<1000x128xf32, #tpu.memory_space<hbm>>) dst(%dma_wait3A_36 : memref<1000x128xf32, #tpu.memory_space<vmem_shared>>)
          tpu.yield
        }) : () -> ()
      } else {
      }
      %eq3A_11 = arith.constant 0 : i32
      %eq3A_12 = arith.cmpi eq, %arg1, %eq3A_11 : i32
      %convert_element_type3A_13 = arith.extui %eq3A_12 : i1 to i32
      %cond3A_14 = arith.constant 0 : i32
      %cond3A_15 = arith.cmpi ne, %convert_element_type3A_13, %cond3A_14 : i32
      scf.if %cond3A_15 {
        "tpu.region"() ({
          %run_scoped3A = tpu.sem_alloc : memref<!tpu.dma_semaphore, #tpu.memory_space<semaphore_mem>>
          %dma_start3A_30 = arith.constant 10000 : i32
          %dma_start3A_31 = arith.constant 0 : i32
          %dma_start3A_32 = tpu.memref_slice %arg11[%dma_start3A_30, %dma_start3A_31] : memref<10008x128xf32, #tpu.memory_space<vmem_shared>> -> memref<8x128xf32, #tpu.memory_space<vmem_shared>>
          %dma_start3A_33 = arith.constant 10000 : i32
          %dma_start3A_34 = arith.constant 0 : i32
          %dma_start3A_35 = tpu.memref_slice %arg2[%dma_start3A_33, %dma_start3A_34] : memref<10008x128xf32, #tpu.memory_space<hbm>> -> memref<8x128xf32, #tpu.memory_space<hbm>>
          tpu.enqueue_dma source(%dma_start3A_35 : memref<8x128xf32, #tpu.memory_space<hbm>>) target(%dma_start3A_32 : memref<8x128xf32, #tpu.memory_space<vmem_shared>>) target_semaphore(%run_scoped3A : memref<!tpu.dma_semaphore, #tpu.memory_space<semaphore_mem>>)
          %dma_wait3A = arith.constant 10000 : i32
          %dma_wait3A_36 = arith.constant 0 : i32
          %dma_wait3A_37 = tpu.memref_slice %arg11[%dma_wait3A, %dma_wait3A_36] : memref<10008x128xf32, #tpu.memory_space<vmem_shared>> -> memref<8x128xf32, #tpu.memory_space<vmem_shared>>
          %dma_wait3A_38 = arith.constant 10000 : i32
          %dma_wait3A_39 = arith.constant 0 : i32
          %dma_wait3A_40 = tpu.memref_slice %arg2[%dma_wait3A_38, %dma_wait3A_39] : memref<10008x128xf32, #tpu.memory_space<hbm>> -> memref<8x128xf32, #tpu.memory_space<hbm>>
          tpu.wait_dma2 semaphore(%run_scoped3A : memref<!tpu.dma_semaphore, #tpu.memory_space<semaphore_mem>>) src(%dma_wait3A_40 : memref<8x128xf32, #tpu.memory_space<hbm>>) dst(%dma_wait3A_37 : memref<8x128xf32, #tpu.memory_space<vmem_shared>>)
          tpu.yield
        }) : () -> ()
      } else {
      }
      %mul3A = arith.constant 32 : i32
      %mul3A_16 = arith.muli %arg1, %mul3A : i32
      %add3A = arith.constant 768 : i32
      %add3A_17 = arith.addi %add3A, %mul3A_16 : i32
      "tpu.region"() ({
        %run_scoped3A = tpu.sem_alloc : memref<!tpu.dma_semaphore, #tpu.memory_space<semaphore_mem>>
        %dma_start3A_30 = arith.constant 0 : i32
        %dma_start3A_31 = tpu.memref_slice %arg4[%add3A_17, %dma_start3A_30] : memref<1280x128xi32, #tpu.memory_space<hbm>> -> memref<32x128xi32, #tpu.memory_space<hbm>>
        %dma_start3A_32 = arith.constant 0 : i32
        %dma_start3A_33 = tpu.memref_slice %arg4[%add3A_17, %dma_start3A_32] : memref<1280x128xi32, #tpu.memory_space<hbm>> -> memref<32x128xi32, #tpu.memory_space<hbm>>
        tpu.enqueue_dma source(%dma_start3A_33 : memref<32x128xi32, #tpu.memory_space<hbm>>) target(%arg8 : memref<32x128xi32, #tpu.memory_space<vmem>>) target_semaphore(%run_scoped3A : memref<!tpu.dma_semaphore, #tpu.memory_space<semaphore_mem>>)
        %dma_wait3A = arith.constant 0 : i32
        %dma_wait3A_34 = tpu.memref_slice %arg4[%add3A_17, %dma_wait3A] : memref<1280x128xi32, #tpu.memory_space<hbm>> -> memref<32x128xi32, #tpu.memory_space<hbm>>
        %dma_wait3A_35 = arith.constant 0 : i32
        %dma_wait3A_36 = tpu.memref_slice %arg4[%add3A_17, %dma_wait3A_35] : memref<1280x128xi32, #tpu.memory_space<hbm>> -> memref<32x128xi32, #tpu.memory_space<hbm>>
        tpu.wait_dma2 semaphore(%run_scoped3A : memref<!tpu.dma_semaphore, #tpu.memory_space<semaphore_mem>>) src(%dma_wait3A_36 : memref<32x128xi32, #tpu.memory_space<hbm>>) dst(%arg8 : memref<32x128xi32, #tpu.memory_space<vmem>>)
        tpu.yield
      }) : () -> ()
      %barrier3A = arith.constant 0 : index
      tpu.barrier barrier_id(%barrier3A)
      %dma_start3A = arith.constant 0 : i32
      %dma_start3A_18 = arith.constant 0 : i32
      %dma_start3A_19 = tpu.memref_slice %arg8[%dma_start3A, %dma_start3A_18] : memref<32x128xi32, #tpu.memory_space<vmem>> -> memref<1x128xi32, #tpu.memory_space<vmem>>
      %dma_start3A_20 = tpu.memref_squeeze %dma_start3A_19 : memref<1x128xi32, #tpu.memory_space<vmem>> -> memref<128xi32, #tpu.memory_space<vmem>>
      %dma_start3A_21 = arith.constant 0 : i32
      %dma_start3A_22 = arith.constant 0 : i32
      %dma_start3A_23 = tpu.memref_slice %arg11[%dma_start3A_21, %dma_start3A_22] : memref<10008x128xf32, #tpu.memory_space<vmem_shared>> -> memref<10008x128xf32, #tpu.memory_space<vmem_shared>>
      tpu.enqueue_indirect_dma source(%dma_start3A_23 : memref<10008x128xf32, #tpu.memory_space<vmem_shared>>) target(%arg9 : memref<128x128xf32, #tpu.memory_space<vmem>>) offsets(%dma_start3A_20 : memref<128xi32, #tpu.memory_space<vmem>>) semaphore(%arg12 : memref<!tpu.dma_semaphore, #tpu.memory_space<semaphore_mem>>)
      %scan3A = arith.constant 0 : i32
      %scan3A_24 = arith.constant 0 : i32
      %scan3A_25 = arith.constant 16 : i32
      %scan3A_26 = arith.addi %scan3A_24, %scan3A_25 : i32
      %scan3A_27 = arith.constant 1 : i32
      %scan3A_28 = scf.for %scan3A_30 = %scan3A_24 to %scan3A_26 step %scan3A_27 iter_args(%scan3A_31 = %scan3A) -> (i32)  : i32 {
        %mul3A_32 = arith.constant 2 : i32
        %mul3A_33 = arith.muli %mul3A_32, %scan3A_30 : i32
        %add3A_34 = arith.constant 1 : i32
        %add3A_35 = arith.addi %mul3A_33, %add3A_34 : i32
        %dma_start3A_36 = arith.constant 0 : i32
        %dma_start3A_37 = tpu.memref_slice %arg8[%add3A_35, %dma_start3A_36] : memref<32x128xi32, #tpu.memory_space<vmem>> -> memref<1x128xi32, #tpu.memory_space<vmem>>
        %dma_start3A_38 = tpu.memref_squeeze %dma_start3A_37 : memref<1x128xi32, #tpu.memory_space<vmem>> -> memref<128xi32, #tpu.memory_space<vmem>>
        %dma_start3A_39 = arith.constant 0 : i32
        %dma_start3A_40 = arith.constant 0 : i32
        %dma_start3A_41 = tpu.memref_slice %arg11[%dma_start3A_39, %dma_start3A_40] : memref<10008x128xf32, #tpu.memory_space<vmem_shared>> -> memref<10008x128xf32, #tpu.memory_space<vmem_shared>>
        tpu.enqueue_indirect_dma source(%dma_start3A_41 : memref<10008x128xf32, #tpu.memory_space<vmem_shared>>) target(%arg10 : memref<128x128xf32, #tpu.memory_space<vmem>>) offsets(%dma_start3A_38 : memref<128xi32, #tpu.memory_space<vmem>>) semaphore(%arg13 : memref<!tpu.dma_semaphore, #tpu.memory_space<semaphore_mem>>)
        %dma_wait3A = arith.constant 0 : i32
        %dma_wait3A_42 = tpu.memref_slice %arg8[%mul3A_33, %dma_wait3A] : memref<32x128xi32, #tpu.memory_space<vmem>> -> memref<1x128xi32, #tpu.memory_space<vmem>>
        %dma_wait3A_43 = tpu.memref_squeeze %dma_wait3A_42 : memref<1x128xi32, #tpu.memory_space<vmem>> -> memref<128xi32, #tpu.memory_space<vmem>>
        %dma_wait3A_44 = arith.constant 0 : i32
        %dma_wait3A_45 = arith.constant 0 : i32
        %dma_wait3A_46 = tpu.memref_slice %arg11[%dma_wait3A_44, %dma_wait3A_45] : memref<10008x128xf32, #tpu.memory_space<vmem_shared>> -> memref<10008x128xf32, #tpu.memory_space<vmem_shared>>
        tpu.wait_indirect_dma semaphore(%arg12 : memref<!tpu.dma_semaphore, #tpu.memory_space<semaphore_mem>>) src(%dma_wait3A_46 : memref<10008x128xf32, #tpu.memory_space<vmem_shared>>) dst(%arg9 : memref<128x128xf32, #tpu.memory_space<vmem>>)
        %mul3A_47 = arith.constant 32 : i32
        %mul3A_48 = arith.muli %arg1, %mul3A_47 : i32
        %add3A_49 = arith.addi %mul3A_48, %mul3A_33 : i32
        %mul3A_50 = arith.constant 128 : i32
        %mul3A_51 = arith.muli %add3A_49, %mul3A_50 : i32
        "tpu.region"() ({
          %run_scoped3A = tpu.sem_alloc : memref<!tpu.dma_semaphore, #tpu.memory_space<semaphore_mem>>
          %dma_start3A_69 = arith.constant 0 : i32
          %dma_start3A_70 = tpu.memref_slice %arg6[%mul3A_51, %dma_start3A_69] : memref<65536x128xf32, #tpu.memory_space<hbm>> -> memref<128x128xf32, #tpu.memory_space<hbm>>
          %dma_start3A_71 = arith.constant 0 : i32
          %dma_start3A_72 = tpu.memref_slice %arg6[%mul3A_51, %dma_start3A_71] : memref<65536x128xf32, #tpu.memory_space<hbm>> -> memref<128x128xf32, #tpu.memory_space<hbm>>
          tpu.enqueue_dma source(%arg9 : memref<128x128xf32, #tpu.memory_space<vmem>>) target(%dma_start3A_72 : memref<128x128xf32, #tpu.memory_space<hbm>>) target_semaphore(%run_scoped3A : memref<!tpu.dma_semaphore, #tpu.memory_space<semaphore_mem>>)
          %dma_wait3A_73 = arith.constant 0 : i32
          %dma_wait3A_74 = tpu.memref_slice %arg6[%mul3A_51, %dma_wait3A_73] : memref<65536x128xf32, #tpu.memory_space<hbm>> -> memref<128x128xf32, #tpu.memory_space<hbm>>
          %dma_wait3A_75 = arith.constant 0 : i32
          %dma_wait3A_76 = tpu.memref_slice %arg6[%mul3A_51, %dma_wait3A_75] : memref<65536x128xf32, #tpu.memory_space<hbm>> -> memref<128x128xf32, #tpu.memory_space<hbm>>
          tpu.wait_dma2 semaphore(%run_scoped3A : memref<!tpu.dma_semaphore, #tpu.memory_space<semaphore_mem>>) src(%arg9 : memref<128x128xf32, #tpu.memory_space<vmem>>) dst(%dma_wait3A_76 : memref<128x128xf32, #tpu.memory_space<hbm>>)
          tpu.yield
        }) : () -> ()
        %lt3A_52 = arith.constant 15 : i32
        %lt3A_53 = arith.cmpi slt, %scan3A_30, %lt3A_52 : i32
        %convert_element_type3A_54 = arith.extui %lt3A_53 : i1 to i32
        %cond3A_55 = arith.constant 0 : i32
        %cond3A_56 = arith.cmpi ne, %convert_element_type3A_54, %cond3A_55 : i32
        scf.if %cond3A_56 {
          %add3A_69 = arith.constant 2 : i32
          %add3A_70 = arith.addi %mul3A_33, %add3A_69 : i32
          %dma_start3A_71 = arith.constant 0 : i32
          %dma_start3A_72 = tpu.memref_slice %arg8[%add3A_70, %dma_start3A_71] : memref<32x128xi32, #tpu.memory_space<vmem>> -> memref<1x128xi32, #tpu.memory_space<vmem>>
          %dma_start3A_73 = tpu.memref_squeeze %dma_start3A_72 : memref<1x128xi32, #tpu.memory_space<vmem>> -> memref<128xi32, #tpu.memory_space<vmem>>
          %dma_start3A_74 = arith.constant 0 : i32
          %dma_start3A_75 = arith.constant 0 : i32
          %dma_start3A_76 = tpu.memref_slice %arg11[%dma_start3A_74, %dma_start3A_75] : memref<10008x128xf32, #tpu.memory_space<vmem_shared>> -> memref<10008x128xf32, #tpu.memory_space<vmem_shared>>
          tpu.enqueue_indirect_dma source(%dma_start3A_76 : memref<10008x128xf32, #tpu.memory_space<vmem_shared>>) target(%arg9 : memref<128x128xf32, #tpu.memory_space<vmem>>) offsets(%dma_start3A_73 : memref<128xi32, #tpu.memory_space<vmem>>) semaphore(%arg12 : memref<!tpu.dma_semaphore, #tpu.memory_space<semaphore_mem>>)
        } else {
        }
        %dma_wait3A_57 = arith.constant 0 : i32
        %dma_wait3A_58 = tpu.memref_slice %arg8[%add3A_35, %dma_wait3A_57] : memref<32x128xi32, #tpu.memory_space<vmem>> -> memref<1x128xi32, #tpu.memory_space<vmem>>
        %dma_wait3A_59 = tpu.memref_squeeze %dma_wait3A_58 : memref<1x128xi32, #tpu.memory_space<vmem>> -> memref<128xi32, #tpu.memory_space<vmem>>
        %dma_wait3A_60 = arith.constant 0 : i32
        %dma_wait3A_61 = arith.constant 0 : i32
        %dma_wait3A_62 = tpu.memref_slice %arg11[%dma_wait3A_60, %dma_wait3A_61] : memref<10008x128xf32, #tpu.memory_space<vmem_shared>> -> memref<10008x128xf32, #tpu.memory_space<vmem_shared>>
        tpu.wait_indirect_dma semaphore(%arg13 : memref<!tpu.dma_semaphore, #tpu.memory_space<semaphore_mem>>) src(%dma_wait3A_62 : memref<10008x128xf32, #tpu.memory_space<vmem_shared>>) dst(%arg10 : memref<128x128xf32, #tpu.memory_space<vmem>>)
        %mul3A_63 = arith.constant 32 : i32
        %mul3A_64 = arith.muli %arg1, %mul3A_63 : i32
        %add3A_65 = arith.addi %mul3A_64, %add3A_35 : i32
        %mul3A_66 = arith.constant 128 : i32
        %mul3A_67 = arith.muli %add3A_65, %mul3A_66 : i32
        "tpu.region"() ({
          %run_scoped3A = tpu.sem_alloc : memref<!tpu.dma_semaphore, #tpu.memory_space<semaphore_mem>>
          %dma_start3A_69 = arith.constant 0 : i32
          %dma_start3A_70 = tpu.memref_slice %arg6[%mul3A_67, %dma_start3A_69] : memref<65536x128xf32, #tpu.memory_space<hbm>> -> memref<128x128xf32, #tpu.memory_space<hbm>>
          %dma_start3A_71 = arith.constant 0 : i32
          %dma_start3A_72 = tpu.memref_slice %arg6[%mul3A_67, %dma_start3A_71] : memref<65536x128xf32, #tpu.memory_space<hbm>> -> memref<128x128xf32, #tpu.memory_space<hbm>>
          tpu.enqueue_dma source(%arg10 : memref<128x128xf32, #tpu.memory_space<vmem>>) target(%dma_start3A_72 : memref<128x128xf32, #tpu.memory_space<hbm>>) target_semaphore(%run_scoped3A : memref<!tpu.dma_semaphore, #tpu.memory_space<semaphore_mem>>)
          %dma_wait3A_73 = arith.constant 0 : i32
          %dma_wait3A_74 = tpu.memref_slice %arg6[%mul3A_67, %dma_wait3A_73] : memref<65536x128xf32, #tpu.memory_space<hbm>> -> memref<128x128xf32, #tpu.memory_space<hbm>>
          %dma_wait3A_75 = arith.constant 0 : i32
          %dma_wait3A_76 = tpu.memref_slice %arg6[%mul3A_67, %dma_wait3A_75] : memref<65536x128xf32, #tpu.memory_space<hbm>> -> memref<128x128xf32, #tpu.memory_space<hbm>>
          tpu.wait_dma2 semaphore(%run_scoped3A : memref<!tpu.dma_semaphore, #tpu.memory_space<semaphore_mem>>) src(%arg10 : memref<128x128xf32, #tpu.memory_space<vmem>>) dst(%dma_wait3A_76 : memref<128x128xf32, #tpu.memory_space<hbm>>)
          tpu.yield
        }) : () -> ()
        %scan3A_68 = arith.constant 0 : i32
        scf.yield %scan3A_68 : i32
      }
      %scan3A_29 = arith.constant 16 : i32
    } else {
    }
    %eq3A_2 = arith.constant 1 : i32
    %eq3A_3 = arith.cmpi eq, %arg0, %eq3A_2 : i32
    %convert_element_type3A_4 = arith.extui %eq3A_3 : i1 to i32
    %cond3A_5 = arith.constant 0 : i32
    %cond3A_6 = arith.cmpi ne, %convert_element_type3A_4, %cond3A_5 : i32
    scf.if %cond3A_6 {
      %lt3A = arith.constant 10 : i32
      %lt3A_7 = arith.cmpi slt, %arg1, %lt3A : i32
      %convert_element_type3A_8 = arith.extui %lt3A_7 : i1 to i32
      %cond3A_9 = arith.constant 0 : i32
      %cond3A_10 = arith.cmpi ne, %convert_element_type3A_8, %cond3A_9 : i32
      scf.if %cond3A_10 {
        %mul3A_30 = arith.constant 1000 : i32
        %mul3A_31 = arith.muli %arg1, %mul3A_30 : i32
        "tpu.region"() ({
          %run_scoped3A = tpu.sem_alloc : memref<!tpu.dma_semaphore, #tpu.memory_space<semaphore_mem>>
          %dma_start3A_32 = arith.constant 0 : i32
          %dma_start3A_33 = tpu.memref_slice %arg11[%mul3A_31, %dma_start3A_32] : memref<10008x128xf32, #tpu.memory_space<vmem_shared>> -> memref<1000x128xf32, #tpu.memory_space<vmem_shared>>
          %dma_start3A_34 = arith.constant 0 : i32
          %dma_start3A_35 = tpu.memref_slice %arg3[%mul3A_31, %dma_start3A_34] : memref<10008x128xf32, #tpu.memory_space<hbm>> -> memref<1000x128xf32, #tpu.memory_space<hbm>>
          tpu.enqueue_dma source(%dma_start3A_35 : memref<1000x128xf32, #tpu.memory_space<hbm>>) target(%dma_start3A_33 : memref<1000x128xf32, #tpu.memory_space<vmem_shared>>) target_semaphore(%run_scoped3A : memref<!tpu.dma_semaphore, #tpu.memory_space<semaphore_mem>>)
          %dma_wait3A = arith.constant 0 : i32
          %dma_wait3A_36 = tpu.memref_slice %arg11[%mul3A_31, %dma_wait3A] : memref<10008x128xf32, #tpu.memory_space<vmem_shared>> -> memref<1000x128xf32, #tpu.memory_space<vmem_shared>>
          %dma_wait3A_37 = arith.constant 0 : i32
          %dma_wait3A_38 = tpu.memref_slice %arg3[%mul3A_31, %dma_wait3A_37] : memref<10008x128xf32, #tpu.memory_space<hbm>> -> memref<1000x128xf32, #tpu.memory_space<hbm>>
          tpu.wait_dma2 semaphore(%run_scoped3A : memref<!tpu.dma_semaphore, #tpu.memory_space<semaphore_mem>>) src(%dma_wait3A_38 : memref<1000x128xf32, #tpu.memory_space<hbm>>) dst(%dma_wait3A_36 : memref<1000x128xf32, #tpu.memory_space<vmem_shared>>)
          tpu.yield
        }) : () -> ()
      } else {
      }
      %eq3A_11 = arith.constant 0 : i32
      %eq3A_12 = arith.cmpi eq, %arg1, %eq3A_11 : i32
      %convert_element_type3A_13 = arith.extui %eq3A_12 : i1 to i32
      %cond3A_14 = arith.constant 0 : i32
      %cond3A_15 = arith.cmpi ne, %convert_element_type3A_13, %cond3A_14 : i32
      scf.if %cond3A_15 {
        "tpu.region"() ({
          %run_scoped3A = tpu.sem_alloc : memref<!tpu.dma_semaphore, #tpu.memory_space<semaphore_mem>>
          %dma_start3A_30 = arith.constant 10000 : i32
          %dma_start3A_31 = arith.constant 0 : i32
          %dma_start3A_32 = tpu.memref_slice %arg11[%dma_start3A_30, %dma_start3A_31] : memref<10008x128xf32, #tpu.memory_space<vmem_shared>> -> memref<8x128xf32, #tpu.memory_space<vmem_shared>>
          %dma_start3A_33 = arith.constant 10000 : i32
          %dma_start3A_34 = arith.constant 0 : i32
          %dma_start3A_35 = tpu.memref_slice %arg3[%dma_start3A_33, %dma_start3A_34] : memref<10008x128xf32, #tpu.memory_space<hbm>> -> memref<8x128xf32, #tpu.memory_space<hbm>>
          tpu.enqueue_dma source(%dma_start3A_35 : memref<8x128xf32, #tpu.memory_space<hbm>>) target(%dma_start3A_32 : memref<8x128xf32, #tpu.memory_space<vmem_shared>>) target_semaphore(%run_scoped3A : memref<!tpu.dma_semaphore, #tpu.memory_space<semaphore_mem>>)
          %dma_wait3A = arith.constant 10000 : i32
          %dma_wait3A_36 = arith.constant 0 : i32
          %dma_wait3A_37 = tpu.memref_slice %arg11[%dma_wait3A, %dma_wait3A_36] : memref<10008x128xf32, #tpu.memory_space<vmem_shared>> -> memref<8x128xf32, #tpu.memory_space<vmem_shared>>
          %dma_wait3A_38 = arith.constant 10000 : i32
          %dma_wait3A_39 = arith.constant 0 : i32
          %dma_wait3A_40 = tpu.memref_slice %arg3[%dma_wait3A_38, %dma_wait3A_39] : memref<10008x128xf32, #tpu.memory_space<hbm>> -> memref<8x128xf32, #tpu.memory_space<hbm>>
          tpu.wait_dma2 semaphore(%run_scoped3A : memref<!tpu.dma_semaphore, #tpu.memory_space<semaphore_mem>>) src(%dma_wait3A_40 : memref<8x128xf32, #tpu.memory_space<hbm>>) dst(%dma_wait3A_37 : memref<8x128xf32, #tpu.memory_space<vmem_shared>>)
          tpu.yield
        }) : () -> ()
      } else {
      }
      %mul3A = arith.constant 32 : i32
      %mul3A_16 = arith.muli %arg1, %mul3A : i32
      %add3A = arith.constant 768 : i32
      %add3A_17 = arith.addi %add3A, %mul3A_16 : i32
      "tpu.region"() ({
        %run_scoped3A = tpu.sem_alloc : memref<!tpu.dma_semaphore, #tpu.memory_space<semaphore_mem>>
        %dma_start3A_30 = arith.constant 0 : i32
        %dma_start3A_31 = tpu.memref_slice %arg5[%add3A_17, %dma_start3A_30] : memref<1280x128xi32, #tpu.memory_space<hbm>> -> memref<32x128xi32, #tpu.memory_space<hbm>>
        %dma_start3A_32 = arith.constant 0 : i32
        %dma_start3A_33 = tpu.memref_slice %arg5[%add3A_17, %dma_start3A_32] : memref<1280x128xi32, #tpu.memory_space<hbm>> -> memref<32x128xi32, #tpu.memory_space<hbm>>
        tpu.enqueue_dma source(%dma_start3A_33 : memref<32x128xi32, #tpu.memory_space<hbm>>) target(%arg8 : memref<32x128xi32, #tpu.memory_space<vmem>>) target_semaphore(%run_scoped3A : memref<!tpu.dma_semaphore, #tpu.memory_space<semaphore_mem>>)
        %dma_wait3A = arith.constant 0 : i32
        %dma_wait3A_34 = tpu.memref_slice %arg5[%add3A_17, %dma_wait3A] : memref<1280x128xi32, #tpu.memory_space<hbm>> -> memref<32x128xi32, #tpu.memory_space<hbm>>
        %dma_wait3A_35 = arith.constant 0 : i32
        %dma_wait3A_36 = tpu.memref_slice %arg5[%add3A_17, %dma_wait3A_35] : memref<1280x128xi32, #tpu.memory_space<hbm>> -> memref<32x128xi32, #tpu.memory_space<hbm>>
        tpu.wait_dma2 semaphore(%run_scoped3A : memref<!tpu.dma_semaphore, #tpu.memory_space<semaphore_mem>>) src(%dma_wait3A_36 : memref<32x128xi32, #tpu.memory_space<hbm>>) dst(%arg8 : memref<32x128xi32, #tpu.memory_space<vmem>>)
        tpu.yield
      }) : () -> ()
      %barrier3A = arith.constant 0 : index
      tpu.barrier barrier_id(%barrier3A)
      %dma_start3A = arith.constant 0 : i32
      %dma_start3A_18 = arith.constant 0 : i32
      %dma_start3A_19 = tpu.memref_slice %arg8[%dma_start3A, %dma_start3A_18] : memref<32x128xi32, #tpu.memory_space<vmem>> -> memref<1x128xi32, #tpu.memory_space<vmem>>
      %dma_start3A_20 = tpu.memref_squeeze %dma_start3A_19 : memref<1x128xi32, #tpu.memory_space<vmem>> -> memref<128xi32, #tpu.memory_space<vmem>>
      %dma_start3A_21 = arith.constant 0 : i32
      %dma_start3A_22 = arith.constant 0 : i32
      %dma_start3A_23 = tpu.memref_slice %arg11[%dma_start3A_21, %dma_start3A_22] : memref<10008x128xf32, #tpu.memory_space<vmem_shared>> -> memref<10008x128xf32, #tpu.memory_space<vmem_shared>>
      tpu.enqueue_indirect_dma source(%dma_start3A_23 : memref<10008x128xf32, #tpu.memory_space<vmem_shared>>) target(%arg9 : memref<128x128xf32, #tpu.memory_space<vmem>>) offsets(%dma_start3A_20 : memref<128xi32, #tpu.memory_space<vmem>>) semaphore(%arg12 : memref<!tpu.dma_semaphore, #tpu.memory_space<semaphore_mem>>)
      %scan3A = arith.constant 0 : i32
      %scan3A_24 = arith.constant 0 : i32
      %scan3A_25 = arith.constant 16 : i32
      %scan3A_26 = arith.addi %scan3A_24, %scan3A_25 : i32
      %scan3A_27 = arith.constant 1 : i32
      %scan3A_28 = scf.for %scan3A_30 = %scan3A_24 to %scan3A_26 step %scan3A_27 iter_args(%scan3A_31 = %scan3A) -> (i32)  : i32 {
        %mul3A_32 = arith.constant 2 : i32
        %mul3A_33 = arith.muli %mul3A_32, %scan3A_30 : i32
        %add3A_34 = arith.constant 1 : i32
        %add3A_35 = arith.addi %mul3A_33, %add3A_34 : i32
        %dma_start3A_36 = arith.constant 0 : i32
        %dma_start3A_37 = tpu.memref_slice %arg8[%add3A_35, %dma_start3A_36] : memref<32x128xi32, #tpu.memory_space<vmem>> -> memref<1x128xi32, #tpu.memory_space<vmem>>
        %dma_start3A_38 = tpu.memref_squeeze %dma_start3A_37 : memref<1x128xi32, #tpu.memory_space<vmem>> -> memref<128xi32, #tpu.memory_space<vmem>>
        %dma_start3A_39 = arith.constant 0 : i32
        %dma_start3A_40 = arith.constant 0 : i32
        %dma_start3A_41 = tpu.memref_slice %arg11[%dma_start3A_39, %dma_start3A_40] : memref<10008x128xf32, #tpu.memory_space<vmem_shared>> -> memref<10008x128xf32, #tpu.memory_space<vmem_shared>>
        tpu.enqueue_indirect_dma source(%dma_start3A_41 : memref<10008x128xf32, #tpu.memory_space<vmem_shared>>) target(%arg10 : memref<128x128xf32, #tpu.memory_space<vmem>>) offsets(%dma_start3A_38 : memref<128xi32, #tpu.memory_space<vmem>>) semaphore(%arg13 : memref<!tpu.dma_semaphore, #tpu.memory_space<semaphore_mem>>)
        %dma_wait3A = arith.constant 0 : i32
        %dma_wait3A_42 = tpu.memref_slice %arg8[%mul3A_33, %dma_wait3A] : memref<32x128xi32, #tpu.memory_space<vmem>> -> memref<1x128xi32, #tpu.memory_space<vmem>>
        %dma_wait3A_43 = tpu.memref_squeeze %dma_wait3A_42 : memref<1x128xi32, #tpu.memory_space<vmem>> -> memref<128xi32, #tpu.memory_space<vmem>>
        %dma_wait3A_44 = arith.constant 0 : i32
        %dma_wait3A_45 = arith.constant 0 : i32
        %dma_wait3A_46 = tpu.memref_slice %arg11[%dma_wait3A_44, %dma_wait3A_45] : memref<10008x128xf32, #tpu.memory_space<vmem_shared>> -> memref<10008x128xf32, #tpu.memory_space<vmem_shared>>
        tpu.wait_indirect_dma semaphore(%arg12 : memref<!tpu.dma_semaphore, #tpu.memory_space<semaphore_mem>>) src(%dma_wait3A_46 : memref<10008x128xf32, #tpu.memory_space<vmem_shared>>) dst(%arg9 : memref<128x128xf32, #tpu.memory_space<vmem>>)
        %mul3A_47 = arith.constant 32 : i32
        %mul3A_48 = arith.muli %arg1, %mul3A_47 : i32
        %add3A_49 = arith.addi %mul3A_48, %mul3A_33 : i32
        %mul3A_50 = arith.constant 128 : i32
        %mul3A_51 = arith.muli %add3A_49, %mul3A_50 : i32
        "tpu.region"() ({
          %run_scoped3A = tpu.sem_alloc : memref<!tpu.dma_semaphore, #tpu.memory_space<semaphore_mem>>
          %dma_start3A_69 = arith.constant 0 : i32
          %dma_start3A_70 = tpu.memref_slice %arg7[%mul3A_51, %dma_start3A_69] : memref<65536x128xf32, #tpu.memory_space<hbm>> -> memref<128x128xf32, #tpu.memory_space<hbm>>
          %dma_start3A_71 = arith.constant 0 : i32
          %dma_start3A_72 = tpu.memref_slice %arg7[%mul3A_51, %dma_start3A_71] : memref<65536x128xf32, #tpu.memory_space<hbm>> -> memref<128x128xf32, #tpu.memory_space<hbm>>
          tpu.enqueue_dma source(%arg9 : memref<128x128xf32, #tpu.memory_space<vmem>>) target(%dma_start3A_72 : memref<128x128xf32, #tpu.memory_space<hbm>>) target_semaphore(%run_scoped3A : memref<!tpu.dma_semaphore, #tpu.memory_space<semaphore_mem>>)
          %dma_wait3A_73 = arith.constant 0 : i32
          %dma_wait3A_74 = tpu.memref_slice %arg7[%mul3A_51, %dma_wait3A_73] : memref<65536x128xf32, #tpu.memory_space<hbm>> -> memref<128x128xf32, #tpu.memory_space<hbm>>
          %dma_wait3A_75 = arith.constant 0 : i32
          %dma_wait3A_76 = tpu.memref_slice %arg7[%mul3A_51, %dma_wait3A_75] : memref<65536x128xf32, #tpu.memory_space<hbm>> -> memref<128x128xf32, #tpu.memory_space<hbm>>
          tpu.wait_dma2 semaphore(%run_scoped3A : memref<!tpu.dma_semaphore, #tpu.memory_space<semaphore_mem>>) src(%arg9 : memref<128x128xf32, #tpu.memory_space<vmem>>) dst(%dma_wait3A_76 : memref<128x128xf32, #tpu.memory_space<hbm>>)
          tpu.yield
        }) : () -> ()
        %lt3A_52 = arith.constant 15 : i32
        %lt3A_53 = arith.cmpi slt, %scan3A_30, %lt3A_52 : i32
        %convert_element_type3A_54 = arith.extui %lt3A_53 : i1 to i32
        %cond3A_55 = arith.constant 0 : i32
        %cond3A_56 = arith.cmpi ne, %convert_element_type3A_54, %cond3A_55 : i32
        scf.if %cond3A_56 {
          %add3A_69 = arith.constant 2 : i32
          %add3A_70 = arith.addi %mul3A_33, %add3A_69 : i32
          %dma_start3A_71 = arith.constant 0 : i32
          %dma_start3A_72 = tpu.memref_slice %arg8[%add3A_70, %dma_start3A_71] : memref<32x128xi32, #tpu.memory_space<vmem>> -> memref<1x128xi32, #tpu.memory_space<vmem>>
          %dma_start3A_73 = tpu.memref_squeeze %dma_start3A_72 : memref<1x128xi32, #tpu.memory_space<vmem>> -> memref<128xi32, #tpu.memory_space<vmem>>
          %dma_start3A_74 = arith.constant 0 : i32
          %dma_start3A_75 = arith.constant 0 : i32
          %dma_start3A_76 = tpu.memref_slice %arg11[%dma_start3A_74, %dma_start3A_75] : memref<10008x128xf32, #tpu.memory_space<vmem_shared>> -> memref<10008x128xf32, #tpu.memory_space<vmem_shared>>
          tpu.enqueue_indirect_dma source(%dma_start3A_76 : memref<10008x128xf32, #tpu.memory_space<vmem_shared>>) target(%arg9 : memref<128x128xf32, #tpu.memory_space<vmem>>) offsets(%dma_start3A_73 : memref<128xi32, #tpu.memory_space<vmem>>) semaphore(%arg12 : memref<!tpu.dma_semaphore, #tpu.memory_space<semaphore_mem>>)
        } else {
        }
        %dma_wait3A_57 = arith.constant 0 : i32
        %dma_wait3A_58 = tpu.memref_slice %arg8[%add3A_35, %dma_wait3A_57] : memref<32x128xi32, #tpu.memory_space<vmem>> -> memref<1x128xi32, #tpu.memory_space<vmem>>
        %dma_wait3A_59 = tpu.memref_squeeze %dma_wait3A_58 : memref<1x128xi32, #tpu.memory_space<vmem>> -> memref<128xi32, #tpu.memory_space<vmem>>
        %dma_wait3A_60 = arith.constant 0 : i32
        %dma_wait3A_61 = arith.constant 0 : i32
        %dma_wait3A_62 = tpu.memref_slice %arg11[%dma_wait3A_60, %dma_wait3A_61] : memref<10008x128xf32, #tpu.memory_space<vmem_shared>> -> memref<10008x128xf32, #tpu.memory_space<vmem_shared>>
        tpu.wait_indirect_dma semaphore(%arg13 : memref<!tpu.dma_semaphore, #tpu.memory_space<semaphore_mem>>) src(%dma_wait3A_62 : memref<10008x128xf32, #tpu.memory_space<vmem_shared>>) dst(%arg10 : memref<128x128xf32, #tpu.memory_space<vmem>>)
        %mul3A_63 = arith.constant 32 : i32
        %mul3A_64 = arith.muli %arg1, %mul3A_63 : i32
        %add3A_65 = arith.addi %mul3A_64, %add3A_35 : i32
        %mul3A_66 = arith.constant 128 : i32
        %mul3A_67 = arith.muli %add3A_65, %mul3A_66 : i32
        "tpu.region"() ({
          %run_scoped3A = tpu.sem_alloc : memref<!tpu.dma_semaphore, #tpu.memory_space<semaphore_mem>>
          %dma_start3A_69 = arith.constant 0 : i32
          %dma_start3A_70 = tpu.memref_slice %arg7[%mul3A_67, %dma_start3A_69] : memref<65536x128xf32, #tpu.memory_space<hbm>> -> memref<128x128xf32, #tpu.memory_space<hbm>>
          %dma_start3A_71 = arith.constant 0 : i32
          %dma_start3A_72 = tpu.memref_slice %arg7[%mul3A_67, %dma_start3A_71] : memref<65536x128xf32, #tpu.memory_space<hbm>> -> memref<128x128xf32, #tpu.memory_space<hbm>>
          tpu.enqueue_dma source(%arg10 : memref<128x128xf32, #tpu.memory_space<vmem>>) target(%dma_start3A_72 : memref<128x128xf32, #tpu.memory_space<hbm>>) target_semaphore(%run_scoped3A : memref<!tpu.dma_semaphore, #tpu.memory_space<semaphore_mem>>)
          %dma_wait3A_73 = arith.constant 0 : i32
          %dma_wait3A_74 = tpu.memref_slice %arg7[%mul3A_67, %dma_wait3A_73] : memref<65536x128xf32, #tpu.memory_space<hbm>> -> memref<128x128xf32, #tpu.memory_space<hbm>>
          %dma_wait3A_75 = arith.constant 0 : i32
          %dma_wait3A_76 = tpu.memref_slice %arg7[%mul3A_67, %dma_wait3A_75] : memref<65536x128xf32, #tpu.memory_space<hbm>> -> memref<128x128xf32, #tpu.memory_space<hbm>>
          tpu.wait_dma2 semaphore(%run_scoped3A : memref<!tpu.dma_semaphore, #tpu.memory_space<semaphore_mem>>) src(%arg10 : memref<128x128xf32, #tpu.memory_space<vmem>>) dst(%dma_wait3A_76 : memref<128x128xf32, #tpu.memory_space<hbm>>)
          tpu.yield
        }) : () -> ()
        %scan3A_68 = arith.constant 0 : i32
        scf.yield %scan3A_68 : i32
      }
      %scan3A_29 = arith.constant 16 : i32
    } else {
    }
    return
  }
}

#map = affine_map<(d0, d1) -> (0, 0)>
module attributes {stable_mosaic.version = 14 : i64} {
  func.func @body(%arg0: i32, %arg1: i32, %arg2: memref<10008x128xf32, #tpu.memory_space<hbm>>, %arg3: memref<10008x128xf32, #tpu.memory_space<hbm>>, %arg4: memref<1280x128xi32, #tpu.memory_space<hbm>>, %arg5: memref<1280x128xi32, #tpu.memory_space<hbm>>, %arg6: memref<98304x128xf32, #tpu.memory_space<hbm>>, %arg7: memref<98304x128xf32, #tpu.memory_space<hbm>>, %arg8: memref<48x128xi32, #tpu.memory_space<vmem>>, %arg9: memref<128x128xf32, #tpu.memory_space<vmem>>, %arg10: memref<128x128xf32, #tpu.memory_space<vmem>>, %arg11: memref<10008x128xf32, #tpu.memory_space<vmem_shared>>, %arg12: memref<!tpu.dma_semaphore, #tpu.memory_space<semaphore_mem>>, %arg13: memref<!tpu.dma_semaphore, #tpu.memory_space<semaphore_mem>>) attributes {dimension_semantics = [#tpu.dimension_semantics<core_parallel>, #tpu.dimension_semantics<subcore_parallel>], iteration_bounds = array<i64: 2, 16>, scalar_prefetch = 0 : i64, scratch_operands = 6 : i64, tpu.core_type = #tpu.core_type<sc_vector_subcore>, window_params = [{transform_indices = #map}, {transform_indices = #map}, {transform_indices = #map}, {transform_indices = #map}, {transform_indices = #map}, {transform_indices = #map}]} {
    %eq3A = arith.constant 0 : i32
    %eq3A_0 = arith.cmpi eq, %arg0, %eq3A : i32
    %convert_element_type3A = arith.extui %eq3A_0 : i1 to i32
    %cond3A = arith.constant 0 : i32
    %cond3A_1 = arith.cmpi ne, %convert_element_type3A, %cond3A : i32
    scf.if %cond3A_1 {
      %lt3A = arith.constant 10 : i32
      %lt3A_7 = arith.cmpi slt, %arg1, %lt3A : i32
      %convert_element_type3A_8 = arith.extui %lt3A_7 : i1 to i32
      %cond3A_9 = arith.constant 0 : i32
      %cond3A_10 = arith.cmpi ne, %convert_element_type3A_8, %cond3A_9 : i32
      scf.if %cond3A_10 {
        %mul3A_30 = arith.constant 1000 : i32
        %mul3A_31 = arith.muli %arg1, %mul3A_30 : i32
        "tpu.region"() ({
          %run_scoped3A = tpu.sem_alloc : memref<!tpu.dma_semaphore, #tpu.memory_space<semaphore_mem>>
          %dma_start3A_32 = arith.constant 0 : i32
          %dma_start3A_33 = tpu.memref_slice %arg11[%mul3A_31, %dma_start3A_32] : memref<10008x128xf32, #tpu.memory_space<vmem_shared>> -> memref<1000x128xf32, #tpu.memory_space<vmem_shared>>
          %dma_start3A_34 = arith.constant 0 : i32
          %dma_start3A_35 = tpu.memref_slice %arg2[%mul3A_31, %dma_start3A_34] : memref<10008x128xf32, #tpu.memory_space<hbm>> -> memref<1000x128xf32, #tpu.memory_space<hbm>>
          tpu.enqueue_dma source(%dma_start3A_35 : memref<1000x128xf32, #tpu.memory_space<hbm>>) target(%dma_start3A_33 : memref<1000x128xf32, #tpu.memory_space<vmem_shared>>) target_semaphore(%run_scoped3A : memref<!tpu.dma_semaphore, #tpu.memory_space<semaphore_mem>>)
          %dma_wait3A = arith.constant 0 : i32
          %dma_wait3A_36 = tpu.memref_slice %arg11[%mul3A_31, %dma_wait3A] : memref<10008x128xf32, #tpu.memory_space<vmem_shared>> -> memref<1000x128xf32, #tpu.memory_space<vmem_shared>>
          %dma_wait3A_37 = arith.constant 0 : i32
          %dma_wait3A_38 = tpu.memref_slice %arg2[%mul3A_31, %dma_wait3A_37] : memref<10008x128xf32, #tpu.memory_space<hbm>> -> memref<1000x128xf32, #tpu.memory_space<hbm>>
          tpu.wait_dma2 semaphore(%run_scoped3A : memref<!tpu.dma_semaphore, #tpu.memory_space<semaphore_mem>>) src(%dma_wait3A_38 : memref<1000x128xf32, #tpu.memory_space<hbm>>) dst(%dma_wait3A_36 : memref<1000x128xf32, #tpu.memory_space<vmem_shared>>)
          tpu.yield
        }) : () -> ()
      } else {
      }
      %eq3A_11 = arith.constant 0 : i32
      %eq3A_12 = arith.cmpi eq, %arg1, %eq3A_11 : i32
      %convert_element_type3A_13 = arith.extui %eq3A_12 : i1 to i32
      %cond3A_14 = arith.constant 0 : i32
      %cond3A_15 = arith.cmpi ne, %convert_element_type3A_13, %cond3A_14 : i32
      scf.if %cond3A_15 {
        "tpu.region"() ({
          %run_scoped3A = tpu.sem_alloc : memref<!tpu.dma_semaphore, #tpu.memory_space<semaphore_mem>>
          %dma_start3A_30 = arith.constant 10000 : i32
          %dma_start3A_31 = arith.constant 0 : i32
          %dma_start3A_32 = tpu.memref_slice %arg11[%dma_start3A_30, %dma_start3A_31] : memref<10008x128xf32, #tpu.memory_space<vmem_shared>> -> memref<8x128xf32, #tpu.memory_space<vmem_shared>>
          %dma_start3A_33 = arith.constant 10000 : i32
          %dma_start3A_34 = arith.constant 0 : i32
          %dma_start3A_35 = tpu.memref_slice %arg2[%dma_start3A_33, %dma_start3A_34] : memref<10008x128xf32, #tpu.memory_space<hbm>> -> memref<8x128xf32, #tpu.memory_space<hbm>>
          tpu.enqueue_dma source(%dma_start3A_35 : memref<8x128xf32, #tpu.memory_space<hbm>>) target(%dma_start3A_32 : memref<8x128xf32, #tpu.memory_space<vmem_shared>>) target_semaphore(%run_scoped3A : memref<!tpu.dma_semaphore, #tpu.memory_space<semaphore_mem>>)
          %dma_wait3A = arith.constant 10000 : i32
          %dma_wait3A_36 = arith.constant 0 : i32
          %dma_wait3A_37 = tpu.memref_slice %arg11[%dma_wait3A, %dma_wait3A_36] : memref<10008x128xf32, #tpu.memory_space<vmem_shared>> -> memref<8x128xf32, #tpu.memory_space<vmem_shared>>
          %dma_wait3A_38 = arith.constant 10000 : i32
          %dma_wait3A_39 = arith.constant 0 : i32
          %dma_wait3A_40 = tpu.memref_slice %arg2[%dma_wait3A_38, %dma_wait3A_39] : memref<10008x128xf32, #tpu.memory_space<hbm>> -> memref<8x128xf32, #tpu.memory_space<hbm>>
          tpu.wait_dma2 semaphore(%run_scoped3A : memref<!tpu.dma_semaphore, #tpu.memory_space<semaphore_mem>>) src(%dma_wait3A_40 : memref<8x128xf32, #tpu.memory_space<hbm>>) dst(%dma_wait3A_37 : memref<8x128xf32, #tpu.memory_space<vmem_shared>>)
          tpu.yield
        }) : () -> ()
      } else {
      }
      %mul3A = arith.constant 48 : i32
      %mul3A_16 = arith.muli %arg1, %mul3A : i32
      %add3A = arith.constant 0 : i32
      %add3A_17 = arith.addi %add3A, %mul3A_16 : i32
      "tpu.region"() ({
        %run_scoped3A = tpu.sem_alloc : memref<!tpu.dma_semaphore, #tpu.memory_space<semaphore_mem>>
        %dma_start3A_30 = arith.constant 0 : i32
        %dma_start3A_31 = tpu.memref_slice %arg4[%add3A_17, %dma_start3A_30] : memref<1280x128xi32, #tpu.memory_space<hbm>> -> memref<48x128xi32, #tpu.memory_space<hbm>>
        %dma_start3A_32 = arith.constant 0 : i32
        %dma_start3A_33 = tpu.memref_slice %arg4[%add3A_17, %dma_start3A_32] : memref<1280x128xi32, #tpu.memory_space<hbm>> -> memref<48x128xi32, #tpu.memory_space<hbm>>
        tpu.enqueue_dma source(%dma_start3A_33 : memref<48x128xi32, #tpu.memory_space<hbm>>) target(%arg8 : memref<48x128xi32, #tpu.memory_space<vmem>>) target_semaphore(%run_scoped3A : memref<!tpu.dma_semaphore, #tpu.memory_space<semaphore_mem>>)
        %dma_wait3A = arith.constant 0 : i32
        %dma_wait3A_34 = tpu.memref_slice %arg4[%add3A_17, %dma_wait3A] : memref<1280x128xi32, #tpu.memory_space<hbm>> -> memref<48x128xi32, #tpu.memory_space<hbm>>
        %dma_wait3A_35 = arith.constant 0 : i32
        %dma_wait3A_36 = tpu.memref_slice %arg4[%add3A_17, %dma_wait3A_35] : memref<1280x128xi32, #tpu.memory_space<hbm>> -> memref<48x128xi32, #tpu.memory_space<hbm>>
        tpu.wait_dma2 semaphore(%run_scoped3A : memref<!tpu.dma_semaphore, #tpu.memory_space<semaphore_mem>>) src(%dma_wait3A_36 : memref<48x128xi32, #tpu.memory_space<hbm>>) dst(%arg8 : memref<48x128xi32, #tpu.memory_space<vmem>>)
        tpu.yield
      }) : () -> ()
      %barrier3A = arith.constant 0 : index
      tpu.barrier barrier_id(%barrier3A)
      %dma_start3A = arith.constant 0 : i32
      %dma_start3A_18 = arith.constant 0 : i32
      %dma_start3A_19 = tpu.memref_slice %arg8[%dma_start3A, %dma_start3A_18] : memref<48x128xi32, #tpu.memory_space<vmem>> -> memref<1x128xi32, #tpu.memory_space<vmem>>
      %dma_start3A_20 = tpu.memref_squeeze %dma_start3A_19 : memref<1x128xi32, #tpu.memory_space<vmem>> -> memref<128xi32, #tpu.memory_space<vmem>>
      %dma_start3A_21 = arith.constant 0 : i32
      %dma_start3A_22 = arith.constant 0 : i32
      %dma_start3A_23 = tpu.memref_slice %arg11[%dma_start3A_21, %dma_start3A_22] : memref<10008x128xf32, #tpu.memory_space<vmem_shared>> -> memref<10008x128xf32, #tpu.memory_space<vmem_shared>>
      tpu.enqueue_indirect_dma source(%dma_start3A_23 : memref<10008x128xf32, #tpu.memory_space<vmem_shared>>) target(%arg9 : memref<128x128xf32, #tpu.memory_space<vmem>>) offsets(%dma_start3A_20 : memref<128xi32, #tpu.memory_space<vmem>>) semaphore(%arg12 : memref<!tpu.dma_semaphore, #tpu.memory_space<semaphore_mem>>)
      %scan3A = arith.constant 0 : i32
      %scan3A_24 = arith.constant 0 : i32
      %scan3A_25 = arith.constant 24 : i32
      %scan3A_26 = arith.addi %scan3A_24, %scan3A_25 : i32
      %scan3A_27 = arith.constant 1 : i32
      %scan3A_28 = scf.for %scan3A_30 = %scan3A_24 to %scan3A_26 step %scan3A_27 iter_args(%scan3A_31 = %scan3A) -> (i32)  : i32 {
        %mul3A_32 = arith.constant 2 : i32
        %mul3A_33 = arith.muli %mul3A_32, %scan3A_30 : i32
        %add3A_34 = arith.constant 1 : i32
        %add3A_35 = arith.addi %mul3A_33, %add3A_34 : i32
        %dma_start3A_36 = arith.constant 0 : i32
        %dma_start3A_37 = tpu.memref_slice %arg8[%add3A_35, %dma_start3A_36] : memref<48x128xi32, #tpu.memory_space<vmem>> -> memref<1x128xi32, #tpu.memory_space<vmem>>
        %dma_start3A_38 = tpu.memref_squeeze %dma_start3A_37 : memref<1x128xi32, #tpu.memory_space<vmem>> -> memref<128xi32, #tpu.memory_space<vmem>>
        %dma_start3A_39 = arith.constant 0 : i32
        %dma_start3A_40 = arith.constant 0 : i32
        %dma_start3A_41 = tpu.memref_slice %arg11[%dma_start3A_39, %dma_start3A_40] : memref<10008x128xf32, #tpu.memory_space<vmem_shared>> -> memref<10008x128xf32, #tpu.memory_space<vmem_shared>>
        tpu.enqueue_indirect_dma source(%dma_start3A_41 : memref<10008x128xf32, #tpu.memory_space<vmem_shared>>) target(%arg10 : memref<128x128xf32, #tpu.memory_space<vmem>>) offsets(%dma_start3A_38 : memref<128xi32, #tpu.memory_space<vmem>>) semaphore(%arg13 : memref<!tpu.dma_semaphore, #tpu.memory_space<semaphore_mem>>)
        %dma_wait3A = arith.constant 0 : i32
        %dma_wait3A_42 = tpu.memref_slice %arg8[%mul3A_33, %dma_wait3A] : memref<48x128xi32, #tpu.memory_space<vmem>> -> memref<1x128xi32, #tpu.memory_space<vmem>>
        %dma_wait3A_43 = tpu.memref_squeeze %dma_wait3A_42 : memref<1x128xi32, #tpu.memory_space<vmem>> -> memref<128xi32, #tpu.memory_space<vmem>>
        %dma_wait3A_44 = arith.constant 0 : i32
        %dma_wait3A_45 = arith.constant 0 : i32
        %dma_wait3A_46 = tpu.memref_slice %arg11[%dma_wait3A_44, %dma_wait3A_45] : memref<10008x128xf32, #tpu.memory_space<vmem_shared>> -> memref<10008x128xf32, #tpu.memory_space<vmem_shared>>
        tpu.wait_indirect_dma semaphore(%arg12 : memref<!tpu.dma_semaphore, #tpu.memory_space<semaphore_mem>>) src(%dma_wait3A_46 : memref<10008x128xf32, #tpu.memory_space<vmem_shared>>) dst(%arg9 : memref<128x128xf32, #tpu.memory_space<vmem>>)
        %mul3A_47 = arith.constant 48 : i32
        %mul3A_48 = arith.muli %arg1, %mul3A_47 : i32
        %add3A_49 = arith.addi %mul3A_48, %mul3A_33 : i32
        %mul3A_50 = arith.constant 128 : i32
        %mul3A_51 = arith.muli %add3A_49, %mul3A_50 : i32
        "tpu.region"() ({
          %run_scoped3A = tpu.sem_alloc : memref<!tpu.dma_semaphore, #tpu.memory_space<semaphore_mem>>
          %dma_start3A_69 = arith.constant 0 : i32
          %dma_start3A_70 = tpu.memref_slice %arg6[%mul3A_51, %dma_start3A_69] : memref<98304x128xf32, #tpu.memory_space<hbm>> -> memref<128x128xf32, #tpu.memory_space<hbm>>
          %dma_start3A_71 = arith.constant 0 : i32
          %dma_start3A_72 = tpu.memref_slice %arg6[%mul3A_51, %dma_start3A_71] : memref<98304x128xf32, #tpu.memory_space<hbm>> -> memref<128x128xf32, #tpu.memory_space<hbm>>
          tpu.enqueue_dma source(%arg9 : memref<128x128xf32, #tpu.memory_space<vmem>>) target(%dma_start3A_72 : memref<128x128xf32, #tpu.memory_space<hbm>>) target_semaphore(%run_scoped3A : memref<!tpu.dma_semaphore, #tpu.memory_space<semaphore_mem>>)
          %dma_wait3A_73 = arith.constant 0 : i32
          %dma_wait3A_74 = tpu.memref_slice %arg6[%mul3A_51, %dma_wait3A_73] : memref<98304x128xf32, #tpu.memory_space<hbm>> -> memref<128x128xf32, #tpu.memory_space<hbm>>
          %dma_wait3A_75 = arith.constant 0 : i32
          %dma_wait3A_76 = tpu.memref_slice %arg6[%mul3A_51, %dma_wait3A_75] : memref<98304x128xf32, #tpu.memory_space<hbm>> -> memref<128x128xf32, #tpu.memory_space<hbm>>
          tpu.wait_dma2 semaphore(%run_scoped3A : memref<!tpu.dma_semaphore, #tpu.memory_space<semaphore_mem>>) src(%arg9 : memref<128x128xf32, #tpu.memory_space<vmem>>) dst(%dma_wait3A_76 : memref<128x128xf32, #tpu.memory_space<hbm>>)
          tpu.yield
        }) : () -> ()
        %lt3A_52 = arith.constant 23 : i32
        %lt3A_53 = arith.cmpi slt, %scan3A_30, %lt3A_52 : i32
        %convert_element_type3A_54 = arith.extui %lt3A_53 : i1 to i32
        %cond3A_55 = arith.constant 0 : i32
        %cond3A_56 = arith.cmpi ne, %convert_element_type3A_54, %cond3A_55 : i32
        scf.if %cond3A_56 {
          %add3A_69 = arith.constant 2 : i32
          %add3A_70 = arith.addi %mul3A_33, %add3A_69 : i32
          %dma_start3A_71 = arith.constant 0 : i32
          %dma_start3A_72 = tpu.memref_slice %arg8[%add3A_70, %dma_start3A_71] : memref<48x128xi32, #tpu.memory_space<vmem>> -> memref<1x128xi32, #tpu.memory_space<vmem>>
          %dma_start3A_73 = tpu.memref_squeeze %dma_start3A_72 : memref<1x128xi32, #tpu.memory_space<vmem>> -> memref<128xi32, #tpu.memory_space<vmem>>
          %dma_start3A_74 = arith.constant 0 : i32
          %dma_start3A_75 = arith.constant 0 : i32
          %dma_start3A_76 = tpu.memref_slice %arg11[%dma_start3A_74, %dma_start3A_75] : memref<10008x128xf32, #tpu.memory_space<vmem_shared>> -> memref<10008x128xf32, #tpu.memory_space<vmem_shared>>
          tpu.enqueue_indirect_dma source(%dma_start3A_76 : memref<10008x128xf32, #tpu.memory_space<vmem_shared>>) target(%arg9 : memref<128x128xf32, #tpu.memory_space<vmem>>) offsets(%dma_start3A_73 : memref<128xi32, #tpu.memory_space<vmem>>) semaphore(%arg12 : memref<!tpu.dma_semaphore, #tpu.memory_space<semaphore_mem>>)
        } else {
        }
        %dma_wait3A_57 = arith.constant 0 : i32
        %dma_wait3A_58 = tpu.memref_slice %arg8[%add3A_35, %dma_wait3A_57] : memref<48x128xi32, #tpu.memory_space<vmem>> -> memref<1x128xi32, #tpu.memory_space<vmem>>
        %dma_wait3A_59 = tpu.memref_squeeze %dma_wait3A_58 : memref<1x128xi32, #tpu.memory_space<vmem>> -> memref<128xi32, #tpu.memory_space<vmem>>
        %dma_wait3A_60 = arith.constant 0 : i32
        %dma_wait3A_61 = arith.constant 0 : i32
        %dma_wait3A_62 = tpu.memref_slice %arg11[%dma_wait3A_60, %dma_wait3A_61] : memref<10008x128xf32, #tpu.memory_space<vmem_shared>> -> memref<10008x128xf32, #tpu.memory_space<vmem_shared>>
        tpu.wait_indirect_dma semaphore(%arg13 : memref<!tpu.dma_semaphore, #tpu.memory_space<semaphore_mem>>) src(%dma_wait3A_62 : memref<10008x128xf32, #tpu.memory_space<vmem_shared>>) dst(%arg10 : memref<128x128xf32, #tpu.memory_space<vmem>>)
        %mul3A_63 = arith.constant 48 : i32
        %mul3A_64 = arith.muli %arg1, %mul3A_63 : i32
        %add3A_65 = arith.addi %mul3A_64, %add3A_35 : i32
        %mul3A_66 = arith.constant 128 : i32
        %mul3A_67 = arith.muli %add3A_65, %mul3A_66 : i32
        "tpu.region"() ({
          %run_scoped3A = tpu.sem_alloc : memref<!tpu.dma_semaphore, #tpu.memory_space<semaphore_mem>>
          %dma_start3A_69 = arith.constant 0 : i32
          %dma_start3A_70 = tpu.memref_slice %arg6[%mul3A_67, %dma_start3A_69] : memref<98304x128xf32, #tpu.memory_space<hbm>> -> memref<128x128xf32, #tpu.memory_space<hbm>>
          %dma_start3A_71 = arith.constant 0 : i32
          %dma_start3A_72 = tpu.memref_slice %arg6[%mul3A_67, %dma_start3A_71] : memref<98304x128xf32, #tpu.memory_space<hbm>> -> memref<128x128xf32, #tpu.memory_space<hbm>>
          tpu.enqueue_dma source(%arg10 : memref<128x128xf32, #tpu.memory_space<vmem>>) target(%dma_start3A_72 : memref<128x128xf32, #tpu.memory_space<hbm>>) target_semaphore(%run_scoped3A : memref<!tpu.dma_semaphore, #tpu.memory_space<semaphore_mem>>)
          %dma_wait3A_73 = arith.constant 0 : i32
          %dma_wait3A_74 = tpu.memref_slice %arg6[%mul3A_67, %dma_wait3A_73] : memref<98304x128xf32, #tpu.memory_space<hbm>> -> memref<128x128xf32, #tpu.memory_space<hbm>>
          %dma_wait3A_75 = arith.constant 0 : i32
          %dma_wait3A_76 = tpu.memref_slice %arg6[%mul3A_67, %dma_wait3A_75] : memref<98304x128xf32, #tpu.memory_space<hbm>> -> memref<128x128xf32, #tpu.memory_space<hbm>>
          tpu.wait_dma2 semaphore(%run_scoped3A : memref<!tpu.dma_semaphore, #tpu.memory_space<semaphore_mem>>) src(%arg10 : memref<128x128xf32, #tpu.memory_space<vmem>>) dst(%dma_wait3A_76 : memref<128x128xf32, #tpu.memory_space<hbm>>)
          tpu.yield
        }) : () -> ()
        %scan3A_68 = arith.constant 0 : i32
        scf.yield %scan3A_68 : i32
      }
      %scan3A_29 = arith.constant 24 : i32
    } else {
    }
    %eq3A_2 = arith.constant 1 : i32
    %eq3A_3 = arith.cmpi eq, %arg0, %eq3A_2 : i32
    %convert_element_type3A_4 = arith.extui %eq3A_3 : i1 to i32
    %cond3A_5 = arith.constant 0 : i32
    %cond3A_6 = arith.cmpi ne, %convert_element_type3A_4, %cond3A_5 : i32
    scf.if %cond3A_6 {
      %lt3A = arith.constant 10 : i32
      %lt3A_7 = arith.cmpi slt, %arg1, %lt3A : i32
      %convert_element_type3A_8 = arith.extui %lt3A_7 : i1 to i32
      %cond3A_9 = arith.constant 0 : i32
      %cond3A_10 = arith.cmpi ne, %convert_element_type3A_8, %cond3A_9 : i32
      scf.if %cond3A_10 {
        %mul3A_30 = arith.constant 1000 : i32
        %mul3A_31 = arith.muli %arg1, %mul3A_30 : i32
        "tpu.region"() ({
          %run_scoped3A = tpu.sem_alloc : memref<!tpu.dma_semaphore, #tpu.memory_space<semaphore_mem>>
          %dma_start3A_32 = arith.constant 0 : i32
          %dma_start3A_33 = tpu.memref_slice %arg11[%mul3A_31, %dma_start3A_32] : memref<10008x128xf32, #tpu.memory_space<vmem_shared>> -> memref<1000x128xf32, #tpu.memory_space<vmem_shared>>
          %dma_start3A_34 = arith.constant 0 : i32
          %dma_start3A_35 = tpu.memref_slice %arg3[%mul3A_31, %dma_start3A_34] : memref<10008x128xf32, #tpu.memory_space<hbm>> -> memref<1000x128xf32, #tpu.memory_space<hbm>>
          tpu.enqueue_dma source(%dma_start3A_35 : memref<1000x128xf32, #tpu.memory_space<hbm>>) target(%dma_start3A_33 : memref<1000x128xf32, #tpu.memory_space<vmem_shared>>) target_semaphore(%run_scoped3A : memref<!tpu.dma_semaphore, #tpu.memory_space<semaphore_mem>>)
          %dma_wait3A = arith.constant 0 : i32
          %dma_wait3A_36 = tpu.memref_slice %arg11[%mul3A_31, %dma_wait3A] : memref<10008x128xf32, #tpu.memory_space<vmem_shared>> -> memref<1000x128xf32, #tpu.memory_space<vmem_shared>>
          %dma_wait3A_37 = arith.constant 0 : i32
          %dma_wait3A_38 = tpu.memref_slice %arg3[%mul3A_31, %dma_wait3A_37] : memref<10008x128xf32, #tpu.memory_space<hbm>> -> memref<1000x128xf32, #tpu.memory_space<hbm>>
          tpu.wait_dma2 semaphore(%run_scoped3A : memref<!tpu.dma_semaphore, #tpu.memory_space<semaphore_mem>>) src(%dma_wait3A_38 : memref<1000x128xf32, #tpu.memory_space<hbm>>) dst(%dma_wait3A_36 : memref<1000x128xf32, #tpu.memory_space<vmem_shared>>)
          tpu.yield
        }) : () -> ()
      } else {
      }
      %eq3A_11 = arith.constant 0 : i32
      %eq3A_12 = arith.cmpi eq, %arg1, %eq3A_11 : i32
      %convert_element_type3A_13 = arith.extui %eq3A_12 : i1 to i32
      %cond3A_14 = arith.constant 0 : i32
      %cond3A_15 = arith.cmpi ne, %convert_element_type3A_13, %cond3A_14 : i32
      scf.if %cond3A_15 {
        "tpu.region"() ({
          %run_scoped3A = tpu.sem_alloc : memref<!tpu.dma_semaphore, #tpu.memory_space<semaphore_mem>>
          %dma_start3A_30 = arith.constant 10000 : i32
          %dma_start3A_31 = arith.constant 0 : i32
          %dma_start3A_32 = tpu.memref_slice %arg11[%dma_start3A_30, %dma_start3A_31] : memref<10008x128xf32, #tpu.memory_space<vmem_shared>> -> memref<8x128xf32, #tpu.memory_space<vmem_shared>>
          %dma_start3A_33 = arith.constant 10000 : i32
          %dma_start3A_34 = arith.constant 0 : i32
          %dma_start3A_35 = tpu.memref_slice %arg3[%dma_start3A_33, %dma_start3A_34] : memref<10008x128xf32, #tpu.memory_space<hbm>> -> memref<8x128xf32, #tpu.memory_space<hbm>>
          tpu.enqueue_dma source(%dma_start3A_35 : memref<8x128xf32, #tpu.memory_space<hbm>>) target(%dma_start3A_32 : memref<8x128xf32, #tpu.memory_space<vmem_shared>>) target_semaphore(%run_scoped3A : memref<!tpu.dma_semaphore, #tpu.memory_space<semaphore_mem>>)
          %dma_wait3A = arith.constant 10000 : i32
          %dma_wait3A_36 = arith.constant 0 : i32
          %dma_wait3A_37 = tpu.memref_slice %arg11[%dma_wait3A, %dma_wait3A_36] : memref<10008x128xf32, #tpu.memory_space<vmem_shared>> -> memref<8x128xf32, #tpu.memory_space<vmem_shared>>
          %dma_wait3A_38 = arith.constant 10000 : i32
          %dma_wait3A_39 = arith.constant 0 : i32
          %dma_wait3A_40 = tpu.memref_slice %arg3[%dma_wait3A_38, %dma_wait3A_39] : memref<10008x128xf32, #tpu.memory_space<hbm>> -> memref<8x128xf32, #tpu.memory_space<hbm>>
          tpu.wait_dma2 semaphore(%run_scoped3A : memref<!tpu.dma_semaphore, #tpu.memory_space<semaphore_mem>>) src(%dma_wait3A_40 : memref<8x128xf32, #tpu.memory_space<hbm>>) dst(%dma_wait3A_37 : memref<8x128xf32, #tpu.memory_space<vmem_shared>>)
          tpu.yield
        }) : () -> ()
      } else {
      }
      %mul3A = arith.constant 48 : i32
      %mul3A_16 = arith.muli %arg1, %mul3A : i32
      %add3A = arith.constant 0 : i32
      %add3A_17 = arith.addi %add3A, %mul3A_16 : i32
      "tpu.region"() ({
        %run_scoped3A = tpu.sem_alloc : memref<!tpu.dma_semaphore, #tpu.memory_space<semaphore_mem>>
        %dma_start3A_30 = arith.constant 0 : i32
        %dma_start3A_31 = tpu.memref_slice %arg5[%add3A_17, %dma_start3A_30] : memref<1280x128xi32, #tpu.memory_space<hbm>> -> memref<48x128xi32, #tpu.memory_space<hbm>>
        %dma_start3A_32 = arith.constant 0 : i32
        %dma_start3A_33 = tpu.memref_slice %arg5[%add3A_17, %dma_start3A_32] : memref<1280x128xi32, #tpu.memory_space<hbm>> -> memref<48x128xi32, #tpu.memory_space<hbm>>
        tpu.enqueue_dma source(%dma_start3A_33 : memref<48x128xi32, #tpu.memory_space<hbm>>) target(%arg8 : memref<48x128xi32, #tpu.memory_space<vmem>>) target_semaphore(%run_scoped3A : memref<!tpu.dma_semaphore, #tpu.memory_space<semaphore_mem>>)
        %dma_wait3A = arith.constant 0 : i32
        %dma_wait3A_34 = tpu.memref_slice %arg5[%add3A_17, %dma_wait3A] : memref<1280x128xi32, #tpu.memory_space<hbm>> -> memref<48x128xi32, #tpu.memory_space<hbm>>
        %dma_wait3A_35 = arith.constant 0 : i32
        %dma_wait3A_36 = tpu.memref_slice %arg5[%add3A_17, %dma_wait3A_35] : memref<1280x128xi32, #tpu.memory_space<hbm>> -> memref<48x128xi32, #tpu.memory_space<hbm>>
        tpu.wait_dma2 semaphore(%run_scoped3A : memref<!tpu.dma_semaphore, #tpu.memory_space<semaphore_mem>>) src(%dma_wait3A_36 : memref<48x128xi32, #tpu.memory_space<hbm>>) dst(%arg8 : memref<48x128xi32, #tpu.memory_space<vmem>>)
        tpu.yield
      }) : () -> ()
      %barrier3A = arith.constant 0 : index
      tpu.barrier barrier_id(%barrier3A)
      %dma_start3A = arith.constant 0 : i32
      %dma_start3A_18 = arith.constant 0 : i32
      %dma_start3A_19 = tpu.memref_slice %arg8[%dma_start3A, %dma_start3A_18] : memref<48x128xi32, #tpu.memory_space<vmem>> -> memref<1x128xi32, #tpu.memory_space<vmem>>
      %dma_start3A_20 = tpu.memref_squeeze %dma_start3A_19 : memref<1x128xi32, #tpu.memory_space<vmem>> -> memref<128xi32, #tpu.memory_space<vmem>>
      %dma_start3A_21 = arith.constant 0 : i32
      %dma_start3A_22 = arith.constant 0 : i32
      %dma_start3A_23 = tpu.memref_slice %arg11[%dma_start3A_21, %dma_start3A_22] : memref<10008x128xf32, #tpu.memory_space<vmem_shared>> -> memref<10008x128xf32, #tpu.memory_space<vmem_shared>>
      tpu.enqueue_indirect_dma source(%dma_start3A_23 : memref<10008x128xf32, #tpu.memory_space<vmem_shared>>) target(%arg9 : memref<128x128xf32, #tpu.memory_space<vmem>>) offsets(%dma_start3A_20 : memref<128xi32, #tpu.memory_space<vmem>>) semaphore(%arg12 : memref<!tpu.dma_semaphore, #tpu.memory_space<semaphore_mem>>)
      %scan3A = arith.constant 0 : i32
      %scan3A_24 = arith.constant 0 : i32
      %scan3A_25 = arith.constant 24 : i32
      %scan3A_26 = arith.addi %scan3A_24, %scan3A_25 : i32
      %scan3A_27 = arith.constant 1 : i32
      %scan3A_28 = scf.for %scan3A_30 = %scan3A_24 to %scan3A_26 step %scan3A_27 iter_args(%scan3A_31 = %scan3A) -> (i32)  : i32 {
        %mul3A_32 = arith.constant 2 : i32
        %mul3A_33 = arith.muli %mul3A_32, %scan3A_30 : i32
        %add3A_34 = arith.constant 1 : i32
        %add3A_35 = arith.addi %mul3A_33, %add3A_34 : i32
        %dma_start3A_36 = arith.constant 0 : i32
        %dma_start3A_37 = tpu.memref_slice %arg8[%add3A_35, %dma_start3A_36] : memref<48x128xi32, #tpu.memory_space<vmem>> -> memref<1x128xi32, #tpu.memory_space<vmem>>
        %dma_start3A_38 = tpu.memref_squeeze %dma_start3A_37 : memref<1x128xi32, #tpu.memory_space<vmem>> -> memref<128xi32, #tpu.memory_space<vmem>>
        %dma_start3A_39 = arith.constant 0 : i32
        %dma_start3A_40 = arith.constant 0 : i32
        %dma_start3A_41 = tpu.memref_slice %arg11[%dma_start3A_39, %dma_start3A_40] : memref<10008x128xf32, #tpu.memory_space<vmem_shared>> -> memref<10008x128xf32, #tpu.memory_space<vmem_shared>>
        tpu.enqueue_indirect_dma source(%dma_start3A_41 : memref<10008x128xf32, #tpu.memory_space<vmem_shared>>) target(%arg10 : memref<128x128xf32, #tpu.memory_space<vmem>>) offsets(%dma_start3A_38 : memref<128xi32, #tpu.memory_space<vmem>>) semaphore(%arg13 : memref<!tpu.dma_semaphore, #tpu.memory_space<semaphore_mem>>)
        %dma_wait3A = arith.constant 0 : i32
        %dma_wait3A_42 = tpu.memref_slice %arg8[%mul3A_33, %dma_wait3A] : memref<48x128xi32, #tpu.memory_space<vmem>> -> memref<1x128xi32, #tpu.memory_space<vmem>>
        %dma_wait3A_43 = tpu.memref_squeeze %dma_wait3A_42 : memref<1x128xi32, #tpu.memory_space<vmem>> -> memref<128xi32, #tpu.memory_space<vmem>>
        %dma_wait3A_44 = arith.constant 0 : i32
        %dma_wait3A_45 = arith.constant 0 : i32
        %dma_wait3A_46 = tpu.memref_slice %arg11[%dma_wait3A_44, %dma_wait3A_45] : memref<10008x128xf32, #tpu.memory_space<vmem_shared>> -> memref<10008x128xf32, #tpu.memory_space<vmem_shared>>
        tpu.wait_indirect_dma semaphore(%arg12 : memref<!tpu.dma_semaphore, #tpu.memory_space<semaphore_mem>>) src(%dma_wait3A_46 : memref<10008x128xf32, #tpu.memory_space<vmem_shared>>) dst(%arg9 : memref<128x128xf32, #tpu.memory_space<vmem>>)
        %mul3A_47 = arith.constant 48 : i32
        %mul3A_48 = arith.muli %arg1, %mul3A_47 : i32
        %add3A_49 = arith.addi %mul3A_48, %mul3A_33 : i32
        %mul3A_50 = arith.constant 128 : i32
        %mul3A_51 = arith.muli %add3A_49, %mul3A_50 : i32
        "tpu.region"() ({
          %run_scoped3A = tpu.sem_alloc : memref<!tpu.dma_semaphore, #tpu.memory_space<semaphore_mem>>
          %dma_start3A_69 = arith.constant 0 : i32
          %dma_start3A_70 = tpu.memref_slice %arg7[%mul3A_51, %dma_start3A_69] : memref<98304x128xf32, #tpu.memory_space<hbm>> -> memref<128x128xf32, #tpu.memory_space<hbm>>
          %dma_start3A_71 = arith.constant 0 : i32
          %dma_start3A_72 = tpu.memref_slice %arg7[%mul3A_51, %dma_start3A_71] : memref<98304x128xf32, #tpu.memory_space<hbm>> -> memref<128x128xf32, #tpu.memory_space<hbm>>
          tpu.enqueue_dma source(%arg9 : memref<128x128xf32, #tpu.memory_space<vmem>>) target(%dma_start3A_72 : memref<128x128xf32, #tpu.memory_space<hbm>>) target_semaphore(%run_scoped3A : memref<!tpu.dma_semaphore, #tpu.memory_space<semaphore_mem>>)
          %dma_wait3A_73 = arith.constant 0 : i32
          %dma_wait3A_74 = tpu.memref_slice %arg7[%mul3A_51, %dma_wait3A_73] : memref<98304x128xf32, #tpu.memory_space<hbm>> -> memref<128x128xf32, #tpu.memory_space<hbm>>
          %dma_wait3A_75 = arith.constant 0 : i32
          %dma_wait3A_76 = tpu.memref_slice %arg7[%mul3A_51, %dma_wait3A_75] : memref<98304x128xf32, #tpu.memory_space<hbm>> -> memref<128x128xf32, #tpu.memory_space<hbm>>
          tpu.wait_dma2 semaphore(%run_scoped3A : memref<!tpu.dma_semaphore, #tpu.memory_space<semaphore_mem>>) src(%arg9 : memref<128x128xf32, #tpu.memory_space<vmem>>) dst(%dma_wait3A_76 : memref<128x128xf32, #tpu.memory_space<hbm>>)
          tpu.yield
        }) : () -> ()
        %lt3A_52 = arith.constant 23 : i32
        %lt3A_53 = arith.cmpi slt, %scan3A_30, %lt3A_52 : i32
        %convert_element_type3A_54 = arith.extui %lt3A_53 : i1 to i32
        %cond3A_55 = arith.constant 0 : i32
        %cond3A_56 = arith.cmpi ne, %convert_element_type3A_54, %cond3A_55 : i32
        scf.if %cond3A_56 {
          %add3A_69 = arith.constant 2 : i32
          %add3A_70 = arith.addi %mul3A_33, %add3A_69 : i32
          %dma_start3A_71 = arith.constant 0 : i32
          %dma_start3A_72 = tpu.memref_slice %arg8[%add3A_70, %dma_start3A_71] : memref<48x128xi32, #tpu.memory_space<vmem>> -> memref<1x128xi32, #tpu.memory_space<vmem>>
          %dma_start3A_73 = tpu.memref_squeeze %dma_start3A_72 : memref<1x128xi32, #tpu.memory_space<vmem>> -> memref<128xi32, #tpu.memory_space<vmem>>
          %dma_start3A_74 = arith.constant 0 : i32
          %dma_start3A_75 = arith.constant 0 : i32
          %dma_start3A_76 = tpu.memref_slice %arg11[%dma_start3A_74, %dma_start3A_75] : memref<10008x128xf32, #tpu.memory_space<vmem_shared>> -> memref<10008x128xf32, #tpu.memory_space<vmem_shared>>
          tpu.enqueue_indirect_dma source(%dma_start3A_76 : memref<10008x128xf32, #tpu.memory_space<vmem_shared>>) target(%arg9 : memref<128x128xf32, #tpu.memory_space<vmem>>) offsets(%dma_start3A_73 : memref<128xi32, #tpu.memory_space<vmem>>) semaphore(%arg12 : memref<!tpu.dma_semaphore, #tpu.memory_space<semaphore_mem>>)
        } else {
        }
        %dma_wait3A_57 = arith.constant 0 : i32
        %dma_wait3A_58 = tpu.memref_slice %arg8[%add3A_35, %dma_wait3A_57] : memref<48x128xi32, #tpu.memory_space<vmem>> -> memref<1x128xi32, #tpu.memory_space<vmem>>
        %dma_wait3A_59 = tpu.memref_squeeze %dma_wait3A_58 : memref<1x128xi32, #tpu.memory_space<vmem>> -> memref<128xi32, #tpu.memory_space<vmem>>
        %dma_wait3A_60 = arith.constant 0 : i32
        %dma_wait3A_61 = arith.constant 0 : i32
        %dma_wait3A_62 = tpu.memref_slice %arg11[%dma_wait3A_60, %dma_wait3A_61] : memref<10008x128xf32, #tpu.memory_space<vmem_shared>> -> memref<10008x128xf32, #tpu.memory_space<vmem_shared>>
        tpu.wait_indirect_dma semaphore(%arg13 : memref<!tpu.dma_semaphore, #tpu.memory_space<semaphore_mem>>) src(%dma_wait3A_62 : memref<10008x128xf32, #tpu.memory_space<vmem_shared>>) dst(%arg10 : memref<128x128xf32, #tpu.memory_space<vmem>>)
        %mul3A_63 = arith.constant 48 : i32
        %mul3A_64 = arith.muli %arg1, %mul3A_63 : i32
        %add3A_65 = arith.addi %mul3A_64, %add3A_35 : i32
        %mul3A_66 = arith.constant 128 : i32
        %mul3A_67 = arith.muli %add3A_65, %mul3A_66 : i32
        "tpu.region"() ({
          %run_scoped3A = tpu.sem_alloc : memref<!tpu.dma_semaphore, #tpu.memory_space<semaphore_mem>>
          %dma_start3A_69 = arith.constant 0 : i32
          %dma_start3A_70 = tpu.memref_slice %arg7[%mul3A_67, %dma_start3A_69] : memref<98304x128xf32, #tpu.memory_space<hbm>> -> memref<128x128xf32, #tpu.memory_space<hbm>>
          %dma_start3A_71 = arith.constant 0 : i32
          %dma_start3A_72 = tpu.memref_slice %arg7[%mul3A_67, %dma_start3A_71] : memref<98304x128xf32, #tpu.memory_space<hbm>> -> memref<128x128xf32, #tpu.memory_space<hbm>>
          tpu.enqueue_dma source(%arg10 : memref<128x128xf32, #tpu.memory_space<vmem>>) target(%dma_start3A_72 : memref<128x128xf32, #tpu.memory_space<hbm>>) target_semaphore(%run_scoped3A : memref<!tpu.dma_semaphore, #tpu.memory_space<semaphore_mem>>)
          %dma_wait3A_73 = arith.constant 0 : i32
          %dma_wait3A_74 = tpu.memref_slice %arg7[%mul3A_67, %dma_wait3A_73] : memref<98304x128xf32, #tpu.memory_space<hbm>> -> memref<128x128xf32, #tpu.memory_space<hbm>>
          %dma_wait3A_75 = arith.constant 0 : i32
          %dma_wait3A_76 = tpu.memref_slice %arg7[%mul3A_67, %dma_wait3A_75] : memref<98304x128xf32, #tpu.memory_space<hbm>> -> memref<128x128xf32, #tpu.memory_space<hbm>>
          tpu.wait_dma2 semaphore(%run_scoped3A : memref<!tpu.dma_semaphore, #tpu.memory_space<semaphore_mem>>) src(%arg10 : memref<128x128xf32, #tpu.memory_space<vmem>>) dst(%dma_wait3A_76 : memref<128x128xf32, #tpu.memory_space<hbm>>)
          tpu.yield
        }) : () -> ()
        %scan3A_68 = arith.constant 0 : i32
        scf.yield %scan3A_68 : i32
      }
      %scan3A_29 = arith.constant 24 : i32
    } else {
    }
    return
  }
}

module attributes {stable_mosaic.version = 14 : i64} {
  func.func @_mm1_raw_body(%arg0: i32, %arg1: memref<1000x256xf32, #tpu.memory_space<vmem>>, %arg2: memref<256x256xf32, #tpu.memory_space<vmem>>, %arg3: memref<1000x128xf32, #tpu.memory_space<vmem>>, %arg4: memref<1000x128xf32, #tpu.memory_space<vmem>>) attributes {dimension_semantics = [#tpu.dimension_semantics<arbitrary>], iteration_bounds = array<i64: 10>, scalar_prefetch = 0 : i64, scratch_operands = 0 : i64, tpu.core_type = #tpu.core_type<tc>, window_params = [{transform_indices = @transform_0, window_bounds = array<i64: 1000, 256>}, {pipeline_mode = #tpu.pipeline_mode<synchronous>, transform_indices = @transform_1, window_bounds = array<i64: 256, 256>}, {transform_indices = @transform_2, window_bounds = array<i64: 1000, 128>}, {transform_indices = @transform_3, window_bounds = array<i64: 1000, 128>}]} {
    %get3A = arith.constant 0 : index
    %get3A_0 = arith.constant 0 : index
    %get3A_1 = vector.load %arg1[%get3A, %get3A_0] : memref<1000x256xf32, #tpu.memory_space<vmem>>, vector<1000x256xf32>
    %get3A_2 = arith.constant 0 : index
    %get3A_3 = arith.constant 0 : index
    %get3A_4 = vector.load %arg2[%get3A_2, %get3A_3] : memref<256x256xf32, #tpu.memory_space<vmem>>, vector<256x256xf32>
    %dot_general3A = arith.constant dense<0.000000e+00> : vector<1000x256xf32>
    %dot_general3A_5 = tpu.matmul %get3A_1, %get3A_4, %dot_general3A {dimension_numbers = #tpu.dot_dimension_numbers<[1], [0], [0], [1], [0, 0, 1, 1], [], []>, transpose_lhs_hint = false} : vector<1000x256xf32>, vector<256x256xf32>, vector<1000x256xf32> -> vector<1000x256xf32>
    %slice3A = vector.extract_strided_slice %dot_general3A_5 {offsets = [0, 0], sizes = [1000, 128], strides = [1, 1]} : vector<1000x256xf32> to vector<1000x128xf32>
    %swap3A = arith.constant 0 : index
    %swap3A_6 = arith.constant 0 : index
    %swap3A_7 = vector.load %arg3[%swap3A, %swap3A_6] : memref<1000x128xf32, #tpu.memory_space<vmem>>, vector<1000x128xf32>
    tpu.vector_store %arg3[%swap3A, %swap3A_6], %slice3A {strides = array<i32>} : memref<1000x128xf32, #tpu.memory_space<vmem>>, vector<1000x128xf32>,
    %slice3A_8 = vector.extract_strided_slice %dot_general3A_5 {offsets = [0, 128], sizes = [1000, 128], strides = [1, 1]} : vector<1000x256xf32> to vector<1000x128xf32>
    %swap3A_9 = arith.constant 0 : index
    %swap3A_10 = arith.constant 0 : index
    %swap3A_11 = vector.load %arg4[%swap3A_9, %swap3A_10] : memref<1000x128xf32, #tpu.memory_space<vmem>>, vector<1000x128xf32>
    tpu.vector_store %arg4[%swap3A_9, %swap3A_10], %slice3A_8 {strides = array<i32>} : memref<1000x128xf32, #tpu.memory_space<vmem>>, vector<1000x128xf32>,
    return
  }
  func.func @transform_0(%arg0: i32) -> (i32, i32) {
    %c0_i32 = arith.constant 0 : i32
    %c0_i32_0 = arith.constant 0 : i32
    return %arg0, %c0_i32 : i32, i32
  }
  func.func @transform_1(%arg0: i32) -> (i32, i32) {
    %c0_i32 = arith.constant 0 : i32
    %c0_i32_0 = arith.constant 0 : i32
    %c0_i32_1 = arith.constant 0 : i32
    return %c0_i32, %c0_i32_0 : i32, i32
  }
  func.func @transform_2(%arg0: i32) -> (i32, i32) {
    %c0_i32 = arith.constant 0 : i32
    %c0_i32_0 = arith.constant 0 : i32
    return %arg0, %c0_i32 : i32, i32
  }
  func.func @transform_3(%arg0: i32) -> (i32, i32) {
    %c0_i32 = arith.constant 0 : i32
    %c0_i32_0 = arith.constant 0 : i32
    return %arg0, %c0_i32 : i32, i32
  }
}

module attributes {stable_mosaic.version = 14 : i64} {
  func.func @_scale_body(%arg0: i32, %arg1: memref<1000x128xf32, #tpu.memory_space<vmem>>, %arg2: memref<1000x128xf32, #tpu.memory_space<vmem>>, %arg3: memref<1000x128xf32, #tpu.memory_space<vmem>>, %arg4: memref<1000x128xf32, #tpu.memory_space<vmem>>, %arg5: memref<1000x128xf32, #tpu.memory_space<vmem>>, %arg6: memref<1000x128xf32, #tpu.memory_space<vmem>>, %arg7: memref<1000x1xf32, #tpu.memory_space<vmem>>) attributes {dimension_semantics = [#tpu.dimension_semantics<arbitrary>], iteration_bounds = array<i64: 10>, scalar_prefetch = 0 : i64, scratch_operands = 0 : i64, tpu.core_type = #tpu.core_type<tc>, window_params = [{transform_indices = @transform_0, window_bounds = array<i64: 1000, 128>}, {transform_indices = @transform_1, window_bounds = array<i64: 1000, 128>}, {transform_indices = @transform_2, window_bounds = array<i64: 1000, 128>}, {transform_indices = @transform_3, window_bounds = array<i64: 1000, 128>}, {transform_indices = @transform_4, window_bounds = array<i64: 1000, 128>}, {transform_indices = @transform_5, window_bounds = array<i64: 1000, 128>}, {transform_indices = @transform_6, window_bounds = array<i64: 1000, 1>}]} {
    %get3A = arith.constant 0 : index
    %get3A_0 = arith.constant 0 : index
    %get3A_1 = vector.load %arg3[%get3A, %get3A_0] : memref<1000x128xf32, #tpu.memory_space<vmem>>, vector<1000x1xf32>
    %get3A_2 = arith.constant 0 : index
    %get3A_3 = arith.constant 0 : index
    %get3A_4 = vector.load %arg4[%get3A_2, %get3A_3] : memref<1000x128xf32, #tpu.memory_space<vmem>>, vector<1000x1xf32>
    %add3A = arith.addf %get3A_1, %get3A_4 : vector<1000x1xf32>
    %add3A_5 = arith.constant 1.000000e+00 : f32
    %add3A_6 = vector.broadcast %add3A_5 : f32 to vector<1000x1xf32>
    %add3A_7 = arith.addf %add3A, %add3A_6 : vector<1000x1xf32>
    %rsqrt3A = math.rsqrt %add3A_7 : vector<1000x1xf32>
    %get3A_8 = arith.constant 0 : index
    %get3A_9 = arith.constant 0 : index
    %get3A_10 = vector.load %arg1[%get3A_8, %get3A_9] : memref<1000x128xf32, #tpu.memory_space<vmem>>, vector<1000x128xf32>
    %mul3A = vector.broadcast %rsqrt3A : vector<1000x1xf32> to vector<1000x128xf32>
    %mul3A_11 = arith.mulf %get3A_10, %mul3A : vector<1000x128xf32>
    %swap3A = arith.constant 0 : index
    %swap3A_12 = arith.constant 0 : index
    %swap3A_13 = vector.load %arg5[%swap3A, %swap3A_12] : memref<1000x128xf32, #tpu.memory_space<vmem>>, vector<1000x128xf32>
    tpu.vector_store %arg5[%swap3A, %swap3A_12], %mul3A_11 {strides = array<i32>} : memref<1000x128xf32, #tpu.memory_space<vmem>>, vector<1000x128xf32>,
    %get3A_14 = arith.constant 0 : index
    %get3A_15 = arith.constant 0 : index
    %get3A_16 = vector.load %arg2[%get3A_14, %get3A_15] : memref<1000x128xf32, #tpu.memory_space<vmem>>, vector<1000x128xf32>
    %mul3A_17 = vector.broadcast %rsqrt3A : vector<1000x1xf32> to vector<1000x128xf32>
    %mul3A_18 = arith.mulf %get3A_16, %mul3A_17 : vector<1000x128xf32>
    %swap3A_19 = arith.constant 0 : index
    %swap3A_20 = arith.constant 0 : index
    %swap3A_21 = vector.load %arg6[%swap3A_19, %swap3A_20] : memref<1000x128xf32, #tpu.memory_space<vmem>>, vector<1000x128xf32>
    tpu.vector_store %arg6[%swap3A_19, %swap3A_20], %mul3A_18 {strides = array<i32>} : memref<1000x128xf32, #tpu.memory_space<vmem>>, vector<1000x128xf32>,
    %swap3A_22 = arith.constant 0 : index
    %swap3A_23 = arith.constant 0 : index
    %swap3A_24 = vector.load %arg7[%swap3A_22, %swap3A_23] : memref<1000x1xf32, #tpu.memory_space<vmem>>, vector<1000x1xf32>
    tpu.vector_store %arg7[%swap3A_22, %swap3A_23], %rsqrt3A {strides = array<i32>} : memref<1000x1xf32, #tpu.memory_space<vmem>>, vector<1000x1xf32>,
    return
  }
  func.func @transform_0(%arg0: i32) -> (i32, i32) {
    %c0_i32 = arith.constant 0 : i32
    %c0_i32_0 = arith.constant 0 : i32
    return %arg0, %c0_i32 : i32, i32
  }
  func.func @transform_1(%arg0: i32) -> (i32, i32) {
    %c0_i32 = arith.constant 0 : i32
    %c0_i32_0 = arith.constant 0 : i32
    return %arg0, %c0_i32 : i32, i32
  }
  func.func @transform_2(%arg0: i32) -> (i32, i32) {
    %c0_i32 = arith.constant 0 : i32
    %c0_i32_0 = arith.constant 0 : i32
    return %arg0, %c0_i32 : i32, i32
  }
  func.func @transform_3(%arg0: i32) -> (i32, i32) {
    %c0_i32 = arith.constant 0 : i32
    %c0_i32_0 = arith.constant 0 : i32
    return %arg0, %c0_i32 : i32, i32
  }
  func.func @transform_4(%arg0: i32) -> (i32, i32) {
    %c0_i32 = arith.constant 0 : i32
    %c0_i32_0 = arith.constant 0 : i32
    return %arg0, %c0_i32 : i32, i32
  }
  func.func @transform_5(%arg0: i32) -> (i32, i32) {
    %c0_i32 = arith.constant 0 : i32
    %c0_i32_0 = arith.constant 0 : i32
    return %arg0, %c0_i32 : i32, i32
  }
  func.func @transform_6(%arg0: i32) -> (i32, i32) {
    %c0_i32 = arith.constant 0 : i32
    %c0_i32_0 = arith.constant 0 : i32
    return %arg0, %c0_i32 : i32, i32
  }
}

module attributes {stable_mosaic.version = 14 : i64} {
  func.func @_mm2_body(%arg0: i32, %arg1: memref<1000x128xf32, #tpu.memory_space<vmem>>, %arg2: memref<1000x128xf32, #tpu.memory_space<vmem>>, %arg3: memref<1000x1xf32, #tpu.memory_space<vmem>>, %arg4: memref<1x128xf32, #tpu.memory_space<vmem>>, %arg5: memref<1x128xf32, #tpu.memory_space<vmem>>, %arg6: memref<128x64xf32, #tpu.memory_space<vmem>>, %arg7: memref<128x64xf32, #tpu.memory_space<vmem>>, %arg8: memref<1000x128xf32, #tpu.memory_space<vmem>>) attributes {dimension_semantics = [#tpu.dimension_semantics<arbitrary>], iteration_bounds = array<i64: 10>, scalar_prefetch = 0 : i64, scratch_operands = 0 : i64, tpu.core_type = #tpu.core_type<tc>, window_params = [{transform_indices = @transform_0, window_bounds = array<i64: 1000, 128>}, {transform_indices = @transform_1, window_bounds = array<i64: 1000, 128>}, {transform_indices = @transform_2, window_bounds = array<i64: 1000, 1>}, {pipeline_mode = #tpu.pipeline_mode<synchronous>, transform_indices = @transform_3, window_bounds = array<i64: 1, 128>}, {pipeline_mode = #tpu.pipeline_mode<synchronous>, transform_indices = @transform_4, window_bounds = array<i64: 1, 128>}, {pipeline_mode = #tpu.pipeline_mode<synchronous>, transform_indices = @transform_5, window_bounds = array<i64: 128, 64>}, {pipeline_mode = #tpu.pipeline_mode<synchronous>, transform_indices = @transform_6, window_bounds = array<i64: 128, 64>}, {transform_indices = @transform_7, window_bounds = array<i64: 1000, 128>}]} {
    %get3A = arith.constant 0 : index
    %get3A_0 = arith.constant 0 : index
    %get3A_1 = vector.load %arg3[%get3A, %get3A_0] : memref<1000x1xf32, #tpu.memory_space<vmem>>, vector<1000x1xf32>
    %get3A_2 = arith.constant 0 : index
    %get3A_3 = arith.constant 0 : index
    %get3A_4 = vector.load %arg1[%get3A_2, %get3A_3] : memref<1000x128xf32, #tpu.memory_space<vmem>>, vector<1000x128xf32>
    %mul3A = vector.broadcast %get3A_1 : vector<1000x1xf32> to vector<1000x128xf32>
    %mul3A_5 = arith.mulf %get3A_4, %mul3A : vector<1000x128xf32>
    %get3A_6 = arith.constant 0 : index
    %get3A_7 = arith.constant 0 : index
    %get3A_8 = vector.load %arg4[%get3A_6, %get3A_7] : memref<1x128xf32, #tpu.memory_space<vmem>>, vector<1x128xf32>
    %add3A = vector.broadcast %get3A_8 : vector<1x128xf32> to vector<1000x128xf32>
    %add3A_9 = arith.addf %mul3A_5, %add3A : vector<1000x128xf32>
    %max3A = arith.constant 0.000000e+00 : f32
    %max3A_10 = vector.broadcast %max3A : f32 to vector<1000x128xf32>
    %max3A_11 = arith.maximumf %add3A_9, %max3A_10 : vector<1000x128xf32>
    %get3A_12 = arith.constant 0 : index
    %get3A_13 = arith.constant 0 : index
    %get3A_14 = vector.load %arg2[%get3A_12, %get3A_13] : memref<1000x128xf32, #tpu.memory_space<vmem>>, vector<1000x128xf32>
    %mul3A_15 = vector.broadcast %get3A_1 : vector<1000x1xf32> to vector<1000x128xf32>
    %mul3A_16 = arith.mulf %get3A_14, %mul3A_15 : vector<1000x128xf32>
    %get3A_17 = arith.constant 0 : index
    %get3A_18 = arith.constant 0 : index
    %get3A_19 = vector.load %arg5[%get3A_17, %get3A_18] : memref<1x128xf32, #tpu.memory_space<vmem>>, vector<1x128xf32>
    %add3A_20 = vector.broadcast %get3A_19 : vector<1x128xf32> to vector<1000x128xf32>
    %add3A_21 = arith.addf %mul3A_16, %add3A_20 : vector<1000x128xf32>
    %max3A_22 = arith.constant 0.000000e+00 : f32
    %max3A_23 = vector.broadcast %max3A_22 : f32 to vector<1000x128xf32>
    %max3A_24 = arith.maximumf %add3A_21, %max3A_23 : vector<1000x128xf32>
    %get3A_25 = arith.constant 0 : index
    %get3A_26 = arith.constant 0 : index
    %get3A_27 = vector.load %arg6[%get3A_25, %get3A_26] : memref<128x64xf32, #tpu.memory_space<vmem>>, vector<128x64xf32>
    %dot_general3A = arith.constant dense<0.000000e+00> : vector<1000x64xf32>
    %dot_general3A_28 = tpu.matmul %max3A_11, %get3A_27, %dot_general3A {dimension_numbers = #tpu.dot_dimension_numbers<[1], [0], [0], [1], [0, 0, 1, 1], [], []>, transpose_lhs_hint = false} : vector<1000x128xf32>, vector<128x64xf32>, vector<1000x64xf32> -> vector<1000x64xf32>
    %get3A_29 = arith.constant 0 : index
    %get3A_30 = arith.constant 0 : index
    %get3A_31 = vector.load %arg7[%get3A_29, %get3A_30] : memref<128x64xf32, #tpu.memory_space<vmem>>, vector<128x64xf32>
    %dot_general3A_32 = arith.constant dense<0.000000e+00> : vector<1000x64xf32>
    %dot_general3A_33 = tpu.matmul %max3A_24, %get3A_31, %dot_general3A_32 {dimension_numbers = #tpu.dot_dimension_numbers<[1], [0], [0], [1], [0, 0, 1, 1], [], []>, transpose_lhs_hint = false} : vector<1000x128xf32>, vector<128x64xf32>, vector<1000x64xf32> -> vector<1000x64xf32>
    %add3A_34 = arith.addf %dot_general3A_28, %dot_general3A_33 : vector<1000x64xf32>
    %mul3A_35 = vector.broadcast %get3A_1 : vector<1000x1xf32> to vector<1000x64xf32>
    %mul3A_36 = arith.mulf %add3A_34, %mul3A_35 : vector<1000x64xf32>
    %jit3A = arith.constant 0 : i32
    %convert_element_type3A = arith.sitofp %jit3A : i32 to f32
    %pad3A = vector.broadcast %convert_element_type3A : f32 to vector<1000x64xf32>
    %pad3A_37 = tpu.concatenate %mul3A_36, %pad3A in 1 : vector<1000x64xf32>, vector<1000x64xf32> -> vector<1000x128xf32>
    %swap3A = arith.constant 0 : index
    %swap3A_38 = arith.constant 0 : index
    %swap3A_39 = vector.load %arg8[%swap3A, %swap3A_38] : memref<1000x128xf32, #tpu.memory_space<vmem>>, vector<1000x128xf32>
    tpu.vector_store %arg8[%swap3A, %swap3A_38], %pad3A_37 {strides = array<i32>} : memref<1000x128xf32, #tpu.memory_space<vmem>>, vector<1000x128xf32>,
    return
  }
  func.func @transform_0(%arg0: i32) -> (i32, i32) {
    %c0_i32 = arith.constant 0 : i32
    %c0_i32_0 = arith.constant 0 : i32
    return %arg0, %c0_i32 : i32, i32
  }
  func.func @transform_1(%arg0: i32) -> (i32, i32) {
    %c0_i32 = arith.constant 0 : i32
    %c0_i32_0 = arith.constant 0 : i32
    return %arg0, %c0_i32 : i32, i32
  }
  func.func @transform_2(%arg0: i32) -> (i32, i32) {
    %c0_i32 = arith.constant 0 : i32
    %c0_i32_0 = arith.constant 0 : i32
    return %arg0, %c0_i32 : i32, i32
  }
  func.func @transform_3(%arg0: i32) -> (i32, i32) {
    %c0_i32 = arith.constant 0 : i32
    %c0_i32_0 = arith.constant 0 : i32
    %c0_i32_1 = arith.constant 0 : i32
    return %c0_i32, %c0_i32_0 : i32, i32
  }
  func.func @transform_4(%arg0: i32) -> (i32, i32) {
    %c0_i32 = arith.constant 0 : i32
    %c0_i32_0 = arith.constant 0 : i32
    %c0_i32_1 = arith.constant 0 : i32
    return %c0_i32, %c0_i32_0 : i32, i32
  }
  func.func @transform_5(%arg0: i32) -> (i32, i32) {
    %c0_i32 = arith.constant 0 : i32
    %c0_i32_0 = arith.constant 0 : i32
    %c0_i32_1 = arith.constant 0 : i32
    return %c0_i32, %c0_i32_0 : i32, i32
  }
  func.func @transform_6(%arg0: i32) -> (i32, i32) {
    %c0_i32 = arith.constant 0 : i32
    %c0_i32_0 = arith.constant 0 : i32
    %c0_i32_1 = arith.constant 0 : i32
    return %c0_i32, %c0_i32_0 : i32, i32
  }
  func.func @transform_7(%arg0: i32) -> (i32, i32) {
    %c0_i32 = arith.constant 0 : i32
    %c0_i32_0 = arith.constant 0 : i32
    return %arg0, %c0_i32 : i32, i32
  }
}

module attributes {stable_mosaic.version = 14 : i64} {
  func.func @_dec_body(%arg0: i32, %arg1: memref<2048x128xf32, #tpu.memory_space<vmem>>, %arg2: memref<2048x128xf32, #tpu.memory_space<vmem>>, %arg3: memref<128x1xf32, #tpu.memory_space<vmem>>, %arg4: memref<1x1xf32, #tpu.memory_space<vmem>>, %arg5: memref<2048x1xf32, #tpu.memory_space<vmem>>) attributes {dimension_semantics = [#tpu.dimension_semantics<arbitrary>], iteration_bounds = array<i64: 32>, scalar_prefetch = 0 : i64, scratch_operands = 0 : i64, tpu.core_type = #tpu.core_type<tc>, window_params = [{transform_indices = @transform_0, window_bounds = array<i64: 2048, 128>}, {transform_indices = @transform_1, window_bounds = array<i64: 2048, 128>}, {pipeline_mode = #tpu.pipeline_mode<synchronous>, transform_indices = @transform_2, window_bounds = array<i64: 128, 1>}, {pipeline_mode = #tpu.pipeline_mode<synchronous>, transform_indices = @transform_3, window_bounds = array<i64: 1, 1>}, {transform_indices = @transform_4, window_bounds = array<i64: 2048, 1>}]} {
    %get3A = arith.constant 0 : index
    %get3A_0 = arith.constant 0 : index
    %get3A_1 = vector.load %arg1[%get3A, %get3A_0] : memref<2048x128xf32, #tpu.memory_space<vmem>>, vector<2048x128xf32>
    %get3A_2 = arith.constant 0 : index
    %get3A_3 = arith.constant 0 : index
    %get3A_4 = vector.load %arg2[%get3A_2, %get3A_3] : memref<2048x128xf32, #tpu.memory_space<vmem>>, vector<2048x128xf32>
    %add3A = arith.addf %get3A_1, %get3A_4 : vector<2048x128xf32>
    %max3A = arith.constant 0.000000e+00 : f32
    %max3A_5 = vector.broadcast %max3A : f32 to vector<2048x128xf32>
    %max3A_6 = arith.maximumf %add3A, %max3A_5 : vector<2048x128xf32>
    %get3A_7 = arith.constant 0 : index
    %get3A_8 = arith.constant 0 : index
    %get3A_9 = vector.load %arg3[%get3A_7, %get3A_8] : memref<128x1xf32, #tpu.memory_space<vmem>>, vector<128x1xf32>
    %dot_general3A = arith.constant dense<0.000000e+00> : vector<2048x1xf32>
    %dot_general3A_10 = tpu.matmul %max3A_6, %get3A_9, %dot_general3A {dimension_numbers = #tpu.dot_dimension_numbers<[1], [0], [0], [1], [0, 0, 1, 1], [], []>, transpose_lhs_hint = false} : vector<2048x128xf32>, vector<128x1xf32>, vector<2048x1xf32> -> vector<2048x1xf32>
    %get3A_11 = arith.constant 0 : index
    %get3A_12 = arith.constant 0 : index
    %get3A_13 = vector.load %arg4[%get3A_11, %get3A_12] : memref<1x1xf32, #tpu.memory_space<vmem>>, vector<1x1xf32>
    %add3A_14 = vector.broadcast %get3A_13 : vector<1x1xf32> to vector<2048x1xf32>
    %add3A_15 = arith.addf %dot_general3A_10, %add3A_14 : vector<2048x1xf32>
    %swap3A = arith.constant 0 : index
    %swap3A_16 = arith.constant 0 : index
    %swap3A_17 = vector.load %arg5[%swap3A, %swap3A_16] : memref<2048x1xf32, #tpu.memory_space<vmem>>, vector<2048x1xf32>
    tpu.vector_store %arg5[%swap3A, %swap3A_16], %add3A_15 {strides = array<i32>} : memref<2048x1xf32, #tpu.memory_space<vmem>>, vector<2048x1xf32>,
    return
  }
  func.func @transform_0(%arg0: i32) -> (i32, i32) {
    %c0_i32 = arith.constant 0 : i32
    %c0_i32_0 = arith.constant 0 : i32
    return %arg0, %c0_i32 : i32, i32
  }
  func.func @transform_1(%arg0: i32) -> (i32, i32) {
    %c0_i32 = arith.constant 0 : i32
    %c0_i32_0 = arith.constant 0 : i32
    return %arg0, %c0_i32 : i32, i32
  }
  func.func @transform_2(%arg0: i32) -> (i32, i32) {
    %c0_i32 = arith.constant 0 : i32
    %c0_i32_0 = arith.constant 0 : i32
    %c0_i32_1 = arith.constant 0 : i32
    return %c0_i32, %c0_i32_0 : i32, i32
  }
  func.func @transform_3(%arg0: i32) -> (i32, i32) {
    %c0_i32 = arith.constant 0 : i32
    %c0_i32_0 = arith.constant 0 : i32
    %c0_i32_1 = arith.constant 0 : i32
    return %c0_i32, %c0_i32_0 : i32, i32
  }
  func.func @transform_4(%arg0: i32) -> (i32, i32) {
    %c0_i32 = arith.constant 0 : i32
    %c0_i32_0 = arith.constant 0 : i32
    return %arg0, %c0_i32 : i32, i32
  }
}

module attributes {stable_mosaic.version = 14 : i64} {
  func.func @_pool_body(%arg0: memref<10008x128xf32, #tpu.memory_space<vmem>>, %arg1: memref<10008x128xf32, #tpu.memory_space<vmem>>, %arg2: memref<10000x1xf32, #tpu.memory_space<vmem>>, %arg3: memref<1x64xf32, #tpu.memory_space<vmem>>, %arg4: memref<64x1xf32, #tpu.memory_space<vmem>>, %arg5: memref<1x1xf32, #tpu.memory_space<vmem>>, %arg6: memref<64x64xf32, #tpu.memory_space<vmem>>, %arg7: memref<1x64xf32, #tpu.memory_space<vmem>>, %arg8: memref<64x128xf32, #tpu.memory_space<vmem>>, %arg9: memref<1x128xf32, #tpu.memory_space<vmem>>, %arg10: memref<64x128xf32, #tpu.memory_space<vmem>>, %arg11: memref<64x128xf32, #tpu.memory_space<vmem>>, %arg12: memref<1x128xf32, #tpu.memory_space<vmem>>, %arg13: memref<10008x128xf32, #tpu.memory_space<vmem>>, %arg14: memref<10008x128xf32, #tpu.memory_space<vmem>>) attributes {dimension_semantics = [], scalar_prefetch = 0 : i64, scratch_operands = 0 : i64, tpu.core_type = #tpu.core_type<tc>} {
    %get3A = arith.constant 0 : index
    %get3A_0 = arith.constant 0 : index
    %get3A_1 = vector.load %arg0[%get3A, %get3A_0] : memref<10008x128xf32, #tpu.memory_space<vmem>>, vector<10000x64xf32>
    %get3A_2 = arith.constant 0 : index
    %get3A_3 = arith.constant 0 : index
    %get3A_4 = vector.load %arg1[%get3A_2, %get3A_3] : memref<10008x128xf32, #tpu.memory_space<vmem>>, vector<10000x64xf32>
    %add3A = arith.addf %get3A_1, %get3A_4 : vector<10000x64xf32>
    %get3A_5 = arith.constant 0 : index
    %get3A_6 = arith.constant 0 : index
    %get3A_7 = vector.load %arg2[%get3A_5, %get3A_6] : memref<10000x1xf32, #tpu.memory_space<vmem>>, vector<10000x1xf32>
    %mul3A = vector.broadcast %get3A_7 : vector<10000x1xf32> to vector<10000x64xf32>
    %mul3A_8 = arith.mulf %add3A, %mul3A : vector<10000x64xf32>
    %get3A_9 = arith.constant 0 : index
    %get3A_10 = arith.constant 0 : index
    %get3A_11 = vector.load %arg3[%get3A_9, %get3A_10] : memref<1x64xf32, #tpu.memory_space<vmem>>, vector<1x64xf32>
    %add3A_12 = vector.broadcast %get3A_11 : vector<1x64xf32> to vector<10000x64xf32>
    %add3A_13 = arith.addf %mul3A_8, %add3A_12 : vector<10000x64xf32>
    %get3A_14 = arith.constant 0 : index
    %get3A_15 = arith.constant 0 : index
    %get3A_16 = vector.load %arg4[%get3A_14, %get3A_15] : memref<64x1xf32, #tpu.memory_space<vmem>>, vector<64x1xf32>
    %dot_general3A = arith.constant dense<0.000000e+00> : vector<10000x1xf32>
    %dot_general3A_17 = tpu.matmul %add3A_13, %get3A_16, %dot_general3A {dimension_numbers = #tpu.dot_dimension_numbers<[1], [0], [0], [1], [0, 0, 1, 1], [], []>, transpose_lhs_hint = false} : vector<10000x64xf32>, vector<64x1xf32>, vector<10000x1xf32> -> vector<10000x1xf32>
    %get3A_18 = arith.constant 0 : index
    %get3A_19 = arith.constant 0 : index
    %get3A_20 = vector.load %arg5[%get3A_18, %get3A_19] : memref<1x1xf32, #tpu.memory_space<vmem>>, vector<1x1xf32>
    %add3A_21 = vector.broadcast %get3A_20 : vector<1x1xf32> to vector<10000x1xf32>
    %add3A_22 = arith.addf %dot_general3A_17, %add3A_21 : vector<10000x1xf32>
    %reduce_max3A = arith.constant dense<0xFF800000> : vector<1xf32>
    %reduce_max3A_23 = vector.multi_reduction <maximumf>, %add3A_22, %reduce_max3A [0] : vector<10000x1xf32> to vector<1xf32>
    %broadcast_in_dim3A = vector.shape_cast %reduce_max3A_23 : vector<1xf32> to vector<1x1xf32>
    %sub3A = vector.broadcast %broadcast_in_dim3A : vector<1x1xf32> to vector<10000x1xf32>
    %sub3A_24 = arith.subf %add3A_22, %sub3A : vector<10000x1xf32>
    %exp3A = math.exp %sub3A_24 : vector<10000x1xf32>
    %reduce_sum3A = arith.constant dense<0.000000e+00> : vector<1xf32>
    %reduce_sum3A_25 = vector.multi_reduction <add>, %exp3A, %reduce_sum3A [0] : vector<10000x1xf32> to vector<1xf32>
    %broadcast_in_dim3A_26 = vector.shape_cast %reduce_sum3A_25 : vector<1xf32> to vector<1x1xf32>
    %div3A = vector.broadcast %broadcast_in_dim3A_26 : vector<1x1xf32> to vector<10000x1xf32>
    %div3A_27 = arith.divf %exp3A, %div3A : vector<10000x1xf32>
    %mul3A_28 = vector.broadcast %div3A_27 : vector<10000x1xf32> to vector<10000x64xf32>
    %mul3A_29 = arith.mulf %mul3A_28, %add3A_13 : vector<10000x64xf32>
    %reduce_sum3A_30 = arith.constant dense<0.000000e+00> : vector<64xf32>
    %reduce_sum3A_31 = vector.multi_reduction <add>, %mul3A_29, %reduce_sum3A_30 [0] : vector<10000x64xf32> to vector<64xf32>
    %broadcast_in_dim3A_32 = vector.shape_cast %reduce_sum3A_31 : vector<64xf32> to vector<1x64xf32>
    %get3A_33 = arith.constant 0 : index
    %get3A_34 = arith.constant 0 : index
    %get3A_35 = vector.load %arg6[%get3A_33, %get3A_34] : memref<64x64xf32, #tpu.memory_space<vmem>>, vector<64x64xf32>
    %dot_general3A_36 = arith.constant dense<0.000000e+00> : vector<1x64xf32>
    %dot_general3A_37 = tpu.matmul %broadcast_in_dim3A_32, %get3A_35, %dot_general3A_36 {dimension_numbers = #tpu.dot_dimension_numbers<[1], [0], [0], [1], [0, 0, 1, 1], [], []>, transpose_lhs_hint = false} : vector<1x64xf32>, vector<64x64xf32>, vector<1x64xf32> -> vector<1x64xf32>
    %get3A_38 = arith.constant 0 : index
    %get3A_39 = arith.constant 0 : index
    %get3A_40 = vector.load %arg7[%get3A_38, %get3A_39] : memref<1x64xf32, #tpu.memory_space<vmem>>, vector<1x64xf32>
    %add3A_41 = arith.addf %dot_general3A_37, %get3A_40 : vector<1x64xf32>
    %max3A = arith.constant 0.000000e+00 : f32
    %max3A_42 = vector.broadcast %max3A : f32 to vector<1x64xf32>
    %max3A_43 = arith.maximumf %add3A_41, %max3A_42 : vector<1x64xf32>
    %get3A_44 = arith.constant 0 : index
    %get3A_45 = arith.constant 0 : index
    %get3A_46 = vector.load %arg8[%get3A_44, %get3A_45] : memref<64x128xf32, #tpu.memory_space<vmem>>, vector<64x128xf32>
    %dot_general3A_47 = arith.constant dense<0.000000e+00> : vector<1x128xf32>
    %dot_general3A_48 = tpu.matmul %max3A_43, %get3A_46, %dot_general3A_47 {dimension_numbers = #tpu.dot_dimension_numbers<[1], [0], [0], [1], [0, 0, 1, 1], [], []>, transpose_lhs_hint = false} : vector<1x64xf32>, vector<64x128xf32>, vector<1x128xf32> -> vector<1x128xf32>
    %get3A_49 = arith.constant 0 : index
    %get3A_50 = arith.constant 0 : index
    %get3A_51 = vector.load %arg9[%get3A_49, %get3A_50] : memref<1x128xf32, #tpu.memory_space<vmem>>, vector<1x128xf32>
    %add3A_52 = arith.addf %dot_general3A_48, %get3A_51 : vector<1x128xf32>
    %slice3A = vector.extract_strided_slice %add3A_52 {offsets = [0, 0], sizes = [1, 64], strides = [1, 1]} : vector<1x128xf32> to vector<1x64xf32>
    %slice3A_53 = vector.extract_strided_slice %add3A_52 {offsets = [0, 64], sizes = [1, 64], strides = [1, 1]} : vector<1x128xf32> to vector<1x64xf32>
    %add3A_54 = arith.constant 1.000000e+00 : f32
    %add3A_55 = vector.broadcast %add3A_54 : f32 to vector<1x64xf32>
    %add3A_56 = arith.addf %add3A_55, %slice3A : vector<1x64xf32>
    %mul3A_57 = vector.broadcast %add3A_56 : vector<1x64xf32> to vector<10000x64xf32>
    %mul3A_58 = arith.mulf %add3A_13, %mul3A_57 : vector<10000x64xf32>
    %add3A_59 = vector.broadcast %slice3A_53 : vector<1x64xf32> to vector<10000x64xf32>
    %add3A_60 = arith.addf %mul3A_58, %add3A_59 : vector<10000x64xf32>
    %get3A_61 = arith.constant 0 : index
    %get3A_62 = arith.constant 0 : index
    %get3A_63 = vector.load %arg10[%get3A_61, %get3A_62] : memref<64x128xf32, #tpu.memory_space<vmem>>, vector<64x128xf32>
    %dot_general3A_64 = arith.constant dense<0.000000e+00> : vector<10000x128xf32>
    %dot_general3A_65 = tpu.matmul %add3A_60, %get3A_63, %dot_general3A_64 {dimension_numbers = #tpu.dot_dimension_numbers<[1], [0], [0], [1], [0, 0, 1, 1], [], []>, transpose_lhs_hint = false} : vector<10000x64xf32>, vector<64x128xf32>, vector<10000x128xf32> -> vector<10000x128xf32>
    %get3A_66 = arith.constant 0 : index
    %get3A_67 = arith.constant 0 : index
    %get3A_68 = vector.load %arg12[%get3A_66, %get3A_67] : memref<1x128xf32, #tpu.memory_space<vmem>>, vector<1x128xf32>
    %add3A_69 = vector.broadcast %get3A_68 : vector<1x128xf32> to vector<10000x128xf32>
    %add3A_70 = arith.addf %dot_general3A_65, %add3A_69 : vector<10000x128xf32>
    %get3A_71 = arith.constant 0 : index
    %get3A_72 = arith.constant 0 : index
    %get3A_73 = vector.load %arg11[%get3A_71, %get3A_72] : memref<64x128xf32, #tpu.memory_space<vmem>>, vector<64x128xf32>
    %dot_general3A_74 = arith.constant dense<0.000000e+00> : vector<10000x128xf32>
    %dot_general3A_75 = tpu.matmul %add3A_60, %get3A_73, %dot_general3A_74 {dimension_numbers = #tpu.dot_dimension_numbers<[1], [0], [0], [1], [0, 0, 1, 1], [], []>, transpose_lhs_hint = false} : vector<10000x64xf32>, vector<64x128xf32>, vector<10000x128xf32> -> vector<10000x128xf32>
    %jit3A = arith.constant 0 : i32
    %convert_element_type3A = arith.sitofp %jit3A : i32 to f32
    %pad3A = vector.broadcast %convert_element_type3A : f32 to vector<8x128xf32>
    %pad3A_76 = tpu.concatenate %add3A_70, %pad3A in 0 : vector<10000x128xf32>, vector<8x128xf32> -> vector<10008x128xf32>
    %swap3A = arith.constant 0 : index
    %swap3A_77 = arith.constant 0 : index
    %swap3A_78 = vector.load %arg13[%swap3A, %swap3A_77] : memref<10008x128xf32, #tpu.memory_space<vmem>>, vector<10008x128xf32>
    tpu.vector_store %arg13[%swap3A, %swap3A_77], %pad3A_76 {strides = array<i32>} : memref<10008x128xf32, #tpu.memory_space<vmem>>, vector<10008x128xf32>,
    %jit3A_79 = arith.constant 0 : i32
    %convert_element_type3A_80 = arith.sitofp %jit3A_79 : i32 to f32
    %pad3A_81 = vector.broadcast %convert_element_type3A_80 : f32 to vector<8x128xf32>
    %pad3A_82 = tpu.concatenate %dot_general3A_75, %pad3A_81 in 0 : vector<10000x128xf32>, vector<8x128xf32> -> vector<10008x128xf32>
    %swap3A_83 = arith.constant 0 : index
    %swap3A_84 = arith.constant 0 : index
    %swap3A_85 = vector.load %arg14[%swap3A_83, %swap3A_84] : memref<10008x128xf32, #tpu.memory_space<vmem>>, vector<10008x128xf32>
    tpu.vector_store %arg14[%swap3A_83, %swap3A_84], %pad3A_82 {strides = array<i32>} : memref<10008x128xf32, #tpu.memory_space<vmem>>, vector<10008x128xf32>,
    return
  }
}

module attributes {stable_mosaic.version = 14 : i64} {
  func.func @_dec_body(%arg0: i32, %arg1: memref<2048x128xf32, #tpu.memory_space<vmem>>, %arg2: memref<2048x128xf32, #tpu.memory_space<vmem>>, %arg3: memref<128x1xf32, #tpu.memory_space<vmem>>, %arg4: memref<1x1xf32, #tpu.memory_space<vmem>>, %arg5: memref<2048x1xf32, #tpu.memory_space<vmem>>) attributes {dimension_semantics = [#tpu.dimension_semantics<arbitrary>], iteration_bounds = array<i64: 48>, scalar_prefetch = 0 : i64, scratch_operands = 0 : i64, tpu.core_type = #tpu.core_type<tc>, window_params = [{transform_indices = @transform_0, window_bounds = array<i64: 2048, 128>}, {transform_indices = @transform_1, window_bounds = array<i64: 2048, 128>}, {pipeline_mode = #tpu.pipeline_mode<synchronous>, transform_indices = @transform_2, window_bounds = array<i64: 128, 1>}, {pipeline_mode = #tpu.pipeline_mode<synchronous>, transform_indices = @transform_3, window_bounds = array<i64: 1, 1>}, {transform_indices = @transform_4, window_bounds = array<i64: 2048, 1>}]} {
    %get3A = arith.constant 0 : index
    %get3A_0 = arith.constant 0 : index
    %get3A_1 = vector.load %arg1[%get3A, %get3A_0] : memref<2048x128xf32, #tpu.memory_space<vmem>>, vector<2048x128xf32>
    %get3A_2 = arith.constant 0 : index
    %get3A_3 = arith.constant 0 : index
    %get3A_4 = vector.load %arg2[%get3A_2, %get3A_3] : memref<2048x128xf32, #tpu.memory_space<vmem>>, vector<2048x128xf32>
    %add3A = arith.addf %get3A_1, %get3A_4 : vector<2048x128xf32>
    %max3A = arith.constant 0.000000e+00 : f32
    %max3A_5 = vector.broadcast %max3A : f32 to vector<2048x128xf32>
    %max3A_6 = arith.maximumf %add3A, %max3A_5 : vector<2048x128xf32>
    %get3A_7 = arith.constant 0 : index
    %get3A_8 = arith.constant 0 : index
    %get3A_9 = vector.load %arg3[%get3A_7, %get3A_8] : memref<128x1xf32, #tpu.memory_space<vmem>>, vector<128x1xf32>
    %dot_general3A = arith.constant dense<0.000000e+00> : vector<2048x1xf32>
    %dot_general3A_10 = tpu.matmul %max3A_6, %get3A_9, %dot_general3A {dimension_numbers = #tpu.dot_dimension_numbers<[1], [0], [0], [1], [0, 0, 1, 1], [], []>, transpose_lhs_hint = false} : vector<2048x128xf32>, vector<128x1xf32>, vector<2048x1xf32> -> vector<2048x1xf32>
    %get3A_11 = arith.constant 0 : index
    %get3A_12 = arith.constant 0 : index
    %get3A_13 = vector.load %arg4[%get3A_11, %get3A_12] : memref<1x1xf32, #tpu.memory_space<vmem>>, vector<1x1xf32>
    %add3A_14 = vector.broadcast %get3A_13 : vector<1x1xf32> to vector<2048x1xf32>
    %add3A_15 = arith.addf %dot_general3A_10, %add3A_14 : vector<2048x1xf32>
    %swap3A = arith.constant 0 : index
    %swap3A_16 = arith.constant 0 : index
    %swap3A_17 = vector.load %arg5[%swap3A, %swap3A_16] : memref<2048x1xf32, #tpu.memory_space<vmem>>, vector<2048x1xf32>
    tpu.vector_store %arg5[%swap3A, %swap3A_16], %add3A_15 {strides = array<i32>} : memref<2048x1xf32, #tpu.memory_space<vmem>>, vector<2048x1xf32>,
    return
  }
  func.func @transform_0(%arg0: i32) -> (i32, i32) {
    %c0_i32 = arith.constant 0 : i32
    %c0_i32_0 = arith.constant 0 : i32
    return %arg0, %c0_i32 : i32, i32
  }
  func.func @transform_1(%arg0: i32) -> (i32, i32) {
    %c0_i32 = arith.constant 0 : i32
    %c0_i32_0 = arith.constant 0 : i32
    return %arg0, %c0_i32 : i32, i32
  }
  func.func @transform_2(%arg0: i32) -> (i32, i32) {
    %c0_i32 = arith.constant 0 : i32
    %c0_i32_0 = arith.constant 0 : i32
    %c0_i32_1 = arith.constant 0 : i32
    return %c0_i32, %c0_i32_0 : i32, i32
  }
  func.func @transform_3(%arg0: i32) -> (i32, i32) {
    %c0_i32 = arith.constant 0 : i32
    %c0_i32_0 = arith.constant 0 : i32
    %c0_i32_1 = arith.constant 0 : i32
    return %c0_i32, %c0_i32_0 : i32, i32
  }
  func.func @transform_4(%arg0: i32) -> (i32, i32) {
    %c0_i32 = arith.constant 0 : i32
    %c0_i32_0 = arith.constant 0 : i32
    return %arg0, %c0_i32 : i32, i32
  }
}

</mosaic_0001>

<sc_bundles>
// kernel: kernel.13.cloned.1.call-start
scs
__scs_entry_jumppad:
0x0: {  	(pc) =	sbr.rel $0x88, $3  }
0x1: {  	(tag) =	ssettag $0x0;
	lr =	simm.s32 $0x1  }
0x2: {  	[smem:$0x3F91] =	sst lr;
	_ =	strace $0xD0000000  }
0x3: {  	_ = 	snop  }
0x4: {  	_ = 	snop  }
0x5: {  	_ = 	snop  }
0x6: {  	_ = 	snop  }
0x7: {  	_ = 	snop  }
__scs_overlays_trampoline_lowered:
0x8: {  	[smem:$0x3FA0] =	sst s0  }
0x9: {  	[smem:$0x3FA1] =	sst s1  }
0xa: {  	[smem:$0x3FA2] =	sst s2  }
0xb: {  	[smem:$0x3FA3] =	sst s3  }
0xc: {  	[smem:$0x3FA4] =	sst s4  }
0xd: {  	[smem:$0x3FA5] =	sst s5  }
0xe: {  	[smem:$0x3FA6] =	sst s6  }
0xf: {  	[smem:$0x3FA7] =	sst s7  }
0x10: {  	[smem:$0x3FA8] =	sst s8  }
0x11: {  	[smem:$0x3FA9] =	sst s9;
	s0 =	simm.s32 @!p0 $0x0  }
0x12: {  	s1 =	sld [smem:$0x3F8F];
	s0 =	simm.s32 @p0 $0x1  }
0x13: {  	[smem:$0x3FAA] =	sst s0;
	s0 =	simm.s32 @!p1 $0x0  }
0x14: {  	s2 =	sld [smem:$0x3F8E];
	s0 =	simm.s32 @p1 $0x1  }
0x15: {  	[smem:$0x3FAB] =	sst s0;
	s0 =	simm.s32 @!p2 $0x0  }
0x16: {  	s3 =	sld [smem:$0x3FDB];
	s0 =	simm.s32 @p2 $0x1  }
0x17: {  	s4 =	simm.s32 $0x1BF5;
	[smem:$0x3FAD] =	sst s0  }
0x18: {  	s0 =	sld [smem:$0x3F90];
	_ =	swait.ge [sflag:s4], $0x0  }
0x19: {  	s7 =	sld [smem:$0x3F91]  }
0x1a: {  	s8 =	sadd.s32 $0xFFFFE003, lr  }
0x1b: {  	s9 =	sadd.s32 $0xFFFFFEF7, lr;
	s5 =	simm.s32 $0xFFFFFFFF;
	p2 =	slt.u32 s8, $0xFFFFF086  }
0x1c: {  	p1 =	slt.u32 s9, $0xF7A;
	s5 =	simm.s32 @!p2 $0x0  }
0x1d: {  	s5 =	simm.s32 @p1 $0x1;
	p0 =	seq.s32 s7, s2  }
0x1e: {  	s7 =	smul.u32 @!p0 $0xF7A, s2;
	p2 =	seq.s32 @!p0 s5, $0x0  }
0x1f: {  	s9 =	smul.u32 $0xF7A, s1;
	s8 =	simm.s32 @!p0 $0x1BF5;
	p2 =	por !p2, p0  }
0x20: {  	[sflag:s8] =	ssyncset.s32 @!p0 $0xFFFFF086;
	s6 =	sadd.s32 @!p0 s3, s7;
	s7 =	simm.s32 @!p0 $0x108  }
0x21: {  	s3 =	sadd.s32 s3, s9;
	s6 =	sadd.s32 @!p0 $0x88, s6;
	s7 =	simm.s32 @p2 $0x1082  }
0x22: {  	[simem:s7], [sflag:s8] =	dma.local @!p0 [hbm:s6], $0xF7A  }
0x23: {  	s9 =	sor.u32 $0xD0000000, s2;
	s6 =	simm.s32 $0x108;
	_ =	swait.ge @!p0 [sflag:s8], $0x0  }
0x24: {  	s3 =	sadd.s32 $0x88, s3;
	s6 =	simm.s32 @!p1 $0x1082;
	[sflag:s4] =	ssyncset.s32 $0xFFFFF086  }
0x25: {  	[simem:s6], [sflag:s4] =	dma.local [hbm:s3], $0xF7A  }
0x26: {  	[smem:$0x3F91] =	sst s1;
	(tag) =	ssettag s2;
	_ =	strace s9  }
0x27: {  	s1 =	sld [smem:$0x3FA1]  }
0x28: {  	s2 =	sld [smem:$0x3FA2]  }
0x29: {  	s4 =	sld [smem:$0x3FA4]  }
0x2a: {  	p0 =	seq.s32 s5, $0x0;
	s5 =	sld [smem:$0x3FA5]  }
0x2b: {  	s6 =	sld [smem:$0x3FA6]  }
0x2c: {  	s7 =	sld [smem:$0x3FA7]  }
0x2d: {  	s3 =	simm.s32 $0x108;
	s8 =	sld [smem:$0x3FA8]  }
0x2e: {  	s3 =	simm.s32 @!p0 $0x1082;
	s9 =	sld [smem:$0x3FA9]  }
0x2f: {  	lr =	sadd.s32 s0, s3;
	s0 =	sld [smem:$0x3FA0]  }
0x30: {  	s3 =	sld [smem:$0x3FA3]  }
0x31: {  	[smem:$0x3FAC] =	sst s10  }
0x32: {  	s10 =	sld [smem:$0x3FAA];
	_ =	sdelay $0x3  }
0x33: {  	p0 =	seq.s32 s10, $0x1;
	s10 =	sld [smem:$0x3FAC];
	_ =	sdelay $0x3  }
0x34: {  	[smem:$0x3FAC] =	sst s10  }
0x35: {  	s10 =	sld [smem:$0x3FAB];
	_ =	sdelay $0x3  }
0x36: {  	p1 =	seq.s32 s10, $0x1;
	s10 =	sld [smem:$0x3FAC];
	_ =	sdelay $0x3  }
0x37: {  	[smem:$0x3FAC] =	sst s10  }
0x38: {  	s10 =	sld [smem:$0x3FAD]  }
0x39: {  	_ = 	snop;
	(pc) =	sbr.ind lr, $3  }
0x3a: {  	_ = 	snop  }
0x3b: {  	_ = 	snop  }
0x3c: {  	p2 =	seq.s32 s10, $0x1;
	s10 =	sld [smem:$0x3FAC]  }
0x3d: {  	_ =	shalt  }
0x3e: {  	_ =	shalt  }
0x3f: {  	_ =	shalt  }
0x40: {  	_ =	shalt  }
0x41: {  	_ =	shalt  }
0x42: {  	_ =	shalt  }
0x43: {  	_ =	shalt  }
0x44: {  	_ =	shalt  }
0x45: {  	_ =	shalt  }
0x46: {  	_ =	shalt  }
0x47: {  	_ =	shalt  }
0x48: {  	_ =	shalt  }
0x49: {  	_ =	shalt  }
0x4a: {  	_ =	shalt  }
0x4b: {  	_ =	shalt  }
0x4c: {  	_ =	shalt  }
0x4d: {  	_ =	shalt  }
0x4e: {  	_ =	shalt  }
0x4f: {  	_ =	shalt  }
0x50: {  	_ =	shalt  }
0x51: {  	_ =	shalt  }
0x52: {  	_ =	shalt  }
0x53: {  	_ =	shalt  }
0x54: {  	_ =	shalt  }
0x55: {  	_ =	shalt  }
0x56: {  	_ =	shalt  }
0x57: {  	_ =	shalt  }
0x58: {  	_ =	shalt  }
0x59: {  	_ =	shalt  }
0x5a: {  	_ =	shalt  }
0x5b: {  	_ =	shalt  }
0x5c: {  	_ =	shalt  }
0x5d: {  	_ =	shalt  }
0x5e: {  	_ =	shalt  }
0x5f: {  	_ =	shalt  }
0x60: {  	_ =	shalt  }
0x61: {  	_ =	shalt  }
0x62: {  	_ =	shalt  }
0x63: {  	_ =	shalt  }
0x64: {  	_ =	shalt  }
0x65: {  	_ =	shalt  }
0x66: {  	_ =	shalt  }
0x67: {  	_ =	shalt  }
0x68: {  	_ =	shalt  }
0x69: {  	_ =	shalt  }
0x6a: {  	_ =	shalt  }
0x6b: {  	_ =	shalt  }
0x6c: {  	_ =	shalt  }
0x6d: {  	_ =	shalt  }
0x6e: {  	_ =	shalt  }
0x6f: {  	_ =	shalt  }
0x70: {  	_ =	shalt  }
0x71: {  	_ =	shalt  }
0x72: {  	_ =	shalt  }
0x73: {  	_ =	shalt  }
0x74: {  	_ =	shalt  }
0x75: {  	_ =	shalt  }
0x76: {  	_ =	shalt  }
0x77: {  	_ =	shalt  }
0x78: {  	_ =	shalt  }
0x79: {  	_ =	shalt  }
0x7a: {  	_ =	shalt  }
0x7b: {  	_ =	shalt  }
0x7c: {  	_ =	shalt  }
0x7d: {  	_ =	shalt  }
0x7e: {  	_ =	shalt  }
0x7f: {  	_ =	shalt  }
0x80: {  	_ =	shalt  }
0x81: {  	_ =	shalt  }
0x82: {  	_ =	shalt  }
0x83: {  	_ =	shalt  }
0x84: {  	_ =	shalt  }
0x85: {  	_ =	shalt  }
0x86: {  	_ =	shalt  }
0x87: {  	_ =	shalt  }
.Lfunc_end0:
.L_simem_size_0:
called_computation_lowered:
.L_overlay_start_0:
0x88: {  	s2 =	sld [smem:$0x3FD9]  }
0x89: {  	s3 =	sld [smem:$0x3FFE];
	_ =	sdelay $0x1  }
0x8a: {  	s1 =	srdreg.scid  }
0x8b: {  	s0 =	sand.u32 $0x1, s1  }
0x8c: {  	s17 =	sshll.u32 s0, $0xA;
	s2 =	sadd.s32 s3, s2  }
0x8d: {  	s2 =	sadd.s32 s2, s17  }
0x8e: {  	[smem:$0x3FB8] =	sst s2  }
0x8f: {  	_ = 	snop  }
0x90: {  	s2 =	sld [smem:$0x3FD0];
	(tm) =	ssettm $0x1  }
0x91: {  	s18 =	sld [smem:$0x3FFB];
	_ =	sdelay $0x3  }
0x92: {  	_ =	strace s18  }
0x93: {  	s3 =	sld [smem:$0x3FFC];
	_ =	sdelay $0x3  }
0x94: {  	_ =	strace s3  }
0x95: {  	s3 =	sld [smem:$0x3FFD];
	_ =	sdelay $0x3  }
0x96: {  	_ =	strace s3  }
0x97: {  	_ =	strace $0x8FFFFFFF  }
0x98: {  	s19 =	sld [smem:$0x3FDB];
	_ =	sdelay $0x1  }
0x99: {  	s4 =	simm.s32 $_scs_section_size  }
0x9a: {  	s5 =	simm.s32 $_size__tile_overlayer_lowered;
	s6 =	simm.s32 $_tile_overlayer_lowered  }
0x9b: {  	s22 =	simm.s32 $0x1BFF;
	s21 =	sshll.u32 s6, $0x1;
	s3 =	sadd.s32 s4, s19  }
0x9c: {  	s7 =	simm.s32 $0x0;
	s20 =	sshll.u32 s5, $0x1;
	s5 =	sadd.s32 s21, s3  }
0x9d: {  	[timem:s7], [sflag:s22] =	dma.local [hbm:s5], s20  }
0x9e: {  	_ =	swait.ge [sflag:s22], s20  }
0x9f: {  	s4 =	ssub.s32 $0x0, s20;
	[sflag:s22] =	ssyncset.done $0x0  }
0xa0: {  	[sflag:s22] =	ssyncadd.s32 s4;
	_ =	sdelay $0x1  }
0xa1: {  	s23 =	simm.s32 $0x1B8B  }
0xa2: {  	_ =	swait.ge [sflag:s23], $0x1  }
0xa3: {  	[sflag:s23] =	ssyncset.done $0x0  }
0xa4: {  	s25 =	simm.s32 $0x1B8E;
	s24 =	sld [smem:$0x3FFE];
	[sflag:s23] =	ssyncadd.s32 $0xFFFFFFFF  }
0xa5: {  	s26 =	simm.s32 $execute0_lowered;
	[smem:$0x3FD2] =	sst s25  }
0xa6: {  	s5 =	sshll.u32 s26, $0x1;
	_ =	strace $0x80000046;
	[dreg:$0x1] =	wrdreg $0xFFFFFFFF  }
0xa7: {  	s28 =	simm.s32 $_size_execute0_lowered;
	s3 =	sadd.s32 s3, s5;
	[dreg:$0x0] =	wrdreg $0x0  }
0xa8: {  	s5 =	sshll.u32 s28, $0x1;
	[dreg:$0x2] =	wrdreg s3  }
0xa9: {  	[dreg:$0x3] =	wrdreg s5  }
0xaa: {  	[dreg:$0x4] =	wrdreg $0xC0  }
0xab: {  	_ =	task [dreg:s7], $0x5FFFF  }
0xac: {  	[dreg:$0x1] =	wrdreg $0xFFFFFFFF  }
0xad: {  	[dreg:$0x0] =	wrdreg $0x60  }
0xae: {  	[dreg:$0x2] =	wrdreg s24  }
0xaf: {  	[dreg:$0x3] =	wrdreg s2  }
0xb0: {  	[dreg:$0x4] =	wrdreg $0x54000  }
0xb1: {  	[dreg:$0x5] =	wrdreg $0x9  }
0xb2: {  	_ =	task.clear_ibuf [dreg:s7], $0x6FFFF;
	_ =	strace $0x90000046  }
0xb3: {  	s29 =	simm.s32 $0x9;
	_ =	strace $0x80000048  }
0xb4: {  	_ =	swait.ge [sflag:s29], $0x1  }
0xb5: {  	[sflag:s29] =	ssyncadd.s32 $0xFFFFFFFF  }
0xb6: {  	_ =	strace $0x90000048  }
0xb7: {  	_ =	sfence  }
0xb8: {  	s30 =	sld [smem:$0x0];
	_ =	sdelay $0x2  }
0xb9: {  	s31 =	sshll.u32 s1, $0xD;
	s1 =	sshrl.u32 s1, $0x2  }
0xba: {  	s3 =	sand.u32 $0x4000, s31;
	s1 =	sadd.s32 s1, s30  }
0xbb: {  	s0 =	sor.u32 s3, s0;
	s1 =	sshll.u32 s1, $0x11  }
0xbc: {  	s0 =	sor.u32 s1, s0  }
0xbd: {  	s0 =	sadd.s32 $0x8F2B, s0  }
0xbe: {  	[sflag:s0] =	ssyncadd.remote.s32 $0x1  }
0xbf: {  	_ =	sfence.sel $0xFFFF  }
0xc0: {  	[dreg:$0x0] =	wrdreg $0xFFFFFFFF;
	(pc) =	sbr.abs _section_cstart, $3  }
0xc1: {  	[dreg:$0x1] =	wrdreg $0xFFFFFFFF  }
0xc2: {  	_ =	task.clear_ibuf [dreg:s7], $0x2FFFF;
	_ =	strace $0x9FFFFFFF  }
0xc3: {  	(tm) =	ssettm $0x7FFFFFFF  }
tec
execute0_lowered:
.L_overlay_start_1:
0x0: {  	(tag) =	ssettag $0x1  }
0x1: {  	s6 =	rddreg [dreg:$0x0]  }
0x2: {  	s0 =	srdreg.scid;
	s1 =	rddreg [dreg:$0x1]  }
0x3: {  	s11 =	stileid.u32;
	s2 =	rddreg [dreg:$0x2]  }
0x4: {  	s3 =	simm.s32 $0x0;
	s12 =	simm.s32 $0x80;
	s16 =	simm.s32 $0x0  }
0x5: {  	s8 =	sand.u32 $0x1, s0;
	[smem:$0x7FF] =	sst s3;
	s5 =	sadd.s32 $0x36600, s6  }
0x6: {  	p0 =	seq.s32 s11, $0x0;
	s0 =	sshll.u32 s8, $0x4;
	s9 =	ssub.s32 $0x2, s8  }
0x7: {  	p1 =	seq.s32 s8, $0x1;
	s31 =	sor.u32 s11, s8;
	s4 =	sor.u32 s11, s0  }
0x8: {  	s0 =	rddreg [dreg:$0x3];
	_ =	strace $0x80000047;
	s10 =	sshrl.u32 s9, $0x1  }
0x9: {  	p0 =	por !p0, !p1;
	p2 =	sne.s32 s31, $0x0;
	s4 =	smul.u32 $0x280, s4  }
0xa: {  	s9 =	ssub.s32 s9, s10;
	p1 =	por !p0, !p0;
	p0 =	sne.s32 s11, $0x0  }
0xb: {  	s10 =	simm.s32 $0x1400;
	s13 =	sshll.u32 @!p2 s11, $0x6;
	s11 =	simm.s32 $0x1  }
0xc: {  	s14 =	sshrl.u32 @!p2 s2, $0x3;
	s8 =	smax.u32 s9, $0x1;
	s9 =	sshrl.u32 @!p0 s2, $0x3  }
0xd: {  	s13 =	sor.u32 @!p2 $0x1C01, s13;
	s15 =	sshrl.u32 @p1 s2, $0x3;
	s7 =	sadd.s32 s4, s6  }
0xe: {  	s4 =	sadd.s32 $0xF400, s6;
	s6 =	sadd.s32 $0x5D800, s6;
	s7 =	sadd.s32 $0xA400, s7  }
.LBB2_1:
0xf: {  	s17 =	simm.s32 @!p0 $0x1C01  }
0x10: {  	[spmem:s9], [sflag:s17] =	dma.local @!p0 [hbm:s4], $0x27180  }
0x11: {  	s17 =	simm.s32 @!p0 $0x1  }
0x12: {  	_ =	swait.ge @!p0 [sflag:s17], $0x27180  }
0x13: {  	[sflag:s17] =	ssyncset.done @!p0 $0x0  }
0x14: {  	[sflag:s17] =	ssyncadd.s32 @!p0 $0xFFFD8E80  }
0x15: {  	[tilespmem:s10], [sflag:$0x1] =	stream.linear.gather [hbm4b:s1+s3], $0x4000, $0x38;
	[tilespmem:$0x18CC0] =	vst v63  }
0x16: {  	_ =	swait.ge [sflag:s11], $0x4000  }
0x17: {  	[sflag:s11] =	ssyncset.done $0x0  }
0x18: {  	[sflag:s11] =	ssyncadd.s32 $0xFFFFC000  }
0x19: {  	[tilespmem:s3], [sflag:$0x1] =	stream.linear.gather [hbm4b:s7+s3], $0x1400, $0x38;
	[tilespmem:$0x18CC0] =	vst v63  }
0x1a: {  	_ =	swait.ge [sflag:s11], $0x1400  }
0x1b: {  	[sflag:s11] =	ssyncset.done $0x0  }
0x1c: {  	[sflag:s11] =	ssyncadd.s32 $0xFFFFEC00  }
0x1d: {  	s31 =	simm.s32 $0x0;
	[bflag:$0x0] =	sbarrier.arrive $0xFFFF  }
0x1e: {  	[spmem:s2] =	stream.indirect.scatter.add.f32 [tilespmem:s10], [sflag:$0x1], $0x80, s31, s12, $0xb8;
	[tilespmem:$0x18CC0] =	vst v63  }
0x1f: {  	_ =	swait.ge [sflag:s11], $0x4000  }
0x20: {  	s17 =	simm.s32 $0x200;
	[sflag:s11] =	ssyncset.done $0x0  }
.LBB2_2:
0x21: {  	s18 =	sshra.s32 s17, $0x2;
	[sflag:s11] =	ssyncadd.s32 $0xFFFFC000;
	p3 =	sne.s32 s17, $0x4E00  }
0x22: {  	[spmem:s2] =	stream.indirect.scatter.add.f32 [tilespmem:s10], [sflag:$0x1], $0x80, s18, s12, $0xb8;
	[tilespmem:$0x18CC0] =	vst v63  }
.Ltmp0:
0x23: {  	_ = 	snop;
	(pc) =	sbr.rel @p3 .LBB2_2-.Ltmp0, $4  }
0x24: {  	_ = 	snop  }
0x25: {  	s17 =	sadd.s32 $0x200, s17  }
0x26: {  	_ =	swait.ge [sflag:s11], $0x4000  }
0x27: {  	[sflag:s11] =	ssyncset.done $0x0  }
0x28: {  	[sflag:s11] =	ssyncadd.s32 $0xFFFFC000  }
0x29: {  	s17 =	simm.s32 @!p2 $0x1;
	[bflag:$0x0] =	sbarrier.arrive $0xFFFF  }
0x2a: {  	[hbm:s5], [sflag:s13] =	dma.local @!p2 [spmem:s14], $0x27180  }
0x2b: {  	_ =	swait.ge @!p2 [sflag:s17], $0x27180  }
0x2c: {  	s16 =	sadd.s32 $0x1, s16;
	[sflag:s17] =	ssyncset.done @!p2 $0x0  }
0x2d: {  	p3 =	sne.s32 s16, s8;
	[sflag:s17] =	ssyncadd.s32 @!p2 $0xFFFD8E80;
	s17 =	simm.s32 @p1 $0x1C01  }
0x2e: {  	[hbm:s6], [sflag:s17] =	dma.local @p1 [spmem:s15], $0x27180  }
.Ltmp1:
0x2f: {  	_ = 	snop;
	(pc) =	sbr.rel @p3 .LBB2_1-.Ltmp1, $4  }
0x30: {  	s17 =	simm.s32 @p1 $0x1  }
0x31: {  	_ =	swait.ge @p1 [sflag:s17], $0x27180  }
0x32: {  	[sflag:s17] =	ssyncset.done @p1 $0x0  }
0x33: {  	[sflag:s17] =	ssyncadd.s32 @p1 $0xFFFD8E80  }
0x34: {  	_ =	sfence.sel $0x180000  }
0x35: {  	[bflag:$0x0] =	sbarrier.arrive $0xFFFF  }
0x36: {  	_ =	strace $0x90000047  }
0x37: {  	s0 =	sadd.s32 @!p0 $0x100000, s0;
	[bflag:$0x2] =	sbarrier.arrive $0xFFFF  }
0x38: {  	[sflag:s0] =	ssyncadd.tile.s32 @!p0 $0x1;
	_ =	shalt  }
.Lfunc_end2:
_tile_overlayer_lowered:
.L_overlay_start_2:
0x39: {  	(tag) =	ssettag $0x2  }
0x3a: {  	s0 =	rddreg [dreg:$0x0];
	s2 =	stileid.u32  }
0x3b: {  	s1 =	rddreg [dreg:$0x1];
	p0 =	sne.s32 s2, $0x0  }
0x3c: {  	s3 =	rddreg [dreg:$0x2];
	[bflag:$0x3] =	sbarrier.arrive $0xFFFF;
	s2 =	simm.s32 @!p0 $0x1C01  }
0x3d: {  	[timem:s3], [sflag:s2] =	dma.local @!p0 [hbm:s0], s1  }
0x3e: {  	s0 =	simm.s32 @!p0 $0x1  }
0x3f: {  	_ =	swait.ge @!p0 [sflag:s0], s1  }
0x40: {  	s1 =	ssub.s32 @!p0 $0x0, s1;
	[sflag:s0] =	ssyncset.done @!p0 $0x0  }
0x41: {  	[sflag:s0] =	ssyncadd.s32 @!p0 s1  }
0x42: {  	[bflag:$0x3] =	sbarrier.arrive $0xFFFF  }
0x43: {  	_ =	shalt  }

// kernel: kernel.16.cloned.1.call-start
scs
__scs_entry_jumppad:
0x0: {  	(pc) =	sbr.rel $0x88, $3  }
0x1: {  	(tag) =	ssettag $0x0;
	lr =	simm.s32 $0x1  }
0x2: {  	[smem:$0x3F91] =	sst lr;
	_ =	strace $0xD0000000  }
0x3: {  	_ = 	snop  }
0x4: {  	_ = 	snop  }
0x5: {  	_ = 	snop  }
0x6: {  	_ = 	snop  }
0x7: {  	_ = 	snop  }
__scs_overlays_trampoline_lowered:
0x8: {  	[smem:$0x3FA0] =	sst s0  }
0x9: {  	[smem:$0x3FA1] =	sst s1  }
0xa: {  	[smem:$0x3FA2] =	sst s2  }
0xb: {  	[smem:$0x3FA3] =	sst s3  }
0xc: {  	[smem:$0x3FA4] =	sst s4  }
0xd: {  	[smem:$0x3FA5] =	sst s5  }
0xe: {  	[smem:$0x3FA6] =	sst s6  }
0xf: {  	[smem:$0x3FA7] =	sst s7  }
0x10: {  	[smem:$0x3FA8] =	sst s8  }
0x11: {  	[smem:$0x3FA9] =	sst s9;
	s0 =	simm.s32 @!p0 $0x0  }
0x12: {  	s1 =	sld [smem:$0x3F8F];
	s0 =	simm.s32 @p0 $0x1  }
0x13: {  	[smem:$0x3FAA] =	sst s0;
	s0 =	simm.s32 @!p1 $0x0  }
0x14: {  	s2 =	sld [smem:$0x3F8E];
	s0 =	simm.s32 @p1 $0x1  }
0x15: {  	[smem:$0x3FAB] =	sst s0;
	s0 =	simm.s32 @!p2 $0x0  }
0x16: {  	s3 =	sld [smem:$0x3FDB];
	s0 =	simm.s32 @p2 $0x1  }
0x17: {  	s4 =	simm.s32 $0x1BF5;
	[smem:$0x3FAD] =	sst s0  }
0x18: {  	s0 =	sld [smem:$0x3F90];
	_ =	swait.ge [sflag:s4], $0x0  }
0x19: {  	s7 =	sld [smem:$0x3F91]  }
0x1a: {  	s8 =	sadd.s32 $0xFFFFE003, lr  }
0x1b: {  	s9 =	sadd.s32 $0xFFFFFEF7, lr;
	s5 =	simm.s32 $0xFFFFFFFF;
	p2 =	slt.u32 s8, $0xFFFFF086  }
0x1c: {  	p1 =	slt.u32 s9, $0xF7A;
	s5 =	simm.s32 @!p2 $0x0  }
0x1d: {  	s5 =	simm.s32 @p1 $0x1;
	p0 =	seq.s32 s7, s2  }
0x1e: {  	s7 =	smul.u32 @!p0 $0xF7A, s2;
	p2 =	seq.s32 @!p0 s5, $0x0  }
0x1f: {  	s9 =	smul.u32 $0xF7A, s1;
	s8 =	simm.s32 @!p0 $0x1BF5;
	p2 =	por !p2, p0  }
0x20: {  	[sflag:s8] =	ssyncset.s32 @!p0 $0xFFFFF086;
	s6 =	sadd.s32 @!p0 s3, s7;
	s7 =	simm.s32 @!p0 $0x108  }
0x21: {  	s3 =	sadd.s32 s3, s9;
	s6 =	sadd.s32 @!p0 $0x88, s6;
	s7 =	simm.s32 @p2 $0x1082  }
0x22: {  	[simem:s7], [sflag:s8] =	dma.local @!p0 [hbm:s6], $0xF7A  }
0x23: {  	s9 =	sor.u32 $0xD0000000, s2;
	s6 =	simm.s32 $0x108;
	_ =	swait.ge @!p0 [sflag:s8], $0x0  }
0x24: {  	s3 =	sadd.s32 $0x88, s3;
	s6 =	simm.s32 @!p1 $0x1082;
	[sflag:s4] =	ssyncset.s32 $0xFFFFF086  }
0x25: {  	[simem:s6], [sflag:s4] =	dma.local [hbm:s3], $0xF7A  }
0x26: {  	[smem:$0x3F91] =	sst s1;
	(tag) =	ssettag s2;
	_ =	strace s9  }
0x27: {  	s1 =	sld [smem:$0x3FA1]  }
0x28: {  	s2 =	sld [smem:$0x3FA2]  }
0x29: {  	s4 =	sld [smem:$0x3FA4]  }
0x2a: {  	p0 =	seq.s32 s5, $0x0;
	s5 =	sld [smem:$0x3FA5]  }
0x2b: {  	s6 =	sld [smem:$0x3FA6]  }
0x2c: {  	s7 =	sld [smem:$0x3FA7]  }
0x2d: {  	s3 =	simm.s32 $0x108;
	s8 =	sld [smem:$0x3FA8]  }
0x2e: {  	s3 =	simm.s32 @!p0 $0x1082;
	s9 =	sld [smem:$0x3FA9]  }
0x2f: {  	lr =	sadd.s32 s0, s3;
	s0 =	sld [smem:$0x3FA0]  }
0x30: {  	s3 =	sld [smem:$0x3FA3]  }
0x31: {  	[smem:$0x3FAC] =	sst s10  }
0x32: {  	s10 =	sld [smem:$0x3FAA];
	_ =	sdelay $0x3  }
0x33: {  	p0 =	seq.s32 s10, $0x1;
	s10 =	sld [smem:$0x3FAC];
	_ =	sdelay $0x3  }
0x34: {  	[smem:$0x3FAC] =	sst s10  }
0x35: {  	s10 =	sld [smem:$0x3FAB];
	_ =	sdelay $0x3  }
0x36: {  	p1 =	seq.s32 s10, $0x1;
	s10 =	sld [smem:$0x3FAC];
	_ =	sdelay $0x3  }
0x37: {  	[smem:$0x3FAC] =	sst s10  }
0x38: {  	s10 =	sld [smem:$0x3FAD]  }
0x39: {  	_ = 	snop;
	(pc) =	sbr.ind lr, $3  }
0x3a: {  	_ = 	snop  }
0x3b: {  	_ = 	snop  }
0x3c: {  	p2 =	seq.s32 s10, $0x1;
	s10 =	sld [smem:$0x3FAC]  }
0x3d: {  	_ =	shalt  }
0x3e: {  	_ =	shalt  }
0x3f: {  	_ =	shalt  }
0x40: {  	_ =	shalt  }
0x41: {  	_ =	shalt  }
0x42: {  	_ =	shalt  }
0x43: {  	_ =	shalt  }
0x44: {  	_ =	shalt  }
0x45: {  	_ =	shalt  }
0x46: {  	_ =	shalt  }
0x47: {  	_ =	shalt  }
0x48: {  	_ =	shalt  }
0x49: {  	_ =	shalt  }
0x4a: {  	_ =	shalt  }
0x4b: {  	_ =	shalt  }
0x4c: {  	_ =	shalt  }
0x4d: {  	_ =	shalt  }
0x4e: {  	_ =	shalt  }
0x4f: {  	_ =	shalt  }
0x50: {  	_ =	shalt  }
0x51: {  	_ =	shalt  }
0x52: {  	_ =	shalt  }
0x53: {  	_ =	shalt  }
0x54: {  	_ =	shalt  }
0x55: {  	_ =	shalt  }
0x56: {  	_ =	shalt  }
0x57: {  	_ =	shalt  }
0x58: {  	_ =	shalt  }
0x59: {  	_ =	shalt  }
0x5a: {  	_ =	shalt  }
0x5b: {  	_ =	shalt  }
0x5c: {  	_ =	shalt  }
0x5d: {  	_ =	shalt  }
0x5e: {  	_ =	shalt  }
0x5f: {  	_ =	shalt  }
0x60: {  	_ =	shalt  }
0x61: {  	_ =	shalt  }
0x62: {  	_ =	shalt  }
0x63: {  	_ =	shalt  }
0x64: {  	_ =	shalt  }
0x65: {  	_ =	shalt  }
0x66: {  	_ =	shalt  }
0x67: {  	_ =	shalt  }
0x68: {  	_ =	shalt  }
0x69: {  	_ =	shalt  }
0x6a: {  	_ =	shalt  }
0x6b: {  	_ =	shalt  }
0x6c: {  	_ =	shalt  }
0x6d: {  	_ =	shalt  }
0x6e: {  	_ =	shalt  }
0x6f: {  	_ =	shalt  }
0x70: {  	_ =	shalt  }
0x71: {  	_ =	shalt  }
0x72: {  	_ =	shalt  }
0x73: {  	_ =	shalt  }
0x74: {  	_ =	shalt  }
0x75: {  	_ =	shalt  }
0x76: {  	_ =	shalt  }
0x77: {  	_ =	shalt  }
0x78: {  	_ =	shalt  }
0x79: {  	_ =	shalt  }
0x7a: {  	_ =	shalt  }
0x7b: {  	_ =	shalt  }
0x7c: {  	_ =	shalt  }
0x7d: {  	_ =	shalt  }
0x7e: {  	_ =	shalt  }
0x7f: {  	_ =	shalt  }
0x80: {  	_ =	shalt  }
0x81: {  	_ =	shalt  }
0x82: {  	_ =	shalt  }
0x83: {  	_ =	shalt  }
0x84: {  	_ =	shalt  }
0x85: {  	_ =	shalt  }
0x86: {  	_ =	shalt  }
0x87: {  	_ =	shalt  }
.Lfunc_end0:
.L_simem_size_0:
called_computation.1_lowered:
.L_overlay_start_0:
0x88: {  	s2 =	sld [smem:$0x3FD9]  }
0x89: {  	s3 =	sld [smem:$0x3FFE];
	_ =	sdelay $0x1  }
0x8a: {  	s1 =	srdreg.scid  }
0x8b: {  	s0 =	sand.u32 $0x1, s1  }
0x8c: {  	s16 =	sshll.u32 s0, $0xA;
	s2 =	sadd.s32 s3, s2  }
0x8d: {  	s2 =	sadd.s32 s2, s16  }
0x8e: {  	[smem:$0x3FB8] =	sst s2  }
0x8f: {  	_ = 	snop  }
0x90: {  	(tm) =	ssettm $0x1  }
0x91: {  	s17 =	sld [smem:$0x3FFB];
	_ =	sdelay $0x3  }
0x92: {  	_ =	strace s17  }
0x93: {  	s2 =	sld [smem:$0x3FFC];
	_ =	sdelay $0x3  }
0x94: {  	_ =	strace s2  }
0x95: {  	s2 =	sld [smem:$0x3FFD];
	_ =	sdelay $0x3  }
0x96: {  	_ =	strace s2  }
0x97: {  	_ =	strace $0x8FFFFFFF  }
0x98: {  	s18 =	sld [smem:$0x3FDB];
	_ =	sdelay $0x1  }
0x99: {  	s19 =	simm.s32 $_scs_section_size  }
0x9a: {  	s4 =	simm.s32 $_size__tile_overlayer_lowered;
	s5 =	simm.s32 $_tile_overlayer_lowered  }
0x9b: {  	s22 =	simm.s32 $0x1BFF;
	s21 =	sshll.u32 s5, $0x1;
	s2 =	sadd.s32 s19, s18  }
0x9c: {  	s6 =	simm.s32 $0x0;
	s20 =	sshll.u32 s4, $0x1;
	s4 =	sadd.s32 s21, s2  }
0x9d: {  	[timem:s6], [sflag:s22] =	dma.local [hbm:s4], s20  }
0x9e: {  	_ =	swait.ge [sflag:s22], s20  }
0x9f: {  	s3 =	ssub.s32 $0x0, s20;
	[sflag:s22] =	ssyncset.done $0x0  }
0xa0: {  	[sflag:s22] =	ssyncadd.s32 s3;
	_ =	sdelay $0x1  }
0xa1: {  	s23 =	simm.s32 $0x1B8B  }
0xa2: {  	_ =	swait.ge [sflag:s23], $0x1  }
0xa3: {  	[sflag:s23] =	ssyncset.done $0x0  }
0xa4: {  	s25 =	simm.s32 $0x1B8E;
	s24 =	sld [smem:$0x3FFE];
	[sflag:s23] =	ssyncadd.s32 $0xFFFFFFFF  }
0xa5: {  	s26 =	simm.s32 $execute0_lowered;
	[smem:$0x3FD2] =	sst s25  }
0xa6: {  	s4 =	sshll.u32 s26, $0x1;
	_ =	strace $0x80000049;
	[dreg:$0x1] =	wrdreg $0xFFFFFFFF  }
0xa7: {  	s28 =	simm.s32 $_size_execute0_lowered;
	s2 =	sadd.s32 s2, s4;
	[dreg:$0x0] =	wrdreg $0x0  }
0xa8: {  	s4 =	sshll.u32 s28, $0x1;
	[dreg:$0x2] =	wrdreg s2  }
0xa9: {  	[dreg:$0x3] =	wrdreg s4  }
0xaa: {  	[dreg:$0x4] =	wrdreg $0xC0  }
0xab: {  	_ =	task [dreg:s6], $0x5FFFF  }
0xac: {  	[dreg:$0x1] =	wrdreg $0xFFFFFFFF  }
0xad: {  	[dreg:$0x0] =	wrdreg $0x60  }
0xae: {  	[dreg:$0x2] =	wrdreg s24  }
0xaf: {  	[dreg:$0x3] =	wrdreg $0xA8000  }
0xb0: {  	[dreg:$0x4] =	wrdreg $0x9  }
0xb1: {  	_ =	task.clear_ibuf [dreg:s6], $0x5FFFF;
	_ =	strace $0x90000049  }
0xb2: {  	s29 =	simm.s32 $0x9;
	_ =	strace $0x8000004B  }
0xb3: {  	_ =	swait.ge [sflag:s29], $0x1  }
0xb4: {  	[sflag:s29] =	ssyncadd.s32 $0xFFFFFFFF  }
0xb5: {  	_ =	strace $0x9000004B  }
0xb6: {  	_ =	sfence  }
0xb7: {  	s30 =	sld [smem:$0x0];
	_ =	sdelay $0x2  }
0xb8: {  	s31 =	sshll.u32 s1, $0xD;
	s1 =	sshrl.u32 s1, $0x2  }
0xb9: {  	s3 =	sand.u32 $0x4000, s31;
	s1 =	sadd.s32 s1, s30  }
0xba: {  	s0 =	sor.u32 s3, s0;
	s1 =	sshll.u32 s1, $0x11  }
0xbb: {  	s0 =	sor.u32 s1, s0  }
0xbc: {  	s0 =	sadd.s32 $0x8F2B, s0  }
0xbd: {  	[sflag:s0] =	ssyncadd.remote.s32 $0x1  }
0xbe: {  	_ =	sfence.sel $0xFFFF  }
0xbf: {  	[dreg:$0x0] =	wrdreg $0xFFFFFFFF;
	(pc) =	sbr.abs _section_cstart, $3  }
0xc0: {  	[dreg:$0x1] =	wrdreg $0xFFFFFFFF  }
0xc1: {  	_ =	task.clear_ibuf [dreg:s6], $0x2FFFF;
	_ =	strace $0x9FFFFFFF  }
0xc2: {  	(tm) =	ssettm $0x7FFFFFFF  }
0xc3: {  	_ =	shalt  }
tec
execute0_lowered:
.L_overlay_start_1:
0x0: {  	(tag) =	ssettag $0x1  }
0x1: {  	s8 =	rddreg [dreg:$0x0]  }
0x2: {  	s1 =	rddreg [dreg:$0x1]  }
0x3: {  	s2 =	simm.s32 $0x0;
	s0 =	stileid.u32;
	s7 =	srdreg.scid  }
0x4: {  	s19 =	simm.s32 $0x3;
	s20 =	simm.s32 $0x1400;
	s21 =	simm.s32 $0x80  }
0x5: {  	s22 =	simm.s32 $0x2800;
	s23 =	simm.s32 $0x6800;
	s24 =	simm.s32 $0x1  }
0x6: {  	s25 =	simm.s32 $0x2;
	s26 =	simm.s32 $0x1380;
	s28 =	simm.s32 $0x2700  }
0x7: {  	s29 =	simm.s32 $0x2780;
	[smem:$0x7FF] =	sst s2;
	s4 =	sadd.s32 $0x36600, s8  }
0x8: {  	s5 =	sadd.s32 $0x84A00, s8;
	s13 =	sadd.s32 $0x5400, s8;
	s9 =	smul.u32 $0x7D000, s0  }
0x9: {  	s14 =	sadd.s32 $0xA400, s8;
	s10 =	sand.u32 $0x1, s7;
	s7 =	smul.u32 $0x3E80, s0  }
0xa: {  	s3 =	sadd.s32 $0x5D800, s8;
	s8 =	sadd.s32 $0xABC00, s8;
	s12 =	smul.u32 $0x500, s0  }
0xb: {  	s16 =	smul.u32 $0x2800, s0;
	p1 =	sgt.u32 s0, $0x9;
	p2 =	slt.u32 s0, $0xA  }
0xc: {  	_ =	strace $0x8000004A;
	[dreg:$0x3] =	wrdreg s3;
	s11 =	ssub.s32 $0x2, s10  }
0xd: {  	p0 =	seq.s32 s10, $0x1;
	s18 =	sshll.u32 @!p1 s0, $0x6;
	s15 =	sshrl.u32 s11, $0x1  }
.Ltmp0:
0xe: {  	s9 =	sshrl.u32 s9, $0x2;
	s10 =	sadd.s32 s4, s7;
	(pc) =	sbr.rel .LBB2_1-.Ltmp0, $4  }
0xf: {  	s31 =	sshrl.u32 s16, $0x3;
	s17 =	ssub.s32 s11, s15;
	s9 =	sadd.s32 s9, s1  }
0x10: {  	s11 =	sadd.s32 s13, s12;
	s12 =	sadd.s32 s14, s12;
	s15 =	sadd.s32 $0x280, s31  }
0x11: {  	s13 =	sadd.s32 s13, s15;
	s14 =	sadd.s32 s14, s15;
	s15 =	sadd.s32 s5, s7  }
0x12: {  	s16 =	smax.u32 s17, $0x1;
	s17 =	sor.u32 @!p1 $0x1C03, s18;
	s18 =	sshrl.u32 @!p1 s9, $0x3  }
.LBB2_12:
0x13: {  	s0 =	stileid.u32  }
0x14: {  	s0 =	sshll.u32 s0, $0x6  }
0x15: {  	s3 =	sadd.s32 s30, s7;
	s6 =	sshrl.u32 s9, $0x3;
	s0 =	sor.u32 $0x1C03, s0  }
0x16: {  	[hbm:s3], [sflag:s0] =	dma.local [spmem:s6], $0x3E80  }
0x17: {  	_ =	swait.ge [sflag:s19], $0x3E80  }
0x18: {  	[sflag:s19] =	ssyncset.done $0x0  }
0x19: {  	[sflag:s19] =	ssyncadd.s32 $0xFFFFC180  }
.LBB2_13:
0x1a: {  	s2 =	sadd.s32 $0x1, s2  }
0x1b: {  	p3 =	sne.s32 s2, s16  }
.Ltmp1:
0x1c: {  	_ = 	snop;
	(pc) =	sbr.rel @!p3 .LBB2_14-.Ltmp1, $1  }
0x1d: {  	_ =	sdelay $0x3  }
.LBB2_1:
.Ltmp2:
0x1e: {  	(pc) =	sbr.rel @!p0 .LBB2_2-.Ltmp2, $1  }
0x1f: {  	_ =	sdelay $0x3  }
0x20: {  	[spmem:s18], [sflag:s17] =	dma.local @!p1 [hbm:s15], $0x3E80  }
0x21: {  	s0 =	simm.s32 @!p1 $0x3  }
0x22: {  	_ =	swait.ge @!p1 [sflag:s0], $0x3E80  }
0x23: {  	[sflag:s0] =	ssyncset.done @!p1 $0x0  }
0x24: {  	[sflag:s0] =	ssyncadd.s32 @!p1 $0xFFFFC180  }
0x25: {  	s6 =	simm.s32 $0x0;
	[bflag:$0x0] =	sbarrier.arrive $0xFFFF  }
0x26: {  	[tilespmem:s6], [sflag:$0x3] =	stream.linear.gather [hbm4b:s11+s6], $0x1400, $0x38;
	[tilespmem:$0x1E0C0] =	vst v63  }
0x27: {  	_ =	swait.ge [sflag:s19], $0x1400  }
0x28: {  	[sflag:s19] =	ssyncset.done $0x0  }
0x29: {  	[sflag:s19] =	ssyncadd.s32 $0xFFFFEC00  }
0x2a: {  	[tilespmem:s20], [sflag:$0x3] =	stream.linear.gather [hbm4b:s12+s6], $0x1400, $0x38;
	[tilespmem:$0x1E0C0] =	vst v63  }
0x2b: {  	_ =	swait.ge [sflag:s19], $0x1400  }
0x2c: {  	[sflag:s19] =	ssyncset.done $0x0  }
0x2d: {  	[sflag:s19] =	ssyncadd.s32 $0xFFFFEC00  }
0x2e: {  	[tilespmem:s22], [sflag:$0x1] =	stream.indirect.gather [hbm4b:s5+s21], $0x80, s6, s21, $0xb8;
	[tilespmem:$0x1E0C0] =	vst v63  }
0x2f: {  	s3 =	simm.s32 $0x80  }
0x30: {  	[tilespmem:s23], [sflag:$0x2] =	stream.indirect.gather [hbm4b:s5+s21], $0x80, s3, s21, $0xb8;
	[tilespmem:$0x1E0C0] =	vst v63  }
0x31: {  	_ =	swait.ge [sflag:s24], $0x4000  }
0x32: {  	[sflag:s24] =	ssyncset.done $0x0  }
0x33: {  	s6 =	simm.s32 $0x1400;
	[sflag:s24] =	ssyncadd.s32 $0xFFFFC000  }
0x34: {  	[spmem:s1] =	stream.indirect.scatter.add.f32 [tilespmem:s22], [sflag:$0x3], $0x80, s6, s21, $0xb8;
	[tilespmem:$0x1E0C0] =	vst v63  }
0x35: {  	_ =	swait.ge [sflag:s19], $0x4000  }
0x36: {  	[sflag:s19] =	ssyncset.done $0x0  }
0x37: {  	s3 =	simm.s32 $0x100;
	[sflag:s19] =	ssyncadd.s32 $0xFFFFC000  }
0x38: {  	[tilespmem:s22], [sflag:$0x1] =	stream.indirect.gather [hbm4b:s5+s21], $0x80, s3, s21, $0xb8;
	[tilespmem:$0x1E0C0] =	vst v63  }
0x39: {  	_ =	swait.ge [sflag:s25], $0x4000  }
0x3a: {  	[sflag:s25] =	ssyncset.done $0x0  }
0x3b: {  	s6 =	simm.s32 $0x1480;
	[sflag:s25] =	ssyncadd.s32 $0xFFFFC000  }
0x3c: {  	[spmem:s1] =	stream.indirect.scatter.add.f32 [tilespmem:s23], [sflag:$0x3], $0x80, s6, s21, $0xb8;
	[tilespmem:$0x1E0C0] =	vst v63  }
0x3d: {  	_ =	swait.ge [sflag:s19], $0x4000  }
0x3e: {  	s31 =	simm.s32 $0x800;
	s30 =	simm.s32 $0x100;
	[sflag:s19] =	ssyncset.done $0x0  }
.LBB2_8:
0x3f: {  	s0 =	sadd.s32 $0x80, s30  }
0x40: {  	[sflag:s19] =	ssyncadd.s32 $0xFFFFC000;
	s3 =	smov.u32 s31;
	s6 =	sadd.s32 $0x400, s31  }
0x41: {  	[tilespmem:s23], [sflag:$0x2] =	stream.indirect.gather [hbm4b:s5+s21], $0x80, s0, s21, $0xb8;
	[tilespmem:$0x1E0C0] =	vst v63  }
0x42: {  	p3 =	sne.s32 s31, $0x4800;
	_ =	swait.ge [sflag:s24], $0x4000  }
0x43: {  	[sflag:s24] =	ssyncset.done $0x0  }
0x44: {  	s0 =	sadd.s32 $0x1400, s30;
	[sflag:s24] =	ssyncadd.s32 $0xFFFFC000  }
0x45: {  	[spmem:s1] =	stream.indirect.scatter.add.f32 [tilespmem:s22], [sflag:$0x3], $0x80, s0, s21, $0xb8;
	[tilespmem:$0x1E0C0] =	vst v63  }
0x46: {  	_ =	swait.ge [sflag:s19], $0x4000  }
0x47: {  	[sflag:s19] =	ssyncset.done $0x0  }
0x48: {  	s0 =	sadd.s32 $0x100, s30;
	[sflag:s19] =	ssyncadd.s32 $0xFFFFC000  }
0x49: {  	[tilespmem:s22], [sflag:$0x1] =	stream.indirect.gather [hbm4b:s5+s21], $0x80, s0, s21, $0xb8;
	[tilespmem:$0x1E0C0] =	vst v63  }
0x4a: {  	_ =	swait.ge [sflag:s25], $0x4000  }
.Ltmp3:
0x4b: {  	[sflag:s25] =	ssyncset.done $0x0;
	(pc) =	sbr.rel @p3 .LBB2_8-.Ltmp3, $4  }
0x4c: {  	s0 =	sadd.s32 $0x1480, s30;
	[sflag:s25] =	ssyncadd.s32 $0xFFFFC000  }
0x4d: {  	[spmem:s1] =	stream.indirect.scatter.add.f32 [tilespmem:s23], [sflag:$0x3], $0x80, s0, s21, $0xb8;
	[tilespmem:$0x1E0C0] =	vst v63  }
0x4e: {  	_ =	swait.ge [sflag:s19], $0x4000  }
0x4f: {  	s31 =	smov.u32 s6;
	s30 =	sshra.s32 s3, $0x2;
	[sflag:s19] =	ssyncset.done $0x0  }
0x50: {  	s0 =	sadd.s32 $0x80, s30;
	[sflag:s19] =	ssyncadd.s32 $0xFFFFC000  }
0x51: {  	[tilespmem:s23], [sflag:$0x2] =	stream.indirect.gather [hbm4b:s5+s21], $0x80, s0, s21, $0xb8;
	[tilespmem:$0x1E0C0] =	vst v63  }
0x52: {  	_ =	swait.ge [sflag:s24], $0x4000  }
0x53: {  	[sflag:s24] =	ssyncset.done $0x0  }
0x54: {  	s3 =	sadd.s32 $0x1400, s30;
	[sflag:s24] =	ssyncadd.s32 $0xFFFFC000  }
0x55: {  	[spmem:s1] =	stream.indirect.scatter.add.f32 [tilespmem:s22], [sflag:$0x3], $0x80, s3, s21, $0xb8;
	[tilespmem:$0x1E0C0] =	vst v63  }
0x56: {  	_ =	swait.ge [sflag:s19], $0x4000  }
0x57: {  	[sflag:s19] =	ssyncset.done $0x0  }
0x58: {  	s6 =	sadd.s32 $0x100, s30;
	[sflag:s19] =	ssyncadd.s32 $0xFFFFC000  }
0x59: {  	[tilespmem:s22], [sflag:$0x1] =	stream.indirect.gather [hbm4b:s5+s21], $0x80, s6, s21, $0xb8;
	[tilespmem:$0x1E0C0] =	vst v63  }
0x5a: {  	_ =	swait.ge [sflag:s25], $0x4000  }
0x5b: {  	[sflag:s25] =	ssyncset.done $0x0  }
0x5c: {  	s3 =	sadd.s32 $0x1480, s30;
	[sflag:s25] =	ssyncadd.s32 $0xFFFFC000  }
0x5d: {  	[spmem:s1] =	stream.indirect.scatter.add.f32 [tilespmem:s23], [sflag:$0x3], $0x80, s3, s21, $0xb8;
	[tilespmem:$0x1E0C0] =	vst v63  }
0x5e: {  	_ =	swait.ge [sflag:s19], $0x4000  }
0x5f: {  	[sflag:s19] =	ssyncset.done $0x0  }
0x60: {  	[sflag:s19] =	ssyncadd.s32 $0xFFFFC000  }
0x61: {  	[tilespmem:s23], [sflag:$0x2] =	stream.indirect.gather [hbm4b:s5+s21], $0x80, s26, s21, $0xb8;
	[tilespmem:$0x1E0C0] =	vst v63  }
0x62: {  	_ =	swait.ge [sflag:s24], $0x4000  }
0x63: {  	[sflag:s24] =	ssyncset.done $0x0  }
0x64: {  	[sflag:s24] =	ssyncadd.s32 $0xFFFFC000  }
0x65: {  	[spmem:s1] =	stream.indirect.scatter.add.f32 [tilespmem:s22], [sflag:$0x3], $0x80, s28, s21, $0xb8;
	[tilespmem:$0x1E0C0] =	vst v63  }
0x66: {  	_ =	swait.ge [sflag:s19], $0x4000  }
0x67: {  	[sflag:s19] =	ssyncset.done $0x0  }
0x68: {  	[sflag:s19] =	ssyncadd.s32 $0xFFFFC000  }
0x69: {  	_ =	swait.ge [sflag:s25], $0x4000  }
0x6a: {  	[sflag:s25] =	ssyncset.done $0x0  }
0x6b: {  	[sflag:s25] =	ssyncadd.s32 $0xFFFFC000  }
0x6c: {  	[spmem:s1] =	stream.indirect.scatter.add.f32 [tilespmem:s23], [sflag:$0x3], $0x80, s29, s21, $0xb8;
	[tilespmem:$0x1E0C0] =	vst v63  }
0x6d: {  	_ =	swait.ge [sflag:s19], $0x4000  }
0x6e: {  	[sflag:s19] =	ssyncset.done $0x0  }
0x6f: {  	s6 =	simm.s32 $0x0;
	[sflag:s19] =	ssyncadd.s32 $0xFFFFC000  }
0x70: {  	[tilespmem:s6], [sflag:$0x3] =	stream.linear.gather [hbm4b:s13+s6], $0x1400, $0x38;
	[tilespmem:$0x1E0C0] =	vst v63  }
0x71: {  	_ =	swait.ge [sflag:s19], $0x1400  }
0x72: {  	[sflag:s19] =	ssyncset.done $0x0  }
0x73: {  	[sflag:s19] =	ssyncadd.s32 $0xFFFFEC00  }
0x74: {  	[tilespmem:s20], [sflag:$0x3] =	stream.linear.gather [hbm4b:s14+s6], $0x1400, $0x38;
	[tilespmem:$0x1E0C0] =	vst v63  }
0x75: {  	_ =	swait.ge [sflag:s19], $0x1400  }
0x76: {  	[sflag:s19] =	ssyncset.done $0x0  }
0x77: {  	[sflag:s19] =	ssyncadd.s32 $0xFFFFEC00  }
0x78: {  	[tilespmem:s22], [sflag:$0x1] =	stream.indirect.gather [hbm4b:s5+s21], $0x80, s6, s21, $0xb8;
	[tilespmem:$0x1E0C0] =	vst v63  }
0x79: {  	s3 =	simm.s32 $0x80  }
0x7a: {  	[tilespmem:s23], [sflag:$0x2] =	stream.indirect.gather [hbm4b:s5+s21], $0x80, s3, s21, $0xb8;
	[tilespmem:$0x1E0C0] =	vst v63  }
0x7b: {  	_ =	swait.ge [sflag:s24], $0x4000  }
0x7c: {  	[sflag:s24] =	ssyncset.done $0x0  }
0x7d: {  	s6 =	simm.s32 $0x1400;
	[sflag:s24] =	ssyncadd.s32 $0xFFFFC000  }
0x7e: {  	[spmem:s1] =	stream.indirect.scatter.add.f32 [tilespmem:s22], [sflag:$0x3], $0x80, s6, s21, $0xb8;
	[tilespmem:$0x1E0C0] =	vst v63  }
0x7f: {  	_ =	swait.ge [sflag:s19], $0x4000  }
0x80: {  	[sflag:s19] =	ssyncset.done $0x0  }
0x81: {  	s3 =	simm.s32 $0x100;
	[sflag:s19] =	ssyncadd.s32 $0xFFFFC000  }
0x82: {  	[tilespmem:s22], [sflag:$0x1] =	stream.indirect.gather [hbm4b:s5+s21], $0x80, s3, s21, $0xb8;
	[tilespmem:$0x1E0C0] =	vst v63  }
0x83: {  	_ =	swait.ge [sflag:s25], $0x4000  }
0x84: {  	[sflag:s25] =	ssyncset.done $0x0  }
0x85: {  	s6 =	simm.s32 $0x1480;
	[sflag:s25] =	ssyncadd.s32 $0xFFFFC000  }
0x86: {  	[spmem:s1] =	stream.indirect.scatter.add.f32 [tilespmem:s23], [sflag:$0x3], $0x80, s6, s21, $0xb8;
	[tilespmem:$0x1E0C0] =	vst v63  }
0x87: {  	_ =	swait.ge [sflag:s19], $0x4000  }
0x88: {  	s31 =	simm.s32 $0x800;
	s30 =	simm.s32 $0x100;
	[sflag:s19] =	ssyncset.done $0x0  }
.LBB2_10:
0x89: {  	s0 =	sadd.s32 $0x80, s30  }
0x8a: {  	[sflag:s19] =	ssyncadd.s32 $0xFFFFC000;
	s3 =	smov.u32 s31;
	s6 =	sadd.s32 $0x400, s31  }
0x8b: {  	[tilespmem:s23], [sflag:$0x2] =	stream.indirect.gather [hbm4b:s5+s21], $0x80, s0, s21, $0xb8;
	[tilespmem:$0x1E0C0] =	vst v63  }
0x8c: {  	p3 =	sne.s32 s31, $0x4800;
	_ =	swait.ge [sflag:s24], $0x4000  }
0x8d: {  	[sflag:s24] =	ssyncset.done $0x0  }
0x8e: {  	s0 =	sadd.s32 $0x1400, s30;
	[sflag:s24] =	ssyncadd.s32 $0xFFFFC000  }
0x8f: {  	[spmem:s1] =	stream.indirect.scatter.add.f32 [tilespmem:s22], [sflag:$0x3], $0x80, s0, s21, $0xb8;
	[tilespmem:$0x1E0C0] =	vst v63  }
0x90: {  	_ =	swait.ge [sflag:s19], $0x4000  }
0x91: {  	[sflag:s19] =	ssyncset.done $0x0  }
0x92: {  	s0 =	sadd.s32 $0x100, s30;
	[sflag:s19] =	ssyncadd.s32 $0xFFFFC000  }
0x93: {  	[tilespmem:s22], [sflag:$0x1] =	stream.indirect.gather [hbm4b:s5+s21], $0x80, s0, s21, $0xb8;
	[tilespmem:$0x1E0C0] =	vst v63  }
0x94: {  	_ =	swait.ge [sflag:s25], $0x4000  }
.Ltmp4:
0x95: {  	[sflag:s25] =	ssyncset.done $0x0;
	(pc) =	sbr.rel @p3 .LBB2_10-.Ltmp4, $4  }
0x96: {  	s0 =	sadd.s32 $0x1480, s30;
	[sflag:s25] =	ssyncadd.s32 $0xFFFFC000  }
0x97: {  	[spmem:s1] =	stream.indirect.scatter.add.f32 [tilespmem:s23], [sflag:$0x3], $0x80, s0, s21, $0xb8;
	[tilespmem:$0x1E0C0] =	vst v63  }
0x98: {  	_ =	swait.ge [sflag:s19], $0x4000  }
0x99: {  	s31 =	smov.u32 s6;
	s30 =	sshra.s32 s3, $0x2;
	[sflag:s19] =	ssyncset.done $0x0  }
0x9a: {  	s0 =	sadd.s32 $0x80, s30;
	[sflag:s19] =	ssyncadd.s32 $0xFFFFC000  }
0x9b: {  	[tilespmem:s23], [sflag:$0x2] =	stream.indirect.gather [hbm4b:s5+s21], $0x80, s0, s21, $0xb8;
	[tilespmem:$0x1E0C0] =	vst v63  }
0x9c: {  	_ =	swait.ge [sflag:s24], $0x4000  }
0x9d: {  	[sflag:s24] =	ssyncset.done $0x0  }
0x9e: {  	s3 =	sadd.s32 $0x1400, s30;
	[sflag:s24] =	ssyncadd.s32 $0xFFFFC000  }
0x9f: {  	[spmem:s1] =	stream.indirect.scatter.add.f32 [tilespmem:s22], [sflag:$0x3], $0x80, s3, s21, $0xb8;
	[tilespmem:$0x1E0C0] =	vst v63  }
0xa0: {  	_ =	swait.ge [sflag:s19], $0x4000  }
0xa1: {  	[sflag:s19] =	ssyncset.done $0x0  }
0xa2: {  	s6 =	sadd.s32 $0x100, s30;
	[sflag:s19] =	ssyncadd.s32 $0xFFFFC000  }
0xa3: {  	[tilespmem:s22], [sflag:$0x1] =	stream.indirect.gather [hbm4b:s5+s21], $0x80, s6, s21, $0xb8;
	[tilespmem:$0x1E0C0] =	vst v63  }
0xa4: {  	_ =	swait.ge [sflag:s25], $0x4000  }
0xa5: {  	[sflag:s25] =	ssyncset.done $0x0  }
0xa6: {  	s31 =	sadd.s32 $0x1480, s30;
	[sflag:s25] =	ssyncadd.s32 $0xFFFFC000  }
0xa7: {  	[spmem:s1] =	stream.indirect.scatter.add.f32 [tilespmem:s23], [sflag:$0x3], $0x80, s31, s21, $0xb8;
	[tilespmem:$0x1E0C0] =	vst v63  }
0xa8: {  	_ =	swait.ge [sflag:s19], $0x4000  }
0xa9: {  	[sflag:s19] =	ssyncset.done $0x0  }
0xaa: {  	[sflag:s19] =	ssyncadd.s32 $0xFFFFC000  }
0xab: {  	[tilespmem:s23], [sflag:$0x2] =	stream.indirect.gather [hbm4b:s5+s21], $0x80, s26, s21, $0xb8;
	[tilespmem:$0x1E0C0] =	vst v63  }
0xac: {  	_ =	swait.ge [sflag:s24], $0x4000  }
0xad: {  	[sflag:s24] =	ssyncset.done $0x0  }
0xae: {  	[sflag:s24] =	ssyncadd.s32 $0xFFFFC000  }
0xaf: {  	[spmem:s1] =	stream.indirect.scatter.add.f32 [tilespmem:s22], [sflag:$0x3], $0x80, s28, s21, $0xb8;
	[tilespmem:$0x1E0C0] =	vst v63  }
0xb0: {  	_ =	swait.ge [sflag:s19], $0x4000  }
0xb1: {  	[sflag:s19] =	ssyncset.done $0x0  }
0xb2: {  	[sflag:s19] =	ssyncadd.s32 $0xFFFFC000  }
0xb3: {  	_ =	swait.ge [sflag:s25], $0x4000  }
0xb4: {  	[sflag:s25] =	ssyncset.done $0x0  }
0xb5: {  	[sflag:s25] =	ssyncadd.s32 $0xFFFFC000  }
0xb6: {  	[spmem:s1] =	stream.indirect.scatter.add.f32 [tilespmem:s23], [sflag:$0x3], $0x80, s29, s21, $0xb8;
	[tilespmem:$0x1E0C0] =	vst v63  }
.Ltmp5:
0xb7: {  	_ =	swait.ge [sflag:s19], $0x4000;
	(pc) =	sbr.rel @p1 .LBB2_13-.Ltmp5, $4  }
.Ltmp6:
0xb8: {  	[sflag:s19] =	ssyncset.done $0x0;
	(pc) =	sbr.rel @!p1 .LBB2_12-.Ltmp6, $4  }
0xb9: {  	[sflag:s19] =	ssyncadd.s32 $0xFFFFC000  }
0xba: {  	[bflag:$0x0] =	sbarrier.arrive $0xFFFF  }
0xbb: {  	s30 =	smov.u32 s8  }
0xbc: {  	_ = 	snop  }
.LBB2_2:
0xbd: {  	[spmem:s18], [sflag:s17] =	dma.local @!p1 [hbm:s10], $0x3E80  }
0xbe: {  	s30 =	simm.s32 @!p1 $0x3  }
0xbf: {  	_ =	swait.ge @!p1 [sflag:s30], $0x3E80  }
0xc0: {  	[sflag:s30] =	ssyncset.done @!p1 $0x0  }
0xc1: {  	[sflag:s30] =	ssyncadd.s32 @!p1 $0xFFFFC180  }
0xc2: {  	s30 =	simm.s32 $0x0;
	[bflag:$0x0] =	sbarrier.arrive $0xFFFF  }
0xc3: {  	[tilespmem:s30], [sflag:$0x3] =	stream.linear.gather [hbm4b:s11+s30], $0x1400, $0x38;
	[tilespmem:$0x1E0C0] =	vst v63  }
0xc4: {  	_ =	swait.ge [sflag:s19], $0x1400  }
0xc5: {  	[sflag:s19] =	ssyncset.done $0x0  }
0xc6: {  	[sflag:s19] =	ssyncadd.s32 $0xFFFFEC00  }
0xc7: {  	[tilespmem:s20], [sflag:$0x3] =	stream.linear.gather [hbm4b:s12+s30], $0x1400, $0x38;
	[tilespmem:$0x1E0C0] =	vst v63  }
0xc8: {  	_ =	swait.ge [sflag:s19], $0x1400  }
0xc9: {  	[sflag:s19] =	ssyncset.done $0x0  }
0xca: {  	[sflag:s19] =	ssyncadd.s32 $0xFFFFEC00  }
0xcb: {  	[tilespmem:s22], [sflag:$0x1] =	stream.indirect.gather [hbm4b:s4+s21], $0x80, s30, s21, $0xb8;
	[tilespmem:$0x1E0C0] =	vst v63  }
0xcc: {  	s30 =	simm.s32 $0x80  }
0xcd: {  	[tilespmem:s23], [sflag:$0x2] =	stream.indirect.gather [hbm4b:s4+s21], $0x80, s30, s21, $0xb8;
	[tilespmem:$0x1E0C0] =	vst v63  }
0xce: {  	_ =	swait.ge [sflag:s24], $0x4000  }
0xcf: {  	[sflag:s24] =	ssyncset.done $0x0  }
0xd0: {  	s30 =	simm.s32 $0x1400;
	[sflag:s24] =	ssyncadd.s32 $0xFFFFC000  }
0xd1: {  	[spmem:s1] =	stream.indirect.scatter.add.f32 [tilespmem:s22], [sflag:$0x3], $0x80, s30, s21, $0xb8;
	[tilespmem:$0x1E0C0] =	vst v63  }
0xd2: {  	_ =	swait.ge [sflag:s19], $0x4000  }
0xd3: {  	[sflag:s19] =	ssyncset.done $0x0  }
0xd4: {  	s30 =	simm.s32 $0x100;
	[sflag:s19] =	ssyncadd.s32 $0xFFFFC000  }
0xd5: {  	[tilespmem:s22], [sflag:$0x1] =	stream.indirect.gather [hbm4b:s4+s21], $0x80, s30, s21, $0xb8;
	[tilespmem:$0x1E0C0] =	vst v63  }
0xd6: {  	_ =	swait.ge [sflag:s25], $0x4000  }
0xd7: {  	[sflag:s25] =	ssyncset.done $0x0  }
0xd8: {  	s30 =	simm.s32 $0x1480;
	[sflag:s25] =	ssyncadd.s32 $0xFFFFC000  }
0xd9: {  	[spmem:s1] =	stream.indirect.scatter.add.f32 [tilespmem:s23], [sflag:$0x3], $0x80, s30, s21, $0xb8;
	[tilespmem:$0x1E0C0] =	vst v63  }
0xda: {  	_ =	swait.ge [sflag:s19], $0x4000  }
0xdb: {  	s31 =	simm.s32 $0x800;
	s30 =	simm.s32 $0x100;
	[sflag:s19] =	ssyncset.done $0x0  }
.LBB2_3:
0xdc: {  	s0 =	sadd.s32 $0x80, s30  }
0xdd: {  	[sflag:s19] =	ssyncadd.s32 $0xFFFFC000;
	s3 =	smov.u32 s31;
	s6 =	sadd.s32 $0x400, s31  }
0xde: {  	[tilespmem:s23], [sflag:$0x2] =	stream.indirect.gather [hbm4b:s4+s21], $0x80, s0, s21, $0xb8;
	[tilespmem:$0x1E0C0] =	vst v63  }
0xdf: {  	p3 =	sne.s32 s31, $0x4800;
	_ =	swait.ge [sflag:s24], $0x4000  }
0xe0: {  	[sflag:s24] =	ssyncset.done $0x0  }
0xe1: {  	s0 =	sadd.s32 $0x1400, s30;
	[sflag:s24] =	ssyncadd.s32 $0xFFFFC000  }
0xe2: {  	[spmem:s1] =	stream.indirect.scatter.add.f32 [tilespmem:s22], [sflag:$0x3], $0x80, s0, s21, $0xb8;
	[tilespmem:$0x1E0C0] =	vst v63  }
0xe3: {  	_ =	swait.ge [sflag:s19], $0x4000  }
0xe4: {  	[sflag:s19] =	ssyncset.done $0x0  }
0xe5: {  	s0 =	sadd.s32 $0x100, s30;
	[sflag:s19] =	ssyncadd.s32 $0xFFFFC000  }
0xe6: {  	[tilespmem:s22], [sflag:$0x1] =	stream.indirect.gather [hbm4b:s4+s21], $0x80, s0, s21, $0xb8;
	[tilespmem:$0x1E0C0] =	vst v63  }
0xe7: {  	_ =	swait.ge [sflag:s25], $0x4000  }
.Ltmp7:
0xe8: {  	[sflag:s25] =	ssyncset.done $0x0;
	(pc) =	sbr.rel @p3 .LBB2_3-.Ltmp7, $4  }
0xe9: {  	s0 =	sadd.s32 $0x1480, s30;
	[sflag:s25] =	ssyncadd.s32 $0xFFFFC000  }
0xea: {  	[spmem:s1] =	stream.indirect.scatter.add.f32 [tilespmem:s23], [sflag:$0x3], $0x80, s0, s21, $0xb8;
	[tilespmem:$0x1E0C0] =	vst v63  }
0xeb: {  	_ =	swait.ge [sflag:s19], $0x4000  }
0xec: {  	s31 =	smov.u32 s6;
	s30 =	sshra.s32 s3, $0x2;
	[sflag:s19] =	ssyncset.done $0x0  }
0xed: {  	s0 =	sadd.s32 $0x80, s30;
	[sflag:s19] =	ssyncadd.s32 $0xFFFFC000  }
0xee: {  	[tilespmem:s23], [sflag:$0x2] =	stream.indirect.gather [hbm4b:s4+s21], $0x80, s0, s21, $0xb8;
	[tilespmem:$0x1E0C0] =	vst v63  }
0xef: {  	_ =	swait.ge [sflag:s24], $0x4000  }
0xf0: {  	[sflag:s24] =	ssyncset.done $0x0  }
0xf1: {  	s3 =	sadd.s32 $0x1400, s30;
	[sflag:s24] =	ssyncadd.s32 $0xFFFFC000  }
0xf2: {  	[spmem:s1] =	stream.indirect.scatter.add.f32 [tilespmem:s22], [sflag:$0x3], $0x80, s3, s21, $0xb8;
	[tilespmem:$0x1E0C0] =	vst v63  }
0xf3: {  	_ =	swait.ge [sflag:s19], $0x4000  }
0xf4: {  	[sflag:s19] =	ssyncset.done $0x0  }
0xf5: {  	s6 =	sadd.s32 $0x100, s30;
	[sflag:s19] =	ssyncadd.s32 $0xFFFFC000  }
0xf6: {  	[tilespmem:s22], [sflag:$0x1] =	stream.indirect.gather [hbm4b:s4+s21], $0x80, s6, s21, $0xb8;
	[tilespmem:$0x1E0C0] =	vst v63  }
0xf7: {  	_ =	swait.ge [sflag:s25], $0x4000  }
0xf8: {  	[sflag:s25] =	ssyncset.done $0x0  }
0xf9: {  	s3 =	sadd.s32 $0x1480, s30;
	[sflag:s25] =	ssyncadd.s32 $0xFFFFC000  }
0xfa: {  	[spmem:s1] =	stream.indirect.scatter.add.f32 [tilespmem:s23], [sflag:$0x3], $0x80, s3, s21, $0xb8;
	[tilespmem:$0x1E0C0] =	vst v63  }
0xfb: {  	_ =	swait.ge [sflag:s19], $0x4000  }
0xfc: {  	[sflag:s19] =	ssyncset.done $0x0  }
0xfd: {  	[sflag:s19] =	ssyncadd.s32 $0xFFFFC000  }
0xfe: {  	[tilespmem:s23], [sflag:$0x2] =	stream.indirect.gather [hbm4b:s4+s21], $0x80, s26, s21, $0xb8;
	[tilespmem:$0x1E0C0] =	vst v63  }
0xff: {  	_ =	swait.ge [sflag:s24], $0x4000  }
0x100: {  	[sflag:s24] =	ssyncset.done $0x0  }
0x101: {  	[sflag:s24] =	ssyncadd.s32 $0xFFFFC000  }
0x102: {  	[spmem:s1] =	stream.indirect.scatter.add.f32 [tilespmem:s22], [sflag:$0x3], $0x80, s28, s21, $0xb8;
	[tilespmem:$0x1E0C0] =	vst v63  }
0x103: {  	_ =	swait.ge [sflag:s19], $0x4000  }
0x104: {  	[sflag:s19] =	ssyncset.done $0x0  }
0x105: {  	[sflag:s19] =	ssyncadd.s32 $0xFFFFC000  }
0x106: {  	_ =	swait.ge [sflag:s25], $0x4000  }
0x107: {  	[sflag:s25] =	ssyncset.done $0x0  }
0x108: {  	[sflag:s25] =	ssyncadd.s32 $0xFFFFC000  }
0x109: {  	[spmem:s1] =	stream.indirect.scatter.add.f32 [tilespmem:s23], [sflag:$0x3], $0x80, s29, s21, $0xb8;
	[tilespmem:$0x1E0C0] =	vst v63  }
0x10a: {  	_ =	swait.ge [sflag:s19], $0x4000  }
0x10b: {  	[sflag:s19] =	ssyncset.done $0x0  }
0x10c: {  	s6 =	simm.s32 $0x0;
	[sflag:s19] =	ssyncadd.s32 $0xFFFFC000  }
0x10d: {  	[tilespmem:s6], [sflag:$0x3] =	stream.linear.gather [hbm4b:s13+s6], $0x1400, $0x38;
	[tilespmem:$0x1E0C0] =	vst v63  }
0x10e: {  	_ =	swait.ge [sflag:s19], $0x1400  }
0x10f: {  	[sflag:s19] =	ssyncset.done $0x0  }
0x110: {  	[sflag:s19] =	ssyncadd.s32 $0xFFFFEC00  }
0x111: {  	[tilespmem:s20], [sflag:$0x3] =	stream.linear.gather [hbm4b:s14+s6], $0x1400, $0x38;
	[tilespmem:$0x1E0C0] =	vst v63  }
0x112: {  	_ =	swait.ge [sflag:s19], $0x1400  }
0x113: {  	[sflag:s19] =	ssyncset.done $0x0  }
0x114: {  	[sflag:s19] =	ssyncadd.s32 $0xFFFFEC00  }
0x115: {  	[tilespmem:s22], [sflag:$0x1] =	stream.indirect.gather [hbm4b:s4+s21], $0x80, s6, s21, $0xb8;
	[tilespmem:$0x1E0C0] =	vst v63  }
0x116: {  	s3 =	simm.s32 $0x80  }
0x117: {  	[tilespmem:s23], [sflag:$0x2] =	stream.indirect.gather [hbm4b:s4+s21], $0x80, s3, s21, $0xb8;
	[tilespmem:$0x1E0C0] =	vst v63  }
0x118: {  	_ =	swait.ge [sflag:s24], $0x4000  }
0x119: {  	[sflag:s24] =	ssyncset.done $0x0  }
0x11a: {  	s6 =	simm.s32 $0x1400;
	[sflag:s24] =	ssyncadd.s32 $0xFFFFC000  }
0x11b: {  	[spmem:s1] =	stream.indirect.scatter.add.f32 [tilespmem:s22], [sflag:$0x3], $0x80, s6, s21, $0xb8;
	[tilespmem:$0x1E0C0] =	vst v63  }
0x11c: {  	_ =	swait.ge [sflag:s19], $0x4000  }
0x11d: {  	[sflag:s19] =	ssyncset.done $0x0  }
0x11e: {  	s3 =	simm.s32 $0x100;
	[sflag:s19] =	ssyncadd.s32 $0xFFFFC000  }
0x11f: {  	[tilespmem:s22], [sflag:$0x1] =	stream.indirect.gather [hbm4b:s4+s21], $0x80, s3, s21, $0xb8;
	[tilespmem:$0x1E0C0] =	vst v63  }
0x120: {  	_ =	swait.ge [sflag:s25], $0x4000  }
0x121: {  	[sflag:s25] =	ssyncset.done $0x0  }
0x122: {  	s6 =	simm.s32 $0x1480;
	[sflag:s25] =	ssyncadd.s32 $0xFFFFC000  }
0x123: {  	[spmem:s1] =	stream.indirect.scatter.add.f32 [tilespmem:s23], [sflag:$0x3], $0x80, s6, s21, $0xb8;
	[tilespmem:$0x1E0C0] =	vst v63  }
0x124: {  	_ =	swait.ge [sflag:s19], $0x4000  }
0x125: {  	s31 =	simm.s32 $0x800;
	s30 =	simm.s32 $0x100;
	[sflag:s19] =	ssyncset.done $0x0  }
.LBB2_5:
0x126: {  	s0 =	sadd.s32 $0x80, s30  }
0x127: {  	[sflag:s19] =	ssyncadd.s32 $0xFFFFC000;
	s3 =	smov.u32 s31;
	s6 =	sadd.s32 $0x400, s31  }
0x128: {  	[tilespmem:s23], [sflag:$0x2] =	stream.indirect.gather [hbm4b:s4+s21], $0x80, s0, s21, $0xb8;
	[tilespmem:$0x1E0C0] =	vst v63  }
0x129: {  	p3 =	sne.s32 s31, $0x4800;
	_ =	swait.ge [sflag:s24], $0x4000  }
0x12a: {  	[sflag:s24] =	ssyncset.done $0x0  }
0x12b: {  	s0 =	sadd.s32 $0x1400, s30;
	[sflag:s24] =	ssyncadd.s32 $0xFFFFC000  }
0x12c: {  	[spmem:s1] =	stream.indirect.scatter.add.f32 [tilespmem:s22], [sflag:$0x3], $0x80, s0, s21, $0xb8;
	[tilespmem:$0x1E0C0] =	vst v63  }
0x12d: {  	_ =	swait.ge [sflag:s19], $0x4000  }
0x12e: {  	[sflag:s19] =	ssyncset.done $0x0  }
0x12f: {  	s0 =	sadd.s32 $0x100, s30;
	[sflag:s19] =	ssyncadd.s32 $0xFFFFC000  }
0x130: {  	[tilespmem:s22], [sflag:$0x1] =	stream.indirect.gather [hbm4b:s4+s21], $0x80, s0, s21, $0xb8;
	[tilespmem:$0x1E0C0] =	vst v63  }
0x131: {  	_ =	swait.ge [sflag:s25], $0x4000  }
.Ltmp8:
0x132: {  	[sflag:s25] =	ssyncset.done $0x0;
	(pc) =	sbr.rel @p3 .LBB2_5-.Ltmp8, $4  }
0x133: {  	s0 =	sadd.s32 $0x1480, s30;
	[sflag:s25] =	ssyncadd.s32 $0xFFFFC000  }
0x134: {  	[spmem:s1] =	stream.indirect.scatter.add.f32 [tilespmem:s23], [sflag:$0x3], $0x80, s0, s21, $0xb8;
	[tilespmem:$0x1E0C0] =	vst v63  }
0x135: {  	_ =	swait.ge [sflag:s19], $0x4000  }
0x136: {  	s31 =	smov.u32 s6;
	s30 =	sshra.s32 s3, $0x2;
	[sflag:s19] =	ssyncset.done $0x0  }
0x137: {  	s0 =	sadd.s32 $0x80, s30;
	[sflag:s19] =	ssyncadd.s32 $0xFFFFC000  }
0x138: {  	[tilespmem:s23], [sflag:$0x2] =	stream.indirect.gather [hbm4b:s4+s21], $0x80, s0, s21, $0xb8;
	[tilespmem:$0x1E0C0] =	vst v63  }
0x139: {  	_ =	swait.ge [sflag:s24], $0x4000  }
0x13a: {  	[sflag:s24] =	ssyncset.done $0x0  }
0x13b: {  	s3 =	sadd.s32 $0x1400, s30;
	[sflag:s24] =	ssyncadd.s32 $0xFFFFC000  }
0x13c: {  	[spmem:s1] =	stream.indirect.scatter.add.f32 [tilespmem:s22], [sflag:$0x3], $0x80, s3, s21, $0xb8;
	[tilespmem:$0x1E0C0] =	vst v63  }
0x13d: {  	_ =	swait.ge [sflag:s19], $0x4000  }
0x13e: {  	[sflag:s19] =	ssyncset.done $0x0  }
0x13f: {  	s6 =	sadd.s32 $0x100, s30;
	[sflag:s19] =	ssyncadd.s32 $0xFFFFC000  }
0x140: {  	[tilespmem:s22], [sflag:$0x1] =	stream.indirect.gather [hbm4b:s4+s21], $0x80, s6, s21, $0xb8;
	[tilespmem:$0x1E0C0] =	vst v63  }
0x141: {  	_ =	swait.ge [sflag:s25], $0x4000  }
0x142: {  	[sflag:s25] =	ssyncset.done $0x0  }
0x143: {  	s31 =	sadd.s32 $0x1480, s30;
	[sflag:s25] =	ssyncadd.s32 $0xFFFFC000  }
0x144: {  	[spmem:s1] =	stream.indirect.scatter.add.f32 [tilespmem:s23], [sflag:$0x3], $0x80, s31, s21, $0xb8;
	[tilespmem:$0x1E0C0] =	vst v63  }
0x145: {  	_ =	swait.ge [sflag:s19], $0x4000  }
0x146: {  	[sflag:s19] =	ssyncset.done $0x0  }
0x147: {  	[sflag:s19] =	ssyncadd.s32 $0xFFFFC000  }
0x148: {  	[tilespmem:s23], [sflag:$0x2] =	stream.indirect.gather [hbm4b:s4+s21], $0x80, s26, s21, $0xb8;
	[tilespmem:$0x1E0C0] =	vst v63  }
0x149: {  	_ =	swait.ge [sflag:s24], $0x4000  }
0x14a: {  	[sflag:s24] =	ssyncset.done $0x0  }
0x14b: {  	[sflag:s24] =	ssyncadd.s32 $0xFFFFC000  }
0x14c: {  	[spmem:s1] =	stream.indirect.scatter.add.f32 [tilespmem:s22], [sflag:$0x3], $0x80, s28, s21, $0xb8;
	[tilespmem:$0x1E0C0] =	vst v63  }
0x14d: {  	_ =	swait.ge [sflag:s19], $0x4000  }
0x14e: {  	[sflag:s19] =	ssyncset.done $0x0  }
0x14f: {  	[sflag:s19] =	ssyncadd.s32 $0xFFFFC000  }
0x150: {  	_ =	swait.ge [sflag:s25], $0x4000  }
0x151: {  	[sflag:s25] =	ssyncset.done $0x0  }
0x152: {  	[sflag:s25] =	ssyncadd.s32 $0xFFFFC000  }
0x153: {  	[spmem:s1] =	stream.indirect.scatter.add.f32 [tilespmem:s23], [sflag:$0x3], $0x80, s29, s21, $0xb8;
	[tilespmem:$0x1E0C0] =	vst v63  }
.Ltmp9:
0x154: {  	_ =	swait.ge [sflag:s19], $0x4000;
	(pc) =	sbr.rel @p2 .LBB2_12-.Ltmp9, $4  }
.Ltmp10:
0x155: {  	[sflag:s19] =	ssyncset.done $0x0;
	(pc) =	sbr.rel @!p2 .LBB2_13-.Ltmp10, $4  }
0x156: {  	[sflag:s19] =	ssyncadd.s32 $0xFFFFC000  }
0x157: {  	[bflag:$0x0] =	sbarrier.arrive $0xFFFF  }
0x158: {  	s30 =	rddreg [dreg:$0x3]  }
0x159: {  	_ = 	snop  }
.LBB2_14:
0x15a: {  	_ =	sfence.sel $0x180000  }
0x15b: {  	[bflag:$0x0] =	sbarrier.arrive $0xFFFF  }
0x15c: {  	_ =	strace $0x9000004A  }
0x15d: {  	s0 =	stileid.u32;
	[bflag:$0x2] =	sbarrier.arrive $0xFFFF  }
0x15e: {  	p0 =	sne.s32 s0, $0x0;
	s0 =	rddreg [dreg:$0x2]  }
0x15f: {  	s0 =	sadd.s32 @!p0 $0x100000, s0  }
0x160: {  	[sflag:s0] =	ssyncadd.tile.s32 @!p0 $0x1;
	_ =	shalt  }
.Lfunc_end2:
_tile_overlayer_lowered:
.L_overlay_start_2:
0x161: {  	(tag) =	ssettag $0x2  }
0x162: {  	s0 =	rddreg [dreg:$0x0];
	s2 =	stileid.u32  }
0x163: {  	s1 =	rddreg [dreg:$0x1];
	p0 =	sne.s32 s2, $0x0  }
0x164: {  	s3 =	rddreg [dreg:$0x2];
	[bflag:$0x3] =	sbarrier.arrive $0xFFFF;
	s2 =	simm.s32 @!p0 $0x1C03  }
0x165: {  	[timem:s3], [sflag:s2] =	dma.local @!p0 [hbm:s0], s1  }
0x166: {  	s0 =	simm.s32 @!p0 $0x3  }
0x167: {  	_ =	swait.ge @!p0 [sflag:s0], s1  }
0x168: {  	s1 =	ssub.s32 @!p0 $0x0, s1;
	[sflag:s0] =	ssyncset.done @!p0 $0x0  }
0x169: {  	[sflag:s0] =	ssyncadd.s32 @!p0 s1  }
0x16a: {  	[bflag:$0x3] =	sbarrier.arrive $0xFFFF  }
0x16b: {  	_ =	shalt  }

// kernel: kernel.19.cloned.1.call-start
scs
__scs_entry_jumppad:
0x0: {  	(pc) =	sbr.rel $0x88, $3  }
0x1: {  	(tag) =	ssettag $0x0;
	lr =	simm.s32 $0x1  }
0x2: {  	[smem:$0x3F91] =	sst lr;
	_ =	strace $0xD0000000  }
0x3: {  	_ = 	snop  }
0x4: {  	_ = 	snop  }
0x5: {  	_ = 	snop  }
0x6: {  	_ = 	snop  }
0x7: {  	_ = 	snop  }
__scs_overlays_trampoline_lowered:
0x8: {  	[smem:$0x3FA0] =	sst s0  }
0x9: {  	[smem:$0x3FA1] =	sst s1  }
0xa: {  	[smem:$0x3FA2] =	sst s2  }
0xb: {  	[smem:$0x3FA3] =	sst s3  }
0xc: {  	[smem:$0x3FA4] =	sst s4  }
0xd: {  	[smem:$0x3FA5] =	sst s5  }
0xe: {  	[smem:$0x3FA6] =	sst s6  }
0xf: {  	[smem:$0x3FA7] =	sst s7  }
0x10: {  	[smem:$0x3FA8] =	sst s8  }
0x11: {  	[smem:$0x3FA9] =	sst s9;
	s0 =	simm.s32 @!p0 $0x0  }
0x12: {  	s1 =	sld [smem:$0x3F8F];
	s0 =	simm.s32 @p0 $0x1  }
0x13: {  	[smem:$0x3FAA] =	sst s0;
	s0 =	simm.s32 @!p1 $0x0  }
0x14: {  	s2 =	sld [smem:$0x3F8E];
	s0 =	simm.s32 @p1 $0x1  }
0x15: {  	[smem:$0x3FAB] =	sst s0;
	s0 =	simm.s32 @!p2 $0x0  }
0x16: {  	s3 =	sld [smem:$0x3FDB];
	s0 =	simm.s32 @p2 $0x1  }
0x17: {  	s4 =	simm.s32 $0x1BF5;
	[smem:$0x3FAD] =	sst s0  }
0x18: {  	s0 =	sld [smem:$0x3F90];
	_ =	swait.ge [sflag:s4], $0x0  }
0x19: {  	s7 =	sld [smem:$0x3F91]  }
0x1a: {  	s8 =	sadd.s32 $0xFFFFE003, lr  }
0x1b: {  	s9 =	sadd.s32 $0xFFFFFEF7, lr;
	s5 =	simm.s32 $0xFFFFFFFF;
	p2 =	slt.u32 s8, $0xFFFFF086  }
0x1c: {  	p1 =	slt.u32 s9, $0xF7A;
	s5 =	simm.s32 @!p2 $0x0  }
0x1d: {  	s5 =	simm.s32 @p1 $0x1;
	p0 =	seq.s32 s7, s2  }
0x1e: {  	s7 =	smul.u32 @!p0 $0xF7A, s2;
	p2 =	seq.s32 @!p0 s5, $0x0  }
0x1f: {  	s9 =	smul.u32 $0xF7A, s1;
	s8 =	simm.s32 @!p0 $0x1BF5;
	p2 =	por !p2, p0  }
0x20: {  	[sflag:s8] =	ssyncset.s32 @!p0 $0xFFFFF086;
	s6 =	sadd.s32 @!p0 s3, s7;
	s7 =	simm.s32 @!p0 $0x108  }
0x21: {  	s3 =	sadd.s32 s3, s9;
	s6 =	sadd.s32 @!p0 $0x88, s6;
	s7 =	simm.s32 @p2 $0x1082  }
0x22: {  	[simem:s7], [sflag:s8] =	dma.local @!p0 [hbm:s6], $0xF7A  }
0x23: {  	s9 =	sor.u32 $0xD0000000, s2;
	s6 =	simm.s32 $0x108;
	_ =	swait.ge @!p0 [sflag:s8], $0x0  }
0x24: {  	s3 =	sadd.s32 $0x88, s3;
	s6 =	simm.s32 @!p1 $0x1082;
	[sflag:s4] =	ssyncset.s32 $0xFFFFF086  }
0x25: {  	[simem:s6], [sflag:s4] =	dma.local [hbm:s3], $0xF7A  }
0x26: {  	[smem:$0x3F91] =	sst s1;
	(tag) =	ssettag s2;
	_ =	strace s9  }
0x27: {  	s1 =	sld [smem:$0x3FA1]  }
0x28: {  	s2 =	sld [smem:$0x3FA2]  }
0x29: {  	s4 =	sld [smem:$0x3FA4]  }
0x2a: {  	p0 =	seq.s32 s5, $0x0;
	s5 =	sld [smem:$0x3FA5]  }
0x2b: {  	s6 =	sld [smem:$0x3FA6]  }
0x2c: {  	s7 =	sld [smem:$0x3FA7]  }
0x2d: {  	s3 =	simm.s32 $0x108;
	s8 =	sld [smem:$0x3FA8]  }
0x2e: {  	s3 =	simm.s32 @!p0 $0x1082;
	s9 =	sld [smem:$0x3FA9]  }
0x2f: {  	lr =	sadd.s32 s0, s3;
	s0 =	sld [smem:$0x3FA0]  }
0x30: {  	s3 =	sld [smem:$0x3FA3]  }
0x31: {  	[smem:$0x3FAC] =	sst s10  }
0x32: {  	s10 =	sld [smem:$0x3FAA];
	_ =	sdelay $0x3  }
0x33: {  	p0 =	seq.s32 s10, $0x1;
	s10 =	sld [smem:$0x3FAC];
	_ =	sdelay $0x3  }
0x34: {  	[smem:$0x3FAC] =	sst s10  }
0x35: {  	s10 =	sld [smem:$0x3FAB];
	_ =	sdelay $0x3  }
0x36: {  	p1 =	seq.s32 s10, $0x1;
	s10 =	sld [smem:$0x3FAC];
	_ =	sdelay $0x3  }
0x37: {  	[smem:$0x3FAC] =	sst s10  }
0x38: {  	s10 =	sld [smem:$0x3FAD]  }
0x39: {  	_ = 	snop;
	(pc) =	sbr.ind lr, $3  }
0x3a: {  	_ = 	snop  }
0x3b: {  	_ = 	snop  }
0x3c: {  	p2 =	seq.s32 s10, $0x1;
	s10 =	sld [smem:$0x3FAC]  }
0x3d: {  	_ =	shalt  }
0x3e: {  	_ =	shalt  }
0x3f: {  	_ =	shalt  }
0x40: {  	_ =	shalt  }
0x41: {  	_ =	shalt  }
0x42: {  	_ =	shalt  }
0x43: {  	_ =	shalt  }
0x44: {  	_ =	shalt  }
0x45: {  	_ =	shalt  }
0x46: {  	_ =	shalt  }
0x47: {  	_ =	shalt  }
0x48: {  	_ =	shalt  }
0x49: {  	_ =	shalt  }
0x4a: {  	_ =	shalt  }
0x4b: {  	_ =	shalt  }
0x4c: {  	_ =	shalt  }
0x4d: {  	_ =	shalt  }
0x4e: {  	_ =	shalt  }
0x4f: {  	_ =	shalt  }
0x50: {  	_ =	shalt  }
0x51: {  	_ =	shalt  }
0x52: {  	_ =	shalt  }
0x53: {  	_ =	shalt  }
0x54: {  	_ =	shalt  }
0x55: {  	_ =	shalt  }
0x56: {  	_ =	shalt  }
0x57: {  	_ =	shalt  }
0x58: {  	_ =	shalt  }
0x59: {  	_ =	shalt  }
0x5a: {  	_ =	shalt  }
0x5b: {  	_ =	shalt  }
0x5c: {  	_ =	shalt  }
0x5d: {  	_ =	shalt  }
0x5e: {  	_ =	shalt  }
0x5f: {  	_ =	shalt  }
0x60: {  	_ =	shalt  }
0x61: {  	_ =	shalt  }
0x62: {  	_ =	shalt  }
0x63: {  	_ =	shalt  }
0x64: {  	_ =	shalt  }
0x65: {  	_ =	shalt  }
0x66: {  	_ =	shalt  }
0x67: {  	_ =	shalt  }
0x68: {  	_ =	shalt  }
0x69: {  	_ =	shalt  }
0x6a: {  	_ =	shalt  }
0x6b: {  	_ =	shalt  }
0x6c: {  	_ =	shalt  }
0x6d: {  	_ =	shalt  }
0x6e: {  	_ =	shalt  }
0x6f: {  	_ =	shalt  }
0x70: {  	_ =	shalt  }
0x71: {  	_ =	shalt  }
0x72: {  	_ =	shalt  }
0x73: {  	_ =	shalt  }
0x74: {  	_ =	shalt  }
0x75: {  	_ =	shalt  }
0x76: {  	_ =	shalt  }
0x77: {  	_ =	shalt  }
0x78: {  	_ =	shalt  }
0x79: {  	_ =	shalt  }
0x7a: {  	_ =	shalt  }
0x7b: {  	_ =	shalt  }
0x7c: {  	_ =	shalt  }
0x7d: {  	_ =	shalt  }
0x7e: {  	_ =	shalt  }
0x7f: {  	_ =	shalt  }
0x80: {  	_ =	shalt  }
0x81: {  	_ =	shalt  }
0x82: {  	_ =	shalt  }
0x83: {  	_ =	shalt  }
0x84: {  	_ =	shalt  }
0x85: {  	_ =	shalt  }
0x86: {  	_ =	shalt  }
0x87: {  	_ =	shalt  }
.Lfunc_end0:
.L_simem_size_0:
called_computation.2_lowered:
.L_overlay_start_0:
0x88: {  	s2 =	sld [smem:$0x3FD9]  }
0x89: {  	s3 =	sld [smem:$0x3FFE];
	_ =	sdelay $0x1  }
0x8a: {  	s1 =	srdreg.scid  }
0x8b: {  	s0 =	sand.u32 $0x1, s1  }
0x8c: {  	s16 =	sshll.u32 s0, $0xA;
	s2 =	sadd.s32 s3, s2  }
0x8d: {  	s2 =	sadd.s32 s2, s16  }
0x8e: {  	[smem:$0x3FB8] =	sst s2  }
0x8f: {  	_ = 	snop  }
0x90: {  	(tm) =	ssettm $0x1  }
0x91: {  	s17 =	sld [smem:$0x3FFB];
	_ =	sdelay $0x3  }
0x92: {  	_ =	strace s17  }
0x93: {  	s2 =	sld [smem:$0x3FFC];
	_ =	sdelay $0x3  }
0x94: {  	_ =	strace s2  }
0x95: {  	s2 =	sld [smem:$0x3FFD];
	_ =	sdelay $0x3  }
0x96: {  	_ =	strace s2  }
0x97: {  	_ =	strace $0x8FFFFFFF  }
0x98: {  	s18 =	sld [smem:$0x3FDB];
	_ =	sdelay $0x1  }
0x99: {  	s19 =	simm.s32 $_scs_section_size  }
0x9a: {  	s4 =	simm.s32 $_size__tile_overlayer_lowered;
	s5 =	simm.s32 $_tile_overlayer_lowered  }
0x9b: {  	s22 =	simm.s32 $0x1BFF;
	s21 =	sshll.u32 s5, $0x1;
	s2 =	sadd.s32 s19, s18  }
0x9c: {  	s6 =	simm.s32 $0x0;
	s20 =	sshll.u32 s4, $0x1;
	s4 =	sadd.s32 s21, s2  }
0x9d: {  	[timem:s6], [sflag:s22] =	dma.local [hbm:s4], s20  }
0x9e: {  	_ =	swait.ge [sflag:s22], s20  }
0x9f: {  	s3 =	ssub.s32 $0x0, s20;
	[sflag:s22] =	ssyncset.done $0x0  }
0xa0: {  	[sflag:s22] =	ssyncadd.s32 s3;
	_ =	sdelay $0x1  }
0xa1: {  	s23 =	simm.s32 $0x1B8B  }
0xa2: {  	_ =	swait.ge [sflag:s23], $0x1  }
0xa3: {  	[sflag:s23] =	ssyncset.done $0x0  }
0xa4: {  	s25 =	simm.s32 $0x1B8E;
	s24 =	sld [smem:$0x3FFE];
	[sflag:s23] =	ssyncadd.s32 $0xFFFFFFFF  }
0xa5: {  	s26 =	simm.s32 $execute0_lowered;
	[smem:$0x3FD2] =	sst s25  }
0xa6: {  	s4 =	sshll.u32 s26, $0x1;
	_ =	strace $0x8000004C;
	[dreg:$0x1] =	wrdreg $0xFFFFFFFF  }
0xa7: {  	s28 =	simm.s32 $_size_execute0_lowered;
	s2 =	sadd.s32 s2, s4;
	[dreg:$0x0] =	wrdreg $0x0  }
0xa8: {  	s4 =	sshll.u32 s28, $0x1;
	[dreg:$0x2] =	wrdreg s2  }
0xa9: {  	[dreg:$0x3] =	wrdreg s4  }
0xaa: {  	[dreg:$0x4] =	wrdreg $0xC0  }
0xab: {  	_ =	task [dreg:s6], $0x5FFFF  }
0xac: {  	[dreg:$0x1] =	wrdreg $0xFFFFFFFF  }
0xad: {  	[dreg:$0x0] =	wrdreg $0x60  }
0xae: {  	[dreg:$0x2] =	wrdreg s24  }
0xaf: {  	[dreg:$0x3] =	wrdreg $0xA8000  }
0xb0: {  	[dreg:$0x4] =	wrdreg $0x9  }
0xb1: {  	_ =	task.clear_ibuf [dreg:s6], $0x5FFFF;
	_ =	strace $0x9000004C  }
0xb2: {  	s29 =	simm.s32 $0x9;
	_ =	strace $0x8000004E  }
0xb3: {  	_ =	swait.ge [sflag:s29], $0x1  }
0xb4: {  	[sflag:s29] =	ssyncadd.s32 $0xFFFFFFFF  }
0xb5: {  	_ =	strace $0x9000004E  }
0xb6: {  	_ =	sfence  }
0xb7: {  	s30 =	sld [smem:$0x0];
	_ =	sdelay $0x2  }
0xb8: {  	s31 =	sshll.u32 s1, $0xD;
	s1 =	sshrl.u32 s1, $0x2  }
0xb9: {  	s3 =	sand.u32 $0x4000, s31;
	s1 =	sadd.s32 s1, s30  }
0xba: {  	s0 =	sor.u32 s3, s0;
	s1 =	sshll.u32 s1, $0x11  }
0xbb: {  	s0 =	sor.u32 s1, s0  }
0xbc: {  	s0 =	sadd.s32 $0x8F2B, s0  }
0xbd: {  	[sflag:s0] =	ssyncadd.remote.s32 $0x1  }
0xbe: {  	_ =	sfence.sel $0xFFFF  }
0xbf: {  	[dreg:$0x0] =	wrdreg $0xFFFFFFFF;
	(pc) =	sbr.abs _section_cstart, $3  }
0xc0: {  	[dreg:$0x1] =	wrdreg $0xFFFFFFFF  }
0xc1: {  	_ =	task.clear_ibuf [dreg:s6], $0x2FFFF;
	_ =	strace $0x9FFFFFFF  }
0xc2: {  	(tm) =	ssettm $0x7FFFFFFF  }
0xc3: {  	_ =	shalt  }
tec
execute0_lowered:
.L_overlay_start_1:
0x0: {  	(tag) =	ssettag $0x1  }
0x1: {  	s0 =	srdreg.scid;
	s5 =	rddreg [dreg:$0x0]  }
0x2: {  	s2 =	rddreg [dreg:$0x1];
	s1 =	stileid.u32  }
0x3: {  	s3 =	simm.s32 $0x0;
	s16 =	simm.s32 $0x3;
	s17 =	simm.s32 $0x1400  }
0x4: {  	s18 =	simm.s32 $0x80;
	s19 =	simm.s32 $0x2800;
	s20 =	simm.s32 $0x6800  }
0x5: {  	s21 =	simm.s32 $0x1;
	s22 =	simm.s32 $0x2;
	s23 =	simm.s32 $0x1380  }
0x6: {  	s24 =	simm.s32 $0x2700;
	s25 =	simm.s32 $0x2780;
	s26 =	simm.s32 $0x0  }
0x7: {  	s6 =	sand.u32 $0x1, s0;
	[smem:$0x7FF] =	sst s3;
	s30 =	smul.u32 $0x3E80, s1  }
0x8: {  	p1 =	slt.u32 s1, $0xA;
	s11 =	smul.u32 $0x7D000, s1;
	s4 =	sshll.u32 s6, $0x4  }
0x9: {  	_ =	strace $0x8000004D;
	s8 =	ssub.s32 $0x2, s6;
	p0 =	seq.s32 s6, $0x0  }
0xa: {  	p2 =	seq.s32 s6, $0x1;
	s4 =	sor.u32 s1, s4;
	s10 =	sshrl.u32 s8, $0x1  }
0xb: {  	s12 =	sadd.s32 s30, s5;
	p0 =	por !p0, !p1;
	s31 =	sshrl.u32 s11, $0x2  }
0xc: {  	p1 =	por !p1, !p2;
	s7 =	smul.u32 $0x280, s4;
	s4 =	sadd.s32 $0x36600, s5  }
0xd: {  	s13 =	ssub.s32 s8, s10;
	p0 =	por !p0, !p0;
	s15 =	sadd.s32 s31, s2  }
0xe: {  	p1 =	por !p1, !p1;
	s6 =	sadd.s32 $0xF400, s12;
	s10 =	sadd.s32 $0x84A00, s12  }
0xf: {  	s11 =	smax.u32 s13, $0x1;
	s14 =	sshll.u32 @p1 s1, $0x6;
	s9 =	sadd.s32 s7, s5  }
0x10: {  	s13 =	sshrl.u32 @p0 s15, $0x3;
	s15 =	sshrl.u32 @p1 s15, $0x3;
	s7 =	sadd.s32 $0x5400, s9  }
0x11: {  	s8 =	sadd.s32 $0xA400, s9;
	s9 =	sadd.s32 $0x5D800, s12;
	s12 =	sshll.u32 @p0 s1, $0x6  }
0x12: {  	s5 =	sadd.s32 s4, s30;
	s14 =	sor.u32 @p1 $0x1C03, s14;
	s12 =	sor.u32 @p0 $0x1C03, s12  }
.LBB2_1:
0x13: {  	[spmem:s13], [sflag:s12] =	dma.local @p0 [hbm:s5], $0x3E80  }
0x14: {  	s28 =	simm.s32 @p0 $0x3  }
0x15: {  	_ =	swait.ge @p0 [sflag:s28], $0x3E80  }
0x16: {  	[sflag:s28] =	ssyncset.done @p0 $0x0  }
0x17: {  	[sflag:s28] =	ssyncadd.s32 @p0 $0xFFFFC180;
	s28 =	simm.s32 @p1 $0x3  }
0x18: {  	[spmem:s15], [sflag:s14] =	dma.local @p1 [hbm:s6], $0x3E80  }
0x19: {  	_ =	swait.ge @p1 [sflag:s28], $0x3E80  }
0x1a: {  	[sflag:s28] =	ssyncset.done @p1 $0x0  }
0x1b: {  	[sflag:s28] =	ssyncadd.s32 @p1 $0xFFFFC180  }
0x1c: {  	[tilespmem:s3], [sflag:$0x3] =	stream.linear.gather [hbm4b:s7+s3], $0x1400, $0x38;
	[tilespmem:$0x1E0C0] =	vst v63  }
0x1d: {  	_ =	swait.ge [sflag:s16], $0x1400  }
0x1e: {  	[sflag:s16] =	ssyncset.done $0x0  }
0x1f: {  	[sflag:s16] =	ssyncadd.s32 $0xFFFFEC00  }
0x20: {  	[tilespmem:s17], [sflag:$0x3] =	stream.linear.gather [hbm4b:s8+s3], $0x1400, $0x38;
	[tilespmem:$0x1E0C0] =	vst v63  }
0x21: {  	_ =	swait.ge [sflag:s16], $0x1400  }
0x22: {  	[sflag:s16] =	ssyncset.done $0x0  }
0x23: {  	[sflag:s16] =	ssyncadd.s32 $0xFFFFEC00  }
0x24: {  	[bflag:$0x0] =	sbarrier.arrive $0xFFFF  }
0x25: {  	[tilespmem:s19], [sflag:$0x1] =	stream.indirect.gather [hbm4b:s4+s18], $0x80, s3, s18, $0xb8;
	[tilespmem:$0x1E0C0] =	vst v63  }
0x26: {  	s28 =	simm.s32 $0x80  }
0x27: {  	[tilespmem:s20], [sflag:$0x2] =	stream.indirect.gather [hbm4b:s4+s18], $0x80, s28, s18, $0xb8;
	[tilespmem:$0x1E0C0] =	vst v63  }
0x28: {  	_ =	swait.ge [sflag:s21], $0x4000  }
0x29: {  	[sflag:s21] =	ssyncset.done $0x0  }
0x2a: {  	s28 =	simm.s32 $0x1400;
	[sflag:s21] =	ssyncadd.s32 $0xFFFFC000  }
0x2b: {  	[spmem:s2] =	stream.indirect.scatter.add.f32 [tilespmem:s19], [sflag:$0x3], $0x80, s28, s18, $0xb8;
	[tilespmem:$0x1E0C0] =	vst v63  }
0x2c: {  	_ =	swait.ge [sflag:s16], $0x4000  }
0x2d: {  	[sflag:s16] =	ssyncset.done $0x0  }
0x2e: {  	s28 =	simm.s32 $0x100;
	[sflag:s16] =	ssyncadd.s32 $0xFFFFC000  }
0x2f: {  	[tilespmem:s19], [sflag:$0x1] =	stream.indirect.gather [hbm4b:s4+s18], $0x80, s28, s18, $0xb8;
	[tilespmem:$0x1E0C0] =	vst v63  }
0x30: {  	_ =	swait.ge [sflag:s22], $0x4000  }
0x31: {  	[sflag:s22] =	ssyncset.done $0x0  }
0x32: {  	s28 =	simm.s32 $0x1480;
	[sflag:s22] =	ssyncadd.s32 $0xFFFFC000  }
0x33: {  	[spmem:s2] =	stream.indirect.scatter.add.f32 [tilespmem:s20], [sflag:$0x3], $0x80, s28, s18, $0xb8;
	[tilespmem:$0x1E0C0] =	vst v63  }
0x34: {  	_ =	swait.ge [sflag:s16], $0x4000  }
0x35: {  	s29 =	simm.s32 $0x800;
	s28 =	simm.s32 $0x100;
	[sflag:s16] =	ssyncset.done $0x0  }
.LBB2_2:
0x36: {  	s30 =	sadd.s32 $0x80, s28  }
0x37: {  	[sflag:s16] =	ssyncadd.s32 $0xFFFFC000;
	s31 =	smov.u32 s29;
	s0 =	sadd.s32 $0x400, s29  }
0x38: {  	[tilespmem:s20], [sflag:$0x2] =	stream.indirect.gather [hbm4b:s4+s18], $0x80, s30, s18, $0xb8;
	[tilespmem:$0x1E0C0] =	vst v63  }
0x39: {  	p2 =	sne.s32 s29, $0x4800;
	_ =	swait.ge [sflag:s21], $0x4000  }
0x3a: {  	[sflag:s21] =	ssyncset.done $0x0  }
0x3b: {  	s29 =	sadd.s32 $0x1400, s28;
	[sflag:s21] =	ssyncadd.s32 $0xFFFFC000  }
0x3c: {  	[spmem:s2] =	stream.indirect.scatter.add.f32 [tilespmem:s19], [sflag:$0x3], $0x80, s29, s18, $0xb8;
	[tilespmem:$0x1E0C0] =	vst v63  }
0x3d: {  	_ =	swait.ge [sflag:s16], $0x4000  }
0x3e: {  	[sflag:s16] =	ssyncset.done $0x0  }
0x3f: {  	s29 =	sadd.s32 $0x100, s28;
	[sflag:s16] =	ssyncadd.s32 $0xFFFFC000  }
0x40: {  	[tilespmem:s19], [sflag:$0x1] =	stream.indirect.gather [hbm4b:s4+s18], $0x80, s29, s18, $0xb8;
	[tilespmem:$0x1E0C0] =	vst v63  }
0x41: {  	_ =	swait.ge [sflag:s22], $0x4000  }
.Ltmp0:
0x42: {  	[sflag:s22] =	ssyncset.done $0x0;
	(pc) =	sbr.rel @p2 .LBB2_2-.Ltmp0, $4  }
0x43: {  	s28 =	sadd.s32 $0x1480, s28;
	[sflag:s22] =	ssyncadd.s32 $0xFFFFC000  }
0x44: {  	[spmem:s2] =	stream.indirect.scatter.add.f32 [tilespmem:s20], [sflag:$0x3], $0x80, s28, s18, $0xb8;
	[tilespmem:$0x1E0C0] =	vst v63  }
0x45: {  	_ =	swait.ge [sflag:s16], $0x4000  }
0x46: {  	s29 =	smov.u32 s0;
	s28 =	sshra.s32 s31, $0x2;
	[sflag:s16] =	ssyncset.done $0x0  }
0x47: {  	s0 =	sadd.s32 $0x80, s28;
	[sflag:s16] =	ssyncadd.s32 $0xFFFFC000  }
0x48: {  	[tilespmem:s20], [sflag:$0x2] =	stream.indirect.gather [hbm4b:s4+s18], $0x80, s0, s18, $0xb8;
	[tilespmem:$0x1E0C0] =	vst v63  }
0x49: {  	_ =	swait.ge [sflag:s21], $0x4000  }
0x4a: {  	[sflag:s21] =	ssyncset.done $0x0  }
0x4b: {  	s29 =	sadd.s32 $0x1400, s28;
	[sflag:s21] =	ssyncadd.s32 $0xFFFFC000  }
0x4c: {  	[spmem:s2] =	stream.indirect.scatter.add.f32 [tilespmem:s19], [sflag:$0x3], $0x80, s29, s18, $0xb8;
	[tilespmem:$0x1E0C0] =	vst v63  }
0x4d: {  	_ =	swait.ge [sflag:s16], $0x4000  }
0x4e: {  	[sflag:s16] =	ssyncset.done $0x0  }
0x4f: {  	s30 =	sadd.s32 $0x100, s28;
	[sflag:s16] =	ssyncadd.s32 $0xFFFFC000  }
0x50: {  	[tilespmem:s19], [sflag:$0x1] =	stream.indirect.gather [hbm4b:s4+s18], $0x80, s30, s18, $0xb8;
	[tilespmem:$0x1E0C0] =	vst v63  }
0x51: {  	_ =	swait.ge [sflag:s22], $0x4000  }
0x52: {  	[sflag:s22] =	ssyncset.done $0x0  }
0x53: {  	s31 =	sadd.s32 $0x1480, s28;
	[sflag:s22] =	ssyncadd.s32 $0xFFFFC000  }
0x54: {  	[spmem:s2] =	stream.indirect.scatter.add.f32 [tilespmem:s20], [sflag:$0x3], $0x80, s31, s18, $0xb8;
	[tilespmem:$0x1E0C0] =	vst v63  }
0x55: {  	_ =	swait.ge [sflag:s16], $0x4000  }
0x56: {  	[sflag:s16] =	ssyncset.done $0x0  }
0x57: {  	[sflag:s16] =	ssyncadd.s32 $0xFFFFC000  }
0x58: {  	[tilespmem:s20], [sflag:$0x2] =	stream.indirect.gather [hbm4b:s4+s18], $0x80, s23, s18, $0xb8;
	[tilespmem:$0x1E0C0] =	vst v63  }
0x59: {  	_ =	swait.ge [sflag:s21], $0x4000  }
0x5a: {  	[sflag:s21] =	ssyncset.done $0x0  }
0x5b: {  	[sflag:s21] =	ssyncadd.s32 $0xFFFFC000  }
0x5c: {  	[spmem:s2] =	stream.indirect.scatter.add.f32 [tilespmem:s19], [sflag:$0x3], $0x80, s24, s18, $0xb8;
	[tilespmem:$0x1E0C0] =	vst v63  }
0x5d: {  	_ =	swait.ge [sflag:s16], $0x4000  }
0x5e: {  	[sflag:s16] =	ssyncset.done $0x0  }
0x5f: {  	[sflag:s16] =	ssyncadd.s32 $0xFFFFC000  }
0x60: {  	_ =	swait.ge [sflag:s22], $0x4000  }
0x61: {  	[sflag:s22] =	ssyncset.done $0x0  }
0x62: {  	[sflag:s22] =	ssyncadd.s32 $0xFFFFC000  }
0x63: {  	[spmem:s2] =	stream.indirect.scatter.add.f32 [tilespmem:s20], [sflag:$0x3], $0x80, s25, s18, $0xb8;
	[tilespmem:$0x1E0C0] =	vst v63  }
0x64: {  	_ =	swait.ge [sflag:s16], $0x4000  }
0x65: {  	[sflag:s16] =	ssyncset.done $0x0  }
0x66: {  	[sflag:s16] =	ssyncadd.s32 $0xFFFFC000  }
0x67: {  	s0 =	simm.s32 @p0 $0x3;
	[bflag:$0x0] =	sbarrier.arrive $0xFFFF  }
0x68: {  	[hbm:s9], [sflag:s12] =	dma.local @p0 [spmem:s13], $0x3E80  }
0x69: {  	s26 =	sadd.s32 $0x1, s26;
	_ =	swait.ge @p0 [sflag:s0], $0x3E80  }
0x6a: {  	p2 =	sne.s32 s26, s11;
	[sflag:s0] =	ssyncset.done @p0 $0x0  }
.Ltmp1:
0x6b: {  	[sflag:s0] =	ssyncadd.s32 @p0 $0xFFFFC180;
	s0 =	simm.s32 @p1 $0x3;
	(pc) =	sbr.rel @p2 .LBB2_1-.Ltmp1, $4  }
0x6c: {  	[hbm:s10], [sflag:s14] =	dma.local @p1 [spmem:s15], $0x3E80  }
0x6d: {  	_ =	swait.ge @p1 [sflag:s0], $0x3E80  }
0x6e: {  	[sflag:s0] =	ssyncset.done @p1 $0x0  }
0x6f: {  	[sflag:s0] =	ssyncadd.s32 @p1 $0xFFFFC180  }
0x70: {  	_ =	sfence.sel $0x180000  }
0x71: {  	[bflag:$0x0] =	sbarrier.arrive $0xFFFF  }
0x72: {  	_ =	strace $0x9000004D  }
0x73: {  	[bflag:$0x2] =	sbarrier.arrive $0xFFFF  }
0x74: {  	p0 =	sne.s32 s1, $0x0;
	s0 =	rddreg [dreg:$0x2]  }
0x75: {  	s0 =	sadd.s32 @!p0 $0x100000, s0  }
0x76: {  	[sflag:s0] =	ssyncadd.tile.s32 @!p0 $0x1;
	_ =	shalt  }
.Lfunc_end2:
_tile_overlayer_lowered:
.L_overlay_start_2:
0x77: {  	(tag) =	ssettag $0x2  }
0x78: {  	s0 =	rddreg [dreg:$0x0];
	s2 =	stileid.u32  }
0x79: {  	s1 =	rddreg [dreg:$0x1];
	p0 =	sne.s32 s2, $0x0  }
0x7a: {  	s3 =	rddreg [dreg:$0x2];
	[bflag:$0x3] =	sbarrier.arrive $0xFFFF;
	s2 =	simm.s32 @!p0 $0x1C03  }
0x7b: {  	[timem:s3], [sflag:s2] =	dma.local @!p0 [hbm:s0], s1  }
0x7c: {  	s0 =	simm.s32 @!p0 $0x3  }
0x7d: {  	_ =	swait.ge @!p0 [sflag:s0], s1  }
0x7e: {  	s1 =	ssub.s32 @!p0 $0x0, s1;
	[sflag:s0] =	ssyncset.done @!p0 $0x0  }
0x7f: {  	[sflag:s0] =	ssyncadd.s32 @!p0 s1  }
0x80: {  	[bflag:$0x3] =	sbarrier.arrive $0xFFFF  }
0x81: {  	_ =	shalt  }

// kernel: kernel.22.cloned.1.call-start
scs
__scs_entry_jumppad:
0x0: {  	(pc) =	sbr.rel $0x88, $3  }
0x1: {  	(tag) =	ssettag $0x0;
	lr =	simm.s32 $0x1  }
0x2: {  	[smem:$0x3F91] =	sst lr;
	_ =	strace $0xD0000000  }
0x3: {  	_ = 	snop  }
0x4: {  	_ = 	snop  }
0x5: {  	_ = 	snop  }
0x6: {  	_ = 	snop  }
0x7: {  	_ = 	snop  }
__scs_overlays_trampoline_lowered:
0x8: {  	[smem:$0x3FA0] =	sst s0  }
0x9: {  	[smem:$0x3FA1] =	sst s1  }
0xa: {  	[smem:$0x3FA2] =	sst s2  }
0xb: {  	[smem:$0x3FA3] =	sst s3  }
0xc: {  	[smem:$0x3FA4] =	sst s4  }
0xd: {  	[smem:$0x3FA5] =	sst s5  }
0xe: {  	[smem:$0x3FA6] =	sst s6  }
0xf: {  	[smem:$0x3FA7] =	sst s7  }
0x10: {  	[smem:$0x3FA8] =	sst s8  }
0x11: {  	[smem:$0x3FA9] =	sst s9;
	s0 =	simm.s32 @!p0 $0x0  }
0x12: {  	s1 =	sld [smem:$0x3F8F];
	s0 =	simm.s32 @p0 $0x1  }
0x13: {  	[smem:$0x3FAA] =	sst s0;
	s0 =	simm.s32 @!p1 $0x0  }
0x14: {  	s2 =	sld [smem:$0x3F8E];
	s0 =	simm.s32 @p1 $0x1  }
0x15: {  	[smem:$0x3FAB] =	sst s0;
	s0 =	simm.s32 @!p2 $0x0  }
0x16: {  	s3 =	sld [smem:$0x3FDB];
	s0 =	simm.s32 @p2 $0x1  }
0x17: {  	s4 =	simm.s32 $0x1BF5;
	[smem:$0x3FAD] =	sst s0  }
0x18: {  	s0 =	sld [smem:$0x3F90];
	_ =	swait.ge [sflag:s4], $0x0  }
0x19: {  	s7 =	sld [smem:$0x3F91]  }
0x1a: {  	s8 =	sadd.s32 $0xFFFFE003, lr  }
0x1b: {  	s9 =	sadd.s32 $0xFFFFFEF7, lr;
	s5 =	simm.s32 $0xFFFFFFFF;
	p2 =	slt.u32 s8, $0xFFFFF086  }
0x1c: {  	p1 =	slt.u32 s9, $0xF7A;
	s5 =	simm.s32 @!p2 $0x0  }
0x1d: {  	s5 =	simm.s32 @p1 $0x1;
	p0 =	seq.s32 s7, s2  }
0x1e: {  	s7 =	smul.u32 @!p0 $0xF7A, s2;
	p2 =	seq.s32 @!p0 s5, $0x0  }
0x1f: {  	s9 =	smul.u32 $0xF7A, s1;
	s8 =	simm.s32 @!p0 $0x1BF5;
	p2 =	por !p2, p0  }
0x20: {  	[sflag:s8] =	ssyncset.s32 @!p0 $0xFFFFF086;
	s6 =	sadd.s32 @!p0 s3, s7;
	s7 =	simm.s32 @!p0 $0x108  }
0x21: {  	s3 =	sadd.s32 s3, s9;
	s6 =	sadd.s32 @!p0 $0x88, s6;
	s7 =	simm.s32 @p2 $0x1082  }
0x22: {  	[simem:s7], [sflag:s8] =	dma.local @!p0 [hbm:s6], $0xF7A  }
0x23: {  	s9 =	sor.u32 $0xD0000000, s2;
	s6 =	simm.s32 $0x108;
	_ =	swait.ge @!p0 [sflag:s8], $0x0  }
0x24: {  	s3 =	sadd.s32 $0x88, s3;
	s6 =	simm.s32 @!p1 $0x1082;
	[sflag:s4] =	ssyncset.s32 $0xFFFFF086  }
0x25: {  	[simem:s6], [sflag:s4] =	dma.local [hbm:s3], $0xF7A  }
0x26: {  	[smem:$0x3F91] =	sst s1;
	(tag) =	ssettag s2;
	_ =	strace s9  }
0x27: {  	s1 =	sld [smem:$0x3FA1]  }
0x28: {  	s2 =	sld [smem:$0x3FA2]  }
0x29: {  	s4 =	sld [smem:$0x3FA4]  }
0x2a: {  	p0 =	seq.s32 s5, $0x0;
	s5 =	sld [smem:$0x3FA5]  }
0x2b: {  	s6 =	sld [smem:$0x3FA6]  }
0x2c: {  	s7 =	sld [smem:$0x3FA7]  }
0x2d: {  	s3 =	simm.s32 $0x108;
	s8 =	sld [smem:$0x3FA8]  }
0x2e: {  	s3 =	simm.s32 @!p0 $0x1082;
	s9 =	sld [smem:$0x3FA9]  }
0x2f: {  	lr =	sadd.s32 s0, s3;
	s0 =	sld [smem:$0x3FA0]  }
0x30: {  	s3 =	sld [smem:$0x3FA3]  }
0x31: {  	[smem:$0x3FAC] =	sst s10  }
0x32: {  	s10 =	sld [smem:$0x3FAA];
	_ =	sdelay $0x3  }
0x33: {  	p0 =	seq.s32 s10, $0x1;
	s10 =	sld [smem:$0x3FAC];
	_ =	sdelay $0x3  }
0x34: {  	[smem:$0x3FAC] =	sst s10  }
0x35: {  	s10 =	sld [smem:$0x3FAB];
	_ =	sdelay $0x3  }
0x36: {  	p1 =	seq.s32 s10, $0x1;
	s10 =	sld [smem:$0x3FAC];
	_ =	sdelay $0x3  }
0x37: {  	[smem:$0x3FAC] =	sst s10  }
0x38: {  	s10 =	sld [smem:$0x3FAD]  }
0x39: {  	_ = 	snop;
	(pc) =	sbr.ind lr, $3  }
0x3a: {  	_ = 	snop  }
0x3b: {  	_ = 	snop  }
0x3c: {  	p2 =	seq.s32 s10, $0x1;
	s10 =	sld [smem:$0x3FAC]  }
0x3d: {  	_ =	shalt  }
0x3e: {  	_ =	shalt  }
0x3f: {  	_ =	shalt  }
0x40: {  	_ =	shalt  }
0x41: {  	_ =	shalt  }
0x42: {  	_ =	shalt  }
0x43: {  	_ =	shalt  }
0x44: {  	_ =	shalt  }
0x45: {  	_ =	shalt  }
0x46: {  	_ =	shalt  }
0x47: {  	_ =	shalt  }
0x48: {  	_ =	shalt  }
0x49: {  	_ =	shalt  }
0x4a: {  	_ =	shalt  }
0x4b: {  	_ =	shalt  }
0x4c: {  	_ =	shalt  }
0x4d: {  	_ =	shalt  }
0x4e: {  	_ =	shalt  }
0x4f: {  	_ =	shalt  }
0x50: {  	_ =	shalt  }
0x51: {  	_ =	shalt  }
0x52: {  	_ =	shalt  }
0x53: {  	_ =	shalt  }
0x54: {  	_ =	shalt  }
0x55: {  	_ =	shalt  }
0x56: {  	_ =	shalt  }
0x57: {  	_ =	shalt  }
0x58: {  	_ =	shalt  }
0x59: {  	_ =	shalt  }
0x5a: {  	_ =	shalt  }
0x5b: {  	_ =	shalt  }
0x5c: {  	_ =	shalt  }
0x5d: {  	_ =	shalt  }
0x5e: {  	_ =	shalt  }
0x5f: {  	_ =	shalt  }
0x60: {  	_ =	shalt  }
0x61: {  	_ =	shalt  }
0x62: {  	_ =	shalt  }
0x63: {  	_ =	shalt  }
0x64: {  	_ =	shalt  }
0x65: {  	_ =	shalt  }
0x66: {  	_ =	shalt  }
0x67: {  	_ =	shalt  }
0x68: {  	_ =	shalt  }
0x69: {  	_ =	shalt  }
0x6a: {  	_ =	shalt  }
0x6b: {  	_ =	shalt  }
0x6c: {  	_ =	shalt  }
0x6d: {  	_ =	shalt  }
0x6e: {  	_ =	shalt  }
0x6f: {  	_ =	shalt  }
0x70: {  	_ =	shalt  }
0x71: {  	_ =	shalt  }
0x72: {  	_ =	shalt  }
0x73: {  	_ =	shalt  }
0x74: {  	_ =	shalt  }
0x75: {  	_ =	shalt  }
0x76: {  	_ =	shalt  }
0x77: {  	_ =	shalt  }
0x78: {  	_ =	shalt  }
0x79: {  	_ =	shalt  }
0x7a: {  	_ =	shalt  }
0x7b: {  	_ =	shalt  }
0x7c: {  	_ =	shalt  }
0x7d: {  	_ =	shalt  }
0x7e: {  	_ =	shalt  }
0x7f: {  	_ =	shalt  }
0x80: {  	_ =	shalt  }
0x81: {  	_ =	shalt  }
0x82: {  	_ =	shalt  }
0x83: {  	_ =	shalt  }
0x84: {  	_ =	shalt  }
0x85: {  	_ =	shalt  }
0x86: {  	_ =	shalt  }
0x87: {  	_ =	shalt  }
.Lfunc_end0:
.L_simem_size_0:
called_computation.3_lowered:
.L_overlay_start_0:
0x88: {  	s2 =	sld [smem:$0x3FD9]  }
0x89: {  	s3 =	sld [smem:$0x3FFE];
	_ =	sdelay $0x1  }
0x8a: {  	s1 =	srdreg.scid  }
0x8b: {  	s0 =	sand.u32 $0x1, s1  }
0x8c: {  	s17 =	sshll.u32 s0, $0xA;
	s2 =	sadd.s32 s3, s2  }
0x8d: {  	s2 =	sadd.s32 s2, s17  }
0x8e: {  	[smem:$0x3FB8] =	sst s2  }
0x8f: {  	_ = 	snop  }
0x90: {  	(tm) =	ssettm $0x1  }
0x91: {  	s18 =	sld [smem:$0x3FFB];
	_ =	sdelay $0x3  }
0x92: {  	_ =	strace s18  }
0x93: {  	s2 =	sld [smem:$0x3FFC];
	_ =	sdelay $0x3  }
0x94: {  	_ =	strace s2  }
0x95: {  	s2 =	sld [smem:$0x3FFD];
	_ =	sdelay $0x3  }
0x96: {  	_ =	strace s2  }
0x97: {  	_ =	strace $0x8FFFFFFF  }
0x98: {  	s19 =	sld [smem:$0x3FDB];
	_ =	sdelay $0x1  }
0x99: {  	s20 =	simm.s32 $_scs_section_size  }
0x9a: {  	s4 =	simm.s32 $_size__tile_overlayer_lowered;
	s5 =	simm.s32 $_tile_overlayer_lowered  }
0x9b: {  	s6 =	simm.s32 $0x1BFF;
	s21 =	sshll.u32 s5, $0x1;
	s3 =	sadd.s32 s20, s19  }
0x9c: {  	s22 =	simm.s32 $0x0;
	s4 =	sshll.u32 s4, $0x1;
	s5 =	sadd.s32 s21, s3  }
0x9d: {  	[timem:s22], [sflag:s6] =	dma.local [hbm:s5], s4  }
0x9e: {  	_ =	swait.ge [sflag:s6], s4  }
0x9f: {  	s4 =	ssub.s32 $0x0, s4;
	[sflag:s6] =	ssyncset.done $0x0  }
0xa0: {  	[sflag:s6] =	ssyncadd.s32 s4;
	_ =	sdelay $0x1  }
0xa1: {  	s23 =	simm.s32 $0x1B8B  }
0xa2: {  	_ =	swait.ge [sflag:s23], $0x1  }
0xa3: {  	[sflag:s23] =	ssyncset.done $0x0  }
0xa4: {  	[sflag:s23] =	ssyncadd.s32 $0xFFFFFFFF  }
0xa5: {  	s4 =	sld [smem:$0x0]  }
0xa6: {  	s5 =	sand.u32 $0xFFFFFFFE, s1  }
0xa7: {  	p0 =	sne.s32 s1, s5  }
0xa8: {  	s5 =	sshll.u32 @p0 s5, $0xE  }
0xa9: {  	s5 =	sadd.s32 @p0 $0x11B8D, s5;
	s6 =	sshll.u32 @p0 s4, $0x11  }
0xaa: {  	s5 =	sor.u32 @p0 s6, s5  }
0xab: {  	[sflag:s5] =	ssyncadd.remote.s32 @p0 $0x1;
	_ =	sdelay $0x1  }
0xac: {  	s5 =	simm.s32 @p0 $0x1B8D  }
0xad: {  	_ =	swait.eq @p0 [sflag:s5], $0x1  }
0xae: {  	[sflag:s5] =	ssyncadd.s32 @p0 $0xFFFFFFFF  }
0xaf: {  	s6 =	sshll.u32 @!p0 s1, $0xE  }
0xb0: {  	s6 =	sor.u32 @!p0 $0x4000, s6;
	s5 =	simm.s32 @!p0 $0x1B8D  }
0xb1: {  	s4 =	sshll.u32 @!p0 s4, $0x11;
	s6 =	sadd.s32 @!p0 $0x11B8D, s6;
	_ =	swait.eq @!p0 [sflag:s5], $0x1  }
0xb2: {  	s4 =	sor.u32 @!p0 s4, s6;
	[sflag:s5] =	ssyncadd.s32 @!p0 $0xFFFFFFFF  }
0xb3: {  	s25 =	simm.s32 $0x1B8E;
	s24 =	sld [smem:$0x3FFE];
	[sflag:s4] =	ssyncadd.remote.s32 @!p0 $0x1  }
0xb4: {  	s26 =	simm.s32 $execute0_lowered;
	[smem:$0x3FD2] =	sst s25  }
0xb5: {  	s5 =	sshll.u32 s26, $0x1;
	_ =	strace $0x80000052;
	[dreg:$0x1] =	wrdreg $0xFFFFFFFF  }
0xb6: {  	s28 =	simm.s32 $_size_execute0_lowered;
	s3 =	sadd.s32 s3, s5;
	[dreg:$0x0] =	wrdreg $0x0  }
0xb7: {  	s5 =	sshll.u32 s28, $0x1;
	[dreg:$0x2] =	wrdreg s3  }
0xb8: {  	[dreg:$0x3] =	wrdreg s5  }
0xb9: {  	[dreg:$0x4] =	wrdreg $0xC0  }
0xba: {  	_ =	task [dreg:s22], $0x5FFFF  }
0xbb: {  	[dreg:$0x1] =	wrdreg $0xFFFFFFFF  }
0xbc: {  	[dreg:$0x0] =	wrdreg $0x60  }
0xbd: {  	[dreg:$0x2] =	wrdreg s24  }
0xbe: {  	[dreg:$0x3] =	wrdreg $0x98000  }
0xbf: {  	[dreg:$0x4] =	wrdreg $0x9  }
0xc0: {  	_ =	task.clear_ibuf [dreg:s22], $0x5FFFF;
	_ =	strace $0x90000052  }
0xc1: {  	s29 =	simm.s32 $0x9;
	_ =	strace $0x80000054  }
0xc2: {  	_ =	swait.ge [sflag:s29], $0x1  }
0xc3: {  	[sflag:s29] =	ssyncadd.s32 $0xFFFFFFFF  }
0xc4: {  	_ =	strace $0x90000054  }
0xc5: {  	_ =	sfence  }
0xc6: {  	s30 =	sld [smem:$0x0];
	_ =	sdelay $0x2  }
0xc7: {  	s31 =	sshll.u32 s1, $0xD;
	s1 =	sshrl.u32 s1, $0x2  }
0xc8: {  	s4 =	sand.u32 $0x4000, s31;
	s1 =	sadd.s32 s1, s30  }
0xc9: {  	s0 =	sor.u32 s4, s0;
	s1 =	sshll.u32 s1, $0x11  }
0xca: {  	s0 =	sor.u32 s1, s0  }
0xcb: {  	s0 =	sadd.s32 $0x8F2B, s0  }
0xcc: {  	[sflag:s0] =	ssyncadd.remote.s32 $0x1  }
0xcd: {  	_ =	sfence.sel $0xFFFF  }
0xce: {  	[dreg:$0x0] =	wrdreg $0xFFFFFFFF;
	(pc) =	sbr.abs _section_cstart, $3  }
0xcf: {  	[dreg:$0x1] =	wrdreg $0xFFFFFFFF  }
0xd0: {  	_ =	task.clear_ibuf [dreg:s22], $0x2FFFF;
	_ =	strace $0x9FFFFFFF  }
0xd1: {  	(tm) =	ssettm $0x7FFFFFFF  }
tec
execute0_lowered:
.L_overlay_start_1:
0x0: {  	(tag) =	ssettag $0x1  }
0x1: {  	s10 =	rddreg [dreg:$0x0]  }
0x2: {  	s1 =	rddreg [dreg:$0x1]  }
0x3: {  	s3 =	simm.s32 $0x0;
	s2 =	stileid.u32;
	s5 =	srdreg.scid  }
0x4: {  	s20 =	simm.s32 $0x3;
	s21 =	simm.s32 $0x1800;
	s22 =	simm.s32 $0x80  }
0x5: {  	s23 =	simm.s32 $0x5800;
	s24 =	simm.s32 $0x1;
	s4 =	smul.u32 $0x3E80, s2  }
0x6: {  	s25 =	simm.s32 $0x2;
	s26 =	simm.s32 $0x1780;
	s6 =	smul.u32 $0x300, s2  }
0x7: {  	s28 =	simm.s32 $0x0;
	[smem:$0x7FF] =	sst s3;
	s11 =	smul.u32 $0x7D000, s2  }
0x8: {  	s7 =	sand.u32 $0x1, s5;
	s5 =	sadd.s32 $0x3DD800, s10;
	s19 =	sadd.s32 $0x138800, s1  }
0x9: {  	s16 =	smul.u32 $0x18000, s2;
	p1 =	sgt.u32 s2, $0x9;
	_ =	strace $0x80000053  }
0xa: {  	s8 =	ssub.s32 $0x2, s7;
	p0 =	seq.s32 s7, $0x1;
	s7 =	sadd.s32 $0x36500, s10  }
0xb: {  	p2 =	sne.s32 @!p1 s2, $0x0;
	s17 =	sshll.u32 @!p1 s2, $0x6;
	s9 =	sadd.s32 s4, s10  }
0xc: {  	s12 =	sadd.s32 s6, s10;
	s4 =	sadd.s32 $0x25D800, s10;
	s30 =	sshrl.u32 s8, $0x1  }
0xd: {  	s31 =	sshrl.u32 s11, $0x2;
	s10 =	sadd.s32 $0x5D700, s10;
	s14 =	sadd.s32 $0x17800, s16  }
.Ltmp0:
0xe: {  	s17 =	sor.u32 @!p1 $0x1C03, s17;
	p2 =	por p2, p1;
	(pc) =	sbr.rel .LBB2_1-.Ltmp0, $4  }
0xf: {  	s13 =	ssub.s32 s8, s30;
	s18 =	sadd.s32 s31, s1;
	s6 =	sadd.s32 $0xF400, s9  }
0x10: {  	s8 =	sadd.s32 $0x5400, s12;
	s9 =	sadd.s32 $0x36600, s9;
	s11 =	sadd.s32 $0xA400, s12  }
0x11: {  	s15 =	sadd.s32 s16, s4;
	s19 =	sshrl.u32 @!p2 s19, $0x3;
	s12 =	smax.u32 s13, $0x1  }
0x12: {  	s13 =	sadd.s32 $0x17000, s16;
	s16 =	sadd.s32 s16, s5;
	s18 =	sshrl.u32 @!p1 s18, $0x3  }
.LBB2_7:
0x13: {  	[sflag:s20] =	ssyncadd.s32 $0xFFFFC000;
	s29 =	smov.u32 s5  }
.LBB2_8:
0x14: {  	[tilespmem:s23], [sflag:$0x2] =	stream.indirect.gather [spmem:s1], $0x80, s26, s22, $0xb8;
	[tilespmem:$0x1D0C0] =	vst v63  }
0x15: {  	_ =	swait.ge [sflag:s24], $0x4000  }
0x16: {  	[sflag:s24] =	ssyncset.done $0x0  }
0x17: {  	s0 =	sadd.s32 s29, s13;
	[sflag:s24] =	ssyncadd.s32 $0xFFFFC000  }
0x18: {  	[hbm4b:s0+s3] =	stream.linear.scatter [tilespmem:s21], [sflag:$0x3], $0x4000, $0x38;
	[tilespmem:$0x1D0C0] =	vst v63  }
0x19: {  	_ =	swait.ge [sflag:s20], $0x4000  }
0x1a: {  	[sflag:s20] =	ssyncset.done $0x0  }
0x1b: {  	[sflag:s20] =	ssyncadd.s32 $0xFFFFC000  }
0x1c: {  	s28 =	sadd.s32 $0x1, s28;
	_ =	swait.ge [sflag:s25], $0x4000  }
0x1d: {  	p3 =	sne.s32 s28, s12;
	[sflag:s25] =	ssyncset.done $0x0  }
.Ltmp1:
0x1e: {  	s31 =	sadd.s32 s29, s14;
	[sflag:s25] =	ssyncadd.s32 $0xFFFFC000;
	(pc) =	sbr.rel @!p3 .LBB2_9-.Ltmp1, $4  }
0x1f: {  	[hbm4b:s31+s3] =	stream.linear.scatter [tilespmem:s23], [sflag:$0x3], $0x4000, $0x38;
	[tilespmem:$0x1D0C0] =	vst v63  }
0x20: {  	_ =	swait.ge [sflag:s20], $0x4000  }
0x21: {  	[sflag:s20] =	ssyncset.done $0x0  }
0x22: {  	[sflag:s20] =	ssyncadd.s32 $0xFFFFC000  }
.LBB2_1:
.Ltmp2:
0x23: {  	(pc) =	sbr.rel @!p0 .LBB2_2-.Ltmp2, $1  }
0x24: {  	_ =	sdelay $0x3  }
0x25: {  	[spmem:s18], [sflag:s17] =	dma.local @!p1 [hbm:s9], $0x3E80  }
0x26: {  	s0 =	simm.s32 @!p1 $0x3  }
0x27: {  	_ =	swait.ge @!p1 [sflag:s0], $0x3E80  }
0x28: {  	[sflag:s0] =	ssyncset.done @!p1 $0x0  }
0x29: {  	[sflag:s0] =	ssyncadd.s32 @!p1 $0xFFFFC180;
	s0 =	simm.s32 @!p2 $0x1C03  }
0x2a: {  	[spmem:s19], [sflag:s0] =	dma.local @!p2 [hbm:s10], $0x80  }
0x2b: {  	s0 =	simm.s32 @!p2 $0x3  }
0x2c: {  	_ =	swait.ge @!p2 [sflag:s0], $0x80  }
0x2d: {  	[sflag:s0] =	ssyncset.done @!p2 $0x0  }
0x2e: {  	s31 =	simm.s32 $0x0;
	[sflag:s0] =	ssyncadd.s32 @!p2 $0xFFFFFF80  }
0x2f: {  	[tilespmem:s31], [sflag:$0x3] =	stream.linear.gather [hbm4b:s11+s31], $0x1800, $0x38;
	[tilespmem:$0x1D0C0] =	vst v63  }
0x30: {  	_ =	swait.ge [sflag:s20], $0x1800  }
0x31: {  	[sflag:s20] =	ssyncset.done $0x0  }
0x32: {  	[sflag:s20] =	ssyncadd.s32 $0xFFFFE800  }
0x33: {  	s29 =	simm.s32 $0x80;
	[bflag:$0x0] =	sbarrier.arrive $0xFFFF  }
0x34: {  	[tilespmem:s21], [sflag:$0x1] =	stream.indirect.gather [spmem:s1], $0x80, s31, s29, $0xb8;
	[tilespmem:$0x1D0C0] =	vst v63  }
0x35: {  	_ = 	snop  }
0x36: {  	[tilespmem:s23], [sflag:$0x2] =	stream.indirect.gather [spmem:s1], $0x80, s29, s22, $0xb8;
	[tilespmem:$0x1D0C0] =	vst v63  }
0x37: {  	_ =	swait.ge [sflag:s24], $0x4000  }
0x38: {  	[sflag:s24] =	ssyncset.done $0x0  }
0x39: {  	s31 =	sadd.s32 $0x0, s16;
	[sflag:s24] =	ssyncadd.s32 $0xFFFFC000  }
0x3a: {  	[hbm4b:s31+s3] =	stream.linear.scatter [tilespmem:s21], [sflag:$0x3], $0x4000, $0x38;
	[tilespmem:$0x1D0C0] =	vst v63  }
0x3b: {  	_ =	swait.ge [sflag:s20], $0x4000  }
0x3c: {  	[sflag:s20] =	ssyncset.done $0x0  }
0x3d: {  	s30 =	simm.s32 $0x100;
	[sflag:s20] =	ssyncadd.s32 $0xFFFFC000  }
0x3e: {  	[tilespmem:s21], [sflag:$0x1] =	stream.indirect.gather [spmem:s1], $0x80, s30, s22, $0xb8;
	[tilespmem:$0x1D0C0] =	vst v63  }
0x3f: {  	_ =	swait.ge [sflag:s25], $0x4000  }
0x40: {  	[sflag:s25] =	ssyncset.done $0x0  }
0x41: {  	s0 =	sadd.s32 $0x800, s31;
	[sflag:s25] =	ssyncadd.s32 $0xFFFFC000  }
0x42: {  	[hbm4b:s0+s3] =	stream.linear.scatter [tilespmem:s23], [sflag:$0x3], $0x4000, $0x38;
	[tilespmem:$0x1D0C0] =	vst v63  }
0x43: {  	_ =	swait.ge [sflag:s20], $0x4000  }
0x44: {  	s30 =	simm.s32 $0x1000;
	[sflag:s20] =	ssyncset.done $0x0  }
.LBB2_6:
0x45: {  	p3 =	sne.s32 s30, $0x16000;
	[sflag:s20] =	ssyncadd.s32 $0xFFFFC000;
	s29 =	sadd.s32 $0x100, s29  }
0x46: {  	[tilespmem:s23], [sflag:$0x2] =	stream.indirect.gather [spmem:s1], $0x80, s29, s22, $0xb8;
	[tilespmem:$0x1D0C0] =	vst v63  }
0x47: {  	s0 =	smov.u32 s30;
	s30 =	sadd.s32 $0x1000, s30;
	_ =	swait.ge [sflag:s24], $0x4000  }
0x48: {  	[sflag:s24] =	ssyncset.done $0x0  }
0x49: {  	s0 =	sadd.s32 s0, s16;
	[sflag:s24] =	ssyncadd.s32 $0xFFFFC000  }
0x4a: {  	[hbm4b:s0+s3] =	stream.linear.scatter [tilespmem:s21], [sflag:$0x3], $0x4000, $0x38;
	[tilespmem:$0x1D0C0] =	vst v63  }
0x4b: {  	_ =	swait.ge [sflag:s20], $0x4000  }
0x4c: {  	[sflag:s20] =	ssyncset.done $0x0  }
0x4d: {  	s31 =	sadd.s32 $0x80, s29;
	[sflag:s20] =	ssyncadd.s32 $0xFFFFC000  }
0x4e: {  	[tilespmem:s21], [sflag:$0x1] =	stream.indirect.gather [spmem:s1], $0x80, s31, s22, $0xb8;
	[tilespmem:$0x1D0C0] =	vst v63  }
0x4f: {  	_ =	swait.ge [sflag:s25], $0x4000  }
.Ltmp3:
0x50: {  	[sflag:s25] =	ssyncset.done $0x0;
	(pc) =	sbr.rel @p3 .LBB2_6-.Ltmp3, $4  }
0x51: {  	s0 =	sadd.s32 $0x800, s0;
	[sflag:s25] =	ssyncadd.s32 $0xFFFFC000  }
0x52: {  	[hbm4b:s0+s3] =	stream.linear.scatter [tilespmem:s23], [sflag:$0x3], $0x4000, $0x38;
	[tilespmem:$0x1D0C0] =	vst v63  }
0x53: {  	_ =	swait.ge [sflag:s20], $0x4000  }
0x54: {  	[sflag:s20] =	ssyncset.done $0x0  }
.Ltmp4:
0x55: {  	_ = 	snop;
	(pc) =	sbr.rel .LBB2_7-.Ltmp4, $1  }
0x56: {  	_ =	sdelay $0x3  }
.LBB2_2:
0x57: {  	[spmem:s18], [sflag:s17] =	dma.local @!p1 [hbm:s6], $0x3E80  }
0x58: {  	s29 =	simm.s32 @!p1 $0x3  }
0x59: {  	_ =	swait.ge @!p1 [sflag:s29], $0x3E80  }
0x5a: {  	[sflag:s29] =	ssyncset.done @!p1 $0x0  }
0x5b: {  	[sflag:s29] =	ssyncadd.s32 @!p1 $0xFFFFC180;
	s29 =	simm.s32 @!p2 $0x1C03  }
0x5c: {  	[spmem:s19], [sflag:s29] =	dma.local @!p2 [hbm:s7], $0x80  }
0x5d: {  	s29 =	simm.s32 @!p2 $0x3  }
0x5e: {  	_ =	swait.ge @!p2 [sflag:s29], $0x80  }
0x5f: {  	[sflag:s29] =	ssyncset.done @!p2 $0x0  }
0x60: {  	s30 =	simm.s32 $0x0;
	[sflag:s29] =	ssyncadd.s32 @!p2 $0xFFFFFF80  }
0x61: {  	[tilespmem:s30], [sflag:$0x3] =	stream.linear.gather [hbm4b:s8+s30], $0x1800, $0x38;
	[tilespmem:$0x1D0C0] =	vst v63  }
0x62: {  	_ =	swait.ge [sflag:s20], $0x1800  }
0x63: {  	[sflag:s20] =	ssyncset.done $0x0  }
0x64: {  	[sflag:s20] =	ssyncadd.s32 $0xFFFFE800  }
0x65: {  	s29 =	simm.s32 $0x80;
	[bflag:$0x0] =	sbarrier.arrive $0xFFFF  }
0x66: {  	[tilespmem:s21], [sflag:$0x1] =	stream.indirect.gather [spmem:s1], $0x80, s30, s29, $0xb8;
	[tilespmem:$0x1D0C0] =	vst v63  }
0x67: {  	_ = 	snop  }
0x68: {  	[tilespmem:s23], [sflag:$0x2] =	stream.indirect.gather [spmem:s1], $0x80, s29, s22, $0xb8;
	[tilespmem:$0x1D0C0] =	vst v63  }
0x69: {  	_ =	swait.ge [sflag:s24], $0x4000  }
0x6a: {  	[sflag:s24] =	ssyncset.done $0x0  }
0x6b: {  	s30 =	sadd.s32 $0x0, s15;
	[sflag:s24] =	ssyncadd.s32 $0xFFFFC000  }
0x6c: {  	[hbm4b:s30+s3] =	stream.linear.scatter [tilespmem:s21], [sflag:$0x3], $0x4000, $0x38;
	[tilespmem:$0x1D0C0] =	vst v63  }
0x6d: {  	_ =	swait.ge [sflag:s20], $0x4000  }
0x6e: {  	[sflag:s20] =	ssyncset.done $0x0  }
0x6f: {  	s31 =	simm.s32 $0x100;
	[sflag:s20] =	ssyncadd.s32 $0xFFFFC000  }
0x70: {  	[tilespmem:s21], [sflag:$0x1] =	stream.indirect.gather [spmem:s1], $0x80, s31, s22, $0xb8;
	[tilespmem:$0x1D0C0] =	vst v63  }
0x71: {  	_ =	swait.ge [sflag:s25], $0x4000  }
0x72: {  	[sflag:s25] =	ssyncset.done $0x0  }
0x73: {  	s30 =	sadd.s32 $0x800, s30;
	[sflag:s25] =	ssyncadd.s32 $0xFFFFC000  }
0x74: {  	[hbm4b:s30+s3] =	stream.linear.scatter [tilespmem:s23], [sflag:$0x3], $0x4000, $0x38;
	[tilespmem:$0x1D0C0] =	vst v63  }
0x75: {  	_ =	swait.ge [sflag:s20], $0x4000  }
0x76: {  	s30 =	simm.s32 $0x1000;
	[sflag:s20] =	ssyncset.done $0x0  }
.LBB2_3:
0x77: {  	p3 =	seq.s32 s30, $0x16000;
	[sflag:s20] =	ssyncadd.s32 $0xFFFFC000;
	s29 =	sadd.s32 $0x100, s29  }
0x78: {  	[tilespmem:s23], [sflag:$0x2] =	stream.indirect.gather [spmem:s1], $0x80, s29, s22, $0xb8;
	[tilespmem:$0x1D0C0] =	vst v63  }
0x79: {  	s31 =	smov.u32 s30;
	s30 =	sadd.s32 $0x1000, s30;
	_ =	swait.ge [sflag:s24], $0x4000  }
0x7a: {  	[sflag:s24] =	ssyncset.done $0x0  }
0x7b: {  	s31 =	sadd.s32 s31, s15;
	[sflag:s24] =	ssyncadd.s32 $0xFFFFC000  }
0x7c: {  	[hbm4b:s31+s3] =	stream.linear.scatter [tilespmem:s21], [sflag:$0x3], $0x4000, $0x38;
	[tilespmem:$0x1D0C0] =	vst v63  }
0x7d: {  	_ =	swait.ge [sflag:s20], $0x4000  }
0x7e: {  	[sflag:s20] =	ssyncset.done $0x0  }
0x7f: {  	s0 =	sadd.s32 $0x80, s29;
	[sflag:s20] =	ssyncadd.s32 $0xFFFFC000  }
0x80: {  	[tilespmem:s21], [sflag:$0x1] =	stream.indirect.gather [spmem:s1], $0x80, s0, s22, $0xb8;
	[tilespmem:$0x1D0C0] =	vst v63  }
0x81: {  	_ =	swait.ge [sflag:s25], $0x4000  }
.Ltmp5:
0x82: {  	[sflag:s25] =	ssyncset.done $0x0;
	(pc) =	sbr.rel @!p3 .LBB2_3-.Ltmp5, $4  }
0x83: {  	s0 =	sadd.s32 $0x800, s31;
	[sflag:s25] =	ssyncadd.s32 $0xFFFFC000  }
0x84: {  	[hbm4b:s0+s3] =	stream.linear.scatter [tilespmem:s23], [sflag:$0x3], $0x4000, $0x38;
	[tilespmem:$0x1D0C0] =	vst v63  }
0x85: {  	_ =	swait.ge [sflag:s20], $0x4000  }
0x86: {  	[sflag:s20] =	ssyncset.done $0x0  }
.Ltmp6:
0x87: {  	(pc) =	sbr.rel .LBB2_8-.Ltmp6, $2  }
0x88: {  	_ =	sdelay $0x2  }
0x89: {  	[sflag:s20] =	ssyncadd.s32 $0xFFFFC000;
	s29 =	smov.u32 s4  }
.LBB2_9:
0x8a: {  	_ =	sfence.sel $0x180000  }
0x8b: {  	[bflag:$0x0] =	sbarrier.arrive $0xFFFF  }
0x8c: {  	_ =	strace $0x90000053  }
0x8d: {  	[bflag:$0x2] =	sbarrier.arrive $0xFFFF  }
0x8e: {  	p0 =	sne.s32 s2, $0x0;
	s0 =	rddreg [dreg:$0x2]  }
0x8f: {  	s0 =	sadd.s32 @!p0 $0x100000, s0  }
0x90: {  	[sflag:s0] =	ssyncadd.tile.s32 @!p0 $0x1;
	_ =	shalt  }
.Lfunc_end2:
_tile_overlayer_lowered:
.L_overlay_start_2:
0x91: {  	(tag) =	ssettag $0x2  }
0x92: {  	s0 =	rddreg [dreg:$0x0];
	s2 =	stileid.u32  }
0x93: {  	s1 =	rddreg [dreg:$0x1];
	p0 =	sne.s32 s2, $0x0  }
0x94: {  	s3 =	rddreg [dreg:$0x2];
	[bflag:$0x3] =	sbarrier.arrive $0xFFFF;
	s2 =	simm.s32 @!p0 $0x1C03  }
0x95: {  	[timem:s3], [sflag:s2] =	dma.local @!p0 [hbm:s0], s1  }
0x96: {  	s0 =	simm.s32 @!p0 $0x3  }
0x97: {  	_ =	swait.ge @!p0 [sflag:s0], s1  }
0x98: {  	s1 =	ssub.s32 @!p0 $0x0, s1;
	[sflag:s0] =	ssyncset.done @!p0 $0x0  }
0x99: {  	[sflag:s0] =	ssyncadd.s32 @!p0 s1  }
0x9a: {  	[bflag:$0x3] =	sbarrier.arrive $0xFFFF  }
0x9b: {  	_ =	shalt  }

// kernel: kernel.25.cloned.1.call-start
scs
__scs_entry_jumppad:
0x0: {  	(pc) =	sbr.rel $0x88, $3  }
0x1: {  	(tag) =	ssettag $0x0;
	lr =	simm.s32 $0x1  }
0x2: {  	[smem:$0x3F91] =	sst lr;
	_ =	strace $0xD0000000  }
0x3: {  	_ = 	snop  }
0x4: {  	_ = 	snop  }
0x5: {  	_ = 	snop  }
0x6: {  	_ = 	snop  }
0x7: {  	_ = 	snop  }
__scs_overlays_trampoline_lowered:
0x8: {  	[smem:$0x3FA0] =	sst s0  }
0x9: {  	[smem:$0x3FA1] =	sst s1  }
0xa: {  	[smem:$0x3FA2] =	sst s2  }
0xb: {  	[smem:$0x3FA3] =	sst s3  }
0xc: {  	[smem:$0x3FA4] =	sst s4  }
0xd: {  	[smem:$0x3FA5] =	sst s5  }
0xe: {  	[smem:$0x3FA6] =	sst s6  }
0xf: {  	[smem:$0x3FA7] =	sst s7  }
0x10: {  	[smem:$0x3FA8] =	sst s8  }
0x11: {  	[smem:$0x3FA9] =	sst s9;
	s0 =	simm.s32 @!p0 $0x0  }
0x12: {  	s1 =	sld [smem:$0x3F8F];
	s0 =	simm.s32 @p0 $0x1  }
0x13: {  	[smem:$0x3FAA] =	sst s0;
	s0 =	simm.s32 @!p1 $0x0  }
0x14: {  	s2 =	sld [smem:$0x3F8E];
	s0 =	simm.s32 @p1 $0x1  }
0x15: {  	[smem:$0x3FAB] =	sst s0;
	s0 =	simm.s32 @!p2 $0x0  }
0x16: {  	s3 =	sld [smem:$0x3FDB];
	s0 =	simm.s32 @p2 $0x1  }
0x17: {  	s4 =	simm.s32 $0x1BF5;
	[smem:$0x3FAD] =	sst s0  }
0x18: {  	s0 =	sld [smem:$0x3F90];
	_ =	swait.ge [sflag:s4], $0x0  }
0x19: {  	s7 =	sld [smem:$0x3F91]  }
0x1a: {  	s8 =	sadd.s32 $0xFFFFE003, lr  }
0x1b: {  	s9 =	sadd.s32 $0xFFFFFEF7, lr;
	s5 =	simm.s32 $0xFFFFFFFF;
	p2 =	slt.u32 s8, $0xFFFFF086  }
0x1c: {  	p1 =	slt.u32 s9, $0xF7A;
	s5 =	simm.s32 @!p2 $0x0  }
0x1d: {  	s5 =	simm.s32 @p1 $0x1;
	p0 =	seq.s32 s7, s2  }
0x1e: {  	s7 =	smul.u32 @!p0 $0xF7A, s2;
	p2 =	seq.s32 @!p0 s5, $0x0  }
0x1f: {  	s9 =	smul.u32 $0xF7A, s1;
	s8 =	simm.s32 @!p0 $0x1BF5;
	p2 =	por !p2, p0  }
0x20: {  	[sflag:s8] =	ssyncset.s32 @!p0 $0xFFFFF086;
	s6 =	sadd.s32 @!p0 s3, s7;
	s7 =	simm.s32 @!p0 $0x108  }
0x21: {  	s3 =	sadd.s32 s3, s9;
	s6 =	sadd.s32 @!p0 $0x88, s6;
	s7 =	simm.s32 @p2 $0x1082  }
0x22: {  	[simem:s7], [sflag:s8] =	dma.local @!p0 [hbm:s6], $0xF7A  }
0x23: {  	s9 =	sor.u32 $0xD0000000, s2;
	s6 =	simm.s32 $0x108;
	_ =	swait.ge @!p0 [sflag:s8], $0x0  }
0x24: {  	s3 =	sadd.s32 $0x88, s3;
	s6 =	simm.s32 @!p1 $0x1082;
	[sflag:s4] =	ssyncset.s32 $0xFFFFF086  }
0x25: {  	[simem:s6], [sflag:s4] =	dma.local [hbm:s3], $0xF7A  }
0x26: {  	[smem:$0x3F91] =	sst s1;
	(tag) =	ssettag s2;
	_ =	strace s9  }
0x27: {  	s1 =	sld [smem:$0x3FA1]  }
0x28: {  	s2 =	sld [smem:$0x3FA2]  }
0x29: {  	s4 =	sld [smem:$0x3FA4]  }
0x2a: {  	p0 =	seq.s32 s5, $0x0;
	s5 =	sld [smem:$0x3FA5]  }
0x2b: {  	s6 =	sld [smem:$0x3FA6]  }
0x2c: {  	s7 =	sld [smem:$0x3FA7]  }
0x2d: {  	s3 =	simm.s32 $0x108;
	s8 =	sld [smem:$0x3FA8]  }
0x2e: {  	s3 =	simm.s32 @!p0 $0x1082;
	s9 =	sld [smem:$0x3FA9]  }
0x2f: {  	lr =	sadd.s32 s0, s3;
	s0 =	sld [smem:$0x3FA0]  }
0x30: {  	s3 =	sld [smem:$0x3FA3]  }
0x31: {  	[smem:$0x3FAC] =	sst s10  }
0x32: {  	s10 =	sld [smem:$0x3FAA];
	_ =	sdelay $0x3  }
0x33: {  	p0 =	seq.s32 s10, $0x1;
	s10 =	sld [smem:$0x3FAC];
	_ =	sdelay $0x3  }
0x34: {  	[smem:$0x3FAC] =	sst s10  }
0x35: {  	s10 =	sld [smem:$0x3FAB];
	_ =	sdelay $0x3  }
0x36: {  	p1 =	seq.s32 s10, $0x1;
	s10 =	sld [smem:$0x3FAC];
	_ =	sdelay $0x3  }
0x37: {  	[smem:$0x3FAC] =	sst s10  }
0x38: {  	s10 =	sld [smem:$0x3FAD]  }
0x39: {  	_ = 	snop;
	(pc) =	sbr.ind lr, $3  }
0x3a: {  	_ = 	snop  }
0x3b: {  	_ = 	snop  }
0x3c: {  	p2 =	seq.s32 s10, $0x1;
	s10 =	sld [smem:$0x3FAC]  }
0x3d: {  	_ =	shalt  }
0x3e: {  	_ =	shalt  }
0x3f: {  	_ =	shalt  }
0x40: {  	_ =	shalt  }
0x41: {  	_ =	shalt  }
0x42: {  	_ =	shalt  }
0x43: {  	_ =	shalt  }
0x44: {  	_ =	shalt  }
0x45: {  	_ =	shalt  }
0x46: {  	_ =	shalt  }
0x47: {  	_ =	shalt  }
0x48: {  	_ =	shalt  }
0x49: {  	_ =	shalt  }
0x4a: {  	_ =	shalt  }
0x4b: {  	_ =	shalt  }
0x4c: {  	_ =	shalt  }
0x4d: {  	_ =	shalt  }
0x4e: {  	_ =	shalt  }
0x4f: {  	_ =	shalt  }
0x50: {  	_ =	shalt  }
0x51: {  	_ =	shalt  }
0x52: {  	_ =	shalt  }
0x53: {  	_ =	shalt  }
0x54: {  	_ =	shalt  }
0x55: {  	_ =	shalt  }
0x56: {  	_ =	shalt  }
0x57: {  	_ =	shalt  }
0x58: {  	_ =	shalt  }
0x59: {  	_ =	shalt  }
0x5a: {  	_ =	shalt  }
0x5b: {  	_ =	shalt  }
0x5c: {  	_ =	shalt  }
0x5d: {  	_ =	shalt  }
0x5e: {  	_ =	shalt  }
0x5f: {  	_ =	shalt  }
0x60: {  	_ =	shalt  }
0x61: {  	_ =	shalt  }
0x62: {  	_ =	shalt  }
0x63: {  	_ =	shalt  }
0x64: {  	_ =	shalt  }
0x65: {  	_ =	shalt  }
0x66: {  	_ =	shalt  }
0x67: {  	_ =	shalt  }
0x68: {  	_ =	shalt  }
0x69: {  	_ =	shalt  }
0x6a: {  	_ =	shalt  }
0x6b: {  	_ =	shalt  }
0x6c: {  	_ =	shalt  }
0x6d: {  	_ =	shalt  }
0x6e: {  	_ =	shalt  }
0x6f: {  	_ =	shalt  }
0x70: {  	_ =	shalt  }
0x71: {  	_ =	shalt  }
0x72: {  	_ =	shalt  }
0x73: {  	_ =	shalt  }
0x74: {  	_ =	shalt  }
0x75: {  	_ =	shalt  }
0x76: {  	_ =	shalt  }
0x77: {  	_ =	shalt  }
0x78: {  	_ =	shalt  }
0x79: {  	_ =	shalt  }
0x7a: {  	_ =	shalt  }
0x7b: {  	_ =	shalt  }
0x7c: {  	_ =	shalt  }
0x7d: {  	_ =	shalt  }
0x7e: {  	_ =	shalt  }
0x7f: {  	_ =	shalt  }
0x80: {  	_ =	shalt  }
0x81: {  	_ =	shalt  }
0x82: {  	_ =	shalt  }
0x83: {  	_ =	shalt  }
0x84: {  	_ =	shalt  }
0x85: {  	_ =	shalt  }
0x86: {  	_ =	shalt  }
0x87: {  	_ =	shalt  }
.Lfunc_end0:
.L_simem_size_0:
called_computation.4_lowered:
.L_overlay_start_0:
0x88: {  	s2 =	sld [smem:$0x3FD9]  }
0x89: {  	s3 =	sld [smem:$0x3FFE];
	_ =	sdelay $0x1  }
0x8a: {  	s1 =	srdreg.scid  }
0x8b: {  	s0 =	sand.u32 $0x1, s1  }
0x8c: {  	s16 =	sshll.u32 s0, $0xA;
	s2 =	sadd.s32 s3, s2  }
0x8d: {  	s2 =	sadd.s32 s2, s16  }
0x8e: {  	[smem:$0x3FB8] =	sst s2  }
0x8f: {  	_ = 	snop  }
0x90: {  	(tm) =	ssettm $0x1  }
0x91: {  	s17 =	sld [smem:$0x3FFB];
	_ =	sdelay $0x3  }
0x92: {  	_ =	strace s17  }
0x93: {  	s2 =	sld [smem:$0x3FFC];
	_ =	sdelay $0x3  }
0x94: {  	_ =	strace s2  }
0x95: {  	s2 =	sld [smem:$0x3FFD];
	_ =	sdelay $0x3  }
0x96: {  	_ =	strace s2  }
0x97: {  	_ =	strace $0x8FFFFFFF  }
0x98: {  	s18 =	sld [smem:$0x3FDB];
	_ =	sdelay $0x1  }
0x99: {  	s19 =	simm.s32 $_scs_section_size  }
0x9a: {  	s4 =	simm.s32 $_size__tile_overlayer_lowered;
	s5 =	simm.s32 $_tile_overlayer_lowered  }
0x9b: {  	s22 =	simm.s32 $0x1BFF;
	s21 =	sshll.u32 s5, $0x1;
	s2 =	sadd.s32 s19, s18  }
0x9c: {  	s6 =	simm.s32 $0x0;
	s20 =	sshll.u32 s4, $0x1;
	s4 =	sadd.s32 s21, s2  }
0x9d: {  	[timem:s6], [sflag:s22] =	dma.local [hbm:s4], s20  }
0x9e: {  	_ =	swait.ge [sflag:s22], s20  }
0x9f: {  	s3 =	ssub.s32 $0x0, s20;
	[sflag:s22] =	ssyncset.done $0x0  }
0xa0: {  	[sflag:s22] =	ssyncadd.s32 s3;
	_ =	sdelay $0x1  }
0xa1: {  	s23 =	simm.s32 $0x1B8B  }
0xa2: {  	_ =	swait.ge [sflag:s23], $0x1  }
0xa3: {  	[sflag:s23] =	ssyncset.done $0x0  }
0xa4: {  	s25 =	simm.s32 $0x1B8E;
	s24 =	sld [smem:$0x3FFE];
	[sflag:s23] =	ssyncadd.s32 $0xFFFFFFFF  }
0xa5: {  	s26 =	simm.s32 $execute0_lowered;
	[smem:$0x3FD2] =	sst s25  }
0xa6: {  	s4 =	sshll.u32 s26, $0x1;
	_ =	strace $0x8000004F;
	[dreg:$0x1] =	wrdreg $0xFFFFFFFF  }
0xa7: {  	s28 =	simm.s32 $_size_execute0_lowered;
	s2 =	sadd.s32 s2, s4;
	[dreg:$0x0] =	wrdreg $0x0  }
0xa8: {  	s4 =	sshll.u32 s28, $0x1;
	[dreg:$0x2] =	wrdreg s2  }
0xa9: {  	[dreg:$0x3] =	wrdreg s4  }
0xaa: {  	[dreg:$0x4] =	wrdreg $0xC0  }
0xab: {  	_ =	task [dreg:s6], $0x5FFFF  }
0xac: {  	[dreg:$0x1] =	wrdreg $0xFFFFFFFF  }
0xad: {  	[dreg:$0x0] =	wrdreg $0x60  }
0xae: {  	[dreg:$0x2] =	wrdreg s24  }
0xaf: {  	[dreg:$0x3] =	wrdreg $0x90000  }
0xb0: {  	[dreg:$0x4] =	wrdreg $0xA  }
0xb1: {  	_ =	task.clear_ibuf [dreg:s6], $0x5FFFF;
	_ =	strace $0x9000004F  }
0xb2: {  	s29 =	simm.s32 $0xA;
	_ =	strace $0x80000051  }
0xb3: {  	_ =	swait.ge [sflag:s29], $0x1  }
0xb4: {  	[sflag:s29] =	ssyncadd.s32 $0xFFFFFFFF  }
0xb5: {  	_ =	strace $0x90000051  }
0xb6: {  	_ =	sfence  }
0xb7: {  	s30 =	sld [smem:$0x0];
	_ =	sdelay $0x2  }
0xb8: {  	s31 =	sshll.u32 s1, $0xD;
	s1 =	sshrl.u32 s1, $0x2  }
0xb9: {  	s3 =	sand.u32 $0x4000, s31;
	s1 =	sadd.s32 s1, s30  }
0xba: {  	s0 =	sor.u32 s3, s0;
	s1 =	sshll.u32 s1, $0x11  }
0xbb: {  	s0 =	sor.u32 s1, s0  }
0xbc: {  	s0 =	sadd.s32 $0x8F2B, s0  }
0xbd: {  	[sflag:s0] =	ssyncadd.remote.s32 $0x1  }
0xbe: {  	_ =	sfence.sel $0xFFFF  }
0xbf: {  	[dreg:$0x0] =	wrdreg $0xFFFFFFFF;
	(pc) =	sbr.abs _section_cstart, $3  }
0xc0: {  	[dreg:$0x1] =	wrdreg $0xFFFFFFFF  }
0xc1: {  	_ =	task.clear_ibuf [dreg:s6], $0x2FFFF;
	_ =	strace $0x9FFFFFFF  }
0xc2: {  	(tm) =	ssettm $0x7FFFFFFF  }
0xc3: {  	_ =	shalt  }
tec
execute0_lowered:
.L_overlay_start_1:
0x0: {  	(tag) =	ssettag $0x1  }
0x1: {  	s10 =	rddreg [dreg:$0x0]  }
0x2: {  	s2 =	rddreg [dreg:$0x1]  }
0x3: {  	s1 =	stileid.u32;
	s3 =	simm.s32 $0x0;
	s5 =	srdreg.scid  }
0x4: {  	s20 =	simm.s32 $0x3;
	s21 =	simm.s32 $0x1000;
	s22 =	simm.s32 $0x80  }
0x5: {  	s23 =	simm.s32 $0x5000;
	s24 =	simm.s32 $0x1;
	s25 =	simm.s32 $0x2  }
0x6: {  	s26 =	simm.s32 $0xF80;
	s28 =	simm.s32 $0x0;
	s4 =	smul.u32 $0x3E80, s1  }
0x7: {  	[smem:$0x7FF] =	sst s3;
	s30 =	sshll.u32 s1, $0x9;
	s8 =	smul.u32 $0x7D000, s1  }
0x8: {  	s6 =	sand.u32 $0x1, s5;
	s5 =	sadd.s32 $0x15D800, s10;
	s19 =	sadd.s32 $0x138800, s2  }
0x9: {  	s16 =	sshll.u32 s1, $0x10;
	p1 =	sgt.u32 s1, $0x9;
	_ =	strace $0x80000050  }
0xa: {  	s7 =	ssub.s32 $0x2, s6;
	s11 =	sadd.s32 s30, s10;
	p0 =	seq.s32 s6, $0x1  }
0xb: {  	s13 =	sor.u32 $0xF000, s16;
	s14 =	sor.u32 $0xF800, s16;
	p2 =	sne.s32 @!p1 s1, $0x0  }
0xc: {  	s17 =	sshll.u32 @!p1 s1, $0x6;
	s9 =	sadd.s32 s4, s10;
	s4 =	sadd.s32 $0x5D800, s10  }
0xd: {  	s12 =	sshrl.u32 s7, $0x1;
	s31 =	sshrl.u32 s8, $0x2;
	s8 =	sadd.s32 $0x8400, s11  }
.Ltmp0:
0xe: {  	s11 =	sadd.s32 $0xD400, s11;
	s17 =	sor.u32 @!p1 $0x1C03, s17;
	(pc) =	sbr.rel .LBB2_1-.Ltmp0, $4  }
0xf: {  	p2 =	por p2, p1;
	s12 =	ssub.s32 s7, s12;
	s18 =	sadd.s32 s31, s2  }
0x10: {  	s6 =	sadd.s32 $0xF400, s9;
	s7 =	sadd.s32 $0x36500, s10;
	s9 =	sadd.s32 $0x36600, s9  }
0x11: {  	s10 =	sadd.s32 $0x5D700, s10;
	s15 =	sadd.s32 s16, s4;
	s16 =	sadd.s32 s16, s5  }
0x12: {  	s19 =	sshrl.u32 @!p2 s19, $0x3;
	s12 =	smax.u32 s12, $0x1;
	s18 =	sshrl.u32 @!p1 s18, $0x3  }
.LBB2_7:
0x13: {  	[sflag:s20] =	ssyncadd.s32 $0xFFFFC000;
	s29 =	smov.u32 s5  }
.LBB2_8:
0x14: {  	[tilespmem:s23], [sflag:$0x2] =	stream.indirect.gather [spmem:s2], $0x80, s26, s22, $0xb8;
	[tilespmem:$0x1C8C0] =	vst v63  }
0x15: {  	_ =	swait.ge [sflag:s24], $0x4000  }
0x16: {  	[sflag:s24] =	ssyncset.done $0x0  }
0x17: {  	s0 =	sadd.s32 s29, s13;
	[sflag:s24] =	ssyncadd.s32 $0xFFFFC000  }
0x18: {  	[hbm4b:s0+s3] =	stream.linear.scatter [tilespmem:s21], [sflag:$0x3], $0x4000, $0x38;
	[tilespmem:$0x1C8C0] =	vst v63  }
0x19: {  	_ =	swait.ge [sflag:s20], $0x4000  }
0x1a: {  	[sflag:s20] =	ssyncset.done $0x0  }
0x1b: {  	[sflag:s20] =	ssyncadd.s32 $0xFFFFC000  }
0x1c: {  	s28 =	sadd.s32 $0x1, s28;
	_ =	swait.ge [sflag:s25], $0x4000  }
0x1d: {  	p3 =	sne.s32 s28, s12;
	[sflag:s25] =	ssyncset.done $0x0  }
.Ltmp1:
0x1e: {  	s31 =	sadd.s32 s29, s14;
	[sflag:s25] =	ssyncadd.s32 $0xFFFFC000;
	(pc) =	sbr.rel @!p3 .LBB2_9-.Ltmp1, $4  }
0x1f: {  	[hbm4b:s31+s3] =	stream.linear.scatter [tilespmem:s23], [sflag:$0x3], $0x4000, $0x38;
	[tilespmem:$0x1C8C0] =	vst v63  }
0x20: {  	_ =	swait.ge [sflag:s20], $0x4000  }
0x21: {  	[sflag:s20] =	ssyncset.done $0x0  }
0x22: {  	[sflag:s20] =	ssyncadd.s32 $0xFFFFC000  }
.LBB2_1:
.Ltmp2:
0x23: {  	(pc) =	sbr.rel @!p0 .LBB2_2-.Ltmp2, $1  }
0x24: {  	_ =	sdelay $0x3  }
0x25: {  	[spmem:s18], [sflag:s17] =	dma.local @!p1 [hbm:s9], $0x3E80  }
0x26: {  	s0 =	simm.s32 @!p1 $0x3  }
0x27: {  	_ =	swait.ge @!p1 [sflag:s0], $0x3E80  }
0x28: {  	[sflag:s0] =	ssyncset.done @!p1 $0x0  }
0x29: {  	[sflag:s0] =	ssyncadd.s32 @!p1 $0xFFFFC180;
	s0 =	simm.s32 @!p2 $0x1C03  }
0x2a: {  	[spmem:s19], [sflag:s0] =	dma.local @!p2 [hbm:s10], $0x80  }
0x2b: {  	s0 =	simm.s32 @!p2 $0x3  }
0x2c: {  	_ =	swait.ge @!p2 [sflag:s0], $0x80  }
0x2d: {  	[sflag:s0] =	ssyncset.done @!p2 $0x0  }
0x2e: {  	s31 =	simm.s32 $0x0;
	[sflag:s0] =	ssyncadd.s32 @!p2 $0xFFFFFF80  }
0x2f: {  	[tilespmem:s31], [sflag:$0x3] =	stream.linear.gather [hbm4b:s11+s31], $0x1000, $0x38;
	[tilespmem:$0x1C8C0] =	vst v63  }
0x30: {  	_ =	swait.ge [sflag:s20], $0x1000  }
0x31: {  	[sflag:s20] =	ssyncset.done $0x0  }
0x32: {  	[sflag:s20] =	ssyncadd.s32 $0xFFFFF000  }
0x33: {  	s29 =	simm.s32 $0x80;
	[bflag:$0x0] =	sbarrier.arrive $0xFFFF  }
0x34: {  	[tilespmem:s21], [sflag:$0x1] =	stream.indirect.gather [spmem:s2], $0x80, s31, s29, $0xb8;
	[tilespmem:$0x1C8C0] =	vst v63  }
0x35: {  	_ = 	snop  }
0x36: {  	[tilespmem:s23], [sflag:$0x2] =	stream.indirect.gather [spmem:s2], $0x80, s29, s22, $0xb8;
	[tilespmem:$0x1C8C0] =	vst v63  }
0x37: {  	_ =	swait.ge [sflag:s24], $0x4000  }
0x38: {  	[sflag:s24] =	ssyncset.done $0x0  }
0x39: {  	s31 =	sadd.s32 $0x0, s16;
	[sflag:s24] =	ssyncadd.s32 $0xFFFFC000  }
0x3a: {  	[hbm4b:s31+s3] =	stream.linear.scatter [tilespmem:s21], [sflag:$0x3], $0x4000, $0x38;
	[tilespmem:$0x1C8C0] =	vst v63  }
0x3b: {  	_ =	swait.ge [sflag:s20], $0x4000  }
0x3c: {  	[sflag:s20] =	ssyncset.done $0x0  }
0x3d: {  	s30 =	simm.s32 $0x100;
	[sflag:s20] =	ssyncadd.s32 $0xFFFFC000  }
0x3e: {  	[tilespmem:s21], [sflag:$0x1] =	stream.indirect.gather [spmem:s2], $0x80, s30, s22, $0xb8;
	[tilespmem:$0x1C8C0] =	vst v63  }
0x3f: {  	_ =	swait.ge [sflag:s25], $0x4000  }
0x40: {  	[sflag:s25] =	ssyncset.done $0x0  }
0x41: {  	s0 =	sadd.s32 $0x800, s31;
	[sflag:s25] =	ssyncadd.s32 $0xFFFFC000  }
0x42: {  	[hbm4b:s0+s3] =	stream.linear.scatter [tilespmem:s23], [sflag:$0x3], $0x4000, $0x38;
	[tilespmem:$0x1C8C0] =	vst v63  }
0x43: {  	_ =	swait.ge [sflag:s20], $0x4000  }
0x44: {  	s30 =	simm.s32 $0x1000;
	[sflag:s20] =	ssyncset.done $0x0  }
.LBB2_6:
0x45: {  	p3 =	sne.s32 s30, $0xE000;
	[sflag:s20] =	ssyncadd.s32 $0xFFFFC000;
	s29 =	sadd.s32 $0x100, s29  }
0x46: {  	[tilespmem:s23], [sflag:$0x2] =	stream.indirect.gather [spmem:s2], $0x80, s29, s22, $0xb8;
	[tilespmem:$0x1C8C0] =	vst v63  }
0x47: {  	s0 =	smov.u32 s30;
	s30 =	sadd.s32 $0x1000, s30;
	_ =	swait.ge [sflag:s24], $0x4000  }
0x48: {  	[sflag:s24] =	ssyncset.done $0x0  }
0x49: {  	s0 =	sadd.s32 s0, s16;
	[sflag:s24] =	ssyncadd.s32 $0xFFFFC000  }
0x4a: {  	[hbm4b:s0+s3] =	stream.linear.scatter [tilespmem:s21], [sflag:$0x3], $0x4000, $0x38;
	[tilespmem:$0x1C8C0] =	vst v63  }
0x4b: {  	_ =	swait.ge [sflag:s20], $0x4000  }
0x4c: {  	[sflag:s20] =	ssyncset.done $0x0  }
0x4d: {  	s31 =	sadd.s32 $0x80, s29;
	[sflag:s20] =	ssyncadd.s32 $0xFFFFC000  }
0x4e: {  	[tilespmem:s21], [sflag:$0x1] =	stream.indirect.gather [spmem:s2], $0x80, s31, s22, $0xb8;
	[tilespmem:$0x1C8C0] =	vst v63  }
0x4f: {  	_ =	swait.ge [sflag:s25], $0x4000  }
.Ltmp3:
0x50: {  	[sflag:s25] =	ssyncset.done $0x0;
	(pc) =	sbr.rel @p3 .LBB2_6-.Ltmp3, $4  }
0x51: {  	s0 =	sadd.s32 $0x800, s0;
	[sflag:s25] =	ssyncadd.s32 $0xFFFFC000  }
0x52: {  	[hbm4b:s0+s3] =	stream.linear.scatter [tilespmem:s23], [sflag:$0x3], $0x4000, $0x38;
	[tilespmem:$0x1C8C0] =	vst v63  }
0x53: {  	_ =	swait.ge [sflag:s20], $0x4000  }
0x54: {  	[sflag:s20] =	ssyncset.done $0x0  }
.Ltmp4:
0x55: {  	_ = 	snop;
	(pc) =	sbr.rel .LBB2_7-.Ltmp4, $1  }
0x56: {  	_ =	sdelay $0x3  }
.LBB2_2:
0x57: {  	[spmem:s18], [sflag:s17] =	dma.local @!p1 [hbm:s6], $0x3E80  }
0x58: {  	s29 =	simm.s32 @!p1 $0x3  }
0x59: {  	_ =	swait.ge @!p1 [sflag:s29], $0x3E80  }
0x5a: {  	[sflag:s29] =	ssyncset.done @!p1 $0x0  }
0x5b: {  	[sflag:s29] =	ssyncadd.s32 @!p1 $0xFFFFC180;
	s29 =	simm.s32 @!p2 $0x1C03  }
0x5c: {  	[spmem:s19], [sflag:s29] =	dma.local @!p2 [hbm:s7], $0x80  }
0x5d: {  	s29 =	simm.s32 @!p2 $0x3  }
0x5e: {  	_ =	swait.ge @!p2 [sflag:s29], $0x80  }
0x5f: {  	[sflag:s29] =	ssyncset.done @!p2 $0x0  }
0x60: {  	s30 =	simm.s32 $0x0;
	[sflag:s29] =	ssyncadd.s32 @!p2 $0xFFFFFF80  }
0x61: {  	[tilespmem:s30], [sflag:$0x3] =	stream.linear.gather [hbm4b:s8+s30], $0x1000, $0x38;
	[tilespmem:$0x1C8C0] =	vst v63  }
0x62: {  	_ =	swait.ge [sflag:s20], $0x1000  }
0x63: {  	[sflag:s20] =	ssyncset.done $0x0  }
0x64: {  	[sflag:s20] =	ssyncadd.s32 $0xFFFFF000  }
0x65: {  	s29 =	simm.s32 $0x80;
	[bflag:$0x0] =	sbarrier.arrive $0xFFFF  }
0x66: {  	[tilespmem:s21], [sflag:$0x1] =	stream.indirect.gather [spmem:s2], $0x80, s30, s29, $0xb8;
	[tilespmem:$0x1C8C0] =	vst v63  }
0x67: {  	_ = 	snop  }
0x68: {  	[tilespmem:s23], [sflag:$0x2] =	stream.indirect.gather [spmem:s2], $0x80, s29, s22, $0xb8;
	[tilespmem:$0x1C8C0] =	vst v63  }
0x69: {  	_ =	swait.ge [sflag:s24], $0x4000  }
0x6a: {  	[sflag:s24] =	ssyncset.done $0x0  }
0x6b: {  	s30 =	sadd.s32 $0x0, s15;
	[sflag:s24] =	ssyncadd.s32 $0xFFFFC000  }
0x6c: {  	[hbm4b:s30+s3] =	stream.linear.scatter [tilespmem:s21], [sflag:$0x3], $0x4000, $0x38;
	[tilespmem:$0x1C8C0] =	vst v63  }
0x6d: {  	_ =	swait.ge [sflag:s20], $0x4000  }
0x6e: {  	[sflag:s20] =	ssyncset.done $0x0  }
0x6f: {  	s31 =	simm.s32 $0x100;
	[sflag:s20] =	ssyncadd.s32 $0xFFFFC000  }
0x70: {  	[tilespmem:s21], [sflag:$0x1] =	stream.indirect.gather [spmem:s2], $0x80, s31, s22, $0xb8;
	[tilespmem:$0x1C8C0] =	vst v63  }
0x71: {  	_ =	swait.ge [sflag:s25], $0x4000  }
0x72: {  	[sflag:s25] =	ssyncset.done $0x0  }
0x73: {  	s30 =	sadd.s32 $0x800, s30;
	[sflag:s25] =	ssyncadd.s32 $0xFFFFC000  }
0x74: {  	[hbm4b:s30+s3] =	stream.linear.scatter [tilespmem:s23], [sflag:$0x3], $0x4000, $0x38;
	[tilespmem:$0x1C8C0] =	vst v63  }
0x75: {  	_ =	swait.ge [sflag:s20], $0x4000  }
0x76: {  	s30 =	simm.s32 $0x1000;
	[sflag:s20] =	ssyncset.done $0x0  }
.LBB2_3:
0x77: {  	p3 =	seq.s32 s30, $0xE000;
	[sflag:s20] =	ssyncadd.s32 $0xFFFFC000;
	s29 =	sadd.s32 $0x100, s29  }
0x78: {  	[tilespmem:s23], [sflag:$0x2] =	stream.indirect.gather [spmem:s2], $0x80, s29, s22, $0xb8;
	[tilespmem:$0x1C8C0] =	vst v63  }
0x79: {  	s31 =	smov.u32 s30;
	s30 =	sadd.s32 $0x1000, s30;
	_ =	swait.ge [sflag:s24], $0x4000  }
0x7a: {  	[sflag:s24] =	ssyncset.done $0x0  }
0x7b: {  	s31 =	sadd.s32 s31, s15;
	[sflag:s24] =	ssyncadd.s32 $0xFFFFC000  }
0x7c: {  	[hbm4b:s31+s3] =	stream.linear.scatter [tilespmem:s21], [sflag:$0x3], $0x4000, $0x38;
	[tilespmem:$0x1C8C0] =	vst v63  }
0x7d: {  	_ =	swait.ge [sflag:s20], $0x4000  }
0x7e: {  	[sflag:s20] =	ssyncset.done $0x0  }
0x7f: {  	s0 =	sadd.s32 $0x80, s29;
	[sflag:s20] =	ssyncadd.s32 $0xFFFFC000  }
0x80: {  	[tilespmem:s21], [sflag:$0x1] =	stream.indirect.gather [spmem:s2], $0x80, s0, s22, $0xb8;
	[tilespmem:$0x1C8C0] =	vst v63  }
0x81: {  	_ =	swait.ge [sflag:s25], $0x4000  }
.Ltmp5:
0x82: {  	[sflag:s25] =	ssyncset.done $0x0;
	(pc) =	sbr.rel @!p3 .LBB2_3-.Ltmp5, $4  }
0x83: {  	s0 =	sadd.s32 $0x800, s31;
	[sflag:s25] =	ssyncadd.s32 $0xFFFFC000  }
0x84: {  	[hbm4b:s0+s3] =	stream.linear.scatter [tilespmem:s23], [sflag:$0x3], $0x4000, $0x38;
	[tilespmem:$0x1C8C0] =	vst v63  }
0x85: {  	_ =	swait.ge [sflag:s20], $0x4000  }
0x86: {  	[sflag:s20] =	ssyncset.done $0x0  }
.Ltmp6:
0x87: {  	(pc) =	sbr.rel .LBB2_8-.Ltmp6, $2  }
0x88: {  	_ =	sdelay $0x2  }
0x89: {  	[sflag:s20] =	ssyncadd.s32 $0xFFFFC000;
	s29 =	smov.u32 s4  }
.LBB2_9:
0x8a: {  	_ =	sfence.sel $0x180000  }
0x8b: {  	[bflag:$0x0] =	sbarrier.arrive $0xFFFF  }
0x8c: {  	_ =	strace $0x90000050  }
0x8d: {  	[bflag:$0x2] =	sbarrier.arrive $0xFFFF  }
0x8e: {  	p0 =	sne.s32 s1, $0x0;
	s0 =	rddreg [dreg:$0x2]  }
0x8f: {  	s0 =	sadd.s32 @!p0 $0x100000, s0  }
0x90: {  	[sflag:s0] =	ssyncadd.tile.s32 @!p0 $0x1;
	_ =	shalt  }
.Lfunc_end2:
_tile_overlayer_lowered:
.L_overlay_start_2:
0x91: {  	(tag) =	ssettag $0x2  }
0x92: {  	s0 =	rddreg [dreg:$0x0];
	s2 =	stileid.u32  }
0x93: {  	s1 =	rddreg [dreg:$0x1];
	p0 =	sne.s32 s2, $0x0  }
0x94: {  	s3 =	rddreg [dreg:$0x2];
	[bflag:$0x3] =	sbarrier.arrive $0xFFFF;
	s2 =	simm.s32 @!p0 $0x1C03  }
0x95: {  	[timem:s3], [sflag:s2] =	dma.local @!p0 [hbm:s0], s1  }
0x96: {  	s0 =	simm.s32 @!p0 $0x3  }
0x97: {  	_ =	swait.ge @!p0 [sflag:s0], s1  }
0x98: {  	s1 =	ssub.s32 @!p0 $0x0, s1;
	[sflag:s0] =	ssyncset.done @!p0 $0x0  }
0x99: {  	[sflag:s0] =	ssyncadd.s32 @!p0 s1  }
0x9a: {  	[bflag:$0x3] =	sbarrier.arrive $0xFFFF  }
0x9b: {  	_ =	shalt  }

</sc_bundles>
